<compile_context>
chip_gen: v7x
topology: tpu7x:2x2x1
jax: 0.10.2.dev20260603
libtpu: 0.0.44.dev20260713+nightly
codegen_flags: <defaults>
</compile_context>

<pallas_src>
import functools

import jax
import jax.numpy as jnp
from jax import lax
from jax.experimental import pallas as pl
from jax.experimental.pallas import tpu as pltpu
from jax.experimental.pallas import tpu_sc as plsc

_N = 10000
_M = 40000
_NNZ = 320000
_D = 128

_NT = 16
_EPT = _NNZ // _NT
_CL = 128
_CH = 160
_PADDED = _CH * _CL
_ZROWS = 2504
_CW = 256
_CN = _PADDED // _CW

_mesh = plsc.VectorSubcoreMesh(core_axis_name="c", subcore_axis_name="s")
_sc_params = pltpu.CompilerParams(use_tc_tiling_on_sc=False)


def _pad_idx(idx, base):
    idx2 = idx.reshape(_NT, _EPT)
    pad = base + (jnp.arange(_PADDED - _EPT, dtype=jnp.int32) % 8)
    pad2 = jnp.broadcast_to(pad, (_NT, _PADDED - _EPT))
    return jnp.concatenate([idx2, pad2], axis=1).reshape(_NT, _CH, _CL)



def _degrees(rows3, cols3, zeros):

    @functools.partial(
        pl.kernel,
        out_type=(
            jax.ShapeDtypeStruct((_N, 16), jnp.float32),
            jax.ShapeDtypeStruct((_M, 16), jnp.float32),
        ),
        mesh=_mesh,
        scratch_types=[
            pltpu.VMEM((_CN, _CW), jnp.int32),
            pltpu.VMEM((_CW, 16), jnp.float32),
            pltpu.VMEM_SHARED((16 * _ZROWS, 16), jnp.float32),
            pltpu.SemaphoreType.DMA,
            pltpu.SemaphoreType.DMA,
        ],
        compiler_params=_sc_params,
    )
    def k(rows_hbm, cols_hbm, zeros_hbm, dv_hbm, de_hbm, idx_v, ones_v,
          acc_sh, sem_a, sem_b):
        core = lax.axis_index("c")
        s = lax.axis_index("s")

        @pl.loop(0, _CW)
        def _(j):
            ones_v[j, :] = jnp.full((16,), 1.0, jnp.float32)

        pltpu.sync_copy(zeros_hbm,
                        acc_sh.at[pl.ds(s * _ZROWS, _ZROWS)])

        @pl.when(core == 0)
        def _():
            pltpu.sync_copy(rows_hbm.at[s], idx_v)

        @pl.when(core == 1)
        def _():
            pltpu.sync_copy(cols_hbm.at[s], idx_v)

        plsc.subcore_barrier()

        pltpu.async_copy(ones_v, acc_sh.at[idx_v.at[0]], sem_a, add=True)

        @pl.loop(0, _CN, step=2)
        def _(j):
            pltpu.async_copy(ones_v, acc_sh.at[idx_v.at[j + 1]], sem_b,
                             add=True)
            pltpu.make_async_copy(ones_v, acc_sh.at[idx_v.at[j]], sem_a).wait()

            @pl.when(j + 2 < _CN)
            def _():
                pltpu.async_copy(ones_v, acc_sh.at[idx_v.at[j + 2]], sem_a,
                                 add=True)

            pltpu.make_async_copy(
                ones_v, acc_sh.at[idx_v.at[j + 1]], sem_b).wait()

        plsc.subcore_barrier()

        @pl.when(core == 0)
        def _():
            pltpu.sync_copy(acc_sh.at[pl.ds(s * (_N // _NT), _N // _NT)],
                            dv_hbm.at[pl.ds(s * (_N // _NT), _N // _NT)])

        @pl.when(core == 1)
        def _():
            pltpu.sync_copy(acc_sh.at[pl.ds(s * (_M // _NT), _M // _NT)],
                            de_hbm.at[pl.ds(s * (_M // _NT), _M // _NT)])

    return k(rows3, cols3, zeros)


def _segsum(src, gidx3, sidx3, zeros, n_src, n_out):
    spt = n_src // _NT
    opt = n_out // _NT
    zpt = -(-(n_out + 8) // _NT)
    acc_rows = _NT * zpt

    @functools.partial(
        pl.kernel,
        out_type=jax.ShapeDtypeStruct((n_out, _D), jnp.float32),
        mesh=_mesh,
        scratch_types=[
            pltpu.VMEM((_CN, _CW), jnp.int32),
            pltpu.VMEM((_CN, _CW), jnp.int32),
            pltpu.VMEM((_CW, 16), jnp.float32),
            pltpu.VMEM((_CW, 16), jnp.float32),
            pltpu.VMEM_SHARED((n_src, 16), jnp.float32),
            pltpu.VMEM_SHARED((acc_rows, 16), jnp.float32),
            pltpu.SemaphoreType.DMA,
            pltpu.SemaphoreType.DMA,
            pltpu.SemaphoreType.DMA,
            pltpu.SemaphoreType.DMA,
        ],
        compiler_params=_sc_params,
    )
    def k(src_hbm, g_hbm, s_hbm, z_hbm, out_hbm, gix, six, buf_a, buf_b,
          src_sh, acc_sh, gs_a, gs_b, ss_a, ss_b):
        core = lax.axis_index("c")
        s = lax.axis_index("s")

        pltpu.async_copy(g_hbm.at[s], gix, gs_a)
        pltpu.async_copy(s_hbm.at[s], six, gs_b)

        for sweep in range(4):
            lane = (core * 4 + sweep) * 16
            plsc.subcore_barrier()
            zc = pltpu.async_copy(z_hbm.at[pl.ds(0, zpt)],
                                  acc_sh.at[pl.ds(s * zpt, zpt)], ss_a)
            sc = pltpu.async_copy(
                src_hbm.at[pl.ds(s * spt, spt), pl.ds(lane, 16)],
                src_sh.at[pl.ds(s * spt, spt)], ss_b)
            if sweep == 0:
                pltpu.make_async_copy(g_hbm.at[s], gix, gs_a).wait()
                pltpu.make_async_copy(s_hbm.at[s], six, gs_b).wait()
            zc.wait()
            sc.wait()
            plsc.subcore_barrier()

            pltpu.async_copy(src_sh.at[gix.at[0]], buf_a, gs_a)

            @pl.loop(0, _CN, step=2)
            def _(p):
                @pl.when(p > 0)
                def _():
                    pltpu.make_async_copy(
                        buf_b, acc_sh.at[six.at[p - 1]], ss_b).wait()

                pltpu.async_copy(src_sh.at[gix.at[p + 1]], buf_b, gs_b)
                pltpu.make_async_copy(src_sh.at[gix.at[p]], buf_a, gs_a).wait()
                pltpu.async_copy(buf_a, acc_sh.at[six.at[p]], ss_a, add=True)
                pltpu.make_async_copy(
                    buf_a, acc_sh.at[six.at[p]], ss_a).wait()

                @pl.when(p + 2 < _CN)
                def _():
                    pltpu.async_copy(src_sh.at[gix.at[p + 2]], buf_a, gs_a)

                pltpu.make_async_copy(
                    src_sh.at[gix.at[p + 1]], buf_b, gs_b).wait()
                pltpu.async_copy(buf_b, acc_sh.at[six.at[p + 1]], ss_b,
                                 add=True)

            pltpu.make_async_copy(
                buf_b, acc_sh.at[six.at[_CN - 1]], ss_b).wait()

            plsc.subcore_barrier()
            pltpu.sync_copy(acc_sh.at[pl.ds(s * opt, opt)],
                            out_hbm.at[pl.ds(s * opt, opt), pl.ds(lane, 16)])

    return k(src, gidx3, sidx3, zeros)



def _linear(x, W, b):
    def body(x_ref, w_ref, b_ref, o_ref):
        o_ref[...] = (
            jnp.dot(x_ref[...], w_ref[...].T, preferred_element_type=jnp.float32)
            + b_ref[...]
        )

    return pl.pallas_call(
        body,
        grid=(10,),
        out_shape=jax.ShapeDtypeStruct((_N, _D), jnp.float32),
        in_specs=[
            pl.BlockSpec((_N // 10, _D), lambda i: (i, 0)),
            pl.BlockSpec((_D, _D), lambda i: (0, 0)),
            pl.BlockSpec((_D,), lambda i: (0,)),
        ],
        out_specs=pl.BlockSpec((_N // 10, _D), lambda i: (i, 0)),
    )(x, W, b)


def _dv_inv_sqrt(dv16_blk):
    d = dv16_blk[:, 0:1]
    return jnp.where(d > 0, 1.0 / jnp.sqrt(jnp.maximum(d, 1e-12)), 0.0)


def _de_inv(de16_blk):
    d = de16_blk[:, 0:1]
    return jnp.where(d > 0, 1.0 / jnp.maximum(d, 1e-12), 0.0)


def _scale_h(h_raw, dv16):
    def body(h_ref, d_ref, o_ref):
        o_ref[...] = h_ref[...] * _dv_inv_sqrt(d_ref[...])

    return pl.pallas_call(
        body,
        grid=(5,),
        out_shape=jax.ShapeDtypeStruct((_N, _D), jnp.float32),
        in_specs=[
            pl.BlockSpec((_N // 5, _D), lambda i: (i, 0)),
            pl.BlockSpec((_N // 5, 16), lambda i: (i, 0)),
        ],
        out_specs=pl.BlockSpec((_N // 5, _D), lambda i: (i, 0)),
    )(h_raw, dv16)


def _scale_t(t_raw, de16):
    def body(t_ref, d_ref, o_ref):
        o_ref[...] = t_ref[...] * _de_inv(d_ref[...])

    return pl.pallas_call(
        body,
        grid=(8,),
        out_shape=jax.ShapeDtypeStruct((_M, _D), jnp.float32),
        in_specs=[
            pl.BlockSpec((_M // 8, _D), lambda i: (i, 0)),
            pl.BlockSpec((_M // 8, 16), lambda i: (i, 0)),
        ],
        out_specs=pl.BlockSpec((_M // 8, _D), lambda i: (i, 0)),
    )(t_raw, de16)


def _finish_e(e_raw, dv16, x):
    def body(e_ref, d_ref, x_ref, e2_ref, node_ref):
        e = e_ref[...] * _dv_inv_sqrt(d_ref[...])
        e = jnp.where(e >= 0, e, 0.01 * e)
        e2_ref[...] = e
        node_ref[...] = (x_ref[...] + e) * 0.5

    return pl.pallas_call(
        body,
        grid=(5,),
        out_shape=(
            jax.ShapeDtypeStruct((_N, _D), jnp.float32),
            jax.ShapeDtypeStruct((_N, _D), jnp.float32),
        ),
        in_specs=[
            pl.BlockSpec((_N // 5, _D), lambda i: (i, 0)),
            pl.BlockSpec((_N // 5, 16), lambda i: (i, 0)),
            pl.BlockSpec((_N // 5, _D), lambda i: (i, 0)),
        ],
        out_specs=(
            pl.BlockSpec((_N // 5, _D), lambda i: (i, 0)),
            pl.BlockSpec((_N // 5, _D), lambda i: (i, 0)),
        ),
    )(e_raw, dv16, x)



def kernel(x, W, b, rows, cols):
    rows_s = _pad_idx(rows, _N)
    cols_s = _pad_idx(cols, _M)
    rows_s9 = rows_s.reshape(_NT, _CN, _CW)
    cols_s9 = cols_s.reshape(_NT, _CN, _CW)
    rows_g = _pad_idx(rows, 0).reshape(_NT, _CN, _CW)
    cols_g = _pad_idx(cols, 0).reshape(_NT, _CN, _CW)
    zeros = jnp.zeros((_ZROWS, 16), jnp.float32)

    dv16, de16 = _degrees(rows_s9, cols_s9, zeros)
    h_raw = _linear(x, W, b)
    h = _scale_h(h_raw, dv16)

    t_raw = _segsum(h, rows_g, cols_s9, zeros, _N, _M)
    t = _scale_t(t_raw, de16)

    e_raw = _segsum(t, cols_g, rows_s9, zeros, _M, _N)
    e2, node_out = _finish_e(e_raw, dv16, x)

    o_raw = _segsum(e2, rows_g, cols_s9, zeros, _N, _M)
    o = _scale_t(o_raw, de16)

    return (node_out, o)

# --- scband reference (transcript-rebuilt; emitter-appended) ---
"""Pipeline reference for scband-hypergraph-layer-53283364274773 (READ-ONLY COPY).

The authoritative reference and input builder live on the scoring server;
editing this copy changes nothing except your own understanding.
"""

import jax, jax.numpy as jnp
import numpy as np

N = 10000   # nodes
M = 40000   # hyperedges
NNZ = 320000
D = 128

def setup_inputs(seed: int = 0) -> dict:
    key = jax.random.key(seed)
    k1, k2, k3, k4, k5 = jax.random.split(key, 5)
    x = jax.random.normal(k1, (N, D), dtype=jnp.float32)
    # single relation key 'rel' -> one nn.Linear(in_dim, in_dim)
    W = jax.random.normal(k2, (D, D), dtype=jnp.float32) * (1.0 / np.sqrt(D))
    b = jax.random.normal(k3, (D,), dtype=jnp.float32) * 0.01
    # COO incidence matrix H['rel'] of shape [N, M]
    rows = jax.random.randint(k4, (NNZ,), 0, N, dtype=jnp.int32)
    cols = jax.random.randint(k5, (NNZ,), 0, M, dtype=jnp.int32)
    return {"x": x, "W": W, "b": b, "rows": rows, "cols": cols}

def reference(x, W, b, rows, cols):
    nnz_ones = jnp.ones((rows.shape[0],), dtype=jnp.float32)
    # node degrees d_V = H.sum(1), hyperedge degrees d_E = H.sum(0)
    d_v = jax.ops.segment_sum(nnz_ones, rows, num_segments=N)
    d_e = jax.ops.segment_sum(nnz_ones, cols, num_segments=M)
    dv_invsqrt = jnp.where(d_v > 0, 1.0 / jnp.sqrt(jnp.maximum(d_v, 1e-12)), 0.0)
    de_inv = jnp.where(d_e > 0, 1.0 / jnp.maximum(d_e, 1e-12), 0.0)
    # single layer (num_layers=1), dropout p=0 is identity
    h = x @ W.T + b                                  # Linear
    h = h * dv_invsqrt[:, None]                      # D_v^{-1/2} @ .
    t = jax.ops.segment_sum(h[rows], cols, num_segments=M)  # H^T @ .
    t = t * de_inv[:, None]                          # D_e^{-1} @ .
    e = jax.ops.segment_sum(t[cols], rows, num_segments=N)  # H @ .
    e = e * dv_invsqrt[:, None]                      # D_v^{-1/2} @ .  => e = L @ l(x)
    e = jax.nn.leaky_relu(e, negative_slope=0.01)    # non_linear=True
    o = jax.ops.segment_sum(e[rows], cols, num_segments=M)  # H^T @ e
    o = o * de_inv[:, None]                          # O = D_e^{-1} H^T
    # aggregator='sum' over the single key is identity; normalize=False
    node_out_mean = (x + e) / 2.0                    # mean over stack([x0, x1])
    review_out_mean = o                              # mean over single-element stack
    return (node_out_mean, review_out_mean)

if __name__ == "__main__":
    import jax
    _d = setup_inputs()
    print(jax.jit(kernel)(*tuple(_d.values())))

</pallas_src>

<mosaic_0001>
#map = affine_map<(d0, d1) -> (0, 0, 0)>
#map1 = affine_map<(d0, d1) -> (0, 0)>
module attributes {stable_mosaic.version = 14 : i64} {
  func.func @k(%arg0: i32, %arg1: i32, %arg2: memref<16x80x256xi32, #tpu.memory_space<hbm>>, %arg3: memref<16x80x256xi32, #tpu.memory_space<hbm>>, %arg4: memref<2504x16xf32, #tpu.memory_space<hbm>>, %arg5: memref<10000x16xf32, #tpu.memory_space<hbm>>, %arg6: memref<40000x16xf32, #tpu.memory_space<hbm>>, %arg7: memref<80x256xi32, #tpu.memory_space<vmem>>, %arg8: memref<256x16xf32, #tpu.memory_space<vmem>>, %arg9: memref<40064x16xf32, #tpu.memory_space<vmem_shared>>, %arg10: memref<!tpu.dma_semaphore, #tpu.memory_space<semaphore_mem>>, %arg11: memref<!tpu.dma_semaphore, #tpu.memory_space<semaphore_mem>>) attributes {dimension_semantics = [#tpu.dimension_semantics<core_parallel>, #tpu.dimension_semantics<subcore_parallel>], iteration_bounds = array<i64: 2, 16>, scalar_prefetch = 0 : i64, scratch_operands = 5 : i64, tpu.core_type = #tpu.core_type<sc_vector_subcore>, window_params = [{transform_indices = #map}, {transform_indices = #map}, {transform_indices = #map1}, {transform_indices = #map1}, {transform_indices = #map1}]} {
    %scan3A = arith.constant 0 : i32
    %scan3A_0 = arith.constant 256 : i32
    %scan3A_1 = arith.addi %scan3A, %scan3A_0 : i32
    %scan3A_2 = arith.constant 1 : i32
    scf.for %scan3A_34 = %scan3A to %scan3A_1 step %scan3A_2  : i32 {
      %mul3A_35 = arith.constant 1 : i32
      %mul3A_36 = arith.muli %scan3A_34, %mul3A_35 : i32
      %add3A = arith.constant 0 : i32
      %add3A_37 = arith.addi %add3A, %mul3A_36 : i32
      %broadcast_in_dim3A = arith.constant 1.000000e+00 : f32
      %broadcast_in_dim3A_38 = vector.broadcast %broadcast_in_dim3A : f32 to vector<16xf32>
      %swap3A = arith.index_cast %add3A_37 : i32 to index
      %swap3A_39 = arith.constant 0 : index
      %swap3A_40 = tpu.vector_load %arg8[%swap3A, %swap3A_39] {strides = array<i32>} : memref<256x16xf32, #tpu.memory_space<vmem>>, vector<1x16xf32>,
      %swap3A_41 = vector.shape_cast %swap3A_40 : vector<1x16xf32> to vector<16xf32>
      %swap3A_42 = vector.shape_cast %broadcast_in_dim3A_38 : vector<16xf32> to vector<1x16xf32>
      tpu.vector_store %arg8[%swap3A, %swap3A_39], %swap3A_42 {strides = array<i32>} : memref<256x16xf32, #tpu.memory_space<vmem>>, vector<1x16xf32>,
    }
    %scan3A_3 = arith.constant 256 : i32
    %mul3A = arith.constant 2504 : i32
    %mul3A_4 = arith.muli %arg1, %mul3A : i32
    "tpu.region"() ({
      %run_scoped3A = tpu.sem_alloc : memref<!tpu.dma_semaphore, #tpu.memory_space<semaphore_mem>>
      %dma_start3A_34 = arith.constant 0 : i32
      %dma_start3A_35 = tpu.memref_slice %arg9[%mul3A_4, %dma_start3A_34] : memref<40064x16xf32, #tpu.memory_space<vmem_shared>> -> memref<2504x16xf32, #tpu.memory_space<vmem_shared>>
      tpu.enqueue_dma source(%arg4 : memref<2504x16xf32, #tpu.memory_space<hbm>>) target(%dma_start3A_35 : memref<2504x16xf32, #tpu.memory_space<vmem_shared>>) target_semaphore(%run_scoped3A : memref<!tpu.dma_semaphore, #tpu.memory_space<semaphore_mem>>)
      %dma_wait3A = arith.constant 0 : i32
      %dma_wait3A_36 = tpu.memref_slice %arg9[%mul3A_4, %dma_wait3A] : memref<40064x16xf32, #tpu.memory_space<vmem_shared>> -> memref<2504x16xf32, #tpu.memory_space<vmem_shared>>
      tpu.wait_dma2 semaphore(%run_scoped3A : memref<!tpu.dma_semaphore, #tpu.memory_space<semaphore_mem>>) src(%arg4 : memref<2504x16xf32, #tpu.memory_space<hbm>>) dst(%dma_wait3A_36 : memref<2504x16xf32, #tpu.memory_space<vmem_shared>>)
      tpu.yield
    }) : () -> ()
    %eq3A = arith.constant 0 : i32
    %eq3A_5 = arith.cmpi eq, %arg0, %eq3A : i32
    %convert_element_type3A = arith.extui %eq3A_5 : i1 to i32
    %cond3A = arith.constant 0 : i32
    %cond3A_6 = arith.cmpi ne, %convert_element_type3A, %cond3A : i32
    scf.if %cond3A_6 {
      "tpu.region"() ({
        %run_scoped3A = tpu.sem_alloc : memref<!tpu.dma_semaphore, #tpu.memory_space<semaphore_mem>>
        %dma_start3A_34 = arith.constant 0 : i32
        %dma_start3A_35 = arith.constant 0 : i32
        %dma_start3A_36 = tpu.memref_slice %arg2[%arg1, %dma_start3A_34, %dma_start3A_35] : memref<16x80x256xi32, #tpu.memory_space<hbm>> -> memref<1x80x256xi32, #tpu.memory_space<hbm>>
        %dma_start3A_37 = tpu.memref_squeeze %dma_start3A_36 : memref<1x80x256xi32, #tpu.memory_space<hbm>> -> memref<80x256xi32, #tpu.memory_space<hbm>>
        %dma_start3A_38 = arith.constant 0 : i32
        %dma_start3A_39 = arith.constant 0 : i32
        %dma_start3A_40 = tpu.memref_slice %arg2[%arg1, %dma_start3A_38, %dma_start3A_39] : memref<16x80x256xi32, #tpu.memory_space<hbm>> -> memref<1x80x256xi32, #tpu.memory_space<hbm>>
        %dma_start3A_41 = tpu.memref_squeeze %dma_start3A_40 : memref<1x80x256xi32, #tpu.memory_space<hbm>> -> memref<80x256xi32, #tpu.memory_space<hbm>>
        tpu.enqueue_dma source(%dma_start3A_41 : memref<80x256xi32, #tpu.memory_space<hbm>>) target(%arg7 : memref<80x256xi32, #tpu.memory_space<vmem>>) target_semaphore(%run_scoped3A : memref<!tpu.dma_semaphore, #tpu.memory_space<semaphore_mem>>)
        %dma_wait3A = arith.constant 0 : i32
        %dma_wait3A_42 = arith.constant 0 : i32
        %dma_wait3A_43 = tpu.memref_slice %arg2[%arg1, %dma_wait3A, %dma_wait3A_42] : memref<16x80x256xi32, #tpu.memory_space<hbm>> -> memref<1x80x256xi32, #tpu.memory_space<hbm>>
        %dma_wait3A_44 = tpu.memref_squeeze %dma_wait3A_43 : memref<1x80x256xi32, #tpu.memory_space<hbm>> -> memref<80x256xi32, #tpu.memory_space<hbm>>
        %dma_wait3A_45 = arith.constant 0 : i32
        %dma_wait3A_46 = arith.constant 0 : i32
        %dma_wait3A_47 = tpu.memref_slice %arg2[%arg1, %dma_wait3A_45, %dma_wait3A_46] : memref<16x80x256xi32, #tpu.memory_space<hbm>> -> memref<1x80x256xi32, #tpu.memory_space<hbm>>
        %dma_wait3A_48 = tpu.memref_squeeze %dma_wait3A_47 : memref<1x80x256xi32, #tpu.memory_space<hbm>> -> memref<80x256xi32, #tpu.memory_space<hbm>>
        tpu.wait_dma2 semaphore(%run_scoped3A : memref<!tpu.dma_semaphore, #tpu.memory_space<semaphore_mem>>) src(%dma_wait3A_48 : memref<80x256xi32, #tpu.memory_space<hbm>>) dst(%arg7 : memref<80x256xi32, #tpu.memory_space<vmem>>)
        tpu.yield
      }) : () -> ()
    } else {
    }
    %eq3A_7 = arith.constant 1 : i32
    %eq3A_8 = arith.cmpi eq, %arg0, %eq3A_7 : i32
    %convert_element_type3A_9 = arith.extui %eq3A_8 : i1 to i32
    %cond3A_10 = arith.constant 0 : i32
    %cond3A_11 = arith.cmpi ne, %convert_element_type3A_9, %cond3A_10 : i32
    scf.if %cond3A_11 {
      "tpu.region"() ({
        %run_scoped3A = tpu.sem_alloc : memref<!tpu.dma_semaphore, #tpu.memory_space<semaphore_mem>>
        %dma_start3A_34 = arith.constant 0 : i32
        %dma_start3A_35 = arith.constant 0 : i32
        %dma_start3A_36 = tpu.memref_slice %arg3[%arg1, %dma_start3A_34, %dma_start3A_35] : memref<16x80x256xi32, #tpu.memory_space<hbm>> -> memref<1x80x256xi32, #tpu.memory_space<hbm>>
        %dma_start3A_37 = tpu.memref_squeeze %dma_start3A_36 : memref<1x80x256xi32, #tpu.memory_space<hbm>> -> memref<80x256xi32, #tpu.memory_space<hbm>>
        %dma_start3A_38 = arith.constant 0 : i32
        %dma_start3A_39 = arith.constant 0 : i32
        %dma_start3A_40 = tpu.memref_slice %arg3[%arg1, %dma_start3A_38, %dma_start3A_39] : memref<16x80x256xi32, #tpu.memory_space<hbm>> -> memref<1x80x256xi32, #tpu.memory_space<hbm>>
        %dma_start3A_41 = tpu.memref_squeeze %dma_start3A_40 : memref<1x80x256xi32, #tpu.memory_space<hbm>> -> memref<80x256xi32, #tpu.memory_space<hbm>>
        tpu.enqueue_dma source(%dma_start3A_41 : memref<80x256xi32, #tpu.memory_space<hbm>>) target(%arg7 : memref<80x256xi32, #tpu.memory_space<vmem>>) target_semaphore(%run_scoped3A : memref<!tpu.dma_semaphore, #tpu.memory_space<semaphore_mem>>)
        %dma_wait3A = arith.constant 0 : i32
        %dma_wait3A_42 = arith.constant 0 : i32
        %dma_wait3A_43 = tpu.memref_slice %arg3[%arg1, %dma_wait3A, %dma_wait3A_42] : memref<16x80x256xi32, #tpu.memory_space<hbm>> -> memref<1x80x256xi32, #tpu.memory_space<hbm>>
        %dma_wait3A_44 = tpu.memref_squeeze %dma_wait3A_43 : memref<1x80x256xi32, #tpu.memory_space<hbm>> -> memref<80x256xi32, #tpu.memory_space<hbm>>
        %dma_wait3A_45 = arith.constant 0 : i32
        %dma_wait3A_46 = arith.constant 0 : i32
        %dma_wait3A_47 = tpu.memref_slice %arg3[%arg1, %dma_wait3A_45, %dma_wait3A_46] : memref<16x80x256xi32, #tpu.memory_space<hbm>> -> memref<1x80x256xi32, #tpu.memory_space<hbm>>
        %dma_wait3A_48 = tpu.memref_squeeze %dma_wait3A_47 : memref<1x80x256xi32, #tpu.memory_space<hbm>> -> memref<80x256xi32, #tpu.memory_space<hbm>>
        tpu.wait_dma2 semaphore(%run_scoped3A : memref<!tpu.dma_semaphore, #tpu.memory_space<semaphore_mem>>) src(%dma_wait3A_48 : memref<80x256xi32, #tpu.memory_space<hbm>>) dst(%arg7 : memref<80x256xi32, #tpu.memory_space<vmem>>)
        tpu.yield
      }) : () -> ()
    } else {
    }
    %barrier3A = arith.constant 0 : index
    tpu.barrier barrier_id(%barrier3A)
    %dma_start3A = arith.constant 0 : i32
    %dma_start3A_12 = arith.constant 0 : i32
    %dma_start3A_13 = tpu.memref_slice %arg7[%dma_start3A, %dma_start3A_12] : memref<80x256xi32, #tpu.memory_space<vmem>> -> memref<1x256xi32, #tpu.memory_space<vmem>>
    %dma_start3A_14 = tpu.memref_squeeze %dma_start3A_13 : memref<1x256xi32, #tpu.memory_space<vmem>> -> memref<256xi32, #tpu.memory_space<vmem>>
    %dma_start3A_15 = arith.constant 0 : i32
    %dma_start3A_16 = arith.constant 0 : i32
    %dma_start3A_17 = tpu.memref_slice %arg9[%dma_start3A_15, %dma_start3A_16] : memref<40064x16xf32, #tpu.memory_space<vmem_shared>> -> memref<40064x16xf32, #tpu.memory_space<vmem_shared>>
    tpu.enqueue_indirect_dma source(%arg8 : memref<256x16xf32, #tpu.memory_space<vmem>>) target(%dma_start3A_17 : memref<40064x16xf32, #tpu.memory_space<vmem_shared>>) offsets(%dma_start3A_14 : memref<256xi32, #tpu.memory_space<vmem>>) semaphore(%arg10 : memref<!tpu.dma_semaphore, #tpu.memory_space<semaphore_mem>>) {add = true}
    %scan3A_18 = arith.constant 0 : i32
    %scan3A_19 = arith.constant 40 : i32
    %scan3A_20 = arith.addi %scan3A_18, %scan3A_19 : i32
    %scan3A_21 = arith.constant 1 : i32
    scf.for %scan3A_34 = %scan3A_18 to %scan3A_20 step %scan3A_21  : i32 {
      %mul3A_35 = arith.constant 2 : i32
      %mul3A_36 = arith.muli %scan3A_34, %mul3A_35 : i32
      %add3A = arith.constant 0 : i32
      %add3A_37 = arith.addi %add3A, %mul3A_36 : i32
      %add3A_38 = arith.constant 1 : i32
      %add3A_39 = arith.addi %add3A_37, %add3A_38 : i32
      %dma_start3A_40 = arith.constant 0 : i32
      %dma_start3A_41 = tpu.memref_slice %arg7[%add3A_39, %dma_start3A_40] : memref<80x256xi32, #tpu.memory_space<vmem>> -> memref<1x256xi32, #tpu.memory_space<vmem>>
      %dma_start3A_42 = tpu.memref_squeeze %dma_start3A_41 : memref<1x256xi32, #tpu.memory_space<vmem>> -> memref<256xi32, #tpu.memory_space<vmem>>
      %dma_start3A_43 = arith.constant 0 : i32
      %dma_start3A_44 = arith.constant 0 : i32
      %dma_start3A_45 = tpu.memref_slice %arg9[%dma_start3A_43, %dma_start3A_44] : memref<40064x16xf32, #tpu.memory_space<vmem_shared>> -> memref<40064x16xf32, #tpu.memory_space<vmem_shared>>
      tpu.enqueue_indirect_dma source(%arg8 : memref<256x16xf32, #tpu.memory_space<vmem>>) target(%dma_start3A_45 : memref<40064x16xf32, #tpu.memory_space<vmem_shared>>) offsets(%dma_start3A_42 : memref<256xi32, #tpu.memory_space<vmem>>) semaphore(%arg11 : memref<!tpu.dma_semaphore, #tpu.memory_space<semaphore_mem>>) {add = true}
      %dma_wait3A = arith.constant 0 : i32
      %dma_wait3A_46 = tpu.memref_slice %arg7[%add3A_37, %dma_wait3A] : memref<80x256xi32, #tpu.memory_space<vmem>> -> memref<1x256xi32, #tpu.memory_space<vmem>>
      %dma_wait3A_47 = tpu.memref_squeeze %dma_wait3A_46 : memref<1x256xi32, #tpu.memory_space<vmem>> -> memref<256xi32, #tpu.memory_space<vmem>>
      %dma_wait3A_48 = arith.constant 0 : i32
      %dma_wait3A_49 = arith.constant 0 : i32
      %dma_wait3A_50 = tpu.memref_slice %arg9[%dma_wait3A_48, %dma_wait3A_49] : memref<40064x16xf32, #tpu.memory_space<vmem_shared>> -> memref<40064x16xf32, #tpu.memory_space<vmem_shared>>
      tpu.wait_indirect_dma semaphore(%arg10 : memref<!tpu.dma_semaphore, #tpu.memory_space<semaphore_mem>>) src(%arg8 : memref<256x16xf32, #tpu.memory_space<vmem>>) dst(%dma_wait3A_50 : memref<40064x16xf32, #tpu.memory_space<vmem_shared>>)
      %add3A_51 = arith.constant 2 : i32
      %add3A_52 = arith.addi %add3A_37, %add3A_51 : i32
      %lt3A = arith.constant 80 : i32
      %lt3A_53 = arith.cmpi slt, %add3A_52, %lt3A : i32
      %convert_element_type3A_54 = arith.extui %lt3A_53 : i1 to i32
      %cond3A_55 = arith.constant 0 : i32
      %cond3A_56 = arith.cmpi ne, %convert_element_type3A_54, %cond3A_55 : i32
      scf.if %cond3A_56 {
        %add3A_65 = arith.constant 2 : i32
        %add3A_66 = arith.addi %add3A_37, %add3A_65 : i32
        %dma_start3A_67 = arith.constant 0 : i32
        %dma_start3A_68 = tpu.memref_slice %arg7[%add3A_66, %dma_start3A_67] : memref<80x256xi32, #tpu.memory_space<vmem>> -> memref<1x256xi32, #tpu.memory_space<vmem>>
        %dma_start3A_69 = tpu.memref_squeeze %dma_start3A_68 : memref<1x256xi32, #tpu.memory_space<vmem>> -> memref<256xi32, #tpu.memory_space<vmem>>
        %dma_start3A_70 = arith.constant 0 : i32
        %dma_start3A_71 = arith.constant 0 : i32
        %dma_start3A_72 = tpu.memref_slice %arg9[%dma_start3A_70, %dma_start3A_71] : memref<40064x16xf32, #tpu.memory_space<vmem_shared>> -> memref<40064x16xf32, #tpu.memory_space<vmem_shared>>
        tpu.enqueue_indirect_dma source(%arg8 : memref<256x16xf32, #tpu.memory_space<vmem>>) target(%dma_start3A_72 : memref<40064x16xf32, #tpu.memory_space<vmem_shared>>) offsets(%dma_start3A_69 : memref<256xi32, #tpu.memory_space<vmem>>) semaphore(%arg10 : memref<!tpu.dma_semaphore, #tpu.memory_space<semaphore_mem>>) {add = true}
      } else {
      }
      %add3A_57 = arith.constant 1 : i32
      %add3A_58 = arith.addi %add3A_37, %add3A_57 : i32
      %dma_wait3A_59 = arith.constant 0 : i32
      %dma_wait3A_60 = tpu.memref_slice %arg7[%add3A_58, %dma_wait3A_59] : memref<80x256xi32, #tpu.memory_space<vmem>> -> memref<1x256xi32, #tpu.memory_space<vmem>>
      %dma_wait3A_61 = tpu.memref_squeeze %dma_wait3A_60 : memref<1x256xi32, #tpu.memory_space<vmem>> -> memref<256xi32, #tpu.memory_space<vmem>>
      %dma_wait3A_62 = arith.constant 0 : i32
      %dma_wait3A_63 = arith.constant 0 : i32
      %dma_wait3A_64 = tpu.memref_slice %arg9[%dma_wait3A_62, %dma_wait3A_63] : memref<40064x16xf32, #tpu.memory_space<vmem_shared>> -> memref<40064x16xf32, #tpu.memory_space<vmem_shared>>
      tpu.wait_indirect_dma semaphore(%arg11 : memref<!tpu.dma_semaphore, #tpu.memory_space<semaphore_mem>>) src(%arg8 : memref<256x16xf32, #tpu.memory_space<vmem>>) dst(%dma_wait3A_64 : memref<40064x16xf32, #tpu.memory_space<vmem_shared>>)
    }
    %scan3A_22 = arith.constant 40 : i32
    %barrier3A_23 = arith.constant 0 : index
    tpu.barrier barrier_id(%barrier3A_23)
    %eq3A_24 = arith.constant 0 : i32
    %eq3A_25 = arith.cmpi eq, %arg0, %eq3A_24 : i32
    %convert_element_type3A_26 = arith.extui %eq3A_25 : i1 to i32
    %cond3A_27 = arith.constant 0 : i32
    %cond3A_28 = arith.cmpi ne, %convert_element_type3A_26, %cond3A_27 : i32
    scf.if %cond3A_28 {
      %mul3A_34 = arith.constant 625 : i32
      %mul3A_35 = arith.muli %arg1, %mul3A_34 : i32
      %mul3A_36 = arith.constant 625 : i32
      %mul3A_37 = arith.muli %arg1, %mul3A_36 : i32
      "tpu.region"() ({
        %run_scoped3A = tpu.sem_alloc : memref<!tpu.dma_semaphore, #tpu.memory_space<semaphore_mem>>
        %dma_start3A_38 = arith.constant 0 : i32
        %dma_start3A_39 = tpu.memref_slice %arg5[%mul3A_37, %dma_start3A_38] : memref<10000x16xf32, #tpu.memory_space<hbm>> -> memref<625x16xf32, #tpu.memory_space<hbm>>
        %dma_start3A_40 = arith.constant 0 : i32
        %dma_start3A_41 = tpu.memref_slice %arg9[%mul3A_35, %dma_start3A_40] : memref<40064x16xf32, #tpu.memory_space<vmem_shared>> -> memref<625x16xf32, #tpu.memory_space<vmem_shared>>
        tpu.enqueue_dma source(%dma_start3A_41 : memref<625x16xf32, #tpu.memory_space<vmem_shared>>) target(%dma_start3A_39 : memref<625x16xf32, #tpu.memory_space<hbm>>) target_semaphore(%run_scoped3A : memref<!tpu.dma_semaphore, #tpu.memory_space<semaphore_mem>>)
        %dma_wait3A = arith.constant 0 : i32
        %dma_wait3A_42 = tpu.memref_slice %arg5[%mul3A_37, %dma_wait3A] : memref<10000x16xf32, #tpu.memory_space<hbm>> -> memref<625x16xf32, #tpu.memory_space<hbm>>
        %dma_wait3A_43 = arith.constant 0 : i32
        %dma_wait3A_44 = tpu.memref_slice %arg9[%mul3A_35, %dma_wait3A_43] : memref<40064x16xf32, #tpu.memory_space<vmem_shared>> -> memref<625x16xf32, #tpu.memory_space<vmem_shared>>
        tpu.wait_dma2 semaphore(%run_scoped3A : memref<!tpu.dma_semaphore, #tpu.memory_space<semaphore_mem>>) src(%dma_wait3A_44 : memref<625x16xf32, #tpu.memory_space<vmem_shared>>) dst(%dma_wait3A_42 : memref<625x16xf32, #tpu.memory_space<hbm>>)
        tpu.yield
      }) : () -> ()
    } else {
    }
    %eq3A_29 = arith.constant 1 : i32
    %eq3A_30 = arith.cmpi eq, %arg0, %eq3A_29 : i32
    %convert_element_type3A_31 = arith.extui %eq3A_30 : i1 to i32
    %cond3A_32 = arith.constant 0 : i32
    %cond3A_33 = arith.cmpi ne, %convert_element_type3A_31, %cond3A_32 : i32
    scf.if %cond3A_33 {
      %mul3A_34 = arith.constant 2500 : i32
      %mul3A_35 = arith.muli %arg1, %mul3A_34 : i32
      %mul3A_36 = arith.constant 2500 : i32
      %mul3A_37 = arith.muli %arg1, %mul3A_36 : i32
      "tpu.region"() ({
        %run_scoped3A = tpu.sem_alloc : memref<!tpu.dma_semaphore, #tpu.memory_space<semaphore_mem>>
        %dma_start3A_38 = arith.constant 0 : i32
        %dma_start3A_39 = tpu.memref_slice %arg6[%mul3A_37, %dma_start3A_38] : memref<40000x16xf32, #tpu.memory_space<hbm>> -> memref<2500x16xf32, #tpu.memory_space<hbm>>
        %dma_start3A_40 = arith.constant 0 : i32
        %dma_start3A_41 = tpu.memref_slice %arg9[%mul3A_35, %dma_start3A_40] : memref<40064x16xf32, #tpu.memory_space<vmem_shared>> -> memref<2500x16xf32, #tpu.memory_space<vmem_shared>>
        tpu.enqueue_dma source(%dma_start3A_41 : memref<2500x16xf32, #tpu.memory_space<vmem_shared>>) target(%dma_start3A_39 : memref<2500x16xf32, #tpu.memory_space<hbm>>) target_semaphore(%run_scoped3A : memref<!tpu.dma_semaphore, #tpu.memory_space<semaphore_mem>>)
        %dma_wait3A = arith.constant 0 : i32
        %dma_wait3A_42 = tpu.memref_slice %arg6[%mul3A_37, %dma_wait3A] : memref<40000x16xf32, #tpu.memory_space<hbm>> -> memref<2500x16xf32, #tpu.memory_space<hbm>>
        %dma_wait3A_43 = arith.constant 0 : i32
        %dma_wait3A_44 = tpu.memref_slice %arg9[%mul3A_35, %dma_wait3A_43] : memref<40064x16xf32, #tpu.memory_space<vmem_shared>> -> memref<2500x16xf32, #tpu.memory_space<vmem_shared>>
        tpu.wait_dma2 semaphore(%run_scoped3A : memref<!tpu.dma_semaphore, #tpu.memory_space<semaphore_mem>>) src(%dma_wait3A_44 : memref<2500x16xf32, #tpu.memory_space<vmem_shared>>) dst(%dma_wait3A_42 : memref<2500x16xf32, #tpu.memory_space<hbm>>)
        tpu.yield
      }) : () -> ()
    } else {
    }
    return
  }
}

#map = affine_map<(d0, d1) -> (0, 0)>
#map1 = affine_map<(d0, d1) -> (0, 0, 0)>
module attributes {stable_mosaic.version = 14 : i64} {
  func.func @k(%arg0: i32, %arg1: i32, %arg2: memref<10000x128xf32, #tpu.memory_space<hbm>>, %arg3: memref<16x80x256xi32, #tpu.memory_space<hbm>>, %arg4: memref<16x80x256xi32, #tpu.memory_space<hbm>>, %arg5: memref<2504x16xf32, #tpu.memory_space<hbm>>, %arg6: memref<40000x128xf32, #tpu.memory_space<hbm>>, %arg7: memref<80x256xi32, #tpu.memory_space<vmem>>, %arg8: memref<80x256xi32, #tpu.memory_space<vmem>>, %arg9: memref<256x16xf32, #tpu.memory_space<vmem>>, %arg10: memref<256x16xf32, #tpu.memory_space<vmem>>, %arg11: memref<10000x16xf32, #tpu.memory_space<vmem_shared>>, %arg12: memref<40016x16xf32, #tpu.memory_space<vmem_shared>>, %arg13: memref<!tpu.dma_semaphore, #tpu.memory_space<semaphore_mem>>, %arg14: memref<!tpu.dma_semaphore, #tpu.memory_space<semaphore_mem>>, %arg15: memref<!tpu.dma_semaphore, #tpu.memory_space<semaphore_mem>>, %arg16: memref<!tpu.dma_semaphore, #tpu.memory_space<semaphore_mem>>) attributes {dimension_semantics = [#tpu.dimension_semantics<core_parallel>, #tpu.dimension_semantics<subcore_parallel>], iteration_bounds = array<i64: 2, 16>, scalar_prefetch = 0 : i64, scratch_operands = 10 : i64, tpu.core_type = #tpu.core_type<sc_vector_subcore>, window_params = [{transform_indices = #map}, {transform_indices = #map1}, {transform_indices = #map1}, {transform_indices = #map}, {transform_indices = #map}]} {
    %dma_start3A = arith.constant 0 : i32
    %dma_start3A_0 = arith.constant 0 : i32
    %dma_start3A_1 = tpu.memref_slice %arg3[%arg1, %dma_start3A, %dma_start3A_0] : memref<16x80x256xi32, #tpu.memory_space<hbm>> -> memref<1x80x256xi32, #tpu.memory_space<hbm>>
    %dma_start3A_2 = tpu.memref_squeeze %dma_start3A_1 : memref<1x80x256xi32, #tpu.memory_space<hbm>> -> memref<80x256xi32, #tpu.memory_space<hbm>>
    %dma_start3A_3 = arith.constant 0 : i32
    %dma_start3A_4 = arith.constant 0 : i32
    %dma_start3A_5 = tpu.memref_slice %arg3[%arg1, %dma_start3A_3, %dma_start3A_4] : memref<16x80x256xi32, #tpu.memory_space<hbm>> -> memref<1x80x256xi32, #tpu.memory_space<hbm>>
    %dma_start3A_6 = tpu.memref_squeeze %dma_start3A_5 : memref<1x80x256xi32, #tpu.memory_space<hbm>> -> memref<80x256xi32, #tpu.memory_space<hbm>>
    tpu.enqueue_dma source(%dma_start3A_6 : memref<80x256xi32, #tpu.memory_space<hbm>>) target(%arg7 : memref<80x256xi32, #tpu.memory_space<vmem>>) target_semaphore(%arg13 : memref<!tpu.dma_semaphore, #tpu.memory_space<semaphore_mem>>)
    %dma_start3A_7 = arith.constant 0 : i32
    %dma_start3A_8 = arith.constant 0 : i32
    %dma_start3A_9 = tpu.memref_slice %arg4[%arg1, %dma_start3A_7, %dma_start3A_8] : memref<16x80x256xi32, #tpu.memory_space<hbm>> -> memref<1x80x256xi32, #tpu.memory_space<hbm>>
    %dma_start3A_10 = tpu.memref_squeeze %dma_start3A_9 : memref<1x80x256xi32, #tpu.memory_space<hbm>> -> memref<80x256xi32, #tpu.memory_space<hbm>>
    %dma_start3A_11 = arith.constant 0 : i32
    %dma_start3A_12 = arith.constant 0 : i32
    %dma_start3A_13 = tpu.memref_slice %arg4[%arg1, %dma_start3A_11, %dma_start3A_12] : memref<16x80x256xi32, #tpu.memory_space<hbm>> -> memref<1x80x256xi32, #tpu.memory_space<hbm>>
    %dma_start3A_14 = tpu.memref_squeeze %dma_start3A_13 : memref<1x80x256xi32, #tpu.memory_space<hbm>> -> memref<80x256xi32, #tpu.memory_space<hbm>>
    tpu.enqueue_dma source(%dma_start3A_14 : memref<80x256xi32, #tpu.memory_space<hbm>>) target(%arg8 : memref<80x256xi32, #tpu.memory_space<vmem>>) target_semaphore(%arg14 : memref<!tpu.dma_semaphore, #tpu.memory_space<semaphore_mem>>)
    %mul3A = arith.constant 4 : i32
    %mul3A_15 = arith.muli %arg0, %mul3A : i32
    %add3A = arith.constant 0 : i32
    %add3A_16 = arith.addi %mul3A_15, %add3A : i32
    %mul3A_17 = arith.constant 16 : i32
    %mul3A_18 = arith.muli %add3A_16, %mul3A_17 : i32
    %barrier3A = arith.constant 0 : index
    tpu.barrier barrier_id(%barrier3A)
    %mul3A_19 = arith.constant 2501 : i32
    %mul3A_20 = arith.muli %arg1, %mul3A_19 : i32
    %dma_start3A_21 = arith.constant 0 : i32
    %dma_start3A_22 = tpu.memref_slice %arg12[%mul3A_20, %dma_start3A_21] : memref<40016x16xf32, #tpu.memory_space<vmem_shared>> -> memref<2501x16xf32, #tpu.memory_space<vmem_shared>>
    %dma_start3A_23 = arith.constant 0 : i32
    %dma_start3A_24 = arith.constant 0 : i32
    %dma_start3A_25 = tpu.memref_slice %arg5[%dma_start3A_23, %dma_start3A_24] : memref<2504x16xf32, #tpu.memory_space<hbm>> -> memref<2501x16xf32, #tpu.memory_space<hbm>>
    tpu.enqueue_dma source(%dma_start3A_25 : memref<2501x16xf32, #tpu.memory_space<hbm>>) target(%dma_start3A_22 : memref<2501x16xf32, #tpu.memory_space<vmem_shared>>) target_semaphore(%arg15 : memref<!tpu.dma_semaphore, #tpu.memory_space<semaphore_mem>>)
    %mul3A_26 = arith.constant 625 : i32
    %mul3A_27 = arith.muli %arg1, %mul3A_26 : i32
    %mul3A_28 = arith.constant 625 : i32
    %mul3A_29 = arith.muli %arg1, %mul3A_28 : i32
    %dma_start3A_30 = arith.constant 0 : i32
    %dma_start3A_31 = tpu.memref_slice %arg11[%mul3A_29, %dma_start3A_30] : memref<10000x16xf32, #tpu.memory_space<vmem_shared>> -> memref<625x16xf32, #tpu.memory_space<vmem_shared>>
    %dma_start3A_32 = tpu.memref_slice %arg2[%mul3A_27, %mul3A_18] : memref<10000x128xf32, #tpu.memory_space<hbm>> -> memref<625x16xf32, #tpu.memory_space<hbm>>
    tpu.enqueue_dma source(%dma_start3A_32 : memref<625x16xf32, #tpu.memory_space<hbm>>) target(%dma_start3A_31 : memref<625x16xf32, #tpu.memory_space<vmem_shared>>) target_semaphore(%arg16 : memref<!tpu.dma_semaphore, #tpu.memory_space<semaphore_mem>>)
    %dma_wait3A = arith.constant 0 : i32
    %dma_wait3A_33 = arith.constant 0 : i32
    %dma_wait3A_34 = tpu.memref_slice %arg3[%arg1, %dma_wait3A, %dma_wait3A_33] : memref<16x80x256xi32, #tpu.memory_space<hbm>> -> memref<1x80x256xi32, #tpu.memory_space<hbm>>
    %dma_wait3A_35 = tpu.memref_squeeze %dma_wait3A_34 : memref<1x80x256xi32, #tpu.memory_space<hbm>> -> memref<80x256xi32, #tpu.memory_space<hbm>>
    %dma_wait3A_36 = arith.constant 0 : i32
    %dma_wait3A_37 = arith.constant 0 : i32
    %dma_wait3A_38 = tpu.memref_slice %arg3[%arg1, %dma_wait3A_36, %dma_wait3A_37] : memref<16x80x256xi32, #tpu.memory_space<hbm>> -> memref<1x80x256xi32, #tpu.memory_space<hbm>>
    %dma_wait3A_39 = tpu.memref_squeeze %dma_wait3A_38 : memref<1x80x256xi32, #tpu.memory_space<hbm>> -> memref<80x256xi32, #tpu.memory_space<hbm>>
    tpu.wait_dma2 semaphore(%arg13 : memref<!tpu.dma_semaphore, #tpu.memory_space<semaphore_mem>>) src(%dma_wait3A_39 : memref<80x256xi32, #tpu.memory_space<hbm>>) dst(%arg7 : memref<80x256xi32, #tpu.memory_space<vmem>>)
    %dma_wait3A_40 = arith.constant 0 : i32
    %dma_wait3A_41 = arith.constant 0 : i32
    %dma_wait3A_42 = tpu.memref_slice %arg4[%arg1, %dma_wait3A_40, %dma_wait3A_41] : memref<16x80x256xi32, #tpu.memory_space<hbm>> -> memref<1x80x256xi32, #tpu.memory_space<hbm>>
    %dma_wait3A_43 = tpu.memref_squeeze %dma_wait3A_42 : memref<1x80x256xi32, #tpu.memory_space<hbm>> -> memref<80x256xi32, #tpu.memory_space<hbm>>
    %dma_wait3A_44 = arith.constant 0 : i32
    %dma_wait3A_45 = arith.constant 0 : i32
    %dma_wait3A_46 = tpu.memref_slice %arg4[%arg1, %dma_wait3A_44, %dma_wait3A_45] : memref<16x80x256xi32, #tpu.memory_space<hbm>> -> memref<1x80x256xi32, #tpu.memory_space<hbm>>
    %dma_wait3A_47 = tpu.memref_squeeze %dma_wait3A_46 : memref<1x80x256xi32, #tpu.memory_space<hbm>> -> memref<80x256xi32, #tpu.memory_space<hbm>>
    tpu.wait_dma2 semaphore(%arg14 : memref<!tpu.dma_semaphore, #tpu.memory_space<semaphore_mem>>) src(%dma_wait3A_47 : memref<80x256xi32, #tpu.memory_space<hbm>>) dst(%arg8 : memref<80x256xi32, #tpu.memory_space<vmem>>)
    %dma_wait3A_48 = arith.constant 0 : i32
    %dma_wait3A_49 = tpu.memref_slice %arg12[%mul3A_20, %dma_wait3A_48] : memref<40016x16xf32, #tpu.memory_space<vmem_shared>> -> memref<2501x16xf32, #tpu.memory_space<vmem_shared>>
    %dma_wait3A_50 = arith.constant 0 : i32
    %dma_wait3A_51 = arith.constant 0 : i32
    %dma_wait3A_52 = tpu.memref_slice %arg5[%dma_wait3A_50, %dma_wait3A_51] : memref<2504x16xf32, #tpu.memory_space<hbm>> -> memref<2501x16xf32, #tpu.memory_space<hbm>>
    tpu.wait_dma2 semaphore(%arg15 : memref<!tpu.dma_semaphore, #tpu.memory_space<semaphore_mem>>) src(%dma_wait3A_52 : memref<2501x16xf32, #tpu.memory_space<hbm>>) dst(%dma_wait3A_49 : memref<2501x16xf32, #tpu.memory_space<vmem_shared>>)
    %dma_wait3A_53 = arith.constant 0 : i32
    %dma_wait3A_54 = tpu.memref_slice %arg11[%mul3A_29, %dma_wait3A_53] : memref<10000x16xf32, #tpu.memory_space<vmem_shared>> -> memref<625x16xf32, #tpu.memory_space<vmem_shared>>
    %dma_wait3A_55 = tpu.memref_slice %arg2[%mul3A_27, %mul3A_18] : memref<10000x128xf32, #tpu.memory_space<hbm>> -> memref<625x16xf32, #tpu.memory_space<hbm>>
    tpu.wait_dma2 semaphore(%arg16 : memref<!tpu.dma_semaphore, #tpu.memory_space<semaphore_mem>>) src(%dma_wait3A_55 : memref<625x16xf32, #tpu.memory_space<hbm>>) dst(%dma_wait3A_54 : memref<625x16xf32, #tpu.memory_space<vmem_shared>>)
    %barrier3A_56 = arith.constant 0 : index
    tpu.barrier barrier_id(%barrier3A_56)
    %dma_start3A_57 = arith.constant 0 : i32
    %dma_start3A_58 = arith.constant 0 : i32
    %dma_start3A_59 = tpu.memref_slice %arg7[%dma_start3A_57, %dma_start3A_58] : memref<80x256xi32, #tpu.memory_space<vmem>> -> memref<1x256xi32, #tpu.memory_space<vmem>>
    %dma_start3A_60 = tpu.memref_squeeze %dma_start3A_59 : memref<1x256xi32, #tpu.memory_space<vmem>> -> memref<256xi32, #tpu.memory_space<vmem>>
    %dma_start3A_61 = arith.constant 0 : i32
    %dma_start3A_62 = arith.constant 0 : i32
    %dma_start3A_63 = tpu.memref_slice %arg11[%dma_start3A_61, %dma_start3A_62] : memref<10000x16xf32, #tpu.memory_space<vmem_shared>> -> memref<10000x16xf32, #tpu.memory_space<vmem_shared>>
    tpu.enqueue_indirect_dma source(%dma_start3A_63 : memref<10000x16xf32, #tpu.memory_space<vmem_shared>>) target(%arg9 : memref<256x16xf32, #tpu.memory_space<vmem>>) offsets(%dma_start3A_60 : memref<256xi32, #tpu.memory_space<vmem>>) semaphore(%arg13 : memref<!tpu.dma_semaphore, #tpu.memory_space<semaphore_mem>>)
    %scan3A = arith.constant 0 : i32
    %scan3A_64 = arith.constant 40 : i32
    %scan3A_65 = arith.addi %scan3A, %scan3A_64 : i32
    %scan3A_66 = arith.constant 1 : i32
    scf.for %scan3A_242 = %scan3A to %scan3A_65 step %scan3A_66  : i32 {
      %mul3A_243 = arith.constant 2 : i32
      %mul3A_244 = arith.muli %scan3A_242, %mul3A_243 : i32
      %add3A_245 = arith.constant 0 : i32
      %add3A_246 = arith.addi %add3A_245, %mul3A_244 : i32
      %gt3A = arith.constant 0 : i32
      %gt3A_247 = arith.cmpi sgt, %add3A_246, %gt3A : i32
      %convert_element_type3A = arith.extui %gt3A_247 : i1 to i32
      %cond3A = arith.constant 0 : i32
      %cond3A_248 = arith.cmpi ne, %convert_element_type3A, %cond3A : i32
      scf.if %cond3A_248 {
        %sub3A = arith.constant 1 : i32
        %sub3A_297 = arith.subi %add3A_246, %sub3A : i32
        %dma_wait3A_298 = arith.constant 0 : i32
        %dma_wait3A_299 = tpu.memref_slice %arg8[%sub3A_297, %dma_wait3A_298] : memref<80x256xi32, #tpu.memory_space<vmem>> -> memref<1x256xi32, #tpu.memory_space<vmem>>
        %dma_wait3A_300 = tpu.memref_squeeze %dma_wait3A_299 : memref<1x256xi32, #tpu.memory_space<vmem>> -> memref<256xi32, #tpu.memory_space<vmem>>
        %dma_wait3A_301 = arith.constant 0 : i32
        %dma_wait3A_302 = arith.constant 0 : i32
        %dma_wait3A_303 = tpu.memref_slice %arg12[%dma_wait3A_301, %dma_wait3A_302] : memref<40016x16xf32, #tpu.memory_space<vmem_shared>> -> memref<40016x16xf32, #tpu.memory_space<vmem_shared>>
        tpu.wait_indirect_dma semaphore(%arg16 : memref<!tpu.dma_semaphore, #tpu.memory_space<semaphore_mem>>) src(%arg10 : memref<256x16xf32, #tpu.memory_space<vmem>>) dst(%dma_wait3A_303 : memref<40016x16xf32, #tpu.memory_space<vmem_shared>>)
      } else {
      }
      %add3A_249 = arith.constant 1 : i32
      %add3A_250 = arith.addi %add3A_246, %add3A_249 : i32
      %dma_start3A_251 = arith.constant 0 : i32
      %dma_start3A_252 = tpu.memref_slice %arg7[%add3A_250, %dma_start3A_251] : memref<80x256xi32, #tpu.memory_space<vmem>> -> memref<1x256xi32, #tpu.memory_space<vmem>>
      %dma_start3A_253 = tpu.memref_squeeze %dma_start3A_252 : memref<1x256xi32, #tpu.memory_space<vmem>> -> memref<256xi32, #tpu.memory_space<vmem>>
      %dma_start3A_254 = arith.constant 0 : i32
      %dma_start3A_255 = arith.constant 0 : i32
      %dma_start3A_256 = tpu.memref_slice %arg11[%dma_start3A_254, %dma_start3A_255] : memref<10000x16xf32, #tpu.memory_space<vmem_shared>> -> memref<10000x16xf32, #tpu.memory_space<vmem_shared>>
      tpu.enqueue_indirect_dma source(%dma_start3A_256 : memref<10000x16xf32, #tpu.memory_space<vmem_shared>>) target(%arg10 : memref<256x16xf32, #tpu.memory_space<vmem>>) offsets(%dma_start3A_253 : memref<256xi32, #tpu.memory_space<vmem>>) semaphore(%arg14 : memref<!tpu.dma_semaphore, #tpu.memory_space<semaphore_mem>>)
      %dma_wait3A_257 = arith.constant 0 : i32
      %dma_wait3A_258 = tpu.memref_slice %arg7[%add3A_246, %dma_wait3A_257] : memref<80x256xi32, #tpu.memory_space<vmem>> -> memref<1x256xi32, #tpu.memory_space<vmem>>
      %dma_wait3A_259 = tpu.memref_squeeze %dma_wait3A_258 : memref<1x256xi32, #tpu.memory_space<vmem>> -> memref<256xi32, #tpu.memory_space<vmem>>
      %dma_wait3A_260 = arith.constant 0 : i32
      %dma_wait3A_261 = arith.constant 0 : i32
      %dma_wait3A_262 = tpu.memref_slice %arg11[%dma_wait3A_260, %dma_wait3A_261] : memref<10000x16xf32, #tpu.memory_space<vmem_shared>> -> memref<10000x16xf32, #tpu.memory_space<vmem_shared>>
      tpu.wait_indirect_dma semaphore(%arg13 : memref<!tpu.dma_semaphore, #tpu.memory_space<semaphore_mem>>) src(%dma_wait3A_262 : memref<10000x16xf32, #tpu.memory_space<vmem_shared>>) dst(%arg9 : memref<256x16xf32, #tpu.memory_space<vmem>>)
      %dma_start3A_263 = arith.constant 0 : i32
      %dma_start3A_264 = tpu.memref_slice %arg8[%add3A_246, %dma_start3A_263] : memref<80x256xi32, #tpu.memory_space<vmem>> -> memref<1x256xi32, #tpu.memory_space<vmem>>
      %dma_start3A_265 = tpu.memref_squeeze %dma_start3A_264 : memref<1x256xi32, #tpu.memory_space<vmem>> -> memref<256xi32, #tpu.memory_space<vmem>>
      %dma_start3A_266 = arith.constant 0 : i32
      %dma_start3A_267 = arith.constant 0 : i32
      %dma_start3A_268 = tpu.memref_slice %arg12[%dma_start3A_266, %dma_start3A_267] : memref<40016x16xf32, #tpu.memory_space<vmem_shared>> -> memref<40016x16xf32, #tpu.memory_space<vmem_shared>>
      tpu.enqueue_indirect_dma source(%arg9 : memref<256x16xf32, #tpu.memory_space<vmem>>) target(%dma_start3A_268 : memref<40016x16xf32, #tpu.memory_space<vmem_shared>>) offsets(%dma_start3A_265 : memref<256xi32, #tpu.memory_space<vmem>>) semaphore(%arg15 : memref<!tpu.dma_semaphore, #tpu.memory_space<semaphore_mem>>) {add = true}
      %dma_wait3A_269 = arith.constant 0 : i32
      %dma_wait3A_270 = tpu.memref_slice %arg8[%add3A_246, %dma_wait3A_269] : memref<80x256xi32, #tpu.memory_space<vmem>> -> memref<1x256xi32, #tpu.memory_space<vmem>>
      %dma_wait3A_271 = tpu.memref_squeeze %dma_wait3A_270 : memref<1x256xi32, #tpu.memory_space<vmem>> -> memref<256xi32, #tpu.memory_space<vmem>>
      %dma_wait3A_272 = arith.constant 0 : i32
      %dma_wait3A_273 = arith.constant 0 : i32
      %dma_wait3A_274 = tpu.memref_slice %arg12[%dma_wait3A_272, %dma_wait3A_273] : memref<40016x16xf32, #tpu.memory_space<vmem_shared>> -> memref<40016x16xf32, #tpu.memory_space<vmem_shared>>
      tpu.wait_indirect_dma semaphore(%arg15 : memref<!tpu.dma_semaphore, #tpu.memory_space<semaphore_mem>>) src(%arg9 : memref<256x16xf32, #tpu.memory_space<vmem>>) dst(%dma_wait3A_274 : memref<40016x16xf32, #tpu.memory_space<vmem_shared>>)
      %add3A_275 = arith.constant 2 : i32
      %add3A_276 = arith.addi %add3A_246, %add3A_275 : i32
      %lt3A = arith.constant 80 : i32
      %lt3A_277 = arith.cmpi slt, %add3A_276, %lt3A : i32
      %convert_element_type3A_278 = arith.extui %lt3A_277 : i1 to i32
      %cond3A_279 = arith.constant 0 : i32
      %cond3A_280 = arith.cmpi ne, %convert_element_type3A_278, %cond3A_279 : i32
      scf.if %cond3A_280 {
        %add3A_297 = arith.constant 2 : i32
        %add3A_298 = arith.addi %add3A_246, %add3A_297 : i32
        %dma_start3A_299 = arith.constant 0 : i32
        %dma_start3A_300 = tpu.memref_slice %arg7[%add3A_298, %dma_start3A_299] : memref<80x256xi32, #tpu.memory_space<vmem>> -> memref<1x256xi32, #tpu.memory_space<vmem>>
        %dma_start3A_301 = tpu.memref_squeeze %dma_start3A_300 : memref<1x256xi32, #tpu.memory_space<vmem>> -> memref<256xi32, #tpu.memory_space<vmem>>
        %dma_start3A_302 = arith.constant 0 : i32
        %dma_start3A_303 = arith.constant 0 : i32
        %dma_start3A_304 = tpu.memref_slice %arg11[%dma_start3A_302, %dma_start3A_303] : memref<10000x16xf32, #tpu.memory_space<vmem_shared>> -> memref<10000x16xf32, #tpu.memory_space<vmem_shared>>
        tpu.enqueue_indirect_dma source(%dma_start3A_304 : memref<10000x16xf32, #tpu.memory_space<vmem_shared>>) target(%arg9 : memref<256x16xf32, #tpu.memory_space<vmem>>) offsets(%dma_start3A_301 : memref<256xi32, #tpu.memory_space<vmem>>) semaphore(%arg13 : memref<!tpu.dma_semaphore, #tpu.memory_space<semaphore_mem>>)
      } else {
      }
      %add3A_281 = arith.constant 1 : i32
      %add3A_282 = arith.addi %add3A_246, %add3A_281 : i32
      %dma_wait3A_283 = arith.constant 0 : i32
      %dma_wait3A_284 = tpu.memref_slice %arg7[%add3A_282, %dma_wait3A_283] : memref<80x256xi32, #tpu.memory_space<vmem>> -> memref<1x256xi32, #tpu.memory_space<vmem>>
      %dma_wait3A_285 = tpu.memref_squeeze %dma_wait3A_284 : memref<1x256xi32, #tpu.memory_space<vmem>> -> memref<256xi32, #tpu.memory_space<vmem>>
      %dma_wait3A_286 = arith.constant 0 : i32
      %dma_wait3A_287 = arith.constant 0 : i32
      %dma_wait3A_288 = tpu.memref_slice %arg11[%dma_wait3A_286, %dma_wait3A_287] : memref<10000x16xf32, #tpu.memory_space<vmem_shared>> -> memref<10000x16xf32, #tpu.memory_space<vmem_shared>>
      tpu.wait_indirect_dma semaphore(%arg14 : memref<!tpu.dma_semaphore, #tpu.memory_space<semaphore_mem>>) src(%dma_wait3A_288 : memref<10000x16xf32, #tpu.memory_space<vmem_shared>>) dst(%arg10 : memref<256x16xf32, #tpu.memory_space<vmem>>)
      %add3A_289 = arith.constant 1 : i32
      %add3A_290 = arith.addi %add3A_246, %add3A_289 : i32
      %dma_start3A_291 = arith.constant 0 : i32
      %dma_start3A_292 = tpu.memref_slice %arg8[%add3A_290, %dma_start3A_291] : memref<80x256xi32, #tpu.memory_space<vmem>> -> memref<1x256xi32, #tpu.memory_space<vmem>>
      %dma_start3A_293 = tpu.memref_squeeze %dma_start3A_292 : memref<1x256xi32, #tpu.memory_space<vmem>> -> memref<256xi32, #tpu.memory_space<vmem>>
      %dma_start3A_294 = arith.constant 0 : i32
      %dma_start3A_295 = arith.constant 0 : i32
      %dma_start3A_296 = tpu.memref_slice %arg12[%dma_start3A_294, %dma_start3A_295] : memref<40016x16xf32, #tpu.memory_space<vmem_shared>> -> memref<40016x16xf32, #tpu.memory_space<vmem_shared>>
      tpu.enqueue_indirect_dma source(%arg10 : memref<256x16xf32, #tpu.memory_space<vmem>>) target(%dma_start3A_296 : memref<40016x16xf32, #tpu.memory_space<vmem_shared>>) offsets(%dma_start3A_293 : memref<256xi32, #tpu.memory_space<vmem>>) semaphore(%arg16 : memref<!tpu.dma_semaphore, #tpu.memory_space<semaphore_mem>>) {add = true}
    }
    %scan3A_67 = arith.constant 40 : i32
    %dma_wait3A_68 = arith.constant 79 : i32
    %dma_wait3A_69 = arith.constant 0 : i32
    %dma_wait3A_70 = tpu.memref_slice %arg8[%dma_wait3A_68, %dma_wait3A_69] : memref<80x256xi32, #tpu.memory_space<vmem>> -> memref<1x256xi32, #tpu.memory_space<vmem>>
    %dma_wait3A_71 = tpu.memref_squeeze %dma_wait3A_70 : memref<1x256xi32, #tpu.memory_space<vmem>> -> memref<256xi32, #tpu.memory_space<vmem>>
    %dma_wait3A_72 = arith.constant 0 : i32
    %dma_wait3A_73 = arith.constant 0 : i32
    %dma_wait3A_74 = tpu.memref_slice %arg12[%dma_wait3A_72, %dma_wait3A_73] : memref<40016x16xf32, #tpu.memory_space<vmem_shared>> -> memref<40016x16xf32, #tpu.memory_space<vmem_shared>>
    tpu.wait_indirect_dma semaphore(%arg16 : memref<!tpu.dma_semaphore, #tpu.memory_space<semaphore_mem>>) src(%arg10 : memref<256x16xf32, #tpu.memory_space<vmem>>) dst(%dma_wait3A_74 : memref<40016x16xf32, #tpu.memory_space<vmem_shared>>)
    %barrier3A_75 = arith.constant 0 : index
    tpu.barrier barrier_id(%barrier3A_75)
    %mul3A_76 = arith.constant 2500 : i32
    %mul3A_77 = arith.muli %arg1, %mul3A_76 : i32
    %mul3A_78 = arith.constant 2500 : i32
    %mul3A_79 = arith.muli %arg1, %mul3A_78 : i32
    "tpu.region"() ({
      %run_scoped3A = tpu.sem_alloc : memref<!tpu.dma_semaphore, #tpu.memory_space<semaphore_mem>>
      %dma_start3A_242 = tpu.memref_slice %arg6[%mul3A_79, %mul3A_18] : memref<40000x128xf32, #tpu.memory_space<hbm>> -> memref<2500x16xf32, #tpu.memory_space<hbm>>
      %dma_start3A_243 = arith.constant 0 : i32
      %dma_start3A_244 = tpu.memref_slice %arg12[%mul3A_77, %dma_start3A_243] : memref<40016x16xf32, #tpu.memory_space<vmem_shared>> -> memref<2500x16xf32, #tpu.memory_space<vmem_shared>>
      tpu.enqueue_dma source(%dma_start3A_244 : memref<2500x16xf32, #tpu.memory_space<vmem_shared>>) target(%dma_start3A_242 : memref<2500x16xf32, #tpu.memory_space<hbm>>) target_semaphore(%run_scoped3A : memref<!tpu.dma_semaphore, #tpu.memory_space<semaphore_mem>>)
      %dma_wait3A_245 = tpu.memref_slice %arg6[%mul3A_79, %mul3A_18] : memref<40000x128xf32, #tpu.memory_space<hbm>> -> memref<2500x16xf32, #tpu.memory_space<hbm>>
      %dma_wait3A_246 = arith.constant 0 : i32
      %dma_wait3A_247 = tpu.memref_slice %arg12[%mul3A_77, %dma_wait3A_246] : memref<40016x16xf32, #tpu.memory_space<vmem_shared>> -> memref<2500x16xf32, #tpu.memory_space<vmem_shared>>
      tpu.wait_dma2 semaphore(%run_scoped3A : memref<!tpu.dma_semaphore, #tpu.memory_space<semaphore_mem>>) src(%dma_wait3A_247 : memref<2500x16xf32, #tpu.memory_space<vmem_shared>>) dst(%dma_wait3A_245 : memref<2500x16xf32, #tpu.memory_space<hbm>>)
      tpu.yield
    }) : () -> ()
    %mul3A_80 = arith.constant 4 : i32
    %mul3A_81 = arith.muli %arg0, %mul3A_80 : i32
    %add3A_82 = arith.constant 1 : i32
    %add3A_83 = arith.addi %mul3A_81, %add3A_82 : i32
    %mul3A_84 = arith.constant 16 : i32
    %mul3A_85 = arith.muli %add3A_83, %mul3A_84 : i32
    %barrier3A_86 = arith.constant 0 : index
    tpu.barrier barrier_id(%barrier3A_86)
    %mul3A_87 = arith.constant 2501 : i32
    %mul3A_88 = arith.muli %arg1, %mul3A_87 : i32
    %dma_start3A_89 = arith.constant 0 : i32
    %dma_start3A_90 = tpu.memref_slice %arg12[%mul3A_88, %dma_start3A_89] : memref<40016x16xf32, #tpu.memory_space<vmem_shared>> -> memref<2501x16xf32, #tpu.memory_space<vmem_shared>>
    %dma_start3A_91 = arith.constant 0 : i32
    %dma_start3A_92 = arith.constant 0 : i32
    %dma_start3A_93 = tpu.memref_slice %arg5[%dma_start3A_91, %dma_start3A_92] : memref<2504x16xf32, #tpu.memory_space<hbm>> -> memref<2501x16xf32, #tpu.memory_space<hbm>>
    tpu.enqueue_dma source(%dma_start3A_93 : memref<2501x16xf32, #tpu.memory_space<hbm>>) target(%dma_start3A_90 : memref<2501x16xf32, #tpu.memory_space<vmem_shared>>) target_semaphore(%arg15 : memref<!tpu.dma_semaphore, #tpu.memory_space<semaphore_mem>>)
    %mul3A_94 = arith.constant 625 : i32
    %mul3A_95 = arith.muli %arg1, %mul3A_94 : i32
    %mul3A_96 = arith.constant 625 : i32
    %mul3A_97 = arith.muli %arg1, %mul3A_96 : i32
    %dma_start3A_98 = arith.constant 0 : i32
    %dma_start3A_99 = tpu.memref_slice %arg11[%mul3A_97, %dma_start3A_98] : memref<10000x16xf32, #tpu.memory_space<vmem_shared>> -> memref<625x16xf32, #tpu.memory_space<vmem_shared>>
    %dma_start3A_100 = tpu.memref_slice %arg2[%mul3A_95, %mul3A_85] : memref<10000x128xf32, #tpu.memory_space<hbm>> -> memref<625x16xf32, #tpu.memory_space<hbm>>
    tpu.enqueue_dma source(%dma_start3A_100 : memref<625x16xf32, #tpu.memory_space<hbm>>) target(%dma_start3A_99 : memref<625x16xf32, #tpu.memory_space<vmem_shared>>) target_semaphore(%arg16 : memref<!tpu.dma_semaphore, #tpu.memory_space<semaphore_mem>>)
    %dma_wait3A_101 = arith.constant 0 : i32
    %dma_wait3A_102 = tpu.memref_slice %arg12[%mul3A_88, %dma_wait3A_101] : memref<40016x16xf32, #tpu.memory_space<vmem_shared>> -> memref<2501x16xf32, #tpu.memory_space<vmem_shared>>
    %dma_wait3A_103 = arith.constant 0 : i32
    %dma_wait3A_104 = arith.constant 0 : i32
    %dma_wait3A_105 = tpu.memref_slice %arg5[%dma_wait3A_103, %dma_wait3A_104] : memref<2504x16xf32, #tpu.memory_space<hbm>> -> memref<2501x16xf32, #tpu.memory_space<hbm>>
    tpu.wait_dma2 semaphore(%arg15 : memref<!tpu.dma_semaphore, #tpu.memory_space<semaphore_mem>>) src(%dma_wait3A_105 : memref<2501x16xf32, #tpu.memory_space<hbm>>) dst(%dma_wait3A_102 : memref<2501x16xf32, #tpu.memory_space<vmem_shared>>)
    %dma_wait3A_106 = arith.constant 0 : i32
    %dma_wait3A_107 = tpu.memref_slice %arg11[%mul3A_97, %dma_wait3A_106] : memref<10000x16xf32, #tpu.memory_space<vmem_shared>> -> memref<625x16xf32, #tpu.memory_space<vmem_shared>>
    %dma_wait3A_108 = tpu.memref_slice %arg2[%mul3A_95, %mul3A_85] : memref<10000x128xf32, #tpu.memory_space<hbm>> -> memref<625x16xf32, #tpu.memory_space<hbm>>
    tpu.wait_dma2 semaphore(%arg16 : memref<!tpu.dma_semaphore, #tpu.memory_space<semaphore_mem>>) src(%dma_wait3A_108 : memref<625x16xf32, #tpu.memory_space<hbm>>) dst(%dma_wait3A_107 : memref<625x16xf32, #tpu.memory_space<vmem_shared>>)
    %barrier3A_109 = arith.constant 0 : index
    tpu.barrier barrier_id(%barrier3A_109)
    %dma_start3A_110 = arith.constant 0 : i32
    %dma_start3A_111 = arith.constant 0 : i32
    %dma_start3A_112 = tpu.memref_slice %arg7[%dma_start3A_110, %dma_start3A_111] : memref<80x256xi32, #tpu.memory_space<vmem>> -> memref<1x256xi32, #tpu.memory_space<vmem>>
    %dma_start3A_113 = tpu.memref_squeeze %dma_start3A_112 : memref<1x256xi32, #tpu.memory_space<vmem>> -> memref<256xi32, #tpu.memory_space<vmem>>
    %dma_start3A_114 = arith.constant 0 : i32
    %dma_start3A_115 = arith.constant 0 : i32
    %dma_start3A_116 = tpu.memref_slice %arg11[%dma_start3A_114, %dma_start3A_115] : memref<10000x16xf32, #tpu.memory_space<vmem_shared>> -> memref<10000x16xf32, #tpu.memory_space<vmem_shared>>
    tpu.enqueue_indirect_dma source(%dma_start3A_116 : memref<10000x16xf32, #tpu.memory_space<vmem_shared>>) target(%arg9 : memref<256x16xf32, #tpu.memory_space<vmem>>) offsets(%dma_start3A_113 : memref<256xi32, #tpu.memory_space<vmem>>) semaphore(%arg13 : memref<!tpu.dma_semaphore, #tpu.memory_space<semaphore_mem>>)
    %scan3A_117 = arith.constant 0 : i32
    %scan3A_118 = arith.constant 40 : i32
    %scan3A_119 = arith.addi %scan3A_117, %scan3A_118 : i32
    %scan3A_120 = arith.constant 1 : i32
    scf.for %scan3A_242 = %scan3A_117 to %scan3A_119 step %scan3A_120  : i32 {
      %mul3A_243 = arith.constant 2 : i32
      %mul3A_244 = arith.muli %scan3A_242, %mul3A_243 : i32
      %add3A_245 = arith.constant 0 : i32
      %add3A_246 = arith.addi %add3A_245, %mul3A_244 : i32
      %gt3A = arith.constant 0 : i32
      %gt3A_247 = arith.cmpi sgt, %add3A_246, %gt3A : i32
      %convert_element_type3A = arith.extui %gt3A_247 : i1 to i32
      %cond3A = arith.constant 0 : i32
      %cond3A_248 = arith.cmpi ne, %convert_element_type3A, %cond3A : i32
      scf.if %cond3A_248 {
        %sub3A = arith.constant 1 : i32
        %sub3A_297 = arith.subi %add3A_246, %sub3A : i32
        %dma_wait3A_298 = arith.constant 0 : i32
        %dma_wait3A_299 = tpu.memref_slice %arg8[%sub3A_297, %dma_wait3A_298] : memref<80x256xi32, #tpu.memory_space<vmem>> -> memref<1x256xi32, #tpu.memory_space<vmem>>
        %dma_wait3A_300 = tpu.memref_squeeze %dma_wait3A_299 : memref<1x256xi32, #tpu.memory_space<vmem>> -> memref<256xi32, #tpu.memory_space<vmem>>
        %dma_wait3A_301 = arith.constant 0 : i32
        %dma_wait3A_302 = arith.constant 0 : i32
        %dma_wait3A_303 = tpu.memref_slice %arg12[%dma_wait3A_301, %dma_wait3A_302] : memref<40016x16xf32, #tpu.memory_space<vmem_shared>> -> memref<40016x16xf32, #tpu.memory_space<vmem_shared>>
        tpu.wait_indirect_dma semaphore(%arg16 : memref<!tpu.dma_semaphore, #tpu.memory_space<semaphore_mem>>) src(%arg10 : memref<256x16xf32, #tpu.memory_space<vmem>>) dst(%dma_wait3A_303 : memref<40016x16xf32, #tpu.memory_space<vmem_shared>>)
      } else {
      }
      %add3A_249 = arith.constant 1 : i32
      %add3A_250 = arith.addi %add3A_246, %add3A_249 : i32
      %dma_start3A_251 = arith.constant 0 : i32
      %dma_start3A_252 = tpu.memref_slice %arg7[%add3A_250, %dma_start3A_251] : memref<80x256xi32, #tpu.memory_space<vmem>> -> memref<1x256xi32, #tpu.memory_space<vmem>>
      %dma_start3A_253 = tpu.memref_squeeze %dma_start3A_252 : memref<1x256xi32, #tpu.memory_space<vmem>> -> memref<256xi32, #tpu.memory_space<vmem>>
      %dma_start3A_254 = arith.constant 0 : i32
      %dma_start3A_255 = arith.constant 0 : i32
      %dma_start3A_256 = tpu.memref_slice %arg11[%dma_start3A_254, %dma_start3A_255] : memref<10000x16xf32, #tpu.memory_space<vmem_shared>> -> memref<10000x16xf32, #tpu.memory_space<vmem_shared>>
      tpu.enqueue_indirect_dma source(%dma_start3A_256 : memref<10000x16xf32, #tpu.memory_space<vmem_shared>>) target(%arg10 : memref<256x16xf32, #tpu.memory_space<vmem>>) offsets(%dma_start3A_253 : memref<256xi32, #tpu.memory_space<vmem>>) semaphore(%arg14 : memref<!tpu.dma_semaphore, #tpu.memory_space<semaphore_mem>>)
      %dma_wait3A_257 = arith.constant 0 : i32
      %dma_wait3A_258 = tpu.memref_slice %arg7[%add3A_246, %dma_wait3A_257] : memref<80x256xi32, #tpu.memory_space<vmem>> -> memref<1x256xi32, #tpu.memory_space<vmem>>
      %dma_wait3A_259 = tpu.memref_squeeze %dma_wait3A_258 : memref<1x256xi32, #tpu.memory_space<vmem>> -> memref<256xi32, #tpu.memory_space<vmem>>
      %dma_wait3A_260 = arith.constant 0 : i32
      %dma_wait3A_261 = arith.constant 0 : i32
      %dma_wait3A_262 = tpu.memref_slice %arg11[%dma_wait3A_260, %dma_wait3A_261] : memref<10000x16xf32, #tpu.memory_space<vmem_shared>> -> memref<10000x16xf32, #tpu.memory_space<vmem_shared>>
      tpu.wait_indirect_dma semaphore(%arg13 : memref<!tpu.dma_semaphore, #tpu.memory_space<semaphore_mem>>) src(%dma_wait3A_262 : memref<10000x16xf32, #tpu.memory_space<vmem_shared>>) dst(%arg9 : memref<256x16xf32, #tpu.memory_space<vmem>>)
      %dma_start3A_263 = arith.constant 0 : i32
      %dma_start3A_264 = tpu.memref_slice %arg8[%add3A_246, %dma_start3A_263] : memref<80x256xi32, #tpu.memory_space<vmem>> -> memref<1x256xi32, #tpu.memory_space<vmem>>
      %dma_start3A_265 = tpu.memref_squeeze %dma_start3A_264 : memref<1x256xi32, #tpu.memory_space<vmem>> -> memref<256xi32, #tpu.memory_space<vmem>>
      %dma_start3A_266 = arith.constant 0 : i32
      %dma_start3A_267 = arith.constant 0 : i32
      %dma_start3A_268 = tpu.memref_slice %arg12[%dma_start3A_266, %dma_start3A_267] : memref<40016x16xf32, #tpu.memory_space<vmem_shared>> -> memref<40016x16xf32, #tpu.memory_space<vmem_shared>>
      tpu.enqueue_indirect_dma source(%arg9 : memref<256x16xf32, #tpu.memory_space<vmem>>) target(%dma_start3A_268 : memref<40016x16xf32, #tpu.memory_space<vmem_shared>>) offsets(%dma_start3A_265 : memref<256xi32, #tpu.memory_space<vmem>>) semaphore(%arg15 : memref<!tpu.dma_semaphore, #tpu.memory_space<semaphore_mem>>) {add = true}
      %dma_wait3A_269 = arith.constant 0 : i32
      %dma_wait3A_270 = tpu.memref_slice %arg8[%add3A_246, %dma_wait3A_269] : memref<80x256xi32, #tpu.memory_space<vmem>> -> memref<1x256xi32, #tpu.memory_space<vmem>>
      %dma_wait3A_271 = tpu.memref_squeeze %dma_wait3A_270 : memref<1x256xi32, #tpu.memory_space<vmem>> -> memref<256xi32, #tpu.memory_space<vmem>>
      %dma_wait3A_272 = arith.constant 0 : i32
      %dma_wait3A_273 = arith.constant 0 : i32
      %dma_wait3A_274 = tpu.memref_slice %arg12[%dma_wait3A_272, %dma_wait3A_273] : memref<40016x16xf32, #tpu.memory_space<vmem_shared>> -> memref<40016x16xf32, #tpu.memory_space<vmem_shared>>
      tpu.wait_indirect_dma semaphore(%arg15 : memref<!tpu.dma_semaphore, #tpu.memory_space<semaphore_mem>>) src(%arg9 : memref<256x16xf32, #tpu.memory_space<vmem>>) dst(%dma_wait3A_274 : memref<40016x16xf32, #tpu.memory_space<vmem_shared>>)
      %add3A_275 = arith.constant 2 : i32
      %add3A_276 = arith.addi %add3A_246, %add3A_275 : i32
      %lt3A = arith.constant 80 : i32
      %lt3A_277 = arith.cmpi slt, %add3A_276, %lt3A : i32
      %convert_element_type3A_278 = arith.extui %lt3A_277 : i1 to i32
      %cond3A_279 = arith.constant 0 : i32
      %cond3A_280 = arith.cmpi ne, %convert_element_type3A_278, %cond3A_279 : i32
      scf.if %cond3A_280 {
        %add3A_297 = arith.constant 2 : i32
        %add3A_298 = arith.addi %add3A_246, %add3A_297 : i32
        %dma_start3A_299 = arith.constant 0 : i32
        %dma_start3A_300 = tpu.memref_slice %arg7[%add3A_298, %dma_start3A_299] : memref<80x256xi32, #tpu.memory_space<vmem>> -> memref<1x256xi32, #tpu.memory_space<vmem>>
        %dma_start3A_301 = tpu.memref_squeeze %dma_start3A_300 : memref<1x256xi32, #tpu.memory_space<vmem>> -> memref<256xi32, #tpu.memory_space<vmem>>
        %dma_start3A_302 = arith.constant 0 : i32
        %dma_start3A_303 = arith.constant 0 : i32
        %dma_start3A_304 = tpu.memref_slice %arg11[%dma_start3A_302, %dma_start3A_303] : memref<10000x16xf32, #tpu.memory_space<vmem_shared>> -> memref<10000x16xf32, #tpu.memory_space<vmem_shared>>
        tpu.enqueue_indirect_dma source(%dma_start3A_304 : memref<10000x16xf32, #tpu.memory_space<vmem_shared>>) target(%arg9 : memref<256x16xf32, #tpu.memory_space<vmem>>) offsets(%dma_start3A_301 : memref<256xi32, #tpu.memory_space<vmem>>) semaphore(%arg13 : memref<!tpu.dma_semaphore, #tpu.memory_space<semaphore_mem>>)
      } else {
      }
      %add3A_281 = arith.constant 1 : i32
      %add3A_282 = arith.addi %add3A_246, %add3A_281 : i32
      %dma_wait3A_283 = arith.constant 0 : i32
      %dma_wait3A_284 = tpu.memref_slice %arg7[%add3A_282, %dma_wait3A_283] : memref<80x256xi32, #tpu.memory_space<vmem>> -> memref<1x256xi32, #tpu.memory_space<vmem>>
      %dma_wait3A_285 = tpu.memref_squeeze %dma_wait3A_284 : memref<1x256xi32, #tpu.memory_space<vmem>> -> memref<256xi32, #tpu.memory_space<vmem>>
      %dma_wait3A_286 = arith.constant 0 : i32
      %dma_wait3A_287 = arith.constant 0 : i32
      %dma_wait3A_288 = tpu.memref_slice %arg11[%dma_wait3A_286, %dma_wait3A_287] : memref<10000x16xf32, #tpu.memory_space<vmem_shared>> -> memref<10000x16xf32, #tpu.memory_space<vmem_shared>>
      tpu.wait_indirect_dma semaphore(%arg14 : memref<!tpu.dma_semaphore, #tpu.memory_space<semaphore_mem>>) src(%dma_wait3A_288 : memref<10000x16xf32, #tpu.memory_space<vmem_shared>>) dst(%arg10 : memref<256x16xf32, #tpu.memory_space<vmem>>)
      %add3A_289 = arith.constant 1 : i32
      %add3A_290 = arith.addi %add3A_246, %add3A_289 : i32
      %dma_start3A_291 = arith.constant 0 : i32
      %dma_start3A_292 = tpu.memref_slice %arg8[%add3A_290, %dma_start3A_291] : memref<80x256xi32, #tpu.memory_space<vmem>> -> memref<1x256xi32, #tpu.memory_space<vmem>>
      %dma_start3A_293 = tpu.memref_squeeze %dma_start3A_292 : memref<1x256xi32, #tpu.memory_space<vmem>> -> memref<256xi32, #tpu.memory_space<vmem>>
      %dma_start3A_294 = arith.constant 0 : i32
      %dma_start3A_295 = arith.constant 0 : i32
      %dma_start3A_296 = tpu.memref_slice %arg12[%dma_start3A_294, %dma_start3A_295] : memref<40016x16xf32, #tpu.memory_space<vmem_shared>> -> memref<40016x16xf32, #tpu.memory_space<vmem_shared>>
      tpu.enqueue_indirect_dma source(%arg10 : memref<256x16xf32, #tpu.memory_space<vmem>>) target(%dma_start3A_296 : memref<40016x16xf32, #tpu.memory_space<vmem_shared>>) offsets(%dma_start3A_293 : memref<256xi32, #tpu.memory_space<vmem>>) semaphore(%arg16 : memref<!tpu.dma_semaphore, #tpu.memory_space<semaphore_mem>>) {add = true}
    }
    %scan3A_121 = arith.constant 40 : i32
    %dma_wait3A_122 = arith.constant 79 : i32
    %dma_wait3A_123 = arith.constant 0 : i32
    %dma_wait3A_124 = tpu.memref_slice %arg8[%dma_wait3A_122, %dma_wait3A_123] : memref<80x256xi32, #tpu.memory_space<vmem>> -> memref<1x256xi32, #tpu.memory_space<vmem>>
    %dma_wait3A_125 = tpu.memref_squeeze %dma_wait3A_124 : memref<1x256xi32, #tpu.memory_space<vmem>> -> memref<256xi32, #tpu.memory_space<vmem>>
    %dma_wait3A_126 = arith.constant 0 : i32
    %dma_wait3A_127 = arith.constant 0 : i32
    %dma_wait3A_128 = tpu.memref_slice %arg12[%dma_wait3A_126, %dma_wait3A_127] : memref<40016x16xf32, #tpu.memory_space<vmem_shared>> -> memref<40016x16xf32, #tpu.memory_space<vmem_shared>>
    tpu.wait_indirect_dma semaphore(%arg16 : memref<!tpu.dma_semaphore, #tpu.memory_space<semaphore_mem>>) src(%arg10 : memref<256x16xf32, #tpu.memory_space<vmem>>) dst(%dma_wait3A_128 : memref<40016x16xf32, #tpu.memory_space<vmem_shared>>)
    %barrier3A_129 = arith.constant 0 : index
    tpu.barrier barrier_id(%barrier3A_129)
    %mul3A_130 = arith.constant 2500 : i32
    %mul3A_131 = arith.muli %arg1, %mul3A_130 : i32
    %mul3A_132 = arith.constant 2500 : i32
    %mul3A_133 = arith.muli %arg1, %mul3A_132 : i32
    "tpu.region"() ({
      %run_scoped3A = tpu.sem_alloc : memref<!tpu.dma_semaphore, #tpu.memory_space<semaphore_mem>>
      %dma_start3A_242 = tpu.memref_slice %arg6[%mul3A_133, %mul3A_85] : memref<40000x128xf32, #tpu.memory_space<hbm>> -> memref<2500x16xf32, #tpu.memory_space<hbm>>
      %dma_start3A_243 = arith.constant 0 : i32
      %dma_start3A_244 = tpu.memref_slice %arg12[%mul3A_131, %dma_start3A_243] : memref<40016x16xf32, #tpu.memory_space<vmem_shared>> -> memref<2500x16xf32, #tpu.memory_space<vmem_shared>>
      tpu.enqueue_dma source(%dma_start3A_244 : memref<2500x16xf32, #tpu.memory_space<vmem_shared>>) target(%dma_start3A_242 : memref<2500x16xf32, #tpu.memory_space<hbm>>) target_semaphore(%run_scoped3A : memref<!tpu.dma_semaphore, #tpu.memory_space<semaphore_mem>>)
      %dma_wait3A_245 = tpu.memref_slice %arg6[%mul3A_133, %mul3A_85] : memref<40000x128xf32, #tpu.memory_space<hbm>> -> memref<2500x16xf32, #tpu.memory_space<hbm>>
      %dma_wait3A_246 = arith.constant 0 : i32
      %dma_wait3A_247 = tpu.memref_slice %arg12[%mul3A_131, %dma_wait3A_246] : memref<40016x16xf32, #tpu.memory_space<vmem_shared>> -> memref<2500x16xf32, #tpu.memory_space<vmem_shared>>
      tpu.wait_dma2 semaphore(%run_scoped3A : memref<!tpu.dma_semaphore, #tpu.memory_space<semaphore_mem>>) src(%dma_wait3A_247 : memref<2500x16xf32, #tpu.memory_space<vmem_shared>>) dst(%dma_wait3A_245 : memref<2500x16xf32, #tpu.memory_space<hbm>>)
      tpu.yield
    }) : () -> ()
    %mul3A_134 = arith.constant 4 : i32
    %mul3A_135 = arith.muli %arg0, %mul3A_134 : i32
    %add3A_136 = arith.constant 2 : i32
    %add3A_137 = arith.addi %mul3A_135, %add3A_136 : i32
    %mul3A_138 = arith.constant 16 : i32
    %mul3A_139 = arith.muli %add3A_137, %mul3A_138 : i32
    %barrier3A_140 = arith.constant 0 : index
    tpu.barrier barrier_id(%barrier3A_140)
    %mul3A_141 = arith.constant 2501 : i32
    %mul3A_142 = arith.muli %arg1, %mul3A_141 : i32
    %dma_start3A_143 = arith.constant 0 : i32
    %dma_start3A_144 = tpu.memref_slice %arg12[%mul3A_142, %dma_start3A_143] : memref<40016x16xf32, #tpu.memory_space<vmem_shared>> -> memref<2501x16xf32, #tpu.memory_space<vmem_shared>>
    %dma_start3A_145 = arith.constant 0 : i32
    %dma_start3A_146 = arith.constant 0 : i32
    %dma_start3A_147 = tpu.memref_slice %arg5[%dma_start3A_145, %dma_start3A_146] : memref<2504x16xf32, #tpu.memory_space<hbm>> -> memref<2501x16xf32, #tpu.memory_space<hbm>>
    tpu.enqueue_dma source(%dma_start3A_147 : memref<2501x16xf32, #tpu.memory_space<hbm>>) target(%dma_start3A_144 : memref<2501x16xf32, #tpu.memory_space<vmem_shared>>) target_semaphore(%arg15 : memref<!tpu.dma_semaphore, #tpu.memory_space<semaphore_mem>>)
    %mul3A_148 = arith.constant 625 : i32
    %mul3A_149 = arith.muli %arg1, %mul3A_148 : i32
    %mul3A_150 = arith.constant 625 : i32
    %mul3A_151 = arith.muli %arg1, %mul3A_150 : i32
    %dma_start3A_152 = arith.constant 0 : i32
    %dma_start3A_153 = tpu.memref_slice %arg11[%mul3A_151, %dma_start3A_152] : memref<10000x16xf32, #tpu.memory_space<vmem_shared>> -> memref<625x16xf32, #tpu.memory_space<vmem_shared>>
    %dma_start3A_154 = tpu.memref_slice %arg2[%mul3A_149, %mul3A_139] : memref<10000x128xf32, #tpu.memory_space<hbm>> -> memref<625x16xf32, #tpu.memory_space<hbm>>
    tpu.enqueue_dma source(%dma_start3A_154 : memref<625x16xf32, #tpu.memory_space<hbm>>) target(%dma_start3A_153 : memref<625x16xf32, #tpu.memory_space<vmem_shared>>) target_semaphore(%arg16 : memref<!tpu.dma_semaphore, #tpu.memory_space<semaphore_mem>>)
    %dma_wait3A_155 = arith.constant 0 : i32
    %dma_wait3A_156 = tpu.memref_slice %arg12[%mul3A_142, %dma_wait3A_155] : memref<40016x16xf32, #tpu.memory_space<vmem_shared>> -> memref<2501x16xf32, #tpu.memory_space<vmem_shared>>
    %dma_wait3A_157 = arith.constant 0 : i32
    %dma_wait3A_158 = arith.constant 0 : i32
    %dma_wait3A_159 = tpu.memref_slice %arg5[%dma_wait3A_157, %dma_wait3A_158] : memref<2504x16xf32, #tpu.memory_space<hbm>> -> memref<2501x16xf32, #tpu.memory_space<hbm>>
    tpu.wait_dma2 semaphore(%arg15 : memref<!tpu.dma_semaphore, #tpu.memory_space<semaphore_mem>>) src(%dma_wait3A_159 : memref<2501x16xf32, #tpu.memory_space<hbm>>) dst(%dma_wait3A_156 : memref<2501x16xf32, #tpu.memory_space<vmem_shared>>)
    %dma_wait3A_160 = arith.constant 0 : i32
    %dma_wait3A_161 = tpu.memref_slice %arg11[%mul3A_151, %dma_wait3A_160] : memref<10000x16xf32, #tpu.memory_space<vmem_shared>> -> memref<625x16xf32, #tpu.memory_space<vmem_shared>>
    %dma_wait3A_162 = tpu.memref_slice %arg2[%mul3A_149, %mul3A_139] : memref<10000x128xf32, #tpu.memory_space<hbm>> -> memref<625x16xf32, #tpu.memory_space<hbm>>
    tpu.wait_dma2 semaphore(%arg16 : memref<!tpu.dma_semaphore, #tpu.memory_space<semaphore_mem>>) src(%dma_wait3A_162 : memref<625x16xf32, #tpu.memory_space<hbm>>) dst(%dma_wait3A_161 : memref<625x16xf32, #tpu.memory_space<vmem_shared>>)
    %barrier3A_163 = arith.constant 0 : index
    tpu.barrier barrier_id(%barrier3A_163)
    %dma_start3A_164 = arith.constant 0 : i32
    %dma_start3A_165 = arith.constant 0 : i32
    %dma_start3A_166 = tpu.memref_slice %arg7[%dma_start3A_164, %dma_start3A_165] : memref<80x256xi32, #tpu.memory_space<vmem>> -> memref<1x256xi32, #tpu.memory_space<vmem>>
    %dma_start3A_167 = tpu.memref_squeeze %dma_start3A_166 : memref<1x256xi32, #tpu.memory_space<vmem>> -> memref<256xi32, #tpu.memory_space<vmem>>
    %dma_start3A_168 = arith.constant 0 : i32
    %dma_start3A_169 = arith.constant 0 : i32
    %dma_start3A_170 = tpu.memref_slice %arg11[%dma_start3A_168, %dma_start3A_169] : memref<10000x16xf32, #tpu.memory_space<vmem_shared>> -> memref<10000x16xf32, #tpu.memory_space<vmem_shared>>
    tpu.enqueue_indirect_dma source(%dma_start3A_170 : memref<10000x16xf32, #tpu.memory_space<vmem_shared>>) target(%arg9 : memref<256x16xf32, #tpu.memory_space<vmem>>) offsets(%dma_start3A_167 : memref<256xi32, #tpu.memory_space<vmem>>) semaphore(%arg13 : memref<!tpu.dma_semaphore, #tpu.memory_space<semaphore_mem>>)
    %scan3A_171 = arith.constant 0 : i32
    %scan3A_172 = arith.constant 40 : i32
    %scan3A_173 = arith.addi %scan3A_171, %scan3A_172 : i32
    %scan3A_174 = arith.constant 1 : i32
    scf.for %scan3A_242 = %scan3A_171 to %scan3A_173 step %scan3A_174  : i32 {
      %mul3A_243 = arith.constant 2 : i32
      %mul3A_244 = arith.muli %scan3A_242, %mul3A_243 : i32
      %add3A_245 = arith.constant 0 : i32
      %add3A_246 = arith.addi %add3A_245, %mul3A_244 : i32
      %gt3A = arith.constant 0 : i32
      %gt3A_247 = arith.cmpi sgt, %add3A_246, %gt3A : i32
      %convert_element_type3A = arith.extui %gt3A_247 : i1 to i32
      %cond3A = arith.constant 0 : i32
      %cond3A_248 = arith.cmpi ne, %convert_element_type3A, %cond3A : i32
      scf.if %cond3A_248 {
        %sub3A = arith.constant 1 : i32
        %sub3A_297 = arith.subi %add3A_246, %sub3A : i32
        %dma_wait3A_298 = arith.constant 0 : i32
        %dma_wait3A_299 = tpu.memref_slice %arg8[%sub3A_297, %dma_wait3A_298] : memref<80x256xi32, #tpu.memory_space<vmem>> -> memref<1x256xi32, #tpu.memory_space<vmem>>
        %dma_wait3A_300 = tpu.memref_squeeze %dma_wait3A_299 : memref<1x256xi32, #tpu.memory_space<vmem>> -> memref<256xi32, #tpu.memory_space<vmem>>
        %dma_wait3A_301 = arith.constant 0 : i32
        %dma_wait3A_302 = arith.constant 0 : i32
        %dma_wait3A_303 = tpu.memref_slice %arg12[%dma_wait3A_301, %dma_wait3A_302] : memref<40016x16xf32, #tpu.memory_space<vmem_shared>> -> memref<40016x16xf32, #tpu.memory_space<vmem_shared>>
        tpu.wait_indirect_dma semaphore(%arg16 : memref<!tpu.dma_semaphore, #tpu.memory_space<semaphore_mem>>) src(%arg10 : memref<256x16xf32, #tpu.memory_space<vmem>>) dst(%dma_wait3A_303 : memref<40016x16xf32, #tpu.memory_space<vmem_shared>>)
      } else {
      }
      %add3A_249 = arith.constant 1 : i32
      %add3A_250 = arith.addi %add3A_246, %add3A_249 : i32
      %dma_start3A_251 = arith.constant 0 : i32
      %dma_start3A_252 = tpu.memref_slice %arg7[%add3A_250, %dma_start3A_251] : memref<80x256xi32, #tpu.memory_space<vmem>> -> memref<1x256xi32, #tpu.memory_space<vmem>>
      %dma_start3A_253 = tpu.memref_squeeze %dma_start3A_252 : memref<1x256xi32, #tpu.memory_space<vmem>> -> memref<256xi32, #tpu.memory_space<vmem>>
      %dma_start3A_254 = arith.constant 0 : i32
      %dma_start3A_255 = arith.constant 0 : i32
      %dma_start3A_256 = tpu.memref_slice %arg11[%dma_start3A_254, %dma_start3A_255] : memref<10000x16xf32, #tpu.memory_space<vmem_shared>> -> memref<10000x16xf32, #tpu.memory_space<vmem_shared>>
      tpu.enqueue_indirect_dma source(%dma_start3A_256 : memref<10000x16xf32, #tpu.memory_space<vmem_shared>>) target(%arg10 : memref<256x16xf32, #tpu.memory_space<vmem>>) offsets(%dma_start3A_253 : memref<256xi32, #tpu.memory_space<vmem>>) semaphore(%arg14 : memref<!tpu.dma_semaphore, #tpu.memory_space<semaphore_mem>>)
      %dma_wait3A_257 = arith.constant 0 : i32
      %dma_wait3A_258 = tpu.memref_slice %arg7[%add3A_246, %dma_wait3A_257] : memref<80x256xi32, #tpu.memory_space<vmem>> -> memref<1x256xi32, #tpu.memory_space<vmem>>
      %dma_wait3A_259 = tpu.memref_squeeze %dma_wait3A_258 : memref<1x256xi32, #tpu.memory_space<vmem>> -> memref<256xi32, #tpu.memory_space<vmem>>
      %dma_wait3A_260 = arith.constant 0 : i32
      %dma_wait3A_261 = arith.constant 0 : i32
      %dma_wait3A_262 = tpu.memref_slice %arg11[%dma_wait3A_260, %dma_wait3A_261] : memref<10000x16xf32, #tpu.memory_space<vmem_shared>> -> memref<10000x16xf32, #tpu.memory_space<vmem_shared>>
      tpu.wait_indirect_dma semaphore(%arg13 : memref<!tpu.dma_semaphore, #tpu.memory_space<semaphore_mem>>) src(%dma_wait3A_262 : memref<10000x16xf32, #tpu.memory_space<vmem_shared>>) dst(%arg9 : memref<256x16xf32, #tpu.memory_space<vmem>>)
      %dma_start3A_263 = arith.constant 0 : i32
      %dma_start3A_264 = tpu.memref_slice %arg8[%add3A_246, %dma_start3A_263] : memref<80x256xi32, #tpu.memory_space<vmem>> -> memref<1x256xi32, #tpu.memory_space<vmem>>
      %dma_start3A_265 = tpu.memref_squeeze %dma_start3A_264 : memref<1x256xi32, #tpu.memory_space<vmem>> -> memref<256xi32, #tpu.memory_space<vmem>>
      %dma_start3A_266 = arith.constant 0 : i32
      %dma_start3A_267 = arith.constant 0 : i32
      %dma_start3A_268 = tpu.memref_slice %arg12[%dma_start3A_266, %dma_start3A_267] : memref<40016x16xf32, #tpu.memory_space<vmem_shared>> -> memref<40016x16xf32, #tpu.memory_space<vmem_shared>>
      tpu.enqueue_indirect_dma source(%arg9 : memref<256x16xf32, #tpu.memory_space<vmem>>) target(%dma_start3A_268 : memref<40016x16xf32, #tpu.memory_space<vmem_shared>>) offsets(%dma_start3A_265 : memref<256xi32, #tpu.memory_space<vmem>>) semaphore(%arg15 : memref<!tpu.dma_semaphore, #tpu.memory_space<semaphore_mem>>) {add = true}
      %dma_wait3A_269 = arith.constant 0 : i32
      %dma_wait3A_270 = tpu.memref_slice %arg8[%add3A_246, %dma_wait3A_269] : memref<80x256xi32, #tpu.memory_space<vmem>> -> memref<1x256xi32, #tpu.memory_space<vmem>>
      %dma_wait3A_271 = tpu.memref_squeeze %dma_wait3A_270 : memref<1x256xi32, #tpu.memory_space<vmem>> -> memref<256xi32, #tpu.memory_space<vmem>>
      %dma_wait3A_272 = arith.constant 0 : i32
      %dma_wait3A_273 = arith.constant 0 : i32
      %dma_wait3A_274 = tpu.memref_slice %arg12[%dma_wait3A_272, %dma_wait3A_273] : memref<40016x16xf32, #tpu.memory_space<vmem_shared>> -> memref<40016x16xf32, #tpu.memory_space<vmem_shared>>
      tpu.wait_indirect_dma semaphore(%arg15 : memref<!tpu.dma_semaphore, #tpu.memory_space<semaphore_mem>>) src(%arg9 : memref<256x16xf32, #tpu.memory_space<vmem>>) dst(%dma_wait3A_274 : memref<40016x16xf32, #tpu.memory_space<vmem_shared>>)
      %add3A_275 = arith.constant 2 : i32
      %add3A_276 = arith.addi %add3A_246, %add3A_275 : i32
      %lt3A = arith.constant 80 : i32
      %lt3A_277 = arith.cmpi slt, %add3A_276, %lt3A : i32
      %convert_element_type3A_278 = arith.extui %lt3A_277 : i1 to i32
      %cond3A_279 = arith.constant 0 : i32
      %cond3A_280 = arith.cmpi ne, %convert_element_type3A_278, %cond3A_279 : i32
      scf.if %cond3A_280 {
        %add3A_297 = arith.constant 2 : i32
        %add3A_298 = arith.addi %add3A_246, %add3A_297 : i32
        %dma_start3A_299 = arith.constant 0 : i32
        %dma_start3A_300 = tpu.memref_slice %arg7[%add3A_298, %dma_start3A_299] : memref<80x256xi32, #tpu.memory_space<vmem>> -> memref<1x256xi32, #tpu.memory_space<vmem>>
        %dma_start3A_301 = tpu.memref_squeeze %dma_start3A_300 : memref<1x256xi32, #tpu.memory_space<vmem>> -> memref<256xi32, #tpu.memory_space<vmem>>
        %dma_start3A_302 = arith.constant 0 : i32
        %dma_start3A_303 = arith.constant 0 : i32
        %dma_start3A_304 = tpu.memref_slice %arg11[%dma_start3A_302, %dma_start3A_303] : memref<10000x16xf32, #tpu.memory_space<vmem_shared>> -> memref<10000x16xf32, #tpu.memory_space<vmem_shared>>
        tpu.enqueue_indirect_dma source(%dma_start3A_304 : memref<10000x16xf32, #tpu.memory_space<vmem_shared>>) target(%arg9 : memref<256x16xf32, #tpu.memory_space<vmem>>) offsets(%dma_start3A_301 : memref<256xi32, #tpu.memory_space<vmem>>) semaphore(%arg13 : memref<!tpu.dma_semaphore, #tpu.memory_space<semaphore_mem>>)
      } else {
      }
      %add3A_281 = arith.constant 1 : i32
      %add3A_282 = arith.addi %add3A_246, %add3A_281 : i32
      %dma_wait3A_283 = arith.constant 0 : i32
      %dma_wait3A_284 = tpu.memref_slice %arg7[%add3A_282, %dma_wait3A_283] : memref<80x256xi32, #tpu.memory_space<vmem>> -> memref<1x256xi32, #tpu.memory_space<vmem>>
      %dma_wait3A_285 = tpu.memref_squeeze %dma_wait3A_284 : memref<1x256xi32, #tpu.memory_space<vmem>> -> memref<256xi32, #tpu.memory_space<vmem>>
      %dma_wait3A_286 = arith.constant 0 : i32
      %dma_wait3A_287 = arith.constant 0 : i32
      %dma_wait3A_288 = tpu.memref_slice %arg11[%dma_wait3A_286, %dma_wait3A_287] : memref<10000x16xf32, #tpu.memory_space<vmem_shared>> -> memref<10000x16xf32, #tpu.memory_space<vmem_shared>>
      tpu.wait_indirect_dma semaphore(%arg14 : memref<!tpu.dma_semaphore, #tpu.memory_space<semaphore_mem>>) src(%dma_wait3A_288 : memref<10000x16xf32, #tpu.memory_space<vmem_shared>>) dst(%arg10 : memref<256x16xf32, #tpu.memory_space<vmem>>)
      %add3A_289 = arith.constant 1 : i32
      %add3A_290 = arith.addi %add3A_246, %add3A_289 : i32
      %dma_start3A_291 = arith.constant 0 : i32
      %dma_start3A_292 = tpu.memref_slice %arg8[%add3A_290, %dma_start3A_291] : memref<80x256xi32, #tpu.memory_space<vmem>> -> memref<1x256xi32, #tpu.memory_space<vmem>>
      %dma_start3A_293 = tpu.memref_squeeze %dma_start3A_292 : memref<1x256xi32, #tpu.memory_space<vmem>> -> memref<256xi32, #tpu.memory_space<vmem>>
      %dma_start3A_294 = arith.constant 0 : i32
      %dma_start3A_295 = arith.constant 0 : i32
      %dma_start3A_296 = tpu.memref_slice %arg12[%dma_start3A_294, %dma_start3A_295] : memref<40016x16xf32, #tpu.memory_space<vmem_shared>> -> memref<40016x16xf32, #tpu.memory_space<vmem_shared>>
      tpu.enqueue_indirect_dma source(%arg10 : memref<256x16xf32, #tpu.memory_space<vmem>>) target(%dma_start3A_296 : memref<40016x16xf32, #tpu.memory_space<vmem_shared>>) offsets(%dma_start3A_293 : memref<256xi32, #tpu.memory_space<vmem>>) semaphore(%arg16 : memref<!tpu.dma_semaphore, #tpu.memory_space<semaphore_mem>>) {add = true}
    }
    %scan3A_175 = arith.constant 40 : i32
    %dma_wait3A_176 = arith.constant 79 : i32
    %dma_wait3A_177 = arith.constant 0 : i32
    %dma_wait3A_178 = tpu.memref_slice %arg8[%dma_wait3A_176, %dma_wait3A_177] : memref<80x256xi32, #tpu.memory_space<vmem>> -> memref<1x256xi32, #tpu.memory_space<vmem>>
    %dma_wait3A_179 = tpu.memref_squeeze %dma_wait3A_178 : memref<1x256xi32, #tpu.memory_space<vmem>> -> memref<256xi32, #tpu.memory_space<vmem>>
    %dma_wait3A_180 = arith.constant 0 : i32
    %dma_wait3A_181 = arith.constant 0 : i32
    %dma_wait3A_182 = tpu.memref_slice %arg12[%dma_wait3A_180, %dma_wait3A_181] : memref<40016x16xf32, #tpu.memory_space<vmem_shared>> -> memref<40016x16xf32, #tpu.memory_space<vmem_shared>>
    tpu.wait_indirect_dma semaphore(%arg16 : memref<!tpu.dma_semaphore, #tpu.memory_space<semaphore_mem>>) src(%arg10 : memref<256x16xf32, #tpu.memory_space<vmem>>) dst(%dma_wait3A_182 : memref<40016x16xf32, #tpu.memory_space<vmem_shared>>)
    %barrier3A_183 = arith.constant 0 : index
    tpu.barrier barrier_id(%barrier3A_183)
    %mul3A_184 = arith.constant 2500 : i32
    %mul3A_185 = arith.muli %arg1, %mul3A_184 : i32
    %mul3A_186 = arith.constant 2500 : i32
    %mul3A_187 = arith.muli %arg1, %mul3A_186 : i32
    "tpu.region"() ({
      %run_scoped3A = tpu.sem_alloc : memref<!tpu.dma_semaphore, #tpu.memory_space<semaphore_mem>>
      %dma_start3A_242 = tpu.memref_slice %arg6[%mul3A_187, %mul3A_139] : memref<40000x128xf32, #tpu.memory_space<hbm>> -> memref<2500x16xf32, #tpu.memory_space<hbm>>
      %dma_start3A_243 = arith.constant 0 : i32
      %dma_start3A_244 = tpu.memref_slice %arg12[%mul3A_185, %dma_start3A_243] : memref<40016x16xf32, #tpu.memory_space<vmem_shared>> -> memref<2500x16xf32, #tpu.memory_space<vmem_shared>>
      tpu.enqueue_dma source(%dma_start3A_244 : memref<2500x16xf32, #tpu.memory_space<vmem_shared>>) target(%dma_start3A_242 : memref<2500x16xf32, #tpu.memory_space<hbm>>) target_semaphore(%run_scoped3A : memref<!tpu.dma_semaphore, #tpu.memory_space<semaphore_mem>>)
      %dma_wait3A_245 = tpu.memref_slice %arg6[%mul3A_187, %mul3A_139] : memref<40000x128xf32, #tpu.memory_space<hbm>> -> memref<2500x16xf32, #tpu.memory_space<hbm>>
      %dma_wait3A_246 = arith.constant 0 : i32
      %dma_wait3A_247 = tpu.memref_slice %arg12[%mul3A_185, %dma_wait3A_246] : memref<40016x16xf32, #tpu.memory_space<vmem_shared>> -> memref<2500x16xf32, #tpu.memory_space<vmem_shared>>
      tpu.wait_dma2 semaphore(%run_scoped3A : memref<!tpu.dma_semaphore, #tpu.memory_space<semaphore_mem>>) src(%dma_wait3A_247 : memref<2500x16xf32, #tpu.memory_space<vmem_shared>>) dst(%dma_wait3A_245 : memref<2500x16xf32, #tpu.memory_space<hbm>>)
      tpu.yield
    }) : () -> ()
    %mul3A_188 = arith.constant 4 : i32
    %mul3A_189 = arith.muli %arg0, %mul3A_188 : i32
    %add3A_190 = arith.constant 3 : i32
    %add3A_191 = arith.addi %mul3A_189, %add3A_190 : i32
    %mul3A_192 = arith.constant 16 : i32
    %mul3A_193 = arith.muli %add3A_191, %mul3A_192 : i32
    %barrier3A_194 = arith.constant 0 : index
    tpu.barrier barrier_id(%barrier3A_194)
    %mul3A_195 = arith.constant 2501 : i32
    %mul3A_196 = arith.muli %arg1, %mul3A_195 : i32
    %dma_start3A_197 = arith.constant 0 : i32
    %dma_start3A_198 = tpu.memref_slice %arg12[%mul3A_196, %dma_start3A_197] : memref<40016x16xf32, #tpu.memory_space<vmem_shared>> -> memref<2501x16xf32, #tpu.memory_space<vmem_shared>>
    %dma_start3A_199 = arith.constant 0 : i32
    %dma_start3A_200 = arith.constant 0 : i32
    %dma_start3A_201 = tpu.memref_slice %arg5[%dma_start3A_199, %dma_start3A_200] : memref<2504x16xf32, #tpu.memory_space<hbm>> -> memref<2501x16xf32, #tpu.memory_space<hbm>>
    tpu.enqueue_dma source(%dma_start3A_201 : memref<2501x16xf32, #tpu.memory_space<hbm>>) target(%dma_start3A_198 : memref<2501x16xf32, #tpu.memory_space<vmem_shared>>) target_semaphore(%arg15 : memref<!tpu.dma_semaphore, #tpu.memory_space<semaphore_mem>>)
    %mul3A_202 = arith.constant 625 : i32
    %mul3A_203 = arith.muli %arg1, %mul3A_202 : i32
    %mul3A_204 = arith.constant 625 : i32
    %mul3A_205 = arith.muli %arg1, %mul3A_204 : i32
    %dma_start3A_206 = arith.constant 0 : i32
    %dma_start3A_207 = tpu.memref_slice %arg11[%mul3A_205, %dma_start3A_206] : memref<10000x16xf32, #tpu.memory_space<vmem_shared>> -> memref<625x16xf32, #tpu.memory_space<vmem_shared>>
    %dma_start3A_208 = tpu.memref_slice %arg2[%mul3A_203, %mul3A_193] : memref<10000x128xf32, #tpu.memory_space<hbm>> -> memref<625x16xf32, #tpu.memory_space<hbm>>
    tpu.enqueue_dma source(%dma_start3A_208 : memref<625x16xf32, #tpu.memory_space<hbm>>) target(%dma_start3A_207 : memref<625x16xf32, #tpu.memory_space<vmem_shared>>) target_semaphore(%arg16 : memref<!tpu.dma_semaphore, #tpu.memory_space<semaphore_mem>>)
    %dma_wait3A_209 = arith.constant 0 : i32
    %dma_wait3A_210 = tpu.memref_slice %arg12[%mul3A_196, %dma_wait3A_209] : memref<40016x16xf32, #tpu.memory_space<vmem_shared>> -> memref<2501x16xf32, #tpu.memory_space<vmem_shared>>
    %dma_wait3A_211 = arith.constant 0 : i32
    %dma_wait3A_212 = arith.constant 0 : i32
    %dma_wait3A_213 = tpu.memref_slice %arg5[%dma_wait3A_211, %dma_wait3A_212] : memref<2504x16xf32, #tpu.memory_space<hbm>> -> memref<2501x16xf32, #tpu.memory_space<hbm>>
    tpu.wait_dma2 semaphore(%arg15 : memref<!tpu.dma_semaphore, #tpu.memory_space<semaphore_mem>>) src(%dma_wait3A_213 : memref<2501x16xf32, #tpu.memory_space<hbm>>) dst(%dma_wait3A_210 : memref<2501x16xf32, #tpu.memory_space<vmem_shared>>)
    %dma_wait3A_214 = arith.constant 0 : i32
    %dma_wait3A_215 = tpu.memref_slice %arg11[%mul3A_205, %dma_wait3A_214] : memref<10000x16xf32, #tpu.memory_space<vmem_shared>> -> memref<625x16xf32, #tpu.memory_space<vmem_shared>>
    %dma_wait3A_216 = tpu.memref_slice %arg2[%mul3A_203, %mul3A_193] : memref<10000x128xf32, #tpu.memory_space<hbm>> -> memref<625x16xf32, #tpu.memory_space<hbm>>
    tpu.wait_dma2 semaphore(%arg16 : memref<!tpu.dma_semaphore, #tpu.memory_space<semaphore_mem>>) src(%dma_wait3A_216 : memref<625x16xf32, #tpu.memory_space<hbm>>) dst(%dma_wait3A_215 : memref<625x16xf32, #tpu.memory_space<vmem_shared>>)
    %barrier3A_217 = arith.constant 0 : index
    tpu.barrier barrier_id(%barrier3A_217)
    %dma_start3A_218 = arith.constant 0 : i32
    %dma_start3A_219 = arith.constant 0 : i32
    %dma_start3A_220 = tpu.memref_slice %arg7[%dma_start3A_218, %dma_start3A_219] : memref<80x256xi32, #tpu.memory_space<vmem>> -> memref<1x256xi32, #tpu.memory_space<vmem>>
    %dma_start3A_221 = tpu.memref_squeeze %dma_start3A_220 : memref<1x256xi32, #tpu.memory_space<vmem>> -> memref<256xi32, #tpu.memory_space<vmem>>
    %dma_start3A_222 = arith.constant 0 : i32
    %dma_start3A_223 = arith.constant 0 : i32
    %dma_start3A_224 = tpu.memref_slice %arg11[%dma_start3A_222, %dma_start3A_223] : memref<10000x16xf32, #tpu.memory_space<vmem_shared>> -> memref<10000x16xf32, #tpu.memory_space<vmem_shared>>
    tpu.enqueue_indirect_dma source(%dma_start3A_224 : memref<10000x16xf32, #tpu.memory_space<vmem_shared>>) target(%arg9 : memref<256x16xf32, #tpu.memory_space<vmem>>) offsets(%dma_start3A_221 : memref<256xi32, #tpu.memory_space<vmem>>) semaphore(%arg13 : memref<!tpu.dma_semaphore, #tpu.memory_space<semaphore_mem>>)
    %scan3A_225 = arith.constant 0 : i32
    %scan3A_226 = arith.constant 40 : i32
    %scan3A_227 = arith.addi %scan3A_225, %scan3A_226 : i32
    %scan3A_228 = arith.constant 1 : i32
    scf.for %scan3A_242 = %scan3A_225 to %scan3A_227 step %scan3A_228  : i32 {
      %mul3A_243 = arith.constant 2 : i32
      %mul3A_244 = arith.muli %scan3A_242, %mul3A_243 : i32
      %add3A_245 = arith.constant 0 : i32
      %add3A_246 = arith.addi %add3A_245, %mul3A_244 : i32
      %gt3A = arith.constant 0 : i32
      %gt3A_247 = arith.cmpi sgt, %add3A_246, %gt3A : i32
      %convert_element_type3A = arith.extui %gt3A_247 : i1 to i32
      %cond3A = arith.constant 0 : i32
      %cond3A_248 = arith.cmpi ne, %convert_element_type3A, %cond3A : i32
      scf.if %cond3A_248 {
        %sub3A = arith.constant 1 : i32
        %sub3A_297 = arith.subi %add3A_246, %sub3A : i32
        %dma_wait3A_298 = arith.constant 0 : i32
        %dma_wait3A_299 = tpu.memref_slice %arg8[%sub3A_297, %dma_wait3A_298] : memref<80x256xi32, #tpu.memory_space<vmem>> -> memref<1x256xi32, #tpu.memory_space<vmem>>
        %dma_wait3A_300 = tpu.memref_squeeze %dma_wait3A_299 : memref<1x256xi32, #tpu.memory_space<vmem>> -> memref<256xi32, #tpu.memory_space<vmem>>
        %dma_wait3A_301 = arith.constant 0 : i32
        %dma_wait3A_302 = arith.constant 0 : i32
        %dma_wait3A_303 = tpu.memref_slice %arg12[%dma_wait3A_301, %dma_wait3A_302] : memref<40016x16xf32, #tpu.memory_space<vmem_shared>> -> memref<40016x16xf32, #tpu.memory_space<vmem_shared>>
        tpu.wait_indirect_dma semaphore(%arg16 : memref<!tpu.dma_semaphore, #tpu.memory_space<semaphore_mem>>) src(%arg10 : memref<256x16xf32, #tpu.memory_space<vmem>>) dst(%dma_wait3A_303 : memref<40016x16xf32, #tpu.memory_space<vmem_shared>>)
      } else {
      }
      %add3A_249 = arith.constant 1 : i32
      %add3A_250 = arith.addi %add3A_246, %add3A_249 : i32
      %dma_start3A_251 = arith.constant 0 : i32
      %dma_start3A_252 = tpu.memref_slice %arg7[%add3A_250, %dma_start3A_251] : memref<80x256xi32, #tpu.memory_space<vmem>> -> memref<1x256xi32, #tpu.memory_space<vmem>>
      %dma_start3A_253 = tpu.memref_squeeze %dma_start3A_252 : memref<1x256xi32, #tpu.memory_space<vmem>> -> memref<256xi32, #tpu.memory_space<vmem>>
      %dma_start3A_254 = arith.constant 0 : i32
      %dma_start3A_255 = arith.constant 0 : i32
      %dma_start3A_256 = tpu.memref_slice %arg11[%dma_start3A_254, %dma_start3A_255] : memref<10000x16xf32, #tpu.memory_space<vmem_shared>> -> memref<10000x16xf32, #tpu.memory_space<vmem_shared>>
      tpu.enqueue_indirect_dma source(%dma_start3A_256 : memref<10000x16xf32, #tpu.memory_space<vmem_shared>>) target(%arg10 : memref<256x16xf32, #tpu.memory_space<vmem>>) offsets(%dma_start3A_253 : memref<256xi32, #tpu.memory_space<vmem>>) semaphore(%arg14 : memref<!tpu.dma_semaphore, #tpu.memory_space<semaphore_mem>>)
      %dma_wait3A_257 = arith.constant 0 : i32
      %dma_wait3A_258 = tpu.memref_slice %arg7[%add3A_246, %dma_wait3A_257] : memref<80x256xi32, #tpu.memory_space<vmem>> -> memref<1x256xi32, #tpu.memory_space<vmem>>
      %dma_wait3A_259 = tpu.memref_squeeze %dma_wait3A_258 : memref<1x256xi32, #tpu.memory_space<vmem>> -> memref<256xi32, #tpu.memory_space<vmem>>
      %dma_wait3A_260 = arith.constant 0 : i32
      %dma_wait3A_261 = arith.constant 0 : i32
      %dma_wait3A_262 = tpu.memref_slice %arg11[%dma_wait3A_260, %dma_wait3A_261] : memref<10000x16xf32, #tpu.memory_space<vmem_shared>> -> memref<10000x16xf32, #tpu.memory_space<vmem_shared>>
      tpu.wait_indirect_dma semaphore(%arg13 : memref<!tpu.dma_semaphore, #tpu.memory_space<semaphore_mem>>) src(%dma_wait3A_262 : memref<10000x16xf32, #tpu.memory_space<vmem_shared>>) dst(%arg9 : memref<256x16xf32, #tpu.memory_space<vmem>>)
      %dma_start3A_263 = arith.constant 0 : i32
      %dma_start3A_264 = tpu.memref_slice %arg8[%add3A_246, %dma_start3A_263] : memref<80x256xi32, #tpu.memory_space<vmem>> -> memref<1x256xi32, #tpu.memory_space<vmem>>
      %dma_start3A_265 = tpu.memref_squeeze %dma_start3A_264 : memref<1x256xi32, #tpu.memory_space<vmem>> -> memref<256xi32, #tpu.memory_space<vmem>>
      %dma_start3A_266 = arith.constant 0 : i32
      %dma_start3A_267 = arith.constant 0 : i32
      %dma_start3A_268 = tpu.memref_slice %arg12[%dma_start3A_266, %dma_start3A_267] : memref<40016x16xf32, #tpu.memory_space<vmem_shared>> -> memref<40016x16xf32, #tpu.memory_space<vmem_shared>>
      tpu.enqueue_indirect_dma source(%arg9 : memref<256x16xf32, #tpu.memory_space<vmem>>) target(%dma_start3A_268 : memref<40016x16xf32, #tpu.memory_space<vmem_shared>>) offsets(%dma_start3A_265 : memref<256xi32, #tpu.memory_space<vmem>>) semaphore(%arg15 : memref<!tpu.dma_semaphore, #tpu.memory_space<semaphore_mem>>) {add = true}
      %dma_wait3A_269 = arith.constant 0 : i32
      %dma_wait3A_270 = tpu.memref_slice %arg8[%add3A_246, %dma_wait3A_269] : memref<80x256xi32, #tpu.memory_space<vmem>> -> memref<1x256xi32, #tpu.memory_space<vmem>>
      %dma_wait3A_271 = tpu.memref_squeeze %dma_wait3A_270 : memref<1x256xi32, #tpu.memory_space<vmem>> -> memref<256xi32, #tpu.memory_space<vmem>>
      %dma_wait3A_272 = arith.constant 0 : i32
      %dma_wait3A_273 = arith.constant 0 : i32
      %dma_wait3A_274 = tpu.memref_slice %arg12[%dma_wait3A_272, %dma_wait3A_273] : memref<40016x16xf32, #tpu.memory_space<vmem_shared>> -> memref<40016x16xf32, #tpu.memory_space<vmem_shared>>
      tpu.wait_indirect_dma semaphore(%arg15 : memref<!tpu.dma_semaphore, #tpu.memory_space<semaphore_mem>>) src(%arg9 : memref<256x16xf32, #tpu.memory_space<vmem>>) dst(%dma_wait3A_274 : memref<40016x16xf32, #tpu.memory_space<vmem_shared>>)
      %add3A_275 = arith.constant 2 : i32
      %add3A_276 = arith.addi %add3A_246, %add3A_275 : i32
      %lt3A = arith.constant 80 : i32
      %lt3A_277 = arith.cmpi slt, %add3A_276, %lt3A : i32
      %convert_element_type3A_278 = arith.extui %lt3A_277 : i1 to i32
      %cond3A_279 = arith.constant 0 : i32
      %cond3A_280 = arith.cmpi ne, %convert_element_type3A_278, %cond3A_279 : i32
      scf.if %cond3A_280 {
        %add3A_297 = arith.constant 2 : i32
        %add3A_298 = arith.addi %add3A_246, %add3A_297 : i32
        %dma_start3A_299 = arith.constant 0 : i32
        %dma_start3A_300 = tpu.memref_slice %arg7[%add3A_298, %dma_start3A_299] : memref<80x256xi32, #tpu.memory_space<vmem>> -> memref<1x256xi32, #tpu.memory_space<vmem>>
        %dma_start3A_301 = tpu.memref_squeeze %dma_start3A_300 : memref<1x256xi32, #tpu.memory_space<vmem>> -> memref<256xi32, #tpu.memory_space<vmem>>
        %dma_start3A_302 = arith.constant 0 : i32
        %dma_start3A_303 = arith.constant 0 : i32
        %dma_start3A_304 = tpu.memref_slice %arg11[%dma_start3A_302, %dma_start3A_303] : memref<10000x16xf32, #tpu.memory_space<vmem_shared>> -> memref<10000x16xf32, #tpu.memory_space<vmem_shared>>
        tpu.enqueue_indirect_dma source(%dma_start3A_304 : memref<10000x16xf32, #tpu.memory_space<vmem_shared>>) target(%arg9 : memref<256x16xf32, #tpu.memory_space<vmem>>) offsets(%dma_start3A_301 : memref<256xi32, #tpu.memory_space<vmem>>) semaphore(%arg13 : memref<!tpu.dma_semaphore, #tpu.memory_space<semaphore_mem>>)
      } else {
      }
      %add3A_281 = arith.constant 1 : i32
      %add3A_282 = arith.addi %add3A_246, %add3A_281 : i32
      %dma_wait3A_283 = arith.constant 0 : i32
      %dma_wait3A_284 = tpu.memref_slice %arg7[%add3A_282, %dma_wait3A_283] : memref<80x256xi32, #tpu.memory_space<vmem>> -> memref<1x256xi32, #tpu.memory_space<vmem>>
      %dma_wait3A_285 = tpu.memref_squeeze %dma_wait3A_284 : memref<1x256xi32, #tpu.memory_space<vmem>> -> memref<256xi32, #tpu.memory_space<vmem>>
      %dma_wait3A_286 = arith.constant 0 : i32
      %dma_wait3A_287 = arith.constant 0 : i32
      %dma_wait3A_288 = tpu.memref_slice %arg11[%dma_wait3A_286, %dma_wait3A_287] : memref<10000x16xf32, #tpu.memory_space<vmem_shared>> -> memref<10000x16xf32, #tpu.memory_space<vmem_shared>>
      tpu.wait_indirect_dma semaphore(%arg14 : memref<!tpu.dma_semaphore, #tpu.memory_space<semaphore_mem>>) src(%dma_wait3A_288 : memref<10000x16xf32, #tpu.memory_space<vmem_shared>>) dst(%arg10 : memref<256x16xf32, #tpu.memory_space<vmem>>)
      %add3A_289 = arith.constant 1 : i32
      %add3A_290 = arith.addi %add3A_246, %add3A_289 : i32
      %dma_start3A_291 = arith.constant 0 : i32
      %dma_start3A_292 = tpu.memref_slice %arg8[%add3A_290, %dma_start3A_291] : memref<80x256xi32, #tpu.memory_space<vmem>> -> memref<1x256xi32, #tpu.memory_space<vmem>>
      %dma_start3A_293 = tpu.memref_squeeze %dma_start3A_292 : memref<1x256xi32, #tpu.memory_space<vmem>> -> memref<256xi32, #tpu.memory_space<vmem>>
      %dma_start3A_294 = arith.constant 0 : i32
      %dma_start3A_295 = arith.constant 0 : i32
      %dma_start3A_296 = tpu.memref_slice %arg12[%dma_start3A_294, %dma_start3A_295] : memref<40016x16xf32, #tpu.memory_space<vmem_shared>> -> memref<40016x16xf32, #tpu.memory_space<vmem_shared>>
      tpu.enqueue_indirect_dma source(%arg10 : memref<256x16xf32, #tpu.memory_space<vmem>>) target(%dma_start3A_296 : memref<40016x16xf32, #tpu.memory_space<vmem_shared>>) offsets(%dma_start3A_293 : memref<256xi32, #tpu.memory_space<vmem>>) semaphore(%arg16 : memref<!tpu.dma_semaphore, #tpu.memory_space<semaphore_mem>>) {add = true}
    }
    %scan3A_229 = arith.constant 40 : i32
    %dma_wait3A_230 = arith.constant 79 : i32
    %dma_wait3A_231 = arith.constant 0 : i32
    %dma_wait3A_232 = tpu.memref_slice %arg8[%dma_wait3A_230, %dma_wait3A_231] : memref<80x256xi32, #tpu.memory_space<vmem>> -> memref<1x256xi32, #tpu.memory_space<vmem>>
    %dma_wait3A_233 = tpu.memref_squeeze %dma_wait3A_232 : memref<1x256xi32, #tpu.memory_space<vmem>> -> memref<256xi32, #tpu.memory_space<vmem>>
    %dma_wait3A_234 = arith.constant 0 : i32
    %dma_wait3A_235 = arith.constant 0 : i32
    %dma_wait3A_236 = tpu.memref_slice %arg12[%dma_wait3A_234, %dma_wait3A_235] : memref<40016x16xf32, #tpu.memory_space<vmem_shared>> -> memref<40016x16xf32, #tpu.memory_space<vmem_shared>>
    tpu.wait_indirect_dma semaphore(%arg16 : memref<!tpu.dma_semaphore, #tpu.memory_space<semaphore_mem>>) src(%arg10 : memref<256x16xf32, #tpu.memory_space<vmem>>) dst(%dma_wait3A_236 : memref<40016x16xf32, #tpu.memory_space<vmem_shared>>)
    %barrier3A_237 = arith.constant 0 : index
    tpu.barrier barrier_id(%barrier3A_237)
    %mul3A_238 = arith.constant 2500 : i32
    %mul3A_239 = arith.muli %arg1, %mul3A_238 : i32
    %mul3A_240 = arith.constant 2500 : i32
    %mul3A_241 = arith.muli %arg1, %mul3A_240 : i32
    "tpu.region"() ({
      %run_scoped3A = tpu.sem_alloc : memref<!tpu.dma_semaphore, #tpu.memory_space<semaphore_mem>>
      %dma_start3A_242 = tpu.memref_slice %arg6[%mul3A_241, %mul3A_193] : memref<40000x128xf32, #tpu.memory_space<hbm>> -> memref<2500x16xf32, #tpu.memory_space<hbm>>
      %dma_start3A_243 = arith.constant 0 : i32
      %dma_start3A_244 = tpu.memref_slice %arg12[%mul3A_239, %dma_start3A_243] : memref<40016x16xf32, #tpu.memory_space<vmem_shared>> -> memref<2500x16xf32, #tpu.memory_space<vmem_shared>>
      tpu.enqueue_dma source(%dma_start3A_244 : memref<2500x16xf32, #tpu.memory_space<vmem_shared>>) target(%dma_start3A_242 : memref<2500x16xf32, #tpu.memory_space<hbm>>) target_semaphore(%run_scoped3A : memref<!tpu.dma_semaphore, #tpu.memory_space<semaphore_mem>>)
      %dma_wait3A_245 = tpu.memref_slice %arg6[%mul3A_241, %mul3A_193] : memref<40000x128xf32, #tpu.memory_space<hbm>> -> memref<2500x16xf32, #tpu.memory_space<hbm>>
      %dma_wait3A_246 = arith.constant 0 : i32
      %dma_wait3A_247 = tpu.memref_slice %arg12[%mul3A_239, %dma_wait3A_246] : memref<40016x16xf32, #tpu.memory_space<vmem_shared>> -> memref<2500x16xf32, #tpu.memory_space<vmem_shared>>
      tpu.wait_dma2 semaphore(%run_scoped3A : memref<!tpu.dma_semaphore, #tpu.memory_space<semaphore_mem>>) src(%dma_wait3A_247 : memref<2500x16xf32, #tpu.memory_space<vmem_shared>>) dst(%dma_wait3A_245 : memref<2500x16xf32, #tpu.memory_space<hbm>>)
      tpu.yield
    }) : () -> ()
    return
  }
}

#map = affine_map<(d0, d1) -> (0, 0)>
#map1 = affine_map<(d0, d1) -> (0, 0, 0)>
module attributes {stable_mosaic.version = 14 : i64} {
  func.func @k(%arg0: i32, %arg1: i32, %arg2: memref<40000x128xf32, #tpu.memory_space<hbm>>, %arg3: memref<16x80x256xi32, #tpu.memory_space<hbm>>, %arg4: memref<16x80x256xi32, #tpu.memory_space<hbm>>, %arg5: memref<2504x16xf32, #tpu.memory_space<hbm>>, %arg6: memref<10000x128xf32, #tpu.memory_space<hbm>>, %arg7: memref<80x256xi32, #tpu.memory_space<vmem>>, %arg8: memref<80x256xi32, #tpu.memory_space<vmem>>, %arg9: memref<256x16xf32, #tpu.memory_space<vmem>>, %arg10: memref<256x16xf32, #tpu.memory_space<vmem>>, %arg11: memref<40000x16xf32, #tpu.memory_space<vmem_shared>>, %arg12: memref<10016x16xf32, #tpu.memory_space<vmem_shared>>, %arg13: memref<!tpu.dma_semaphore, #tpu.memory_space<semaphore_mem>>, %arg14: memref<!tpu.dma_semaphore, #tpu.memory_space<semaphore_mem>>, %arg15: memref<!tpu.dma_semaphore, #tpu.memory_space<semaphore_mem>>, %arg16: memref<!tpu.dma_semaphore, #tpu.memory_space<semaphore_mem>>) attributes {dimension_semantics = [#tpu.dimension_semantics<core_parallel>, #tpu.dimension_semantics<subcore_parallel>], iteration_bounds = array<i64: 2, 16>, scalar_prefetch = 0 : i64, scratch_operands = 10 : i64, tpu.core_type = #tpu.core_type<sc_vector_subcore>, window_params = [{transform_indices = #map}, {transform_indices = #map1}, {transform_indices = #map1}, {transform_indices = #map}, {transform_indices = #map}]} {
    %dma_start3A = arith.constant 0 : i32
    %dma_start3A_0 = arith.constant 0 : i32
    %dma_start3A_1 = tpu.memref_slice %arg3[%arg1, %dma_start3A, %dma_start3A_0] : memref<16x80x256xi32, #tpu.memory_space<hbm>> -> memref<1x80x256xi32, #tpu.memory_space<hbm>>
    %dma_start3A_2 = tpu.memref_squeeze %dma_start3A_1 : memref<1x80x256xi32, #tpu.memory_space<hbm>> -> memref<80x256xi32, #tpu.memory_space<hbm>>
    %dma_start3A_3 = arith.constant 0 : i32
    %dma_start3A_4 = arith.constant 0 : i32
    %dma_start3A_5 = tpu.memref_slice %arg3[%arg1, %dma_start3A_3, %dma_start3A_4] : memref<16x80x256xi32, #tpu.memory_space<hbm>> -> memref<1x80x256xi32, #tpu.memory_space<hbm>>
    %dma_start3A_6 = tpu.memref_squeeze %dma_start3A_5 : memref<1x80x256xi32, #tpu.memory_space<hbm>> -> memref<80x256xi32, #tpu.memory_space<hbm>>
    tpu.enqueue_dma source(%dma_start3A_6 : memref<80x256xi32, #tpu.memory_space<hbm>>) target(%arg7 : memref<80x256xi32, #tpu.memory_space<vmem>>) target_semaphore(%arg13 : memref<!tpu.dma_semaphore, #tpu.memory_space<semaphore_mem>>)
    %dma_start3A_7 = arith.constant 0 : i32
    %dma_start3A_8 = arith.constant 0 : i32
    %dma_start3A_9 = tpu.memref_slice %arg4[%arg1, %dma_start3A_7, %dma_start3A_8] : memref<16x80x256xi32, #tpu.memory_space<hbm>> -> memref<1x80x256xi32, #tpu.memory_space<hbm>>
    %dma_start3A_10 = tpu.memref_squeeze %dma_start3A_9 : memref<1x80x256xi32, #tpu.memory_space<hbm>> -> memref<80x256xi32, #tpu.memory_space<hbm>>
    %dma_start3A_11 = arith.constant 0 : i32
    %dma_start3A_12 = arith.constant 0 : i32
    %dma_start3A_13 = tpu.memref_slice %arg4[%arg1, %dma_start3A_11, %dma_start3A_12] : memref<16x80x256xi32, #tpu.memory_space<hbm>> -> memref<1x80x256xi32, #tpu.memory_space<hbm>>
    %dma_start3A_14 = tpu.memref_squeeze %dma_start3A_13 : memref<1x80x256xi32, #tpu.memory_space<hbm>> -> memref<80x256xi32, #tpu.memory_space<hbm>>
    tpu.enqueue_dma source(%dma_start3A_14 : memref<80x256xi32, #tpu.memory_space<hbm>>) target(%arg8 : memref<80x256xi32, #tpu.memory_space<vmem>>) target_semaphore(%arg14 : memref<!tpu.dma_semaphore, #tpu.memory_space<semaphore_mem>>)
    %mul3A = arith.constant 4 : i32
    %mul3A_15 = arith.muli %arg0, %mul3A : i32
    %add3A = arith.constant 0 : i32
    %add3A_16 = arith.addi %mul3A_15, %add3A : i32
    %mul3A_17 = arith.constant 16 : i32
    %mul3A_18 = arith.muli %add3A_16, %mul3A_17 : i32
    %barrier3A = arith.constant 0 : index
    tpu.barrier barrier_id(%barrier3A)
    %mul3A_19 = arith.constant 626 : i32
    %mul3A_20 = arith.muli %arg1, %mul3A_19 : i32
    %dma_start3A_21 = arith.constant 0 : i32
    %dma_start3A_22 = tpu.memref_slice %arg12[%mul3A_20, %dma_start3A_21] : memref<10016x16xf32, #tpu.memory_space<vmem_shared>> -> memref<626x16xf32, #tpu.memory_space<vmem_shared>>
    %dma_start3A_23 = arith.constant 0 : i32
    %dma_start3A_24 = arith.constant 0 : i32
    %dma_start3A_25 = tpu.memref_slice %arg5[%dma_start3A_23, %dma_start3A_24] : memref<2504x16xf32, #tpu.memory_space<hbm>> -> memref<626x16xf32, #tpu.memory_space<hbm>>
    tpu.enqueue_dma source(%dma_start3A_25 : memref<626x16xf32, #tpu.memory_space<hbm>>) target(%dma_start3A_22 : memref<626x16xf32, #tpu.memory_space<vmem_shared>>) target_semaphore(%arg15 : memref<!tpu.dma_semaphore, #tpu.memory_space<semaphore_mem>>)
    %mul3A_26 = arith.constant 2500 : i32
    %mul3A_27 = arith.muli %arg1, %mul3A_26 : i32
    %mul3A_28 = arith.constant 2500 : i32
    %mul3A_29 = arith.muli %arg1, %mul3A_28 : i32
    %dma_start3A_30 = arith.constant 0 : i32
    %dma_start3A_31 = tpu.memref_slice %arg11[%mul3A_29, %dma_start3A_30] : memref<40000x16xf32, #tpu.memory_space<vmem_shared>> -> memref<2500x16xf32, #tpu.memory_space<vmem_shared>>
    %dma_start3A_32 = tpu.memref_slice %arg2[%mul3A_27, %mul3A_18] : memref<40000x128xf32, #tpu.memory_space<hbm>> -> memref<2500x16xf32, #tpu.memory_space<hbm>>
    tpu.enqueue_dma source(%dma_start3A_32 : memref<2500x16xf32, #tpu.memory_space<hbm>>) target(%dma_start3A_31 : memref<2500x16xf32, #tpu.memory_space<vmem_shared>>) target_semaphore(%arg16 : memref<!tpu.dma_semaphore, #tpu.memory_space<semaphore_mem>>)
    %dma_wait3A = arith.constant 0 : i32
    %dma_wait3A_33 = arith.constant 0 : i32
    %dma_wait3A_34 = tpu.memref_slice %arg3[%arg1, %dma_wait3A, %dma_wait3A_33] : memref<16x80x256xi32, #tpu.memory_space<hbm>> -> memref<1x80x256xi32, #tpu.memory_space<hbm>>
    %dma_wait3A_35 = tpu.memref_squeeze %dma_wait3A_34 : memref<1x80x256xi32, #tpu.memory_space<hbm>> -> memref<80x256xi32, #tpu.memory_space<hbm>>
    %dma_wait3A_36 = arith.constant 0 : i32
    %dma_wait3A_37 = arith.constant 0 : i32
    %dma_wait3A_38 = tpu.memref_slice %arg3[%arg1, %dma_wait3A_36, %dma_wait3A_37] : memref<16x80x256xi32, #tpu.memory_space<hbm>> -> memref<1x80x256xi32, #tpu.memory_space<hbm>>
    %dma_wait3A_39 = tpu.memref_squeeze %dma_wait3A_38 : memref<1x80x256xi32, #tpu.memory_space<hbm>> -> memref<80x256xi32, #tpu.memory_space<hbm>>
    tpu.wait_dma2 semaphore(%arg13 : memref<!tpu.dma_semaphore, #tpu.memory_space<semaphore_mem>>) src(%dma_wait3A_39 : memref<80x256xi32, #tpu.memory_space<hbm>>) dst(%arg7 : memref<80x256xi32, #tpu.memory_space<vmem>>)
    %dma_wait3A_40 = arith.constant 0 : i32
    %dma_wait3A_41 = arith.constant 0 : i32
    %dma_wait3A_42 = tpu.memref_slice %arg4[%arg1, %dma_wait3A_40, %dma_wait3A_41] : memref<16x80x256xi32, #tpu.memory_space<hbm>> -> memref<1x80x256xi32, #tpu.memory_space<hbm>>
    %dma_wait3A_43 = tpu.memref_squeeze %dma_wait3A_42 : memref<1x80x256xi32, #tpu.memory_space<hbm>> -> memref<80x256xi32, #tpu.memory_space<hbm>>
    %dma_wait3A_44 = arith.constant 0 : i32
    %dma_wait3A_45 = arith.constant 0 : i32
    %dma_wait3A_46 = tpu.memref_slice %arg4[%arg1, %dma_wait3A_44, %dma_wait3A_45] : memref<16x80x256xi32, #tpu.memory_space<hbm>> -> memref<1x80x256xi32, #tpu.memory_space<hbm>>
    %dma_wait3A_47 = tpu.memref_squeeze %dma_wait3A_46 : memref<1x80x256xi32, #tpu.memory_space<hbm>> -> memref<80x256xi32, #tpu.memory_space<hbm>>
    tpu.wait_dma2 semaphore(%arg14 : memref<!tpu.dma_semaphore, #tpu.memory_space<semaphore_mem>>) src(%dma_wait3A_47 : memref<80x256xi32, #tpu.memory_space<hbm>>) dst(%arg8 : memref<80x256xi32, #tpu.memory_space<vmem>>)
    %dma_wait3A_48 = arith.constant 0 : i32
    %dma_wait3A_49 = tpu.memref_slice %arg12[%mul3A_20, %dma_wait3A_48] : memref<10016x16xf32, #tpu.memory_space<vmem_shared>> -> memref<626x16xf32, #tpu.memory_space<vmem_shared>>
    %dma_wait3A_50 = arith.constant 0 : i32
    %dma_wait3A_51 = arith.constant 0 : i32
    %dma_wait3A_52 = tpu.memref_slice %arg5[%dma_wait3A_50, %dma_wait3A_51] : memref<2504x16xf32, #tpu.memory_space<hbm>> -> memref<626x16xf32, #tpu.memory_space<hbm>>
    tpu.wait_dma2 semaphore(%arg15 : memref<!tpu.dma_semaphore, #tpu.memory_space<semaphore_mem>>) src(%dma_wait3A_52 : memref<626x16xf32, #tpu.memory_space<hbm>>) dst(%dma_wait3A_49 : memref<626x16xf32, #tpu.memory_space<vmem_shared>>)
    %dma_wait3A_53 = arith.constant 0 : i32
    %dma_wait3A_54 = tpu.memref_slice %arg11[%mul3A_29, %dma_wait3A_53] : memref<40000x16xf32, #tpu.memory_space<vmem_shared>> -> memref<2500x16xf32, #tpu.memory_space<vmem_shared>>
    %dma_wait3A_55 = tpu.memref_slice %arg2[%mul3A_27, %mul3A_18] : memref<40000x128xf32, #tpu.memory_space<hbm>> -> memref<2500x16xf32, #tpu.memory_space<hbm>>
    tpu.wait_dma2 semaphore(%arg16 : memref<!tpu.dma_semaphore, #tpu.memory_space<semaphore_mem>>) src(%dma_wait3A_55 : memref<2500x16xf32, #tpu.memory_space<hbm>>) dst(%dma_wait3A_54 : memref<2500x16xf32, #tpu.memory_space<vmem_shared>>)
    %barrier3A_56 = arith.constant 0 : index
    tpu.barrier barrier_id(%barrier3A_56)
    %dma_start3A_57 = arith.constant 0 : i32
    %dma_start3A_58 = arith.constant 0 : i32
    %dma_start3A_59 = tpu.memref_slice %arg7[%dma_start3A_57, %dma_start3A_58] : memref<80x256xi32, #tpu.memory_space<vmem>> -> memref<1x256xi32, #tpu.memory_space<vmem>>
    %dma_start3A_60 = tpu.memref_squeeze %dma_start3A_59 : memref<1x256xi32, #tpu.memory_space<vmem>> -> memref<256xi32, #tpu.memory_space<vmem>>
    %dma_start3A_61 = arith.constant 0 : i32
    %dma_start3A_62 = arith.constant 0 : i32
    %dma_start3A_63 = tpu.memref_slice %arg11[%dma_start3A_61, %dma_start3A_62] : memref<40000x16xf32, #tpu.memory_space<vmem_shared>> -> memref<40000x16xf32, #tpu.memory_space<vmem_shared>>
    tpu.enqueue_indirect_dma source(%dma_start3A_63 : memref<40000x16xf32, #tpu.memory_space<vmem_shared>>) target(%arg9 : memref<256x16xf32, #tpu.memory_space<vmem>>) offsets(%dma_start3A_60 : memref<256xi32, #tpu.memory_space<vmem>>) semaphore(%arg13 : memref<!tpu.dma_semaphore, #tpu.memory_space<semaphore_mem>>)
    %scan3A = arith.constant 0 : i32
    %scan3A_64 = arith.constant 40 : i32
    %scan3A_65 = arith.addi %scan3A, %scan3A_64 : i32
    %scan3A_66 = arith.constant 1 : i32
    scf.for %scan3A_242 = %scan3A to %scan3A_65 step %scan3A_66  : i32 {
      %mul3A_243 = arith.constant 2 : i32
      %mul3A_244 = arith.muli %scan3A_242, %mul3A_243 : i32
      %add3A_245 = arith.constant 0 : i32
      %add3A_246 = arith.addi %add3A_245, %mul3A_244 : i32
      %gt3A = arith.constant 0 : i32
      %gt3A_247 = arith.cmpi sgt, %add3A_246, %gt3A : i32
      %convert_element_type3A = arith.extui %gt3A_247 : i1 to i32
      %cond3A = arith.constant 0 : i32
      %cond3A_248 = arith.cmpi ne, %convert_element_type3A, %cond3A : i32
      scf.if %cond3A_248 {
        %sub3A = arith.constant 1 : i32
        %sub3A_297 = arith.subi %add3A_246, %sub3A : i32
        %dma_wait3A_298 = arith.constant 0 : i32
        %dma_wait3A_299 = tpu.memref_slice %arg8[%sub3A_297, %dma_wait3A_298] : memref<80x256xi32, #tpu.memory_space<vmem>> -> memref<1x256xi32, #tpu.memory_space<vmem>>
        %dma_wait3A_300 = tpu.memref_squeeze %dma_wait3A_299 : memref<1x256xi32, #tpu.memory_space<vmem>> -> memref<256xi32, #tpu.memory_space<vmem>>
        %dma_wait3A_301 = arith.constant 0 : i32
        %dma_wait3A_302 = arith.constant 0 : i32
        %dma_wait3A_303 = tpu.memref_slice %arg12[%dma_wait3A_301, %dma_wait3A_302] : memref<10016x16xf32, #tpu.memory_space<vmem_shared>> -> memref<10016x16xf32, #tpu.memory_space<vmem_shared>>
        tpu.wait_indirect_dma semaphore(%arg16 : memref<!tpu.dma_semaphore, #tpu.memory_space<semaphore_mem>>) src(%arg10 : memref<256x16xf32, #tpu.memory_space<vmem>>) dst(%dma_wait3A_303 : memref<10016x16xf32, #tpu.memory_space<vmem_shared>>)
      } else {
      }
      %add3A_249 = arith.constant 1 : i32
      %add3A_250 = arith.addi %add3A_246, %add3A_249 : i32
      %dma_start3A_251 = arith.constant 0 : i32
      %dma_start3A_252 = tpu.memref_slice %arg7[%add3A_250, %dma_start3A_251] : memref<80x256xi32, #tpu.memory_space<vmem>> -> memref<1x256xi32, #tpu.memory_space<vmem>>
      %dma_start3A_253 = tpu.memref_squeeze %dma_start3A_252 : memref<1x256xi32, #tpu.memory_space<vmem>> -> memref<256xi32, #tpu.memory_space<vmem>>
      %dma_start3A_254 = arith.constant 0 : i32
      %dma_start3A_255 = arith.constant 0 : i32
      %dma_start3A_256 = tpu.memref_slice %arg11[%dma_start3A_254, %dma_start3A_255] : memref<40000x16xf32, #tpu.memory_space<vmem_shared>> -> memref<40000x16xf32, #tpu.memory_space<vmem_shared>>
      tpu.enqueue_indirect_dma source(%dma_start3A_256 : memref<40000x16xf32, #tpu.memory_space<vmem_shared>>) target(%arg10 : memref<256x16xf32, #tpu.memory_space<vmem>>) offsets(%dma_start3A_253 : memref<256xi32, #tpu.memory_space<vmem>>) semaphore(%arg14 : memref<!tpu.dma_semaphore, #tpu.memory_space<semaphore_mem>>)
      %dma_wait3A_257 = arith.constant 0 : i32
      %dma_wait3A_258 = tpu.memref_slice %arg7[%add3A_246, %dma_wait3A_257] : memref<80x256xi32, #tpu.memory_space<vmem>> -> memref<1x256xi32, #tpu.memory_space<vmem>>
      %dma_wait3A_259 = tpu.memref_squeeze %dma_wait3A_258 : memref<1x256xi32, #tpu.memory_space<vmem>> -> memref<256xi32, #tpu.memory_space<vmem>>
      %dma_wait3A_260 = arith.constant 0 : i32
      %dma_wait3A_261 = arith.constant 0 : i32
      %dma_wait3A_262 = tpu.memref_slice %arg11[%dma_wait3A_260, %dma_wait3A_261] : memref<40000x16xf32, #tpu.memory_space<vmem_shared>> -> memref<40000x16xf32, #tpu.memory_space<vmem_shared>>
      tpu.wait_indirect_dma semaphore(%arg13 : memref<!tpu.dma_semaphore, #tpu.memory_space<semaphore_mem>>) src(%dma_wait3A_262 : memref<40000x16xf32, #tpu.memory_space<vmem_shared>>) dst(%arg9 : memref<256x16xf32, #tpu.memory_space<vmem>>)
      %dma_start3A_263 = arith.constant 0 : i32
      %dma_start3A_264 = tpu.memref_slice %arg8[%add3A_246, %dma_start3A_263] : memref<80x256xi32, #tpu.memory_space<vmem>> -> memref<1x256xi32, #tpu.memory_space<vmem>>
      %dma_start3A_265 = tpu.memref_squeeze %dma_start3A_264 : memref<1x256xi32, #tpu.memory_space<vmem>> -> memref<256xi32, #tpu.memory_space<vmem>>
      %dma_start3A_266 = arith.constant 0 : i32
      %dma_start3A_267 = arith.constant 0 : i32
      %dma_start3A_268 = tpu.memref_slice %arg12[%dma_start3A_266, %dma_start3A_267] : memref<10016x16xf32, #tpu.memory_space<vmem_shared>> -> memref<10016x16xf32, #tpu.memory_space<vmem_shared>>
      tpu.enqueue_indirect_dma source(%arg9 : memref<256x16xf32, #tpu.memory_space<vmem>>) target(%dma_start3A_268 : memref<10016x16xf32, #tpu.memory_space<vmem_shared>>) offsets(%dma_start3A_265 : memref<256xi32, #tpu.memory_space<vmem>>) semaphore(%arg15 : memref<!tpu.dma_semaphore, #tpu.memory_space<semaphore_mem>>) {add = true}
      %dma_wait3A_269 = arith.constant 0 : i32
      %dma_wait3A_270 = tpu.memref_slice %arg8[%add3A_246, %dma_wait3A_269] : memref<80x256xi32, #tpu.memory_space<vmem>> -> memref<1x256xi32, #tpu.memory_space<vmem>>
      %dma_wait3A_271 = tpu.memref_squeeze %dma_wait3A_270 : memref<1x256xi32, #tpu.memory_space<vmem>> -> memref<256xi32, #tpu.memory_space<vmem>>
      %dma_wait3A_272 = arith.constant 0 : i32
      %dma_wait3A_273 = arith.constant 0 : i32
      %dma_wait3A_274 = tpu.memref_slice %arg12[%dma_wait3A_272, %dma_wait3A_273] : memref<10016x16xf32, #tpu.memory_space<vmem_shared>> -> memref<10016x16xf32, #tpu.memory_space<vmem_shared>>
      tpu.wait_indirect_dma semaphore(%arg15 : memref<!tpu.dma_semaphore, #tpu.memory_space<semaphore_mem>>) src(%arg9 : memref<256x16xf32, #tpu.memory_space<vmem>>) dst(%dma_wait3A_274 : memref<10016x16xf32, #tpu.memory_space<vmem_shared>>)
      %add3A_275 = arith.constant 2 : i32
      %add3A_276 = arith.addi %add3A_246, %add3A_275 : i32
      %lt3A = arith.constant 80 : i32
      %lt3A_277 = arith.cmpi slt, %add3A_276, %lt3A : i32
      %convert_element_type3A_278 = arith.extui %lt3A_277 : i1 to i32
      %cond3A_279 = arith.constant 0 : i32
      %cond3A_280 = arith.cmpi ne, %convert_element_type3A_278, %cond3A_279 : i32
      scf.if %cond3A_280 {
        %add3A_297 = arith.constant 2 : i32
        %add3A_298 = arith.addi %add3A_246, %add3A_297 : i32
        %dma_start3A_299 = arith.constant 0 : i32
        %dma_start3A_300 = tpu.memref_slice %arg7[%add3A_298, %dma_start3A_299] : memref<80x256xi32, #tpu.memory_space<vmem>> -> memref<1x256xi32, #tpu.memory_space<vmem>>
        %dma_start3A_301 = tpu.memref_squeeze %dma_start3A_300 : memref<1x256xi32, #tpu.memory_space<vmem>> -> memref<256xi32, #tpu.memory_space<vmem>>
        %dma_start3A_302 = arith.constant 0 : i32
        %dma_start3A_303 = arith.constant 0 : i32
        %dma_start3A_304 = tpu.memref_slice %arg11[%dma_start3A_302, %dma_start3A_303] : memref<40000x16xf32, #tpu.memory_space<vmem_shared>> -> memref<40000x16xf32, #tpu.memory_space<vmem_shared>>
        tpu.enqueue_indirect_dma source(%dma_start3A_304 : memref<40000x16xf32, #tpu.memory_space<vmem_shared>>) target(%arg9 : memref<256x16xf32, #tpu.memory_space<vmem>>) offsets(%dma_start3A_301 : memref<256xi32, #tpu.memory_space<vmem>>) semaphore(%arg13 : memref<!tpu.dma_semaphore, #tpu.memory_space<semaphore_mem>>)
      } else {
      }
      %add3A_281 = arith.constant 1 : i32
      %add3A_282 = arith.addi %add3A_246, %add3A_281 : i32
      %dma_wait3A_283 = arith.constant 0 : i32
      %dma_wait3A_284 = tpu.memref_slice %arg7[%add3A_282, %dma_wait3A_283] : memref<80x256xi32, #tpu.memory_space<vmem>> -> memref<1x256xi32, #tpu.memory_space<vmem>>
      %dma_wait3A_285 = tpu.memref_squeeze %dma_wait3A_284 : memref<1x256xi32, #tpu.memory_space<vmem>> -> memref<256xi32, #tpu.memory_space<vmem>>
      %dma_wait3A_286 = arith.constant 0 : i32
      %dma_wait3A_287 = arith.constant 0 : i32
      %dma_wait3A_288 = tpu.memref_slice %arg11[%dma_wait3A_286, %dma_wait3A_287] : memref<40000x16xf32, #tpu.memory_space<vmem_shared>> -> memref<40000x16xf32, #tpu.memory_space<vmem_shared>>
      tpu.wait_indirect_dma semaphore(%arg14 : memref<!tpu.dma_semaphore, #tpu.memory_space<semaphore_mem>>) src(%dma_wait3A_288 : memref<40000x16xf32, #tpu.memory_space<vmem_shared>>) dst(%arg10 : memref<256x16xf32, #tpu.memory_space<vmem>>)
      %add3A_289 = arith.constant 1 : i32
      %add3A_290 = arith.addi %add3A_246, %add3A_289 : i32
      %dma_start3A_291 = arith.constant 0 : i32
      %dma_start3A_292 = tpu.memref_slice %arg8[%add3A_290, %dma_start3A_291] : memref<80x256xi32, #tpu.memory_space<vmem>> -> memref<1x256xi32, #tpu.memory_space<vmem>>
      %dma_start3A_293 = tpu.memref_squeeze %dma_start3A_292 : memref<1x256xi32, #tpu.memory_space<vmem>> -> memref<256xi32, #tpu.memory_space<vmem>>
      %dma_start3A_294 = arith.constant 0 : i32
      %dma_start3A_295 = arith.constant 0 : i32
      %dma_start3A_296 = tpu.memref_slice %arg12[%dma_start3A_294, %dma_start3A_295] : memref<10016x16xf32, #tpu.memory_space<vmem_shared>> -> memref<10016x16xf32, #tpu.memory_space<vmem_shared>>
      tpu.enqueue_indirect_dma source(%arg10 : memref<256x16xf32, #tpu.memory_space<vmem>>) target(%dma_start3A_296 : memref<10016x16xf32, #tpu.memory_space<vmem_shared>>) offsets(%dma_start3A_293 : memref<256xi32, #tpu.memory_space<vmem>>) semaphore(%arg16 : memref<!tpu.dma_semaphore, #tpu.memory_space<semaphore_mem>>) {add = true}
    }
    %scan3A_67 = arith.constant 40 : i32
    %dma_wait3A_68 = arith.constant 79 : i32
    %dma_wait3A_69 = arith.constant 0 : i32
    %dma_wait3A_70 = tpu.memref_slice %arg8[%dma_wait3A_68, %dma_wait3A_69] : memref<80x256xi32, #tpu.memory_space<vmem>> -> memref<1x256xi32, #tpu.memory_space<vmem>>
    %dma_wait3A_71 = tpu.memref_squeeze %dma_wait3A_70 : memref<1x256xi32, #tpu.memory_space<vmem>> -> memref<256xi32, #tpu.memory_space<vmem>>
    %dma_wait3A_72 = arith.constant 0 : i32
    %dma_wait3A_73 = arith.constant 0 : i32
    %dma_wait3A_74 = tpu.memref_slice %arg12[%dma_wait3A_72, %dma_wait3A_73] : memref<10016x16xf32, #tpu.memory_space<vmem_shared>> -> memref<10016x16xf32, #tpu.memory_space<vmem_shared>>
    tpu.wait_indirect_dma semaphore(%arg16 : memref<!tpu.dma_semaphore, #tpu.memory_space<semaphore_mem>>) src(%arg10 : memref<256x16xf32, #tpu.memory_space<vmem>>) dst(%dma_wait3A_74 : memref<10016x16xf32, #tpu.memory_space<vmem_shared>>)
    %barrier3A_75 = arith.constant 0 : index
    tpu.barrier barrier_id(%barrier3A_75)
    %mul3A_76 = arith.constant 625 : i32
    %mul3A_77 = arith.muli %arg1, %mul3A_76 : i32
    %mul3A_78 = arith.constant 625 : i32
    %mul3A_79 = arith.muli %arg1, %mul3A_78 : i32
    "tpu.region"() ({
      %run_scoped3A = tpu.sem_alloc : memref<!tpu.dma_semaphore, #tpu.memory_space<semaphore_mem>>
      %dma_start3A_242 = tpu.memref_slice %arg6[%mul3A_79, %mul3A_18] : memref<10000x128xf32, #tpu.memory_space<hbm>> -> memref<625x16xf32, #tpu.memory_space<hbm>>
      %dma_start3A_243 = arith.constant 0 : i32
      %dma_start3A_244 = tpu.memref_slice %arg12[%mul3A_77, %dma_start3A_243] : memref<10016x16xf32, #tpu.memory_space<vmem_shared>> -> memref<625x16xf32, #tpu.memory_space<vmem_shared>>
      tpu.enqueue_dma source(%dma_start3A_244 : memref<625x16xf32, #tpu.memory_space<vmem_shared>>) target(%dma_start3A_242 : memref<625x16xf32, #tpu.memory_space<hbm>>) target_semaphore(%run_scoped3A : memref<!tpu.dma_semaphore, #tpu.memory_space<semaphore_mem>>)
      %dma_wait3A_245 = tpu.memref_slice %arg6[%mul3A_79, %mul3A_18] : memref<10000x128xf32, #tpu.memory_space<hbm>> -> memref<625x16xf32, #tpu.memory_space<hbm>>
      %dma_wait3A_246 = arith.constant 0 : i32
      %dma_wait3A_247 = tpu.memref_slice %arg12[%mul3A_77, %dma_wait3A_246] : memref<10016x16xf32, #tpu.memory_space<vmem_shared>> -> memref<625x16xf32, #tpu.memory_space<vmem_shared>>
      tpu.wait_dma2 semaphore(%run_scoped3A : memref<!tpu.dma_semaphore, #tpu.memory_space<semaphore_mem>>) src(%dma_wait3A_247 : memref<625x16xf32, #tpu.memory_space<vmem_shared>>) dst(%dma_wait3A_245 : memref<625x16xf32, #tpu.memory_space<hbm>>)
      tpu.yield
    }) : () -> ()
    %mul3A_80 = arith.constant 4 : i32
    %mul3A_81 = arith.muli %arg0, %mul3A_80 : i32
    %add3A_82 = arith.constant 1 : i32
    %add3A_83 = arith.addi %mul3A_81, %add3A_82 : i32
    %mul3A_84 = arith.constant 16 : i32
    %mul3A_85 = arith.muli %add3A_83, %mul3A_84 : i32
    %barrier3A_86 = arith.constant 0 : index
    tpu.barrier barrier_id(%barrier3A_86)
    %mul3A_87 = arith.constant 626 : i32
    %mul3A_88 = arith.muli %arg1, %mul3A_87 : i32
    %dma_start3A_89 = arith.constant 0 : i32
    %dma_start3A_90 = tpu.memref_slice %arg12[%mul3A_88, %dma_start3A_89] : memref<10016x16xf32, #tpu.memory_space<vmem_shared>> -> memref<626x16xf32, #tpu.memory_space<vmem_shared>>
    %dma_start3A_91 = arith.constant 0 : i32
    %dma_start3A_92 = arith.constant 0 : i32
    %dma_start3A_93 = tpu.memref_slice %arg5[%dma_start3A_91, %dma_start3A_92] : memref<2504x16xf32, #tpu.memory_space<hbm>> -> memref<626x16xf32, #tpu.memory_space<hbm>>
    tpu.enqueue_dma source(%dma_start3A_93 : memref<626x16xf32, #tpu.memory_space<hbm>>) target(%dma_start3A_90 : memref<626x16xf32, #tpu.memory_space<vmem_shared>>) target_semaphore(%arg15 : memref<!tpu.dma_semaphore, #tpu.memory_space<semaphore_mem>>)
    %mul3A_94 = arith.constant 2500 : i32
    %mul3A_95 = arith.muli %arg1, %mul3A_94 : i32
    %mul3A_96 = arith.constant 2500 : i32
    %mul3A_97 = arith.muli %arg1, %mul3A_96 : i32
    %dma_start3A_98 = arith.constant 0 : i32
    %dma_start3A_99 = tpu.memref_slice %arg11[%mul3A_97, %dma_start3A_98] : memref<40000x16xf32, #tpu.memory_space<vmem_shared>> -> memref<2500x16xf32, #tpu.memory_space<vmem_shared>>
    %dma_start3A_100 = tpu.memref_slice %arg2[%mul3A_95, %mul3A_85] : memref<40000x128xf32, #tpu.memory_space<hbm>> -> memref<2500x16xf32, #tpu.memory_space<hbm>>
    tpu.enqueue_dma source(%dma_start3A_100 : memref<2500x16xf32, #tpu.memory_space<hbm>>) target(%dma_start3A_99 : memref<2500x16xf32, #tpu.memory_space<vmem_shared>>) target_semaphore(%arg16 : memref<!tpu.dma_semaphore, #tpu.memory_space<semaphore_mem>>)
    %dma_wait3A_101 = arith.constant 0 : i32
    %dma_wait3A_102 = tpu.memref_slice %arg12[%mul3A_88, %dma_wait3A_101] : memref<10016x16xf32, #tpu.memory_space<vmem_shared>> -> memref<626x16xf32, #tpu.memory_space<vmem_shared>>
    %dma_wait3A_103 = arith.constant 0 : i32
    %dma_wait3A_104 = arith.constant 0 : i32
    %dma_wait3A_105 = tpu.memref_slice %arg5[%dma_wait3A_103, %dma_wait3A_104] : memref<2504x16xf32, #tpu.memory_space<hbm>> -> memref<626x16xf32, #tpu.memory_space<hbm>>
    tpu.wait_dma2 semaphore(%arg15 : memref<!tpu.dma_semaphore, #tpu.memory_space<semaphore_mem>>) src(%dma_wait3A_105 : memref<626x16xf32, #tpu.memory_space<hbm>>) dst(%dma_wait3A_102 : memref<626x16xf32, #tpu.memory_space<vmem_shared>>)
    %dma_wait3A_106 = arith.constant 0 : i32
    %dma_wait3A_107 = tpu.memref_slice %arg11[%mul3A_97, %dma_wait3A_106] : memref<40000x16xf32, #tpu.memory_space<vmem_shared>> -> memref<2500x16xf32, #tpu.memory_space<vmem_shared>>
    %dma_wait3A_108 = tpu.memref_slice %arg2[%mul3A_95, %mul3A_85] : memref<40000x128xf32, #tpu.memory_space<hbm>> -> memref<2500x16xf32, #tpu.memory_space<hbm>>
    tpu.wait_dma2 semaphore(%arg16 : memref<!tpu.dma_semaphore, #tpu.memory_space<semaphore_mem>>) src(%dma_wait3A_108 : memref<2500x16xf32, #tpu.memory_space<hbm>>) dst(%dma_wait3A_107 : memref<2500x16xf32, #tpu.memory_space<vmem_shared>>)
    %barrier3A_109 = arith.constant 0 : index
    tpu.barrier barrier_id(%barrier3A_109)
    %dma_start3A_110 = arith.constant 0 : i32
    %dma_start3A_111 = arith.constant 0 : i32
    %dma_start3A_112 = tpu.memref_slice %arg7[%dma_start3A_110, %dma_start3A_111] : memref<80x256xi32, #tpu.memory_space<vmem>> -> memref<1x256xi32, #tpu.memory_space<vmem>>
    %dma_start3A_113 = tpu.memref_squeeze %dma_start3A_112 : memref<1x256xi32, #tpu.memory_space<vmem>> -> memref<256xi32, #tpu.memory_space<vmem>>
    %dma_start3A_114 = arith.constant 0 : i32
    %dma_start3A_115 = arith.constant 0 : i32
    %dma_start3A_116 = tpu.memref_slice %arg11[%dma_start3A_114, %dma_start3A_115] : memref<40000x16xf32, #tpu.memory_space<vmem_shared>> -> memref<40000x16xf32, #tpu.memory_space<vmem_shared>>
    tpu.enqueue_indirect_dma source(%dma_start3A_116 : memref<40000x16xf32, #tpu.memory_space<vmem_shared>>) target(%arg9 : memref<256x16xf32, #tpu.memory_space<vmem>>) offsets(%dma_start3A_113 : memref<256xi32, #tpu.memory_space<vmem>>) semaphore(%arg13 : memref<!tpu.dma_semaphore, #tpu.memory_space<semaphore_mem>>)
    %scan3A_117 = arith.constant 0 : i32
    %scan3A_118 = arith.constant 40 : i32
    %scan3A_119 = arith.addi %scan3A_117, %scan3A_118 : i32
    %scan3A_120 = arith.constant 1 : i32
    scf.for %scan3A_242 = %scan3A_117 to %scan3A_119 step %scan3A_120  : i32 {
      %mul3A_243 = arith.constant 2 : i32
      %mul3A_244 = arith.muli %scan3A_242, %mul3A_243 : i32
      %add3A_245 = arith.constant 0 : i32
      %add3A_246 = arith.addi %add3A_245, %mul3A_244 : i32
      %gt3A = arith.constant 0 : i32
      %gt3A_247 = arith.cmpi sgt, %add3A_246, %gt3A : i32
      %convert_element_type3A = arith.extui %gt3A_247 : i1 to i32
      %cond3A = arith.constant 0 : i32
      %cond3A_248 = arith.cmpi ne, %convert_element_type3A, %cond3A : i32
      scf.if %cond3A_248 {
        %sub3A = arith.constant 1 : i32
        %sub3A_297 = arith.subi %add3A_246, %sub3A : i32
        %dma_wait3A_298 = arith.constant 0 : i32
        %dma_wait3A_299 = tpu.memref_slice %arg8[%sub3A_297, %dma_wait3A_298] : memref<80x256xi32, #tpu.memory_space<vmem>> -> memref<1x256xi32, #tpu.memory_space<vmem>>
        %dma_wait3A_300 = tpu.memref_squeeze %dma_wait3A_299 : memref<1x256xi32, #tpu.memory_space<vmem>> -> memref<256xi32, #tpu.memory_space<vmem>>
        %dma_wait3A_301 = arith.constant 0 : i32
        %dma_wait3A_302 = arith.constant 0 : i32
        %dma_wait3A_303 = tpu.memref_slice %arg12[%dma_wait3A_301, %dma_wait3A_302] : memref<10016x16xf32, #tpu.memory_space<vmem_shared>> -> memref<10016x16xf32, #tpu.memory_space<vmem_shared>>
        tpu.wait_indirect_dma semaphore(%arg16 : memref<!tpu.dma_semaphore, #tpu.memory_space<semaphore_mem>>) src(%arg10 : memref<256x16xf32, #tpu.memory_space<vmem>>) dst(%dma_wait3A_303 : memref<10016x16xf32, #tpu.memory_space<vmem_shared>>)
      } else {
      }
      %add3A_249 = arith.constant 1 : i32
      %add3A_250 = arith.addi %add3A_246, %add3A_249 : i32
      %dma_start3A_251 = arith.constant 0 : i32
      %dma_start3A_252 = tpu.memref_slice %arg7[%add3A_250, %dma_start3A_251] : memref<80x256xi32, #tpu.memory_space<vmem>> -> memref<1x256xi32, #tpu.memory_space<vmem>>
      %dma_start3A_253 = tpu.memref_squeeze %dma_start3A_252 : memref<1x256xi32, #tpu.memory_space<vmem>> -> memref<256xi32, #tpu.memory_space<vmem>>
      %dma_start3A_254 = arith.constant 0 : i32
      %dma_start3A_255 = arith.constant 0 : i32
      %dma_start3A_256 = tpu.memref_slice %arg11[%dma_start3A_254, %dma_start3A_255] : memref<40000x16xf32, #tpu.memory_space<vmem_shared>> -> memref<40000x16xf32, #tpu.memory_space<vmem_shared>>
      tpu.enqueue_indirect_dma source(%dma_start3A_256 : memref<40000x16xf32, #tpu.memory_space<vmem_shared>>) target(%arg10 : memref<256x16xf32, #tpu.memory_space<vmem>>) offsets(%dma_start3A_253 : memref<256xi32, #tpu.memory_space<vmem>>) semaphore(%arg14 : memref<!tpu.dma_semaphore, #tpu.memory_space<semaphore_mem>>)
      %dma_wait3A_257 = arith.constant 0 : i32
      %dma_wait3A_258 = tpu.memref_slice %arg7[%add3A_246, %dma_wait3A_257] : memref<80x256xi32, #tpu.memory_space<vmem>> -> memref<1x256xi32, #tpu.memory_space<vmem>>
      %dma_wait3A_259 = tpu.memref_squeeze %dma_wait3A_258 : memref<1x256xi32, #tpu.memory_space<vmem>> -> memref<256xi32, #tpu.memory_space<vmem>>
      %dma_wait3A_260 = arith.constant 0 : i32
      %dma_wait3A_261 = arith.constant 0 : i32
      %dma_wait3A_262 = tpu.memref_slice %arg11[%dma_wait3A_260, %dma_wait3A_261] : memref<40000x16xf32, #tpu.memory_space<vmem_shared>> -> memref<40000x16xf32, #tpu.memory_space<vmem_shared>>
      tpu.wait_indirect_dma semaphore(%arg13 : memref<!tpu.dma_semaphore, #tpu.memory_space<semaphore_mem>>) src(%dma_wait3A_262 : memref<40000x16xf32, #tpu.memory_space<vmem_shared>>) dst(%arg9 : memref<256x16xf32, #tpu.memory_space<vmem>>)
      %dma_start3A_263 = arith.constant 0 : i32
      %dma_start3A_264 = tpu.memref_slice %arg8[%add3A_246, %dma_start3A_263] : memref<80x256xi32, #tpu.memory_space<vmem>> -> memref<1x256xi32, #tpu.memory_space<vmem>>
      %dma_start3A_265 = tpu.memref_squeeze %dma_start3A_264 : memref<1x256xi32, #tpu.memory_space<vmem>> -> memref<256xi32, #tpu.memory_space<vmem>>
      %dma_start3A_266 = arith.constant 0 : i32
      %dma_start3A_267 = arith.constant 0 : i32
      %dma_start3A_268 = tpu.memref_slice %arg12[%dma_start3A_266, %dma_start3A_267] : memref<10016x16xf32, #tpu.memory_space<vmem_shared>> -> memref<10016x16xf32, #tpu.memory_space<vmem_shared>>
      tpu.enqueue_indirect_dma source(%arg9 : memref<256x16xf32, #tpu.memory_space<vmem>>) target(%dma_start3A_268 : memref<10016x16xf32, #tpu.memory_space<vmem_shared>>) offsets(%dma_start3A_265 : memref<256xi32, #tpu.memory_space<vmem>>) semaphore(%arg15 : memref<!tpu.dma_semaphore, #tpu.memory_space<semaphore_mem>>) {add = true}
      %dma_wait3A_269 = arith.constant 0 : i32
      %dma_wait3A_270 = tpu.memref_slice %arg8[%add3A_246, %dma_wait3A_269] : memref<80x256xi32, #tpu.memory_space<vmem>> -> memref<1x256xi32, #tpu.memory_space<vmem>>
      %dma_wait3A_271 = tpu.memref_squeeze %dma_wait3A_270 : memref<1x256xi32, #tpu.memory_space<vmem>> -> memref<256xi32, #tpu.memory_space<vmem>>
      %dma_wait3A_272 = arith.constant 0 : i32
      %dma_wait3A_273 = arith.constant 0 : i32
      %dma_wait3A_274 = tpu.memref_slice %arg12[%dma_wait3A_272, %dma_wait3A_273] : memref<10016x16xf32, #tpu.memory_space<vmem_shared>> -> memref<10016x16xf32, #tpu.memory_space<vmem_shared>>
      tpu.wait_indirect_dma semaphore(%arg15 : memref<!tpu.dma_semaphore, #tpu.memory_space<semaphore_mem>>) src(%arg9 : memref<256x16xf32, #tpu.memory_space<vmem>>) dst(%dma_wait3A_274 : memref<10016x16xf32, #tpu.memory_space<vmem_shared>>)
      %add3A_275 = arith.constant 2 : i32
      %add3A_276 = arith.addi %add3A_246, %add3A_275 : i32
      %lt3A = arith.constant 80 : i32
      %lt3A_277 = arith.cmpi slt, %add3A_276, %lt3A : i32
      %convert_element_type3A_278 = arith.extui %lt3A_277 : i1 to i32
      %cond3A_279 = arith.constant 0 : i32
      %cond3A_280 = arith.cmpi ne, %convert_element_type3A_278, %cond3A_279 : i32
      scf.if %cond3A_280 {
        %add3A_297 = arith.constant 2 : i32
        %add3A_298 = arith.addi %add3A_246, %add3A_297 : i32
        %dma_start3A_299 = arith.constant 0 : i32
        %dma_start3A_300 = tpu.memref_slice %arg7[%add3A_298, %dma_start3A_299] : memref<80x256xi32, #tpu.memory_space<vmem>> -> memref<1x256xi32, #tpu.memory_space<vmem>>
        %dma_start3A_301 = tpu.memref_squeeze %dma_start3A_300 : memref<1x256xi32, #tpu.memory_space<vmem>> -> memref<256xi32, #tpu.memory_space<vmem>>
        %dma_start3A_302 = arith.constant 0 : i32
        %dma_start3A_303 = arith.constant 0 : i32
        %dma_start3A_304 = tpu.memref_slice %arg11[%dma_start3A_302, %dma_start3A_303] : memref<40000x16xf32, #tpu.memory_space<vmem_shared>> -> memref<40000x16xf32, #tpu.memory_space<vmem_shared>>
        tpu.enqueue_indirect_dma source(%dma_start3A_304 : memref<40000x16xf32, #tpu.memory_space<vmem_shared>>) target(%arg9 : memref<256x16xf32, #tpu.memory_space<vmem>>) offsets(%dma_start3A_301 : memref<256xi32, #tpu.memory_space<vmem>>) semaphore(%arg13 : memref<!tpu.dma_semaphore, #tpu.memory_space<semaphore_mem>>)
      } else {
      }
      %add3A_281 = arith.constant 1 : i32
      %add3A_282 = arith.addi %add3A_246, %add3A_281 : i32
      %dma_wait3A_283 = arith.constant 0 : i32
      %dma_wait3A_284 = tpu.memref_slice %arg7[%add3A_282, %dma_wait3A_283] : memref<80x256xi32, #tpu.memory_space<vmem>> -> memref<1x256xi32, #tpu.memory_space<vmem>>
      %dma_wait3A_285 = tpu.memref_squeeze %dma_wait3A_284 : memref<1x256xi32, #tpu.memory_space<vmem>> -> memref<256xi32, #tpu.memory_space<vmem>>
      %dma_wait3A_286 = arith.constant 0 : i32
      %dma_wait3A_287 = arith.constant 0 : i32
      %dma_wait3A_288 = tpu.memref_slice %arg11[%dma_wait3A_286, %dma_wait3A_287] : memref<40000x16xf32, #tpu.memory_space<vmem_shared>> -> memref<40000x16xf32, #tpu.memory_space<vmem_shared>>
      tpu.wait_indirect_dma semaphore(%arg14 : memref<!tpu.dma_semaphore, #tpu.memory_space<semaphore_mem>>) src(%dma_wait3A_288 : memref<40000x16xf32, #tpu.memory_space<vmem_shared>>) dst(%arg10 : memref<256x16xf32, #tpu.memory_space<vmem>>)
      %add3A_289 = arith.constant 1 : i32
      %add3A_290 = arith.addi %add3A_246, %add3A_289 : i32
      %dma_start3A_291 = arith.constant 0 : i32
      %dma_start3A_292 = tpu.memref_slice %arg8[%add3A_290, %dma_start3A_291] : memref<80x256xi32, #tpu.memory_space<vmem>> -> memref<1x256xi32, #tpu.memory_space<vmem>>
      %dma_start3A_293 = tpu.memref_squeeze %dma_start3A_292 : memref<1x256xi32, #tpu.memory_space<vmem>> -> memref<256xi32, #tpu.memory_space<vmem>>
      %dma_start3A_294 = arith.constant 0 : i32
      %dma_start3A_295 = arith.constant 0 : i32
      %dma_start3A_296 = tpu.memref_slice %arg12[%dma_start3A_294, %dma_start3A_295] : memref<10016x16xf32, #tpu.memory_space<vmem_shared>> -> memref<10016x16xf32, #tpu.memory_space<vmem_shared>>
      tpu.enqueue_indirect_dma source(%arg10 : memref<256x16xf32, #tpu.memory_space<vmem>>) target(%dma_start3A_296 : memref<10016x16xf32, #tpu.memory_space<vmem_shared>>) offsets(%dma_start3A_293 : memref<256xi32, #tpu.memory_space<vmem>>) semaphore(%arg16 : memref<!tpu.dma_semaphore, #tpu.memory_space<semaphore_mem>>) {add = true}
    }
    %scan3A_121 = arith.constant 40 : i32
    %dma_wait3A_122 = arith.constant 79 : i32
    %dma_wait3A_123 = arith.constant 0 : i32
    %dma_wait3A_124 = tpu.memref_slice %arg8[%dma_wait3A_122, %dma_wait3A_123] : memref<80x256xi32, #tpu.memory_space<vmem>> -> memref<1x256xi32, #tpu.memory_space<vmem>>
    %dma_wait3A_125 = tpu.memref_squeeze %dma_wait3A_124 : memref<1x256xi32, #tpu.memory_space<vmem>> -> memref<256xi32, #tpu.memory_space<vmem>>
    %dma_wait3A_126 = arith.constant 0 : i32
    %dma_wait3A_127 = arith.constant 0 : i32
    %dma_wait3A_128 = tpu.memref_slice %arg12[%dma_wait3A_126, %dma_wait3A_127] : memref<10016x16xf32, #tpu.memory_space<vmem_shared>> -> memref<10016x16xf32, #tpu.memory_space<vmem_shared>>
    tpu.wait_indirect_dma semaphore(%arg16 : memref<!tpu.dma_semaphore, #tpu.memory_space<semaphore_mem>>) src(%arg10 : memref<256x16xf32, #tpu.memory_space<vmem>>) dst(%dma_wait3A_128 : memref<10016x16xf32, #tpu.memory_space<vmem_shared>>)
    %barrier3A_129 = arith.constant 0 : index
    tpu.barrier barrier_id(%barrier3A_129)
    %mul3A_130 = arith.constant 625 : i32
    %mul3A_131 = arith.muli %arg1, %mul3A_130 : i32
    %mul3A_132 = arith.constant 625 : i32
    %mul3A_133 = arith.muli %arg1, %mul3A_132 : i32
    "tpu.region"() ({
      %run_scoped3A = tpu.sem_alloc : memref<!tpu.dma_semaphore, #tpu.memory_space<semaphore_mem>>
      %dma_start3A_242 = tpu.memref_slice %arg6[%mul3A_133, %mul3A_85] : memref<10000x128xf32, #tpu.memory_space<hbm>> -> memref<625x16xf32, #tpu.memory_space<hbm>>
      %dma_start3A_243 = arith.constant 0 : i32
      %dma_start3A_244 = tpu.memref_slice %arg12[%mul3A_131, %dma_start3A_243] : memref<10016x16xf32, #tpu.memory_space<vmem_shared>> -> memref<625x16xf32, #tpu.memory_space<vmem_shared>>
      tpu.enqueue_dma source(%dma_start3A_244 : memref<625x16xf32, #tpu.memory_space<vmem_shared>>) target(%dma_start3A_242 : memref<625x16xf32, #tpu.memory_space<hbm>>) target_semaphore(%run_scoped3A : memref<!tpu.dma_semaphore, #tpu.memory_space<semaphore_mem>>)
      %dma_wait3A_245 = tpu.memref_slice %arg6[%mul3A_133, %mul3A_85] : memref<10000x128xf32, #tpu.memory_space<hbm>> -> memref<625x16xf32, #tpu.memory_space<hbm>>
      %dma_wait3A_246 = arith.constant 0 : i32
      %dma_wait3A_247 = tpu.memref_slice %arg12[%mul3A_131, %dma_wait3A_246] : memref<10016x16xf32, #tpu.memory_space<vmem_shared>> -> memref<625x16xf32, #tpu.memory_space<vmem_shared>>
      tpu.wait_dma2 semaphore(%run_scoped3A : memref<!tpu.dma_semaphore, #tpu.memory_space<semaphore_mem>>) src(%dma_wait3A_247 : memref<625x16xf32, #tpu.memory_space<vmem_shared>>) dst(%dma_wait3A_245 : memref<625x16xf32, #tpu.memory_space<hbm>>)
      tpu.yield
    }) : () -> ()
    %mul3A_134 = arith.constant 4 : i32
    %mul3A_135 = arith.muli %arg0, %mul3A_134 : i32
    %add3A_136 = arith.constant 2 : i32
    %add3A_137 = arith.addi %mul3A_135, %add3A_136 : i32
    %mul3A_138 = arith.constant 16 : i32
    %mul3A_139 = arith.muli %add3A_137, %mul3A_138 : i32
    %barrier3A_140 = arith.constant 0 : index
    tpu.barrier barrier_id(%barrier3A_140)
    %mul3A_141 = arith.constant 626 : i32
    %mul3A_142 = arith.muli %arg1, %mul3A_141 : i32
    %dma_start3A_143 = arith.constant 0 : i32
    %dma_start3A_144 = tpu.memref_slice %arg12[%mul3A_142, %dma_start3A_143] : memref<10016x16xf32, #tpu.memory_space<vmem_shared>> -> memref<626x16xf32, #tpu.memory_space<vmem_shared>>
    %dma_start3A_145 = arith.constant 0 : i32
    %dma_start3A_146 = arith.constant 0 : i32
    %dma_start3A_147 = tpu.memref_slice %arg5[%dma_start3A_145, %dma_start3A_146] : memref<2504x16xf32, #tpu.memory_space<hbm>> -> memref<626x16xf32, #tpu.memory_space<hbm>>
    tpu.enqueue_dma source(%dma_start3A_147 : memref<626x16xf32, #tpu.memory_space<hbm>>) target(%dma_start3A_144 : memref<626x16xf32, #tpu.memory_space<vmem_shared>>) target_semaphore(%arg15 : memref<!tpu.dma_semaphore, #tpu.memory_space<semaphore_mem>>)
    %mul3A_148 = arith.constant 2500 : i32
    %mul3A_149 = arith.muli %arg1, %mul3A_148 : i32
    %mul3A_150 = arith.constant 2500 : i32
    %mul3A_151 = arith.muli %arg1, %mul3A_150 : i32
    %dma_start3A_152 = arith.constant 0 : i32
    %dma_start3A_153 = tpu.memref_slice %arg11[%mul3A_151, %dma_start3A_152] : memref<40000x16xf32, #tpu.memory_space<vmem_shared>> -> memref<2500x16xf32, #tpu.memory_space<vmem_shared>>
    %dma_start3A_154 = tpu.memref_slice %arg2[%mul3A_149, %mul3A_139] : memref<40000x128xf32, #tpu.memory_space<hbm>> -> memref<2500x16xf32, #tpu.memory_space<hbm>>
    tpu.enqueue_dma source(%dma_start3A_154 : memref<2500x16xf32, #tpu.memory_space<hbm>>) target(%dma_start3A_153 : memref<2500x16xf32, #tpu.memory_space<vmem_shared>>) target_semaphore(%arg16 : memref<!tpu.dma_semaphore, #tpu.memory_space<semaphore_mem>>)
    %dma_wait3A_155 = arith.constant 0 : i32
    %dma_wait3A_156 = tpu.memref_slice %arg12[%mul3A_142, %dma_wait3A_155] : memref<10016x16xf32, #tpu.memory_space<vmem_shared>> -> memref<626x16xf32, #tpu.memory_space<vmem_shared>>
    %dma_wait3A_157 = arith.constant 0 : i32
    %dma_wait3A_158 = arith.constant 0 : i32
    %dma_wait3A_159 = tpu.memref_slice %arg5[%dma_wait3A_157, %dma_wait3A_158] : memref<2504x16xf32, #tpu.memory_space<hbm>> -> memref<626x16xf32, #tpu.memory_space<hbm>>
    tpu.wait_dma2 semaphore(%arg15 : memref<!tpu.dma_semaphore, #tpu.memory_space<semaphore_mem>>) src(%dma_wait3A_159 : memref<626x16xf32, #tpu.memory_space<hbm>>) dst(%dma_wait3A_156 : memref<626x16xf32, #tpu.memory_space<vmem_shared>>)
    %dma_wait3A_160 = arith.constant 0 : i32
    %dma_wait3A_161 = tpu.memref_slice %arg11[%mul3A_151, %dma_wait3A_160] : memref<40000x16xf32, #tpu.memory_space<vmem_shared>> -> memref<2500x16xf32, #tpu.memory_space<vmem_shared>>
    %dma_wait3A_162 = tpu.memref_slice %arg2[%mul3A_149, %mul3A_139] : memref<40000x128xf32, #tpu.memory_space<hbm>> -> memref<2500x16xf32, #tpu.memory_space<hbm>>
    tpu.wait_dma2 semaphore(%arg16 : memref<!tpu.dma_semaphore, #tpu.memory_space<semaphore_mem>>) src(%dma_wait3A_162 : memref<2500x16xf32, #tpu.memory_space<hbm>>) dst(%dma_wait3A_161 : memref<2500x16xf32, #tpu.memory_space<vmem_shared>>)
    %barrier3A_163 = arith.constant 0 : index
    tpu.barrier barrier_id(%barrier3A_163)
    %dma_start3A_164 = arith.constant 0 : i32
    %dma_start3A_165 = arith.constant 0 : i32
    %dma_start3A_166 = tpu.memref_slice %arg7[%dma_start3A_164, %dma_start3A_165] : memref<80x256xi32, #tpu.memory_space<vmem>> -> memref<1x256xi32, #tpu.memory_space<vmem>>
    %dma_start3A_167 = tpu.memref_squeeze %dma_start3A_166 : memref<1x256xi32, #tpu.memory_space<vmem>> -> memref<256xi32, #tpu.memory_space<vmem>>
    %dma_start3A_168 = arith.constant 0 : i32
    %dma_start3A_169 = arith.constant 0 : i32
    %dma_start3A_170 = tpu.memref_slice %arg11[%dma_start3A_168, %dma_start3A_169] : memref<40000x16xf32, #tpu.memory_space<vmem_shared>> -> memref<40000x16xf32, #tpu.memory_space<vmem_shared>>
    tpu.enqueue_indirect_dma source(%dma_start3A_170 : memref<40000x16xf32, #tpu.memory_space<vmem_shared>>) target(%arg9 : memref<256x16xf32, #tpu.memory_space<vmem>>) offsets(%dma_start3A_167 : memref<256xi32, #tpu.memory_space<vmem>>) semaphore(%arg13 : memref<!tpu.dma_semaphore, #tpu.memory_space<semaphore_mem>>)
    %scan3A_171 = arith.constant 0 : i32
    %scan3A_172 = arith.constant 40 : i32
    %scan3A_173 = arith.addi %scan3A_171, %scan3A_172 : i32
    %scan3A_174 = arith.constant 1 : i32
    scf.for %scan3A_242 = %scan3A_171 to %scan3A_173 step %scan3A_174  : i32 {
      %mul3A_243 = arith.constant 2 : i32
      %mul3A_244 = arith.muli %scan3A_242, %mul3A_243 : i32
      %add3A_245 = arith.constant 0 : i32
      %add3A_246 = arith.addi %add3A_245, %mul3A_244 : i32
      %gt3A = arith.constant 0 : i32
      %gt3A_247 = arith.cmpi sgt, %add3A_246, %gt3A : i32
      %convert_element_type3A = arith.extui %gt3A_247 : i1 to i32
      %cond3A = arith.constant 0 : i32
      %cond3A_248 = arith.cmpi ne, %convert_element_type3A, %cond3A : i32
      scf.if %cond3A_248 {
        %sub3A = arith.constant 1 : i32
        %sub3A_297 = arith.subi %add3A_246, %sub3A : i32
        %dma_wait3A_298 = arith.constant 0 : i32
        %dma_wait3A_299 = tpu.memref_slice %arg8[%sub3A_297, %dma_wait3A_298] : memref<80x256xi32, #tpu.memory_space<vmem>> -> memref<1x256xi32, #tpu.memory_space<vmem>>
        %dma_wait3A_300 = tpu.memref_squeeze %dma_wait3A_299 : memref<1x256xi32, #tpu.memory_space<vmem>> -> memref<256xi32, #tpu.memory_space<vmem>>
        %dma_wait3A_301 = arith.constant 0 : i32
        %dma_wait3A_302 = arith.constant 0 : i32
        %dma_wait3A_303 = tpu.memref_slice %arg12[%dma_wait3A_301, %dma_wait3A_302] : memref<10016x16xf32, #tpu.memory_space<vmem_shared>> -> memref<10016x16xf32, #tpu.memory_space<vmem_shared>>
        tpu.wait_indirect_dma semaphore(%arg16 : memref<!tpu.dma_semaphore, #tpu.memory_space<semaphore_mem>>) src(%arg10 : memref<256x16xf32, #tpu.memory_space<vmem>>) dst(%dma_wait3A_303 : memref<10016x16xf32, #tpu.memory_space<vmem_shared>>)
      } else {
      }
      %add3A_249 = arith.constant 1 : i32
      %add3A_250 = arith.addi %add3A_246, %add3A_249 : i32
      %dma_start3A_251 = arith.constant 0 : i32
      %dma_start3A_252 = tpu.memref_slice %arg7[%add3A_250, %dma_start3A_251] : memref<80x256xi32, #tpu.memory_space<vmem>> -> memref<1x256xi32, #tpu.memory_space<vmem>>
      %dma_start3A_253 = tpu.memref_squeeze %dma_start3A_252 : memref<1x256xi32, #tpu.memory_space<vmem>> -> memref<256xi32, #tpu.memory_space<vmem>>
      %dma_start3A_254 = arith.constant 0 : i32
      %dma_start3A_255 = arith.constant 0 : i32
      %dma_start3A_256 = tpu.memref_slice %arg11[%dma_start3A_254, %dma_start3A_255] : memref<40000x16xf32, #tpu.memory_space<vmem_shared>> -> memref<40000x16xf32, #tpu.memory_space<vmem_shared>>
      tpu.enqueue_indirect_dma source(%dma_start3A_256 : memref<40000x16xf32, #tpu.memory_space<vmem_shared>>) target(%arg10 : memref<256x16xf32, #tpu.memory_space<vmem>>) offsets(%dma_start3A_253 : memref<256xi32, #tpu.memory_space<vmem>>) semaphore(%arg14 : memref<!tpu.dma_semaphore, #tpu.memory_space<semaphore_mem>>)
      %dma_wait3A_257 = arith.constant 0 : i32
      %dma_wait3A_258 = tpu.memref_slice %arg7[%add3A_246, %dma_wait3A_257] : memref<80x256xi32, #tpu.memory_space<vmem>> -> memref<1x256xi32, #tpu.memory_space<vmem>>
      %dma_wait3A_259 = tpu.memref_squeeze %dma_wait3A_258 : memref<1x256xi32, #tpu.memory_space<vmem>> -> memref<256xi32, #tpu.memory_space<vmem>>
      %dma_wait3A_260 = arith.constant 0 : i32
      %dma_wait3A_261 = arith.constant 0 : i32
      %dma_wait3A_262 = tpu.memref_slice %arg11[%dma_wait3A_260, %dma_wait3A_261] : memref<40000x16xf32, #tpu.memory_space<vmem_shared>> -> memref<40000x16xf32, #tpu.memory_space<vmem_shared>>
      tpu.wait_indirect_dma semaphore(%arg13 : memref<!tpu.dma_semaphore, #tpu.memory_space<semaphore_mem>>) src(%dma_wait3A_262 : memref<40000x16xf32, #tpu.memory_space<vmem_shared>>) dst(%arg9 : memref<256x16xf32, #tpu.memory_space<vmem>>)
      %dma_start3A_263 = arith.constant 0 : i32
      %dma_start3A_264 = tpu.memref_slice %arg8[%add3A_246, %dma_start3A_263] : memref<80x256xi32, #tpu.memory_space<vmem>> -> memref<1x256xi32, #tpu.memory_space<vmem>>
      %dma_start3A_265 = tpu.memref_squeeze %dma_start3A_264 : memref<1x256xi32, #tpu.memory_space<vmem>> -> memref<256xi32, #tpu.memory_space<vmem>>
      %dma_start3A_266 = arith.constant 0 : i32
      %dma_start3A_267 = arith.constant 0 : i32
      %dma_start3A_268 = tpu.memref_slice %arg12[%dma_start3A_266, %dma_start3A_267] : memref<10016x16xf32, #tpu.memory_space<vmem_shared>> -> memref<10016x16xf32, #tpu.memory_space<vmem_shared>>
      tpu.enqueue_indirect_dma source(%arg9 : memref<256x16xf32, #tpu.memory_space<vmem>>) target(%dma_start3A_268 : memref<10016x16xf32, #tpu.memory_space<vmem_shared>>) offsets(%dma_start3A_265 : memref<256xi32, #tpu.memory_space<vmem>>) semaphore(%arg15 : memref<!tpu.dma_semaphore, #tpu.memory_space<semaphore_mem>>) {add = true}
      %dma_wait3A_269 = arith.constant 0 : i32
      %dma_wait3A_270 = tpu.memref_slice %arg8[%add3A_246, %dma_wait3A_269] : memref<80x256xi32, #tpu.memory_space<vmem>> -> memref<1x256xi32, #tpu.memory_space<vmem>>
      %dma_wait3A_271 = tpu.memref_squeeze %dma_wait3A_270 : memref<1x256xi32, #tpu.memory_space<vmem>> -> memref<256xi32, #tpu.memory_space<vmem>>
      %dma_wait3A_272 = arith.constant 0 : i32
      %dma_wait3A_273 = arith.constant 0 : i32
      %dma_wait3A_274 = tpu.memref_slice %arg12[%dma_wait3A_272, %dma_wait3A_273] : memref<10016x16xf32, #tpu.memory_space<vmem_shared>> -> memref<10016x16xf32, #tpu.memory_space<vmem_shared>>
      tpu.wait_indirect_dma semaphore(%arg15 : memref<!tpu.dma_semaphore, #tpu.memory_space<semaphore_mem>>) src(%arg9 : memref<256x16xf32, #tpu.memory_space<vmem>>) dst(%dma_wait3A_274 : memref<10016x16xf32, #tpu.memory_space<vmem_shared>>)
      %add3A_275 = arith.constant 2 : i32
      %add3A_276 = arith.addi %add3A_246, %add3A_275 : i32
      %lt3A = arith.constant 80 : i32
      %lt3A_277 = arith.cmpi slt, %add3A_276, %lt3A : i32
      %convert_element_type3A_278 = arith.extui %lt3A_277 : i1 to i32
      %cond3A_279 = arith.constant 0 : i32
      %cond3A_280 = arith.cmpi ne, %convert_element_type3A_278, %cond3A_279 : i32
      scf.if %cond3A_280 {
        %add3A_297 = arith.constant 2 : i32
        %add3A_298 = arith.addi %add3A_246, %add3A_297 : i32
        %dma_start3A_299 = arith.constant 0 : i32
        %dma_start3A_300 = tpu.memref_slice %arg7[%add3A_298, %dma_start3A_299] : memref<80x256xi32, #tpu.memory_space<vmem>> -> memref<1x256xi32, #tpu.memory_space<vmem>>
        %dma_start3A_301 = tpu.memref_squeeze %dma_start3A_300 : memref<1x256xi32, #tpu.memory_space<vmem>> -> memref<256xi32, #tpu.memory_space<vmem>>
        %dma_start3A_302 = arith.constant 0 : i32
        %dma_start3A_303 = arith.constant 0 : i32
        %dma_start3A_304 = tpu.memref_slice %arg11[%dma_start3A_302, %dma_start3A_303] : memref<40000x16xf32, #tpu.memory_space<vmem_shared>> -> memref<40000x16xf32, #tpu.memory_space<vmem_shared>>
        tpu.enqueue_indirect_dma source(%dma_start3A_304 : memref<40000x16xf32, #tpu.memory_space<vmem_shared>>) target(%arg9 : memref<256x16xf32, #tpu.memory_space<vmem>>) offsets(%dma_start3A_301 : memref<256xi32, #tpu.memory_space<vmem>>) semaphore(%arg13 : memref<!tpu.dma_semaphore, #tpu.memory_space<semaphore_mem>>)
      } else {
      }
      %add3A_281 = arith.constant 1 : i32
      %add3A_282 = arith.addi %add3A_246, %add3A_281 : i32
      %dma_wait3A_283 = arith.constant 0 : i32
      %dma_wait3A_284 = tpu.memref_slice %arg7[%add3A_282, %dma_wait3A_283] : memref<80x256xi32, #tpu.memory_space<vmem>> -> memref<1x256xi32, #tpu.memory_space<vmem>>
      %dma_wait3A_285 = tpu.memref_squeeze %dma_wait3A_284 : memref<1x256xi32, #tpu.memory_space<vmem>> -> memref<256xi32, #tpu.memory_space<vmem>>
      %dma_wait3A_286 = arith.constant 0 : i32
      %dma_wait3A_287 = arith.constant 0 : i32
      %dma_wait3A_288 = tpu.memref_slice %arg11[%dma_wait3A_286, %dma_wait3A_287] : memref<40000x16xf32, #tpu.memory_space<vmem_shared>> -> memref<40000x16xf32, #tpu.memory_space<vmem_shared>>
      tpu.wait_indirect_dma semaphore(%arg14 : memref<!tpu.dma_semaphore, #tpu.memory_space<semaphore_mem>>) src(%dma_wait3A_288 : memref<40000x16xf32, #tpu.memory_space<vmem_shared>>) dst(%arg10 : memref<256x16xf32, #tpu.memory_space<vmem>>)
      %add3A_289 = arith.constant 1 : i32
      %add3A_290 = arith.addi %add3A_246, %add3A_289 : i32
      %dma_start3A_291 = arith.constant 0 : i32
      %dma_start3A_292 = tpu.memref_slice %arg8[%add3A_290, %dma_start3A_291] : memref<80x256xi32, #tpu.memory_space<vmem>> -> memref<1x256xi32, #tpu.memory_space<vmem>>
      %dma_start3A_293 = tpu.memref_squeeze %dma_start3A_292 : memref<1x256xi32, #tpu.memory_space<vmem>> -> memref<256xi32, #tpu.memory_space<vmem>>
      %dma_start3A_294 = arith.constant 0 : i32
      %dma_start3A_295 = arith.constant 0 : i32
      %dma_start3A_296 = tpu.memref_slice %arg12[%dma_start3A_294, %dma_start3A_295] : memref<10016x16xf32, #tpu.memory_space<vmem_shared>> -> memref<10016x16xf32, #tpu.memory_space<vmem_shared>>
      tpu.enqueue_indirect_dma source(%arg10 : memref<256x16xf32, #tpu.memory_space<vmem>>) target(%dma_start3A_296 : memref<10016x16xf32, #tpu.memory_space<vmem_shared>>) offsets(%dma_start3A_293 : memref<256xi32, #tpu.memory_space<vmem>>) semaphore(%arg16 : memref<!tpu.dma_semaphore, #tpu.memory_space<semaphore_mem>>) {add = true}
    }
    %scan3A_175 = arith.constant 40 : i32
    %dma_wait3A_176 = arith.constant 79 : i32
    %dma_wait3A_177 = arith.constant 0 : i32
    %dma_wait3A_178 = tpu.memref_slice %arg8[%dma_wait3A_176, %dma_wait3A_177] : memref<80x256xi32, #tpu.memory_space<vmem>> -> memref<1x256xi32, #tpu.memory_space<vmem>>
    %dma_wait3A_179 = tpu.memref_squeeze %dma_wait3A_178 : memref<1x256xi32, #tpu.memory_space<vmem>> -> memref<256xi32, #tpu.memory_space<vmem>>
    %dma_wait3A_180 = arith.constant 0 : i32
    %dma_wait3A_181 = arith.constant 0 : i32
    %dma_wait3A_182 = tpu.memref_slice %arg12[%dma_wait3A_180, %dma_wait3A_181] : memref<10016x16xf32, #tpu.memory_space<vmem_shared>> -> memref<10016x16xf32, #tpu.memory_space<vmem_shared>>
    tpu.wait_indirect_dma semaphore(%arg16 : memref<!tpu.dma_semaphore, #tpu.memory_space<semaphore_mem>>) src(%arg10 : memref<256x16xf32, #tpu.memory_space<vmem>>) dst(%dma_wait3A_182 : memref<10016x16xf32, #tpu.memory_space<vmem_shared>>)
    %barrier3A_183 = arith.constant 0 : index
    tpu.barrier barrier_id(%barrier3A_183)
    %mul3A_184 = arith.constant 625 : i32
    %mul3A_185 = arith.muli %arg1, %mul3A_184 : i32
    %mul3A_186 = arith.constant 625 : i32
    %mul3A_187 = arith.muli %arg1, %mul3A_186 : i32
    "tpu.region"() ({
      %run_scoped3A = tpu.sem_alloc : memref<!tpu.dma_semaphore, #tpu.memory_space<semaphore_mem>>
      %dma_start3A_242 = tpu.memref_slice %arg6[%mul3A_187, %mul3A_139] : memref<10000x128xf32, #tpu.memory_space<hbm>> -> memref<625x16xf32, #tpu.memory_space<hbm>>
      %dma_start3A_243 = arith.constant 0 : i32
      %dma_start3A_244 = tpu.memref_slice %arg12[%mul3A_185, %dma_start3A_243] : memref<10016x16xf32, #tpu.memory_space<vmem_shared>> -> memref<625x16xf32, #tpu.memory_space<vmem_shared>>
      tpu.enqueue_dma source(%dma_start3A_244 : memref<625x16xf32, #tpu.memory_space<vmem_shared>>) target(%dma_start3A_242 : memref<625x16xf32, #tpu.memory_space<hbm>>) target_semaphore(%run_scoped3A : memref<!tpu.dma_semaphore, #tpu.memory_space<semaphore_mem>>)
      %dma_wait3A_245 = tpu.memref_slice %arg6[%mul3A_187, %mul3A_139] : memref<10000x128xf32, #tpu.memory_space<hbm>> -> memref<625x16xf32, #tpu.memory_space<hbm>>
      %dma_wait3A_246 = arith.constant 0 : i32
      %dma_wait3A_247 = tpu.memref_slice %arg12[%mul3A_185, %dma_wait3A_246] : memref<10016x16xf32, #tpu.memory_space<vmem_shared>> -> memref<625x16xf32, #tpu.memory_space<vmem_shared>>
      tpu.wait_dma2 semaphore(%run_scoped3A : memref<!tpu.dma_semaphore, #tpu.memory_space<semaphore_mem>>) src(%dma_wait3A_247 : memref<625x16xf32, #tpu.memory_space<vmem_shared>>) dst(%dma_wait3A_245 : memref<625x16xf32, #tpu.memory_space<hbm>>)
      tpu.yield
    }) : () -> ()
    %mul3A_188 = arith.constant 4 : i32
    %mul3A_189 = arith.muli %arg0, %mul3A_188 : i32
    %add3A_190 = arith.constant 3 : i32
    %add3A_191 = arith.addi %mul3A_189, %add3A_190 : i32
    %mul3A_192 = arith.constant 16 : i32
    %mul3A_193 = arith.muli %add3A_191, %mul3A_192 : i32
    %barrier3A_194 = arith.constant 0 : index
    tpu.barrier barrier_id(%barrier3A_194)
    %mul3A_195 = arith.constant 626 : i32
    %mul3A_196 = arith.muli %arg1, %mul3A_195 : i32
    %dma_start3A_197 = arith.constant 0 : i32
    %dma_start3A_198 = tpu.memref_slice %arg12[%mul3A_196, %dma_start3A_197] : memref<10016x16xf32, #tpu.memory_space<vmem_shared>> -> memref<626x16xf32, #tpu.memory_space<vmem_shared>>
    %dma_start3A_199 = arith.constant 0 : i32
    %dma_start3A_200 = arith.constant 0 : i32
    %dma_start3A_201 = tpu.memref_slice %arg5[%dma_start3A_199, %dma_start3A_200] : memref<2504x16xf32, #tpu.memory_space<hbm>> -> memref<626x16xf32, #tpu.memory_space<hbm>>
    tpu.enqueue_dma source(%dma_start3A_201 : memref<626x16xf32, #tpu.memory_space<hbm>>) target(%dma_start3A_198 : memref<626x16xf32, #tpu.memory_space<vmem_shared>>) target_semaphore(%arg15 : memref<!tpu.dma_semaphore, #tpu.memory_space<semaphore_mem>>)
    %mul3A_202 = arith.constant 2500 : i32
    %mul3A_203 = arith.muli %arg1, %mul3A_202 : i32
    %mul3A_204 = arith.constant 2500 : i32
    %mul3A_205 = arith.muli %arg1, %mul3A_204 : i32
    %dma_start3A_206 = arith.constant 0 : i32
    %dma_start3A_207 = tpu.memref_slice %arg11[%mul3A_205, %dma_start3A_206] : memref<40000x16xf32, #tpu.memory_space<vmem_shared>> -> memref<2500x16xf32, #tpu.memory_space<vmem_shared>>
    %dma_start3A_208 = tpu.memref_slice %arg2[%mul3A_203, %mul3A_193] : memref<40000x128xf32, #tpu.memory_space<hbm>> -> memref<2500x16xf32, #tpu.memory_space<hbm>>
    tpu.enqueue_dma source(%dma_start3A_208 : memref<2500x16xf32, #tpu.memory_space<hbm>>) target(%dma_start3A_207 : memref<2500x16xf32, #tpu.memory_space<vmem_shared>>) target_semaphore(%arg16 : memref<!tpu.dma_semaphore, #tpu.memory_space<semaphore_mem>>)
    %dma_wait3A_209 = arith.constant 0 : i32
    %dma_wait3A_210 = tpu.memref_slice %arg12[%mul3A_196, %dma_wait3A_209] : memref<10016x16xf32, #tpu.memory_space<vmem_shared>> -> memref<626x16xf32, #tpu.memory_space<vmem_shared>>
    %dma_wait3A_211 = arith.constant 0 : i32
    %dma_wait3A_212 = arith.constant 0 : i32
    %dma_wait3A_213 = tpu.memref_slice %arg5[%dma_wait3A_211, %dma_wait3A_212] : memref<2504x16xf32, #tpu.memory_space<hbm>> -> memref<626x16xf32, #tpu.memory_space<hbm>>
    tpu.wait_dma2 semaphore(%arg15 : memref<!tpu.dma_semaphore, #tpu.memory_space<semaphore_mem>>) src(%dma_wait3A_213 : memref<626x16xf32, #tpu.memory_space<hbm>>) dst(%dma_wait3A_210 : memref<626x16xf32, #tpu.memory_space<vmem_shared>>)
    %dma_wait3A_214 = arith.constant 0 : i32
    %dma_wait3A_215 = tpu.memref_slice %arg11[%mul3A_205, %dma_wait3A_214] : memref<40000x16xf32, #tpu.memory_space<vmem_shared>> -> memref<2500x16xf32, #tpu.memory_space<vmem_shared>>
    %dma_wait3A_216 = tpu.memref_slice %arg2[%mul3A_203, %mul3A_193] : memref<40000x128xf32, #tpu.memory_space<hbm>> -> memref<2500x16xf32, #tpu.memory_space<hbm>>
    tpu.wait_dma2 semaphore(%arg16 : memref<!tpu.dma_semaphore, #tpu.memory_space<semaphore_mem>>) src(%dma_wait3A_216 : memref<2500x16xf32, #tpu.memory_space<hbm>>) dst(%dma_wait3A_215 : memref<2500x16xf32, #tpu.memory_space<vmem_shared>>)
    %barrier3A_217 = arith.constant 0 : index
    tpu.barrier barrier_id(%barrier3A_217)
    %dma_start3A_218 = arith.constant 0 : i32
    %dma_start3A_219 = arith.constant 0 : i32
    %dma_start3A_220 = tpu.memref_slice %arg7[%dma_start3A_218, %dma_start3A_219] : memref<80x256xi32, #tpu.memory_space<vmem>> -> memref<1x256xi32, #tpu.memory_space<vmem>>
    %dma_start3A_221 = tpu.memref_squeeze %dma_start3A_220 : memref<1x256xi32, #tpu.memory_space<vmem>> -> memref<256xi32, #tpu.memory_space<vmem>>
    %dma_start3A_222 = arith.constant 0 : i32
    %dma_start3A_223 = arith.constant 0 : i32
    %dma_start3A_224 = tpu.memref_slice %arg11[%dma_start3A_222, %dma_start3A_223] : memref<40000x16xf32, #tpu.memory_space<vmem_shared>> -> memref<40000x16xf32, #tpu.memory_space<vmem_shared>>
    tpu.enqueue_indirect_dma source(%dma_start3A_224 : memref<40000x16xf32, #tpu.memory_space<vmem_shared>>) target(%arg9 : memref<256x16xf32, #tpu.memory_space<vmem>>) offsets(%dma_start3A_221 : memref<256xi32, #tpu.memory_space<vmem>>) semaphore(%arg13 : memref<!tpu.dma_semaphore, #tpu.memory_space<semaphore_mem>>)
    %scan3A_225 = arith.constant 0 : i32
    %scan3A_226 = arith.constant 40 : i32
    %scan3A_227 = arith.addi %scan3A_225, %scan3A_226 : i32
    %scan3A_228 = arith.constant 1 : i32
    scf.for %scan3A_242 = %scan3A_225 to %scan3A_227 step %scan3A_228  : i32 {
      %mul3A_243 = arith.constant 2 : i32
      %mul3A_244 = arith.muli %scan3A_242, %mul3A_243 : i32
      %add3A_245 = arith.constant 0 : i32
      %add3A_246 = arith.addi %add3A_245, %mul3A_244 : i32
      %gt3A = arith.constant 0 : i32
      %gt3A_247 = arith.cmpi sgt, %add3A_246, %gt3A : i32
      %convert_element_type3A = arith.extui %gt3A_247 : i1 to i32
      %cond3A = arith.constant 0 : i32
      %cond3A_248 = arith.cmpi ne, %convert_element_type3A, %cond3A : i32
      scf.if %cond3A_248 {
        %sub3A = arith.constant 1 : i32
        %sub3A_297 = arith.subi %add3A_246, %sub3A : i32
        %dma_wait3A_298 = arith.constant 0 : i32
        %dma_wait3A_299 = tpu.memref_slice %arg8[%sub3A_297, %dma_wait3A_298] : memref<80x256xi32, #tpu.memory_space<vmem>> -> memref<1x256xi32, #tpu.memory_space<vmem>>
        %dma_wait3A_300 = tpu.memref_squeeze %dma_wait3A_299 : memref<1x256xi32, #tpu.memory_space<vmem>> -> memref<256xi32, #tpu.memory_space<vmem>>
        %dma_wait3A_301 = arith.constant 0 : i32
        %dma_wait3A_302 = arith.constant 0 : i32
        %dma_wait3A_303 = tpu.memref_slice %arg12[%dma_wait3A_301, %dma_wait3A_302] : memref<10016x16xf32, #tpu.memory_space<vmem_shared>> -> memref<10016x16xf32, #tpu.memory_space<vmem_shared>>
        tpu.wait_indirect_dma semaphore(%arg16 : memref<!tpu.dma_semaphore, #tpu.memory_space<semaphore_mem>>) src(%arg10 : memref<256x16xf32, #tpu.memory_space<vmem>>) dst(%dma_wait3A_303 : memref<10016x16xf32, #tpu.memory_space<vmem_shared>>)
      } else {
      }
      %add3A_249 = arith.constant 1 : i32
      %add3A_250 = arith.addi %add3A_246, %add3A_249 : i32
      %dma_start3A_251 = arith.constant 0 : i32
      %dma_start3A_252 = tpu.memref_slice %arg7[%add3A_250, %dma_start3A_251] : memref<80x256xi32, #tpu.memory_space<vmem>> -> memref<1x256xi32, #tpu.memory_space<vmem>>
      %dma_start3A_253 = tpu.memref_squeeze %dma_start3A_252 : memref<1x256xi32, #tpu.memory_space<vmem>> -> memref<256xi32, #tpu.memory_space<vmem>>
      %dma_start3A_254 = arith.constant 0 : i32
      %dma_start3A_255 = arith.constant 0 : i32
      %dma_start3A_256 = tpu.memref_slice %arg11[%dma_start3A_254, %dma_start3A_255] : memref<40000x16xf32, #tpu.memory_space<vmem_shared>> -> memref<40000x16xf32, #tpu.memory_space<vmem_shared>>
      tpu.enqueue_indirect_dma source(%dma_start3A_256 : memref<40000x16xf32, #tpu.memory_space<vmem_shared>>) target(%arg10 : memref<256x16xf32, #tpu.memory_space<vmem>>) offsets(%dma_start3A_253 : memref<256xi32, #tpu.memory_space<vmem>>) semaphore(%arg14 : memref<!tpu.dma_semaphore, #tpu.memory_space<semaphore_mem>>)
      %dma_wait3A_257 = arith.constant 0 : i32
      %dma_wait3A_258 = tpu.memref_slice %arg7[%add3A_246, %dma_wait3A_257] : memref<80x256xi32, #tpu.memory_space<vmem>> -> memref<1x256xi32, #tpu.memory_space<vmem>>
      %dma_wait3A_259 = tpu.memref_squeeze %dma_wait3A_258 : memref<1x256xi32, #tpu.memory_space<vmem>> -> memref<256xi32, #tpu.memory_space<vmem>>
      %dma_wait3A_260 = arith.constant 0 : i32
      %dma_wait3A_261 = arith.constant 0 : i32
      %dma_wait3A_262 = tpu.memref_slice %arg11[%dma_wait3A_260, %dma_wait3A_261] : memref<40000x16xf32, #tpu.memory_space<vmem_shared>> -> memref<40000x16xf32, #tpu.memory_space<vmem_shared>>
      tpu.wait_indirect_dma semaphore(%arg13 : memref<!tpu.dma_semaphore, #tpu.memory_space<semaphore_mem>>) src(%dma_wait3A_262 : memref<40000x16xf32, #tpu.memory_space<vmem_shared>>) dst(%arg9 : memref<256x16xf32, #tpu.memory_space<vmem>>)
      %dma_start3A_263 = arith.constant 0 : i32
      %dma_start3A_264 = tpu.memref_slice %arg8[%add3A_246, %dma_start3A_263] : memref<80x256xi32, #tpu.memory_space<vmem>> -> memref<1x256xi32, #tpu.memory_space<vmem>>
      %dma_start3A_265 = tpu.memref_squeeze %dma_start3A_264 : memref<1x256xi32, #tpu.memory_space<vmem>> -> memref<256xi32, #tpu.memory_space<vmem>>
      %dma_start3A_266 = arith.constant 0 : i32
      %dma_start3A_267 = arith.constant 0 : i32
      %dma_start3A_268 = tpu.memref_slice %arg12[%dma_start3A_266, %dma_start3A_267] : memref<10016x16xf32, #tpu.memory_space<vmem_shared>> -> memref<10016x16xf32, #tpu.memory_space<vmem_shared>>
      tpu.enqueue_indirect_dma source(%arg9 : memref<256x16xf32, #tpu.memory_space<vmem>>) target(%dma_start3A_268 : memref<10016x16xf32, #tpu.memory_space<vmem_shared>>) offsets(%dma_start3A_265 : memref<256xi32, #tpu.memory_space<vmem>>) semaphore(%arg15 : memref<!tpu.dma_semaphore, #tpu.memory_space<semaphore_mem>>) {add = true}
      %dma_wait3A_269 = arith.constant 0 : i32
      %dma_wait3A_270 = tpu.memref_slice %arg8[%add3A_246, %dma_wait3A_269] : memref<80x256xi32, #tpu.memory_space<vmem>> -> memref<1x256xi32, #tpu.memory_space<vmem>>
      %dma_wait3A_271 = tpu.memref_squeeze %dma_wait3A_270 : memref<1x256xi32, #tpu.memory_space<vmem>> -> memref<256xi32, #tpu.memory_space<vmem>>
      %dma_wait3A_272 = arith.constant 0 : i32
      %dma_wait3A_273 = arith.constant 0 : i32
      %dma_wait3A_274 = tpu.memref_slice %arg12[%dma_wait3A_272, %dma_wait3A_273] : memref<10016x16xf32, #tpu.memory_space<vmem_shared>> -> memref<10016x16xf32, #tpu.memory_space<vmem_shared>>
      tpu.wait_indirect_dma semaphore(%arg15 : memref<!tpu.dma_semaphore, #tpu.memory_space<semaphore_mem>>) src(%arg9 : memref<256x16xf32, #tpu.memory_space<vmem>>) dst(%dma_wait3A_274 : memref<10016x16xf32, #tpu.memory_space<vmem_shared>>)
      %add3A_275 = arith.constant 2 : i32
      %add3A_276 = arith.addi %add3A_246, %add3A_275 : i32
      %lt3A = arith.constant 80 : i32
      %lt3A_277 = arith.cmpi slt, %add3A_276, %lt3A : i32
      %convert_element_type3A_278 = arith.extui %lt3A_277 : i1 to i32
      %cond3A_279 = arith.constant 0 : i32
      %cond3A_280 = arith.cmpi ne, %convert_element_type3A_278, %cond3A_279 : i32
      scf.if %cond3A_280 {
        %add3A_297 = arith.constant 2 : i32
        %add3A_298 = arith.addi %add3A_246, %add3A_297 : i32
        %dma_start3A_299 = arith.constant 0 : i32
        %dma_start3A_300 = tpu.memref_slice %arg7[%add3A_298, %dma_start3A_299] : memref<80x256xi32, #tpu.memory_space<vmem>> -> memref<1x256xi32, #tpu.memory_space<vmem>>
        %dma_start3A_301 = tpu.memref_squeeze %dma_start3A_300 : memref<1x256xi32, #tpu.memory_space<vmem>> -> memref<256xi32, #tpu.memory_space<vmem>>
        %dma_start3A_302 = arith.constant 0 : i32
        %dma_start3A_303 = arith.constant 0 : i32
        %dma_start3A_304 = tpu.memref_slice %arg11[%dma_start3A_302, %dma_start3A_303] : memref<40000x16xf32, #tpu.memory_space<vmem_shared>> -> memref<40000x16xf32, #tpu.memory_space<vmem_shared>>
        tpu.enqueue_indirect_dma source(%dma_start3A_304 : memref<40000x16xf32, #tpu.memory_space<vmem_shared>>) target(%arg9 : memref<256x16xf32, #tpu.memory_space<vmem>>) offsets(%dma_start3A_301 : memref<256xi32, #tpu.memory_space<vmem>>) semaphore(%arg13 : memref<!tpu.dma_semaphore, #tpu.memory_space<semaphore_mem>>)
      } else {
      }
      %add3A_281 = arith.constant 1 : i32
      %add3A_282 = arith.addi %add3A_246, %add3A_281 : i32
      %dma_wait3A_283 = arith.constant 0 : i32
      %dma_wait3A_284 = tpu.memref_slice %arg7[%add3A_282, %dma_wait3A_283] : memref<80x256xi32, #tpu.memory_space<vmem>> -> memref<1x256xi32, #tpu.memory_space<vmem>>
      %dma_wait3A_285 = tpu.memref_squeeze %dma_wait3A_284 : memref<1x256xi32, #tpu.memory_space<vmem>> -> memref<256xi32, #tpu.memory_space<vmem>>
      %dma_wait3A_286 = arith.constant 0 : i32
      %dma_wait3A_287 = arith.constant 0 : i32
      %dma_wait3A_288 = tpu.memref_slice %arg11[%dma_wait3A_286, %dma_wait3A_287] : memref<40000x16xf32, #tpu.memory_space<vmem_shared>> -> memref<40000x16xf32, #tpu.memory_space<vmem_shared>>
      tpu.wait_indirect_dma semaphore(%arg14 : memref<!tpu.dma_semaphore, #tpu.memory_space<semaphore_mem>>) src(%dma_wait3A_288 : memref<40000x16xf32, #tpu.memory_space<vmem_shared>>) dst(%arg10 : memref<256x16xf32, #tpu.memory_space<vmem>>)
      %add3A_289 = arith.constant 1 : i32
      %add3A_290 = arith.addi %add3A_246, %add3A_289 : i32
      %dma_start3A_291 = arith.constant 0 : i32
      %dma_start3A_292 = tpu.memref_slice %arg8[%add3A_290, %dma_start3A_291] : memref<80x256xi32, #tpu.memory_space<vmem>> -> memref<1x256xi32, #tpu.memory_space<vmem>>
      %dma_start3A_293 = tpu.memref_squeeze %dma_start3A_292 : memref<1x256xi32, #tpu.memory_space<vmem>> -> memref<256xi32, #tpu.memory_space<vmem>>
      %dma_start3A_294 = arith.constant 0 : i32
      %dma_start3A_295 = arith.constant 0 : i32
      %dma_start3A_296 = tpu.memref_slice %arg12[%dma_start3A_294, %dma_start3A_295] : memref<10016x16xf32, #tpu.memory_space<vmem_shared>> -> memref<10016x16xf32, #tpu.memory_space<vmem_shared>>
      tpu.enqueue_indirect_dma source(%arg10 : memref<256x16xf32, #tpu.memory_space<vmem>>) target(%dma_start3A_296 : memref<10016x16xf32, #tpu.memory_space<vmem_shared>>) offsets(%dma_start3A_293 : memref<256xi32, #tpu.memory_space<vmem>>) semaphore(%arg16 : memref<!tpu.dma_semaphore, #tpu.memory_space<semaphore_mem>>) {add = true}
    }
    %scan3A_229 = arith.constant 40 : i32
    %dma_wait3A_230 = arith.constant 79 : i32
    %dma_wait3A_231 = arith.constant 0 : i32
    %dma_wait3A_232 = tpu.memref_slice %arg8[%dma_wait3A_230, %dma_wait3A_231] : memref<80x256xi32, #tpu.memory_space<vmem>> -> memref<1x256xi32, #tpu.memory_space<vmem>>
    %dma_wait3A_233 = tpu.memref_squeeze %dma_wait3A_232 : memref<1x256xi32, #tpu.memory_space<vmem>> -> memref<256xi32, #tpu.memory_space<vmem>>
    %dma_wait3A_234 = arith.constant 0 : i32
    %dma_wait3A_235 = arith.constant 0 : i32
    %dma_wait3A_236 = tpu.memref_slice %arg12[%dma_wait3A_234, %dma_wait3A_235] : memref<10016x16xf32, #tpu.memory_space<vmem_shared>> -> memref<10016x16xf32, #tpu.memory_space<vmem_shared>>
    tpu.wait_indirect_dma semaphore(%arg16 : memref<!tpu.dma_semaphore, #tpu.memory_space<semaphore_mem>>) src(%arg10 : memref<256x16xf32, #tpu.memory_space<vmem>>) dst(%dma_wait3A_236 : memref<10016x16xf32, #tpu.memory_space<vmem_shared>>)
    %barrier3A_237 = arith.constant 0 : index
    tpu.barrier barrier_id(%barrier3A_237)
    %mul3A_238 = arith.constant 625 : i32
    %mul3A_239 = arith.muli %arg1, %mul3A_238 : i32
    %mul3A_240 = arith.constant 625 : i32
    %mul3A_241 = arith.muli %arg1, %mul3A_240 : i32
    "tpu.region"() ({
      %run_scoped3A = tpu.sem_alloc : memref<!tpu.dma_semaphore, #tpu.memory_space<semaphore_mem>>
      %dma_start3A_242 = tpu.memref_slice %arg6[%mul3A_241, %mul3A_193] : memref<10000x128xf32, #tpu.memory_space<hbm>> -> memref<625x16xf32, #tpu.memory_space<hbm>>
      %dma_start3A_243 = arith.constant 0 : i32
      %dma_start3A_244 = tpu.memref_slice %arg12[%mul3A_239, %dma_start3A_243] : memref<10016x16xf32, #tpu.memory_space<vmem_shared>> -> memref<625x16xf32, #tpu.memory_space<vmem_shared>>
      tpu.enqueue_dma source(%dma_start3A_244 : memref<625x16xf32, #tpu.memory_space<vmem_shared>>) target(%dma_start3A_242 : memref<625x16xf32, #tpu.memory_space<hbm>>) target_semaphore(%run_scoped3A : memref<!tpu.dma_semaphore, #tpu.memory_space<semaphore_mem>>)
      %dma_wait3A_245 = tpu.memref_slice %arg6[%mul3A_241, %mul3A_193] : memref<10000x128xf32, #tpu.memory_space<hbm>> -> memref<625x16xf32, #tpu.memory_space<hbm>>
      %dma_wait3A_246 = arith.constant 0 : i32
      %dma_wait3A_247 = tpu.memref_slice %arg12[%mul3A_239, %dma_wait3A_246] : memref<10016x16xf32, #tpu.memory_space<vmem_shared>> -> memref<625x16xf32, #tpu.memory_space<vmem_shared>>
      tpu.wait_dma2 semaphore(%run_scoped3A : memref<!tpu.dma_semaphore, #tpu.memory_space<semaphore_mem>>) src(%dma_wait3A_247 : memref<625x16xf32, #tpu.memory_space<vmem_shared>>) dst(%dma_wait3A_245 : memref<625x16xf32, #tpu.memory_space<hbm>>)
      tpu.yield
    }) : () -> ()
    return
  }
}

#map = affine_map<(d0, d1) -> (0, 0)>
#map1 = affine_map<(d0, d1) -> (0, 0, 0)>
module attributes {stable_mosaic.version = 14 : i64} {
  func.func @k(%arg0: i32, %arg1: i32, %arg2: memref<10000x128xf32, #tpu.memory_space<hbm>>, %arg3: memref<16x80x256xi32, #tpu.memory_space<hbm>>, %arg4: memref<16x80x256xi32, #tpu.memory_space<hbm>>, %arg5: memref<2504x16xf32, #tpu.memory_space<hbm>>, %arg6: memref<40000x128xf32, #tpu.memory_space<hbm>>, %arg7: memref<80x256xi32, #tpu.memory_space<vmem>>, %arg8: memref<80x256xi32, #tpu.memory_space<vmem>>, %arg9: memref<256x16xf32, #tpu.memory_space<vmem>>, %arg10: memref<256x16xf32, #tpu.memory_space<vmem>>, %arg11: memref<10000x16xf32, #tpu.memory_space<vmem_shared>>, %arg12: memref<40016x16xf32, #tpu.memory_space<vmem_shared>>, %arg13: memref<!tpu.dma_semaphore, #tpu.memory_space<semaphore_mem>>, %arg14: memref<!tpu.dma_semaphore, #tpu.memory_space<semaphore_mem>>, %arg15: memref<!tpu.dma_semaphore, #tpu.memory_space<semaphore_mem>>, %arg16: memref<!tpu.dma_semaphore, #tpu.memory_space<semaphore_mem>>) attributes {dimension_semantics = [#tpu.dimension_semantics<core_parallel>, #tpu.dimension_semantics<subcore_parallel>], iteration_bounds = array<i64: 2, 16>, scalar_prefetch = 0 : i64, scratch_operands = 10 : i64, tpu.core_type = #tpu.core_type<sc_vector_subcore>, window_params = [{transform_indices = #map}, {transform_indices = #map1}, {transform_indices = #map1}, {transform_indices = #map}, {transform_indices = #map}]} {
    %dma_start3A = arith.constant 0 : i32
    %dma_start3A_0 = arith.constant 0 : i32
    %dma_start3A_1 = tpu.memref_slice %arg3[%arg1, %dma_start3A, %dma_start3A_0] : memref<16x80x256xi32, #tpu.memory_space<hbm>> -> memref<1x80x256xi32, #tpu.memory_space<hbm>>
    %dma_start3A_2 = tpu.memref_squeeze %dma_start3A_1 : memref<1x80x256xi32, #tpu.memory_space<hbm>> -> memref<80x256xi32, #tpu.memory_space<hbm>>
    %dma_start3A_3 = arith.constant 0 : i32
    %dma_start3A_4 = arith.constant 0 : i32
    %dma_start3A_5 = tpu.memref_slice %arg3[%arg1, %dma_start3A_3, %dma_start3A_4] : memref<16x80x256xi32, #tpu.memory_space<hbm>> -> memref<1x80x256xi32, #tpu.memory_space<hbm>>
    %dma_start3A_6 = tpu.memref_squeeze %dma_start3A_5 : memref<1x80x256xi32, #tpu.memory_space<hbm>> -> memref<80x256xi32, #tpu.memory_space<hbm>>
    tpu.enqueue_dma source(%dma_start3A_6 : memref<80x256xi32, #tpu.memory_space<hbm>>) target(%arg7 : memref<80x256xi32, #tpu.memory_space<vmem>>) target_semaphore(%arg13 : memref<!tpu.dma_semaphore, #tpu.memory_space<semaphore_mem>>)
    %dma_start3A_7 = arith.constant 0 : i32
    %dma_start3A_8 = arith.constant 0 : i32
    %dma_start3A_9 = tpu.memref_slice %arg4[%arg1, %dma_start3A_7, %dma_start3A_8] : memref<16x80x256xi32, #tpu.memory_space<hbm>> -> memref<1x80x256xi32, #tpu.memory_space<hbm>>
    %dma_start3A_10 = tpu.memref_squeeze %dma_start3A_9 : memref<1x80x256xi32, #tpu.memory_space<hbm>> -> memref<80x256xi32, #tpu.memory_space<hbm>>
    %dma_start3A_11 = arith.constant 0 : i32
    %dma_start3A_12 = arith.constant 0 : i32
    %dma_start3A_13 = tpu.memref_slice %arg4[%arg1, %dma_start3A_11, %dma_start3A_12] : memref<16x80x256xi32, #tpu.memory_space<hbm>> -> memref<1x80x256xi32, #tpu.memory_space<hbm>>
    %dma_start3A_14 = tpu.memref_squeeze %dma_start3A_13 : memref<1x80x256xi32, #tpu.memory_space<hbm>> -> memref<80x256xi32, #tpu.memory_space<hbm>>
    tpu.enqueue_dma source(%dma_start3A_14 : memref<80x256xi32, #tpu.memory_space<hbm>>) target(%arg8 : memref<80x256xi32, #tpu.memory_space<vmem>>) target_semaphore(%arg14 : memref<!tpu.dma_semaphore, #tpu.memory_space<semaphore_mem>>)
    %mul3A = arith.constant 4 : i32
    %mul3A_15 = arith.muli %arg0, %mul3A : i32
    %add3A = arith.constant 0 : i32
    %add3A_16 = arith.addi %mul3A_15, %add3A : i32
    %mul3A_17 = arith.constant 16 : i32
    %mul3A_18 = arith.muli %add3A_16, %mul3A_17 : i32
    %barrier3A = arith.constant 0 : index
    tpu.barrier barrier_id(%barrier3A)
    %mul3A_19 = arith.constant 2501 : i32
    %mul3A_20 = arith.muli %arg1, %mul3A_19 : i32
    %dma_start3A_21 = arith.constant 0 : i32
    %dma_start3A_22 = tpu.memref_slice %arg12[%mul3A_20, %dma_start3A_21] : memref<40016x16xf32, #tpu.memory_space<vmem_shared>> -> memref<2501x16xf32, #tpu.memory_space<vmem_shared>>
    %dma_start3A_23 = arith.constant 0 : i32
    %dma_start3A_24 = arith.constant 0 : i32
    %dma_start3A_25 = tpu.memref_slice %arg5[%dma_start3A_23, %dma_start3A_24] : memref<2504x16xf32, #tpu.memory_space<hbm>> -> memref<2501x16xf32, #tpu.memory_space<hbm>>
    tpu.enqueue_dma source(%dma_start3A_25 : memref<2501x16xf32, #tpu.memory_space<hbm>>) target(%dma_start3A_22 : memref<2501x16xf32, #tpu.memory_space<vmem_shared>>) target_semaphore(%arg15 : memref<!tpu.dma_semaphore, #tpu.memory_space<semaphore_mem>>)
    %mul3A_26 = arith.constant 625 : i32
    %mul3A_27 = arith.muli %arg1, %mul3A_26 : i32
    %mul3A_28 = arith.constant 625 : i32
    %mul3A_29 = arith.muli %arg1, %mul3A_28 : i32
    %dma_start3A_30 = arith.constant 0 : i32
    %dma_start3A_31 = tpu.memref_slice %arg11[%mul3A_29, %dma_start3A_30] : memref<10000x16xf32, #tpu.memory_space<vmem_shared>> -> memref<625x16xf32, #tpu.memory_space<vmem_shared>>
    %dma_start3A_32 = tpu.memref_slice %arg2[%mul3A_27, %mul3A_18] : memref<10000x128xf32, #tpu.memory_space<hbm>> -> memref<625x16xf32, #tpu.memory_space<hbm>>
    tpu.enqueue_dma source(%dma_start3A_32 : memref<625x16xf32, #tpu.memory_space<hbm>>) target(%dma_start3A_31 : memref<625x16xf32, #tpu.memory_space<vmem_shared>>) target_semaphore(%arg16 : memref<!tpu.dma_semaphore, #tpu.memory_space<semaphore_mem>>)
    %dma_wait3A = arith.constant 0 : i32
    %dma_wait3A_33 = arith.constant 0 : i32
    %dma_wait3A_34 = tpu.memref_slice %arg3[%arg1, %dma_wait3A, %dma_wait3A_33] : memref<16x80x256xi32, #tpu.memory_space<hbm>> -> memref<1x80x256xi32, #tpu.memory_space<hbm>>
    %dma_wait3A_35 = tpu.memref_squeeze %dma_wait3A_34 : memref<1x80x256xi32, #tpu.memory_space<hbm>> -> memref<80x256xi32, #tpu.memory_space<hbm>>
    %dma_wait3A_36 = arith.constant 0 : i32
    %dma_wait3A_37 = arith.constant 0 : i32
    %dma_wait3A_38 = tpu.memref_slice %arg3[%arg1, %dma_wait3A_36, %dma_wait3A_37] : memref<16x80x256xi32, #tpu.memory_space<hbm>> -> memref<1x80x256xi32, #tpu.memory_space<hbm>>
    %dma_wait3A_39 = tpu.memref_squeeze %dma_wait3A_38 : memref<1x80x256xi32, #tpu.memory_space<hbm>> -> memref<80x256xi32, #tpu.memory_space<hbm>>
    tpu.wait_dma2 semaphore(%arg13 : memref<!tpu.dma_semaphore, #tpu.memory_space<semaphore_mem>>) src(%dma_wait3A_39 : memref<80x256xi32, #tpu.memory_space<hbm>>) dst(%arg7 : memref<80x256xi32, #tpu.memory_space<vmem>>)
    %dma_wait3A_40 = arith.constant 0 : i32
    %dma_wait3A_41 = arith.constant 0 : i32
    %dma_wait3A_42 = tpu.memref_slice %arg4[%arg1, %dma_wait3A_40, %dma_wait3A_41] : memref<16x80x256xi32, #tpu.memory_space<hbm>> -> memref<1x80x256xi32, #tpu.memory_space<hbm>>
    %dma_wait3A_43 = tpu.memref_squeeze %dma_wait3A_42 : memref<1x80x256xi32, #tpu.memory_space<hbm>> -> memref<80x256xi32, #tpu.memory_space<hbm>>
    %dma_wait3A_44 = arith.constant 0 : i32
    %dma_wait3A_45 = arith.constant 0 : i32
    %dma_wait3A_46 = tpu.memref_slice %arg4[%arg1, %dma_wait3A_44, %dma_wait3A_45] : memref<16x80x256xi32, #tpu.memory_space<hbm>> -> memref<1x80x256xi32, #tpu.memory_space<hbm>>
    %dma_wait3A_47 = tpu.memref_squeeze %dma_wait3A_46 : memref<1x80x256xi32, #tpu.memory_space<hbm>> -> memref<80x256xi32, #tpu.memory_space<hbm>>
    tpu.wait_dma2 semaphore(%arg14 : memref<!tpu.dma_semaphore, #tpu.memory_space<semaphore_mem>>) src(%dma_wait3A_47 : memref<80x256xi32, #tpu.memory_space<hbm>>) dst(%arg8 : memref<80x256xi32, #tpu.memory_space<vmem>>)
    %dma_wait3A_48 = arith.constant 0 : i32
    %dma_wait3A_49 = tpu.memref_slice %arg12[%mul3A_20, %dma_wait3A_48] : memref<40016x16xf32, #tpu.memory_space<vmem_shared>> -> memref<2501x16xf32, #tpu.memory_space<vmem_shared>>
    %dma_wait3A_50 = arith.constant 0 : i32
    %dma_wait3A_51 = arith.constant 0 : i32
    %dma_wait3A_52 = tpu.memref_slice %arg5[%dma_wait3A_50, %dma_wait3A_51] : memref<2504x16xf32, #tpu.memory_space<hbm>> -> memref<2501x16xf32, #tpu.memory_space<hbm>>
    tpu.wait_dma2 semaphore(%arg15 : memref<!tpu.dma_semaphore, #tpu.memory_space<semaphore_mem>>) src(%dma_wait3A_52 : memref<2501x16xf32, #tpu.memory_space<hbm>>) dst(%dma_wait3A_49 : memref<2501x16xf32, #tpu.memory_space<vmem_shared>>)
    %dma_wait3A_53 = arith.constant 0 : i32
    %dma_wait3A_54 = tpu.memref_slice %arg11[%mul3A_29, %dma_wait3A_53] : memref<10000x16xf32, #tpu.memory_space<vmem_shared>> -> memref<625x16xf32, #tpu.memory_space<vmem_shared>>
    %dma_wait3A_55 = tpu.memref_slice %arg2[%mul3A_27, %mul3A_18] : memref<10000x128xf32, #tpu.memory_space<hbm>> -> memref<625x16xf32, #tpu.memory_space<hbm>>
    tpu.wait_dma2 semaphore(%arg16 : memref<!tpu.dma_semaphore, #tpu.memory_space<semaphore_mem>>) src(%dma_wait3A_55 : memref<625x16xf32, #tpu.memory_space<hbm>>) dst(%dma_wait3A_54 : memref<625x16xf32, #tpu.memory_space<vmem_shared>>)
    %barrier3A_56 = arith.constant 0 : index
    tpu.barrier barrier_id(%barrier3A_56)
    %dma_start3A_57 = arith.constant 0 : i32
    %dma_start3A_58 = arith.constant 0 : i32
    %dma_start3A_59 = tpu.memref_slice %arg7[%dma_start3A_57, %dma_start3A_58] : memref<80x256xi32, #tpu.memory_space<vmem>> -> memref<1x256xi32, #tpu.memory_space<vmem>>
    %dma_start3A_60 = tpu.memref_squeeze %dma_start3A_59 : memref<1x256xi32, #tpu.memory_space<vmem>> -> memref<256xi32, #tpu.memory_space<vmem>>
    %dma_start3A_61 = arith.constant 0 : i32
    %dma_start3A_62 = arith.constant 0 : i32
    %dma_start3A_63 = tpu.memref_slice %arg11[%dma_start3A_61, %dma_start3A_62] : memref<10000x16xf32, #tpu.memory_space<vmem_shared>> -> memref<10000x16xf32, #tpu.memory_space<vmem_shared>>
    tpu.enqueue_indirect_dma source(%dma_start3A_63 : memref<10000x16xf32, #tpu.memory_space<vmem_shared>>) target(%arg9 : memref<256x16xf32, #tpu.memory_space<vmem>>) offsets(%dma_start3A_60 : memref<256xi32, #tpu.memory_space<vmem>>) semaphore(%arg13 : memref<!tpu.dma_semaphore, #tpu.memory_space<semaphore_mem>>)
    %scan3A = arith.constant 0 : i32
    %scan3A_64 = arith.constant 40 : i32
    %scan3A_65 = arith.addi %scan3A, %scan3A_64 : i32
    %scan3A_66 = arith.constant 1 : i32
    scf.for %scan3A_242 = %scan3A to %scan3A_65 step %scan3A_66  : i32 {
      %mul3A_243 = arith.constant 2 : i32
      %mul3A_244 = arith.muli %scan3A_242, %mul3A_243 : i32
      %add3A_245 = arith.constant 0 : i32
      %add3A_246 = arith.addi %add3A_245, %mul3A_244 : i32
      %gt3A = arith.constant 0 : i32
      %gt3A_247 = arith.cmpi sgt, %add3A_246, %gt3A : i32
      %convert_element_type3A = arith.extui %gt3A_247 : i1 to i32
      %cond3A = arith.constant 0 : i32
      %cond3A_248 = arith.cmpi ne, %convert_element_type3A, %cond3A : i32
      scf.if %cond3A_248 {
        %sub3A = arith.constant 1 : i32
        %sub3A_297 = arith.subi %add3A_246, %sub3A : i32
        %dma_wait3A_298 = arith.constant 0 : i32
        %dma_wait3A_299 = tpu.memref_slice %arg8[%sub3A_297, %dma_wait3A_298] : memref<80x256xi32, #tpu.memory_space<vmem>> -> memref<1x256xi32, #tpu.memory_space<vmem>>
        %dma_wait3A_300 = tpu.memref_squeeze %dma_wait3A_299 : memref<1x256xi32, #tpu.memory_space<vmem>> -> memref<256xi32, #tpu.memory_space<vmem>>
        %dma_wait3A_301 = arith.constant 0 : i32
        %dma_wait3A_302 = arith.constant 0 : i32
        %dma_wait3A_303 = tpu.memref_slice %arg12[%dma_wait3A_301, %dma_wait3A_302] : memref<40016x16xf32, #tpu.memory_space<vmem_shared>> -> memref<40016x16xf32, #tpu.memory_space<vmem_shared>>
        tpu.wait_indirect_dma semaphore(%arg16 : memref<!tpu.dma_semaphore, #tpu.memory_space<semaphore_mem>>) src(%arg10 : memref<256x16xf32, #tpu.memory_space<vmem>>) dst(%dma_wait3A_303 : memref<40016x16xf32, #tpu.memory_space<vmem_shared>>)
      } else {
      }
      %add3A_249 = arith.constant 1 : i32
      %add3A_250 = arith.addi %add3A_246, %add3A_249 : i32
      %dma_start3A_251 = arith.constant 0 : i32
      %dma_start3A_252 = tpu.memref_slice %arg7[%add3A_250, %dma_start3A_251] : memref<80x256xi32, #tpu.memory_space<vmem>> -> memref<1x256xi32, #tpu.memory_space<vmem>>
      %dma_start3A_253 = tpu.memref_squeeze %dma_start3A_252 : memref<1x256xi32, #tpu.memory_space<vmem>> -> memref<256xi32, #tpu.memory_space<vmem>>
      %dma_start3A_254 = arith.constant 0 : i32
      %dma_start3A_255 = arith.constant 0 : i32
      %dma_start3A_256 = tpu.memref_slice %arg11[%dma_start3A_254, %dma_start3A_255] : memref<10000x16xf32, #tpu.memory_space<vmem_shared>> -> memref<10000x16xf32, #tpu.memory_space<vmem_shared>>
      tpu.enqueue_indirect_dma source(%dma_start3A_256 : memref<10000x16xf32, #tpu.memory_space<vmem_shared>>) target(%arg10 : memref<256x16xf32, #tpu.memory_space<vmem>>) offsets(%dma_start3A_253 : memref<256xi32, #tpu.memory_space<vmem>>) semaphore(%arg14 : memref<!tpu.dma_semaphore, #tpu.memory_space<semaphore_mem>>)
      %dma_wait3A_257 = arith.constant 0 : i32
      %dma_wait3A_258 = tpu.memref_slice %arg7[%add3A_246, %dma_wait3A_257] : memref<80x256xi32, #tpu.memory_space<vmem>> -> memref<1x256xi32, #tpu.memory_space<vmem>>
      %dma_wait3A_259 = tpu.memref_squeeze %dma_wait3A_258 : memref<1x256xi32, #tpu.memory_space<vmem>> -> memref<256xi32, #tpu.memory_space<vmem>>
      %dma_wait3A_260 = arith.constant 0 : i32
      %dma_wait3A_261 = arith.constant 0 : i32
      %dma_wait3A_262 = tpu.memref_slice %arg11[%dma_wait3A_260, %dma_wait3A_261] : memref<10000x16xf32, #tpu.memory_space<vmem_shared>> -> memref<10000x16xf32, #tpu.memory_space<vmem_shared>>
      tpu.wait_indirect_dma semaphore(%arg13 : memref<!tpu.dma_semaphore, #tpu.memory_space<semaphore_mem>>) src(%dma_wait3A_262 : memref<10000x16xf32, #tpu.memory_space<vmem_shared>>) dst(%arg9 : memref<256x16xf32, #tpu.memory_space<vmem>>)
      %dma_start3A_263 = arith.constant 0 : i32
      %dma_start3A_264 = tpu.memref_slice %arg8[%add3A_246, %dma_start3A_263] : memref<80x256xi32, #tpu.memory_space<vmem>> -> memref<1x256xi32, #tpu.memory_space<vmem>>
      %dma_start3A_265 = tpu.memref_squeeze %dma_start3A_264 : memref<1x256xi32, #tpu.memory_space<vmem>> -> memref<256xi32, #tpu.memory_space<vmem>>
      %dma_start3A_266 = arith.constant 0 : i32
      %dma_start3A_267 = arith.constant 0 : i32
      %dma_start3A_268 = tpu.memref_slice %arg12[%dma_start3A_266, %dma_start3A_267] : memref<40016x16xf32, #tpu.memory_space<vmem_shared>> -> memref<40016x16xf32, #tpu.memory_space<vmem_shared>>
      tpu.enqueue_indirect_dma source(%arg9 : memref<256x16xf32, #tpu.memory_space<vmem>>) target(%dma_start3A_268 : memref<40016x16xf32, #tpu.memory_space<vmem_shared>>) offsets(%dma_start3A_265 : memref<256xi32, #tpu.memory_space<vmem>>) semaphore(%arg15 : memref<!tpu.dma_semaphore, #tpu.memory_space<semaphore_mem>>) {add = true}
      %dma_wait3A_269 = arith.constant 0 : i32
      %dma_wait3A_270 = tpu.memref_slice %arg8[%add3A_246, %dma_wait3A_269] : memref<80x256xi32, #tpu.memory_space<vmem>> -> memref<1x256xi32, #tpu.memory_space<vmem>>
      %dma_wait3A_271 = tpu.memref_squeeze %dma_wait3A_270 : memref<1x256xi32, #tpu.memory_space<vmem>> -> memref<256xi32, #tpu.memory_space<vmem>>
      %dma_wait3A_272 = arith.constant 0 : i32
      %dma_wait3A_273 = arith.constant 0 : i32
      %dma_wait3A_274 = tpu.memref_slice %arg12[%dma_wait3A_272, %dma_wait3A_273] : memref<40016x16xf32, #tpu.memory_space<vmem_shared>> -> memref<40016x16xf32, #tpu.memory_space<vmem_shared>>
      tpu.wait_indirect_dma semaphore(%arg15 : memref<!tpu.dma_semaphore, #tpu.memory_space<semaphore_mem>>) src(%arg9 : memref<256x16xf32, #tpu.memory_space<vmem>>) dst(%dma_wait3A_274 : memref<40016x16xf32, #tpu.memory_space<vmem_shared>>)
      %add3A_275 = arith.constant 2 : i32
      %add3A_276 = arith.addi %add3A_246, %add3A_275 : i32
      %lt3A = arith.constant 80 : i32
      %lt3A_277 = arith.cmpi slt, %add3A_276, %lt3A : i32
      %convert_element_type3A_278 = arith.extui %lt3A_277 : i1 to i32
      %cond3A_279 = arith.constant 0 : i32
      %cond3A_280 = arith.cmpi ne, %convert_element_type3A_278, %cond3A_279 : i32
      scf.if %cond3A_280 {
        %add3A_297 = arith.constant 2 : i32
        %add3A_298 = arith.addi %add3A_246, %add3A_297 : i32
        %dma_start3A_299 = arith.constant 0 : i32
        %dma_start3A_300 = tpu.memref_slice %arg7[%add3A_298, %dma_start3A_299] : memref<80x256xi32, #tpu.memory_space<vmem>> -> memref<1x256xi32, #tpu.memory_space<vmem>>
        %dma_start3A_301 = tpu.memref_squeeze %dma_start3A_300 : memref<1x256xi32, #tpu.memory_space<vmem>> -> memref<256xi32, #tpu.memory_space<vmem>>
        %dma_start3A_302 = arith.constant 0 : i32
        %dma_start3A_303 = arith.constant 0 : i32
        %dma_start3A_304 = tpu.memref_slice %arg11[%dma_start3A_302, %dma_start3A_303] : memref<10000x16xf32, #tpu.memory_space<vmem_shared>> -> memref<10000x16xf32, #tpu.memory_space<vmem_shared>>
        tpu.enqueue_indirect_dma source(%dma_start3A_304 : memref<10000x16xf32, #tpu.memory_space<vmem_shared>>) target(%arg9 : memref<256x16xf32, #tpu.memory_space<vmem>>) offsets(%dma_start3A_301 : memref<256xi32, #tpu.memory_space<vmem>>) semaphore(%arg13 : memref<!tpu.dma_semaphore, #tpu.memory_space<semaphore_mem>>)
      } else {
      }
      %add3A_281 = arith.constant 1 : i32
      %add3A_282 = arith.addi %add3A_246, %add3A_281 : i32
      %dma_wait3A_283 = arith.constant 0 : i32
      %dma_wait3A_284 = tpu.memref_slice %arg7[%add3A_282, %dma_wait3A_283] : memref<80x256xi32, #tpu.memory_space<vmem>> -> memref<1x256xi32, #tpu.memory_space<vmem>>
      %dma_wait3A_285 = tpu.memref_squeeze %dma_wait3A_284 : memref<1x256xi32, #tpu.memory_space<vmem>> -> memref<256xi32, #tpu.memory_space<vmem>>
      %dma_wait3A_286 = arith.constant 0 : i32
      %dma_wait3A_287 = arith.constant 0 : i32
      %dma_wait3A_288 = tpu.memref_slice %arg11[%dma_wait3A_286, %dma_wait3A_287] : memref<10000x16xf32, #tpu.memory_space<vmem_shared>> -> memref<10000x16xf32, #tpu.memory_space<vmem_shared>>
      tpu.wait_indirect_dma semaphore(%arg14 : memref<!tpu.dma_semaphore, #tpu.memory_space<semaphore_mem>>) src(%dma_wait3A_288 : memref<10000x16xf32, #tpu.memory_space<vmem_shared>>) dst(%arg10 : memref<256x16xf32, #tpu.memory_space<vmem>>)
      %add3A_289 = arith.constant 1 : i32
      %add3A_290 = arith.addi %add3A_246, %add3A_289 : i32
      %dma_start3A_291 = arith.constant 0 : i32
      %dma_start3A_292 = tpu.memref_slice %arg8[%add3A_290, %dma_start3A_291] : memref<80x256xi32, #tpu.memory_space<vmem>> -> memref<1x256xi32, #tpu.memory_space<vmem>>
      %dma_start3A_293 = tpu.memref_squeeze %dma_start3A_292 : memref<1x256xi32, #tpu.memory_space<vmem>> -> memref<256xi32, #tpu.memory_space<vmem>>
      %dma_start3A_294 = arith.constant 0 : i32
      %dma_start3A_295 = arith.constant 0 : i32
      %dma_start3A_296 = tpu.memref_slice %arg12[%dma_start3A_294, %dma_start3A_295] : memref<40016x16xf32, #tpu.memory_space<vmem_shared>> -> memref<40016x16xf32, #tpu.memory_space<vmem_shared>>
      tpu.enqueue_indirect_dma source(%arg10 : memref<256x16xf32, #tpu.memory_space<vmem>>) target(%dma_start3A_296 : memref<40016x16xf32, #tpu.memory_space<vmem_shared>>) offsets(%dma_start3A_293 : memref<256xi32, #tpu.memory_space<vmem>>) semaphore(%arg16 : memref<!tpu.dma_semaphore, #tpu.memory_space<semaphore_mem>>) {add = true}
    }
    %scan3A_67 = arith.constant 40 : i32
    %dma_wait3A_68 = arith.constant 79 : i32
    %dma_wait3A_69 = arith.constant 0 : i32
    %dma_wait3A_70 = tpu.memref_slice %arg8[%dma_wait3A_68, %dma_wait3A_69] : memref<80x256xi32, #tpu.memory_space<vmem>> -> memref<1x256xi32, #tpu.memory_space<vmem>>
    %dma_wait3A_71 = tpu.memref_squeeze %dma_wait3A_70 : memref<1x256xi32, #tpu.memory_space<vmem>> -> memref<256xi32, #tpu.memory_space<vmem>>
    %dma_wait3A_72 = arith.constant 0 : i32
    %dma_wait3A_73 = arith.constant 0 : i32
    %dma_wait3A_74 = tpu.memref_slice %arg12[%dma_wait3A_72, %dma_wait3A_73] : memref<40016x16xf32, #tpu.memory_space<vmem_shared>> -> memref<40016x16xf32, #tpu.memory_space<vmem_shared>>
    tpu.wait_indirect_dma semaphore(%arg16 : memref<!tpu.dma_semaphore, #tpu.memory_space<semaphore_mem>>) src(%arg10 : memref<256x16xf32, #tpu.memory_space<vmem>>) dst(%dma_wait3A_74 : memref<40016x16xf32, #tpu.memory_space<vmem_shared>>)
    %barrier3A_75 = arith.constant 0 : index
    tpu.barrier barrier_id(%barrier3A_75)
    %mul3A_76 = arith.constant 2500 : i32
    %mul3A_77 = arith.muli %arg1, %mul3A_76 : i32
    %mul3A_78 = arith.constant 2500 : i32
    %mul3A_79 = arith.muli %arg1, %mul3A_78 : i32
    "tpu.region"() ({
      %run_scoped3A = tpu.sem_alloc : memref<!tpu.dma_semaphore, #tpu.memory_space<semaphore_mem>>
      %dma_start3A_242 = tpu.memref_slice %arg6[%mul3A_79, %mul3A_18] : memref<40000x128xf32, #tpu.memory_space<hbm>> -> memref<2500x16xf32, #tpu.memory_space<hbm>>
      %dma_start3A_243 = arith.constant 0 : i32
      %dma_start3A_244 = tpu.memref_slice %arg12[%mul3A_77, %dma_start3A_243] : memref<40016x16xf32, #tpu.memory_space<vmem_shared>> -> memref<2500x16xf32, #tpu.memory_space<vmem_shared>>
      tpu.enqueue_dma source(%dma_start3A_244 : memref<2500x16xf32, #tpu.memory_space<vmem_shared>>) target(%dma_start3A_242 : memref<2500x16xf32, #tpu.memory_space<hbm>>) target_semaphore(%run_scoped3A : memref<!tpu.dma_semaphore, #tpu.memory_space<semaphore_mem>>)
      %dma_wait3A_245 = tpu.memref_slice %arg6[%mul3A_79, %mul3A_18] : memref<40000x128xf32, #tpu.memory_space<hbm>> -> memref<2500x16xf32, #tpu.memory_space<hbm>>
      %dma_wait3A_246 = arith.constant 0 : i32
      %dma_wait3A_247 = tpu.memref_slice %arg12[%mul3A_77, %dma_wait3A_246] : memref<40016x16xf32, #tpu.memory_space<vmem_shared>> -> memref<2500x16xf32, #tpu.memory_space<vmem_shared>>
      tpu.wait_dma2 semaphore(%run_scoped3A : memref<!tpu.dma_semaphore, #tpu.memory_space<semaphore_mem>>) src(%dma_wait3A_247 : memref<2500x16xf32, #tpu.memory_space<vmem_shared>>) dst(%dma_wait3A_245 : memref<2500x16xf32, #tpu.memory_space<hbm>>)
      tpu.yield
    }) : () -> ()
    %mul3A_80 = arith.constant 4 : i32
    %mul3A_81 = arith.muli %arg0, %mul3A_80 : i32
    %add3A_82 = arith.constant 1 : i32
    %add3A_83 = arith.addi %mul3A_81, %add3A_82 : i32
    %mul3A_84 = arith.constant 16 : i32
    %mul3A_85 = arith.muli %add3A_83, %mul3A_84 : i32
    %barrier3A_86 = arith.constant 0 : index
    tpu.barrier barrier_id(%barrier3A_86)
    %mul3A_87 = arith.constant 2501 : i32
    %mul3A_88 = arith.muli %arg1, %mul3A_87 : i32
    %dma_start3A_89 = arith.constant 0 : i32
    %dma_start3A_90 = tpu.memref_slice %arg12[%mul3A_88, %dma_start3A_89] : memref<40016x16xf32, #tpu.memory_space<vmem_shared>> -> memref<2501x16xf32, #tpu.memory_space<vmem_shared>>
    %dma_start3A_91 = arith.constant 0 : i32
    %dma_start3A_92 = arith.constant 0 : i32
    %dma_start3A_93 = tpu.memref_slice %arg5[%dma_start3A_91, %dma_start3A_92] : memref<2504x16xf32, #tpu.memory_space<hbm>> -> memref<2501x16xf32, #tpu.memory_space<hbm>>
    tpu.enqueue_dma source(%dma_start3A_93 : memref<2501x16xf32, #tpu.memory_space<hbm>>) target(%dma_start3A_90 : memref<2501x16xf32, #tpu.memory_space<vmem_shared>>) target_semaphore(%arg15 : memref<!tpu.dma_semaphore, #tpu.memory_space<semaphore_mem>>)
    %mul3A_94 = arith.constant 625 : i32
    %mul3A_95 = arith.muli %arg1, %mul3A_94 : i32
    %mul3A_96 = arith.constant 625 : i32
    %mul3A_97 = arith.muli %arg1, %mul3A_96 : i32
    %dma_start3A_98 = arith.constant 0 : i32
    %dma_start3A_99 = tpu.memref_slice %arg11[%mul3A_97, %dma_start3A_98] : memref<10000x16xf32, #tpu.memory_space<vmem_shared>> -> memref<625x16xf32, #tpu.memory_space<vmem_shared>>
    %dma_start3A_100 = tpu.memref_slice %arg2[%mul3A_95, %mul3A_85] : memref<10000x128xf32, #tpu.memory_space<hbm>> -> memref<625x16xf32, #tpu.memory_space<hbm>>
    tpu.enqueue_dma source(%dma_start3A_100 : memref<625x16xf32, #tpu.memory_space<hbm>>) target(%dma_start3A_99 : memref<625x16xf32, #tpu.memory_space<vmem_shared>>) target_semaphore(%arg16 : memref<!tpu.dma_semaphore, #tpu.memory_space<semaphore_mem>>)
    %dma_wait3A_101 = arith.constant 0 : i32
    %dma_wait3A_102 = tpu.memref_slice %arg12[%mul3A_88, %dma_wait3A_101] : memref<40016x16xf32, #tpu.memory_space<vmem_shared>> -> memref<2501x16xf32, #tpu.memory_space<vmem_shared>>
    %dma_wait3A_103 = arith.constant 0 : i32
    %dma_wait3A_104 = arith.constant 0 : i32
    %dma_wait3A_105 = tpu.memref_slice %arg5[%dma_wait3A_103, %dma_wait3A_104] : memref<2504x16xf32, #tpu.memory_space<hbm>> -> memref<2501x16xf32, #tpu.memory_space<hbm>>
    tpu.wait_dma2 semaphore(%arg15 : memref<!tpu.dma_semaphore, #tpu.memory_space<semaphore_mem>>) src(%dma_wait3A_105 : memref<2501x16xf32, #tpu.memory_space<hbm>>) dst(%dma_wait3A_102 : memref<2501x16xf32, #tpu.memory_space<vmem_shared>>)
    %dma_wait3A_106 = arith.constant 0 : i32
    %dma_wait3A_107 = tpu.memref_slice %arg11[%mul3A_97, %dma_wait3A_106] : memref<10000x16xf32, #tpu.memory_space<vmem_shared>> -> memref<625x16xf32, #tpu.memory_space<vmem_shared>>
    %dma_wait3A_108 = tpu.memref_slice %arg2[%mul3A_95, %mul3A_85] : memref<10000x128xf32, #tpu.memory_space<hbm>> -> memref<625x16xf32, #tpu.memory_space<hbm>>
    tpu.wait_dma2 semaphore(%arg16 : memref<!tpu.dma_semaphore, #tpu.memory_space<semaphore_mem>>) src(%dma_wait3A_108 : memref<625x16xf32, #tpu.memory_space<hbm>>) dst(%dma_wait3A_107 : memref<625x16xf32, #tpu.memory_space<vmem_shared>>)
    %barrier3A_109 = arith.constant 0 : index
    tpu.barrier barrier_id(%barrier3A_109)
    %dma_start3A_110 = arith.constant 0 : i32
    %dma_start3A_111 = arith.constant 0 : i32
    %dma_start3A_112 = tpu.memref_slice %arg7[%dma_start3A_110, %dma_start3A_111] : memref<80x256xi32, #tpu.memory_space<vmem>> -> memref<1x256xi32, #tpu.memory_space<vmem>>
    %dma_start3A_113 = tpu.memref_squeeze %dma_start3A_112 : memref<1x256xi32, #tpu.memory_space<vmem>> -> memref<256xi32, #tpu.memory_space<vmem>>
    %dma_start3A_114 = arith.constant 0 : i32
    %dma_start3A_115 = arith.constant 0 : i32
    %dma_start3A_116 = tpu.memref_slice %arg11[%dma_start3A_114, %dma_start3A_115] : memref<10000x16xf32, #tpu.memory_space<vmem_shared>> -> memref<10000x16xf32, #tpu.memory_space<vmem_shared>>
    tpu.enqueue_indirect_dma source(%dma_start3A_116 : memref<10000x16xf32, #tpu.memory_space<vmem_shared>>) target(%arg9 : memref<256x16xf32, #tpu.memory_space<vmem>>) offsets(%dma_start3A_113 : memref<256xi32, #tpu.memory_space<vmem>>) semaphore(%arg13 : memref<!tpu.dma_semaphore, #tpu.memory_space<semaphore_mem>>)
    %scan3A_117 = arith.constant 0 : i32
    %scan3A_118 = arith.constant 40 : i32
    %scan3A_119 = arith.addi %scan3A_117, %scan3A_118 : i32
    %scan3A_120 = arith.constant 1 : i32
    scf.for %scan3A_242 = %scan3A_117 to %scan3A_119 step %scan3A_120  : i32 {
      %mul3A_243 = arith.constant 2 : i32
      %mul3A_244 = arith.muli %scan3A_242, %mul3A_243 : i32
      %add3A_245 = arith.constant 0 : i32
      %add3A_246 = arith.addi %add3A_245, %mul3A_244 : i32
      %gt3A = arith.constant 0 : i32
      %gt3A_247 = arith.cmpi sgt, %add3A_246, %gt3A : i32
      %convert_element_type3A = arith.extui %gt3A_247 : i1 to i32
      %cond3A = arith.constant 0 : i32
      %cond3A_248 = arith.cmpi ne, %convert_element_type3A, %cond3A : i32
      scf.if %cond3A_248 {
        %sub3A = arith.constant 1 : i32
        %sub3A_297 = arith.subi %add3A_246, %sub3A : i32
        %dma_wait3A_298 = arith.constant 0 : i32
        %dma_wait3A_299 = tpu.memref_slice %arg8[%sub3A_297, %dma_wait3A_298] : memref<80x256xi32, #tpu.memory_space<vmem>> -> memref<1x256xi32, #tpu.memory_space<vmem>>
        %dma_wait3A_300 = tpu.memref_squeeze %dma_wait3A_299 : memref<1x256xi32, #tpu.memory_space<vmem>> -> memref<256xi32, #tpu.memory_space<vmem>>
        %dma_wait3A_301 = arith.constant 0 : i32
        %dma_wait3A_302 = arith.constant 0 : i32
        %dma_wait3A_303 = tpu.memref_slice %arg12[%dma_wait3A_301, %dma_wait3A_302] : memref<40016x16xf32, #tpu.memory_space<vmem_shared>> -> memref<40016x16xf32, #tpu.memory_space<vmem_shared>>
        tpu.wait_indirect_dma semaphore(%arg16 : memref<!tpu.dma_semaphore, #tpu.memory_space<semaphore_mem>>) src(%arg10 : memref<256x16xf32, #tpu.memory_space<vmem>>) dst(%dma_wait3A_303 : memref<40016x16xf32, #tpu.memory_space<vmem_shared>>)
      } else {
      }
      %add3A_249 = arith.constant 1 : i32
      %add3A_250 = arith.addi %add3A_246, %add3A_249 : i32
      %dma_start3A_251 = arith.constant 0 : i32
      %dma_start3A_252 = tpu.memref_slice %arg7[%add3A_250, %dma_start3A_251] : memref<80x256xi32, #tpu.memory_space<vmem>> -> memref<1x256xi32, #tpu.memory_space<vmem>>
      %dma_start3A_253 = tpu.memref_squeeze %dma_start3A_252 : memref<1x256xi32, #tpu.memory_space<vmem>> -> memref<256xi32, #tpu.memory_space<vmem>>
      %dma_start3A_254 = arith.constant 0 : i32
      %dma_start3A_255 = arith.constant 0 : i32
      %dma_start3A_256 = tpu.memref_slice %arg11[%dma_start3A_254, %dma_start3A_255] : memref<10000x16xf32, #tpu.memory_space<vmem_shared>> -> memref<10000x16xf32, #tpu.memory_space<vmem_shared>>
      tpu.enqueue_indirect_dma source(%dma_start3A_256 : memref<10000x16xf32, #tpu.memory_space<vmem_shared>>) target(%arg10 : memref<256x16xf32, #tpu.memory_space<vmem>>) offsets(%dma_start3A_253 : memref<256xi32, #tpu.memory_space<vmem>>) semaphore(%arg14 : memref<!tpu.dma_semaphore, #tpu.memory_space<semaphore_mem>>)
      %dma_wait3A_257 = arith.constant 0 : i32
      %dma_wait3A_258 = tpu.memref_slice %arg7[%add3A_246, %dma_wait3A_257] : memref<80x256xi32, #tpu.memory_space<vmem>> -> memref<1x256xi32, #tpu.memory_space<vmem>>
      %dma_wait3A_259 = tpu.memref_squeeze %dma_wait3A_258 : memref<1x256xi32, #tpu.memory_space<vmem>> -> memref<256xi32, #tpu.memory_space<vmem>>
      %dma_wait3A_260 = arith.constant 0 : i32
      %dma_wait3A_261 = arith.constant 0 : i32
      %dma_wait3A_262 = tpu.memref_slice %arg11[%dma_wait3A_260, %dma_wait3A_261] : memref<10000x16xf32, #tpu.memory_space<vmem_shared>> -> memref<10000x16xf32, #tpu.memory_space<vmem_shared>>
      tpu.wait_indirect_dma semaphore(%arg13 : memref<!tpu.dma_semaphore, #tpu.memory_space<semaphore_mem>>) src(%dma_wait3A_262 : memref<10000x16xf32, #tpu.memory_space<vmem_shared>>) dst(%arg9 : memref<256x16xf32, #tpu.memory_space<vmem>>)
      %dma_start3A_263 = arith.constant 0 : i32
      %dma_start3A_264 = tpu.memref_slice %arg8[%add3A_246, %dma_start3A_263] : memref<80x256xi32, #tpu.memory_space<vmem>> -> memref<1x256xi32, #tpu.memory_space<vmem>>
      %dma_start3A_265 = tpu.memref_squeeze %dma_start3A_264 : memref<1x256xi32, #tpu.memory_space<vmem>> -> memref<256xi32, #tpu.memory_space<vmem>>
      %dma_start3A_266 = arith.constant 0 : i32
      %dma_start3A_267 = arith.constant 0 : i32
      %dma_start3A_268 = tpu.memref_slice %arg12[%dma_start3A_266, %dma_start3A_267] : memref<40016x16xf32, #tpu.memory_space<vmem_shared>> -> memref<40016x16xf32, #tpu.memory_space<vmem_shared>>
      tpu.enqueue_indirect_dma source(%arg9 : memref<256x16xf32, #tpu.memory_space<vmem>>) target(%dma_start3A_268 : memref<40016x16xf32, #tpu.memory_space<vmem_shared>>) offsets(%dma_start3A_265 : memref<256xi32, #tpu.memory_space<vmem>>) semaphore(%arg15 : memref<!tpu.dma_semaphore, #tpu.memory_space<semaphore_mem>>) {add = true}
      %dma_wait3A_269 = arith.constant 0 : i32
      %dma_wait3A_270 = tpu.memref_slice %arg8[%add3A_246, %dma_wait3A_269] : memref<80x256xi32, #tpu.memory_space<vmem>> -> memref<1x256xi32, #tpu.memory_space<vmem>>
      %dma_wait3A_271 = tpu.memref_squeeze %dma_wait3A_270 : memref<1x256xi32, #tpu.memory_space<vmem>> -> memref<256xi32, #tpu.memory_space<vmem>>
      %dma_wait3A_272 = arith.constant 0 : i32
      %dma_wait3A_273 = arith.constant 0 : i32
      %dma_wait3A_274 = tpu.memref_slice %arg12[%dma_wait3A_272, %dma_wait3A_273] : memref<40016x16xf32, #tpu.memory_space<vmem_shared>> -> memref<40016x16xf32, #tpu.memory_space<vmem_shared>>
      tpu.wait_indirect_dma semaphore(%arg15 : memref<!tpu.dma_semaphore, #tpu.memory_space<semaphore_mem>>) src(%arg9 : memref<256x16xf32, #tpu.memory_space<vmem>>) dst(%dma_wait3A_274 : memref<40016x16xf32, #tpu.memory_space<vmem_shared>>)
      %add3A_275 = arith.constant 2 : i32
      %add3A_276 = arith.addi %add3A_246, %add3A_275 : i32
      %lt3A = arith.constant 80 : i32
      %lt3A_277 = arith.cmpi slt, %add3A_276, %lt3A : i32
      %convert_element_type3A_278 = arith.extui %lt3A_277 : i1 to i32
      %cond3A_279 = arith.constant 0 : i32
      %cond3A_280 = arith.cmpi ne, %convert_element_type3A_278, %cond3A_279 : i32
      scf.if %cond3A_280 {
        %add3A_297 = arith.constant 2 : i32
        %add3A_298 = arith.addi %add3A_246, %add3A_297 : i32
        %dma_start3A_299 = arith.constant 0 : i32
        %dma_start3A_300 = tpu.memref_slice %arg7[%add3A_298, %dma_start3A_299] : memref<80x256xi32, #tpu.memory_space<vmem>> -> memref<1x256xi32, #tpu.memory_space<vmem>>
        %dma_start3A_301 = tpu.memref_squeeze %dma_start3A_300 : memref<1x256xi32, #tpu.memory_space<vmem>> -> memref<256xi32, #tpu.memory_space<vmem>>
        %dma_start3A_302 = arith.constant 0 : i32
        %dma_start3A_303 = arith.constant 0 : i32
        %dma_start3A_304 = tpu.memref_slice %arg11[%dma_start3A_302, %dma_start3A_303] : memref<10000x16xf32, #tpu.memory_space<vmem_shared>> -> memref<10000x16xf32, #tpu.memory_space<vmem_shared>>
        tpu.enqueue_indirect_dma source(%dma_start3A_304 : memref<10000x16xf32, #tpu.memory_space<vmem_shared>>) target(%arg9 : memref<256x16xf32, #tpu.memory_space<vmem>>) offsets(%dma_start3A_301 : memref<256xi32, #tpu.memory_space<vmem>>) semaphore(%arg13 : memref<!tpu.dma_semaphore, #tpu.memory_space<semaphore_mem>>)
      } else {
      }
      %add3A_281 = arith.constant 1 : i32
      %add3A_282 = arith.addi %add3A_246, %add3A_281 : i32
      %dma_wait3A_283 = arith.constant 0 : i32
      %dma_wait3A_284 = tpu.memref_slice %arg7[%add3A_282, %dma_wait3A_283] : memref<80x256xi32, #tpu.memory_space<vmem>> -> memref<1x256xi32, #tpu.memory_space<vmem>>
      %dma_wait3A_285 = tpu.memref_squeeze %dma_wait3A_284 : memref<1x256xi32, #tpu.memory_space<vmem>> -> memref<256xi32, #tpu.memory_space<vmem>>
      %dma_wait3A_286 = arith.constant 0 : i32
      %dma_wait3A_287 = arith.constant 0 : i32
      %dma_wait3A_288 = tpu.memref_slice %arg11[%dma_wait3A_286, %dma_wait3A_287] : memref<10000x16xf32, #tpu.memory_space<vmem_shared>> -> memref<10000x16xf32, #tpu.memory_space<vmem_shared>>
      tpu.wait_indirect_dma semaphore(%arg14 : memref<!tpu.dma_semaphore, #tpu.memory_space<semaphore_mem>>) src(%dma_wait3A_288 : memref<10000x16xf32, #tpu.memory_space<vmem_shared>>) dst(%arg10 : memref<256x16xf32, #tpu.memory_space<vmem>>)
      %add3A_289 = arith.constant 1 : i32
      %add3A_290 = arith.addi %add3A_246, %add3A_289 : i32
      %dma_start3A_291 = arith.constant 0 : i32
      %dma_start3A_292 = tpu.memref_slice %arg8[%add3A_290, %dma_start3A_291] : memref<80x256xi32, #tpu.memory_space<vmem>> -> memref<1x256xi32, #tpu.memory_space<vmem>>
      %dma_start3A_293 = tpu.memref_squeeze %dma_start3A_292 : memref<1x256xi32, #tpu.memory_space<vmem>> -> memref<256xi32, #tpu.memory_space<vmem>>
      %dma_start3A_294 = arith.constant 0 : i32
      %dma_start3A_295 = arith.constant 0 : i32
      %dma_start3A_296 = tpu.memref_slice %arg12[%dma_start3A_294, %dma_start3A_295] : memref<40016x16xf32, #tpu.memory_space<vmem_shared>> -> memref<40016x16xf32, #tpu.memory_space<vmem_shared>>
      tpu.enqueue_indirect_dma source(%arg10 : memref<256x16xf32, #tpu.memory_space<vmem>>) target(%dma_start3A_296 : memref<40016x16xf32, #tpu.memory_space<vmem_shared>>) offsets(%dma_start3A_293 : memref<256xi32, #tpu.memory_space<vmem>>) semaphore(%arg16 : memref<!tpu.dma_semaphore, #tpu.memory_space<semaphore_mem>>) {add = true}
    }
    %scan3A_121 = arith.constant 40 : i32
    %dma_wait3A_122 = arith.constant 79 : i32
    %dma_wait3A_123 = arith.constant 0 : i32
    %dma_wait3A_124 = tpu.memref_slice %arg8[%dma_wait3A_122, %dma_wait3A_123] : memref<80x256xi32, #tpu.memory_space<vmem>> -> memref<1x256xi32, #tpu.memory_space<vmem>>
    %dma_wait3A_125 = tpu.memref_squeeze %dma_wait3A_124 : memref<1x256xi32, #tpu.memory_space<vmem>> -> memref<256xi32, #tpu.memory_space<vmem>>
    %dma_wait3A_126 = arith.constant 0 : i32
    %dma_wait3A_127 = arith.constant 0 : i32
    %dma_wait3A_128 = tpu.memref_slice %arg12[%dma_wait3A_126, %dma_wait3A_127] : memref<40016x16xf32, #tpu.memory_space<vmem_shared>> -> memref<40016x16xf32, #tpu.memory_space<vmem_shared>>
    tpu.wait_indirect_dma semaphore(%arg16 : memref<!tpu.dma_semaphore, #tpu.memory_space<semaphore_mem>>) src(%arg10 : memref<256x16xf32, #tpu.memory_space<vmem>>) dst(%dma_wait3A_128 : memref<40016x16xf32, #tpu.memory_space<vmem_shared>>)
    %barrier3A_129 = arith.constant 0 : index
    tpu.barrier barrier_id(%barrier3A_129)
    %mul3A_130 = arith.constant 2500 : i32
    %mul3A_131 = arith.muli %arg1, %mul3A_130 : i32
    %mul3A_132 = arith.constant 2500 : i32
    %mul3A_133 = arith.muli %arg1, %mul3A_132 : i32
    "tpu.region"() ({
      %run_scoped3A = tpu.sem_alloc : memref<!tpu.dma_semaphore, #tpu.memory_space<semaphore_mem>>
      %dma_start3A_242 = tpu.memref_slice %arg6[%mul3A_133, %mul3A_85] : memref<40000x128xf32, #tpu.memory_space<hbm>> -> memref<2500x16xf32, #tpu.memory_space<hbm>>
      %dma_start3A_243 = arith.constant 0 : i32
      %dma_start3A_244 = tpu.memref_slice %arg12[%mul3A_131, %dma_start3A_243] : memref<40016x16xf32, #tpu.memory_space<vmem_shared>> -> memref<2500x16xf32, #tpu.memory_space<vmem_shared>>
      tpu.enqueue_dma source(%dma_start3A_244 : memref<2500x16xf32, #tpu.memory_space<vmem_shared>>) target(%dma_start3A_242 : memref<2500x16xf32, #tpu.memory_space<hbm>>) target_semaphore(%run_scoped3A : memref<!tpu.dma_semaphore, #tpu.memory_space<semaphore_mem>>)
      %dma_wait3A_245 = tpu.memref_slice %arg6[%mul3A_133, %mul3A_85] : memref<40000x128xf32, #tpu.memory_space<hbm>> -> memref<2500x16xf32, #tpu.memory_space<hbm>>
      %dma_wait3A_246 = arith.constant 0 : i32
      %dma_wait3A_247 = tpu.memref_slice %arg12[%mul3A_131, %dma_wait3A_246] : memref<40016x16xf32, #tpu.memory_space<vmem_shared>> -> memref<2500x16xf32, #tpu.memory_space<vmem_shared>>
      tpu.wait_dma2 semaphore(%run_scoped3A : memref<!tpu.dma_semaphore, #tpu.memory_space<semaphore_mem>>) src(%dma_wait3A_247 : memref<2500x16xf32, #tpu.memory_space<vmem_shared>>) dst(%dma_wait3A_245 : memref<2500x16xf32, #tpu.memory_space<hbm>>)
      tpu.yield
    }) : () -> ()
    %mul3A_134 = arith.constant 4 : i32
    %mul3A_135 = arith.muli %arg0, %mul3A_134 : i32
    %add3A_136 = arith.constant 2 : i32
    %add3A_137 = arith.addi %mul3A_135, %add3A_136 : i32
    %mul3A_138 = arith.constant 16 : i32
    %mul3A_139 = arith.muli %add3A_137, %mul3A_138 : i32
    %barrier3A_140 = arith.constant 0 : index
    tpu.barrier barrier_id(%barrier3A_140)
    %mul3A_141 = arith.constant 2501 : i32
    %mul3A_142 = arith.muli %arg1, %mul3A_141 : i32
    %dma_start3A_143 = arith.constant 0 : i32
    %dma_start3A_144 = tpu.memref_slice %arg12[%mul3A_142, %dma_start3A_143] : memref<40016x16xf32, #tpu.memory_space<vmem_shared>> -> memref<2501x16xf32, #tpu.memory_space<vmem_shared>>
    %dma_start3A_145 = arith.constant 0 : i32
    %dma_start3A_146 = arith.constant 0 : i32
    %dma_start3A_147 = tpu.memref_slice %arg5[%dma_start3A_145, %dma_start3A_146] : memref<2504x16xf32, #tpu.memory_space<hbm>> -> memref<2501x16xf32, #tpu.memory_space<hbm>>
    tpu.enqueue_dma source(%dma_start3A_147 : memref<2501x16xf32, #tpu.memory_space<hbm>>) target(%dma_start3A_144 : memref<2501x16xf32, #tpu.memory_space<vmem_shared>>) target_semaphore(%arg15 : memref<!tpu.dma_semaphore, #tpu.memory_space<semaphore_mem>>)
    %mul3A_148 = arith.constant 625 : i32
    %mul3A_149 = arith.muli %arg1, %mul3A_148 : i32
    %mul3A_150 = arith.constant 625 : i32
    %mul3A_151 = arith.muli %arg1, %mul3A_150 : i32
    %dma_start3A_152 = arith.constant 0 : i32
    %dma_start3A_153 = tpu.memref_slice %arg11[%mul3A_151, %dma_start3A_152] : memref<10000x16xf32, #tpu.memory_space<vmem_shared>> -> memref<625x16xf32, #tpu.memory_space<vmem_shared>>
    %dma_start3A_154 = tpu.memref_slice %arg2[%mul3A_149, %mul3A_139] : memref<10000x128xf32, #tpu.memory_space<hbm>> -> memref<625x16xf32, #tpu.memory_space<hbm>>
    tpu.enqueue_dma source(%dma_start3A_154 : memref<625x16xf32, #tpu.memory_space<hbm>>) target(%dma_start3A_153 : memref<625x16xf32, #tpu.memory_space<vmem_shared>>) target_semaphore(%arg16 : memref<!tpu.dma_semaphore, #tpu.memory_space<semaphore_mem>>)
    %dma_wait3A_155 = arith.constant 0 : i32
    %dma_wait3A_156 = tpu.memref_slice %arg12[%mul3A_142, %dma_wait3A_155] : memref<40016x16xf32, #tpu.memory_space<vmem_shared>> -> memref<2501x16xf32, #tpu.memory_space<vmem_shared>>
    %dma_wait3A_157 = arith.constant 0 : i32
    %dma_wait3A_158 = arith.constant 0 : i32
    %dma_wait3A_159 = tpu.memref_slice %arg5[%dma_wait3A_157, %dma_wait3A_158] : memref<2504x16xf32, #tpu.memory_space<hbm>> -> memref<2501x16xf32, #tpu.memory_space<hbm>>
    tpu.wait_dma2 semaphore(%arg15 : memref<!tpu.dma_semaphore, #tpu.memory_space<semaphore_mem>>) src(%dma_wait3A_159 : memref<2501x16xf32, #tpu.memory_space<hbm>>) dst(%dma_wait3A_156 : memref<2501x16xf32, #tpu.memory_space<vmem_shared>>)
    %dma_wait3A_160 = arith.constant 0 : i32
    %dma_wait3A_161 = tpu.memref_slice %arg11[%mul3A_151, %dma_wait3A_160] : memref<10000x16xf32, #tpu.memory_space<vmem_shared>> -> memref<625x16xf32, #tpu.memory_space<vmem_shared>>
    %dma_wait3A_162 = tpu.memref_slice %arg2[%mul3A_149, %mul3A_139] : memref<10000x128xf32, #tpu.memory_space<hbm>> -> memref<625x16xf32, #tpu.memory_space<hbm>>
    tpu.wait_dma2 semaphore(%arg16 : memref<!tpu.dma_semaphore, #tpu.memory_space<semaphore_mem>>) src(%dma_wait3A_162 : memref<625x16xf32, #tpu.memory_space<hbm>>) dst(%dma_wait3A_161 : memref<625x16xf32, #tpu.memory_space<vmem_shared>>)
    %barrier3A_163 = arith.constant 0 : index
    tpu.barrier barrier_id(%barrier3A_163)
    %dma_start3A_164 = arith.constant 0 : i32
    %dma_start3A_165 = arith.constant 0 : i32
    %dma_start3A_166 = tpu.memref_slice %arg7[%dma_start3A_164, %dma_start3A_165] : memref<80x256xi32, #tpu.memory_space<vmem>> -> memref<1x256xi32, #tpu.memory_space<vmem>>
    %dma_start3A_167 = tpu.memref_squeeze %dma_start3A_166 : memref<1x256xi32, #tpu.memory_space<vmem>> -> memref<256xi32, #tpu.memory_space<vmem>>
    %dma_start3A_168 = arith.constant 0 : i32
    %dma_start3A_169 = arith.constant 0 : i32
    %dma_start3A_170 = tpu.memref_slice %arg11[%dma_start3A_168, %dma_start3A_169] : memref<10000x16xf32, #tpu.memory_space<vmem_shared>> -> memref<10000x16xf32, #tpu.memory_space<vmem_shared>>
    tpu.enqueue_indirect_dma source(%dma_start3A_170 : memref<10000x16xf32, #tpu.memory_space<vmem_shared>>) target(%arg9 : memref<256x16xf32, #tpu.memory_space<vmem>>) offsets(%dma_start3A_167 : memref<256xi32, #tpu.memory_space<vmem>>) semaphore(%arg13 : memref<!tpu.dma_semaphore, #tpu.memory_space<semaphore_mem>>)
    %scan3A_171 = arith.constant 0 : i32
    %scan3A_172 = arith.constant 40 : i32
    %scan3A_173 = arith.addi %scan3A_171, %scan3A_172 : i32
    %scan3A_174 = arith.constant 1 : i32
    scf.for %scan3A_242 = %scan3A_171 to %scan3A_173 step %scan3A_174  : i32 {
      %mul3A_243 = arith.constant 2 : i32
      %mul3A_244 = arith.muli %scan3A_242, %mul3A_243 : i32
      %add3A_245 = arith.constant 0 : i32
      %add3A_246 = arith.addi %add3A_245, %mul3A_244 : i32
      %gt3A = arith.constant 0 : i32
      %gt3A_247 = arith.cmpi sgt, %add3A_246, %gt3A : i32
      %convert_element_type3A = arith.extui %gt3A_247 : i1 to i32
      %cond3A = arith.constant 0 : i32
      %cond3A_248 = arith.cmpi ne, %convert_element_type3A, %cond3A : i32
      scf.if %cond3A_248 {
        %sub3A = arith.constant 1 : i32
        %sub3A_297 = arith.subi %add3A_246, %sub3A : i32
        %dma_wait3A_298 = arith.constant 0 : i32
        %dma_wait3A_299 = tpu.memref_slice %arg8[%sub3A_297, %dma_wait3A_298] : memref<80x256xi32, #tpu.memory_space<vmem>> -> memref<1x256xi32, #tpu.memory_space<vmem>>
        %dma_wait3A_300 = tpu.memref_squeeze %dma_wait3A_299 : memref<1x256xi32, #tpu.memory_space<vmem>> -> memref<256xi32, #tpu.memory_space<vmem>>
        %dma_wait3A_301 = arith.constant 0 : i32
        %dma_wait3A_302 = arith.constant 0 : i32
        %dma_wait3A_303 = tpu.memref_slice %arg12[%dma_wait3A_301, %dma_wait3A_302] : memref<40016x16xf32, #tpu.memory_space<vmem_shared>> -> memref<40016x16xf32, #tpu.memory_space<vmem_shared>>
        tpu.wait_indirect_dma semaphore(%arg16 : memref<!tpu.dma_semaphore, #tpu.memory_space<semaphore_mem>>) src(%arg10 : memref<256x16xf32, #tpu.memory_space<vmem>>) dst(%dma_wait3A_303 : memref<40016x16xf32, #tpu.memory_space<vmem_shared>>)
      } else {
      }
      %add3A_249 = arith.constant 1 : i32
      %add3A_250 = arith.addi %add3A_246, %add3A_249 : i32
      %dma_start3A_251 = arith.constant 0 : i32
      %dma_start3A_252 = tpu.memref_slice %arg7[%add3A_250, %dma_start3A_251] : memref<80x256xi32, #tpu.memory_space<vmem>> -> memref<1x256xi32, #tpu.memory_space<vmem>>
      %dma_start3A_253 = tpu.memref_squeeze %dma_start3A_252 : memref<1x256xi32, #tpu.memory_space<vmem>> -> memref<256xi32, #tpu.memory_space<vmem>>
      %dma_start3A_254 = arith.constant 0 : i32
      %dma_start3A_255 = arith.constant 0 : i32
      %dma_start3A_256 = tpu.memref_slice %arg11[%dma_start3A_254, %dma_start3A_255] : memref<10000x16xf32, #tpu.memory_space<vmem_shared>> -> memref<10000x16xf32, #tpu.memory_space<vmem_shared>>
      tpu.enqueue_indirect_dma source(%dma_start3A_256 : memref<10000x16xf32, #tpu.memory_space<vmem_shared>>) target(%arg10 : memref<256x16xf32, #tpu.memory_space<vmem>>) offsets(%dma_start3A_253 : memref<256xi32, #tpu.memory_space<vmem>>) semaphore(%arg14 : memref<!tpu.dma_semaphore, #tpu.memory_space<semaphore_mem>>)
      %dma_wait3A_257 = arith.constant 0 : i32
      %dma_wait3A_258 = tpu.memref_slice %arg7[%add3A_246, %dma_wait3A_257] : memref<80x256xi32, #tpu.memory_space<vmem>> -> memref<1x256xi32, #tpu.memory_space<vmem>>
      %dma_wait3A_259 = tpu.memref_squeeze %dma_wait3A_258 : memref<1x256xi32, #tpu.memory_space<vmem>> -> memref<256xi32, #tpu.memory_space<vmem>>
      %dma_wait3A_260 = arith.constant 0 : i32
      %dma_wait3A_261 = arith.constant 0 : i32
      %dma_wait3A_262 = tpu.memref_slice %arg11[%dma_wait3A_260, %dma_wait3A_261] : memref<10000x16xf32, #tpu.memory_space<vmem_shared>> -> memref<10000x16xf32, #tpu.memory_space<vmem_shared>>
      tpu.wait_indirect_dma semaphore(%arg13 : memref<!tpu.dma_semaphore, #tpu.memory_space<semaphore_mem>>) src(%dma_wait3A_262 : memref<10000x16xf32, #tpu.memory_space<vmem_shared>>) dst(%arg9 : memref<256x16xf32, #tpu.memory_space<vmem>>)
      %dma_start3A_263 = arith.constant 0 : i32
      %dma_start3A_264 = tpu.memref_slice %arg8[%add3A_246, %dma_start3A_263] : memref<80x256xi32, #tpu.memory_space<vmem>> -> memref<1x256xi32, #tpu.memory_space<vmem>>
      %dma_start3A_265 = tpu.memref_squeeze %dma_start3A_264 : memref<1x256xi32, #tpu.memory_space<vmem>> -> memref<256xi32, #tpu.memory_space<vmem>>
      %dma_start3A_266 = arith.constant 0 : i32
      %dma_start3A_267 = arith.constant 0 : i32
      %dma_start3A_268 = tpu.memref_slice %arg12[%dma_start3A_266, %dma_start3A_267] : memref<40016x16xf32, #tpu.memory_space<vmem_shared>> -> memref<40016x16xf32, #tpu.memory_space<vmem_shared>>
      tpu.enqueue_indirect_dma source(%arg9 : memref<256x16xf32, #tpu.memory_space<vmem>>) target(%dma_start3A_268 : memref<40016x16xf32, #tpu.memory_space<vmem_shared>>) offsets(%dma_start3A_265 : memref<256xi32, #tpu.memory_space<vmem>>) semaphore(%arg15 : memref<!tpu.dma_semaphore, #tpu.memory_space<semaphore_mem>>) {add = true}
      %dma_wait3A_269 = arith.constant 0 : i32
      %dma_wait3A_270 = tpu.memref_slice %arg8[%add3A_246, %dma_wait3A_269] : memref<80x256xi32, #tpu.memory_space<vmem>> -> memref<1x256xi32, #tpu.memory_space<vmem>>
      %dma_wait3A_271 = tpu.memref_squeeze %dma_wait3A_270 : memref<1x256xi32, #tpu.memory_space<vmem>> -> memref<256xi32, #tpu.memory_space<vmem>>
      %dma_wait3A_272 = arith.constant 0 : i32
      %dma_wait3A_273 = arith.constant 0 : i32
      %dma_wait3A_274 = tpu.memref_slice %arg12[%dma_wait3A_272, %dma_wait3A_273] : memref<40016x16xf32, #tpu.memory_space<vmem_shared>> -> memref<40016x16xf32, #tpu.memory_space<vmem_shared>>
      tpu.wait_indirect_dma semaphore(%arg15 : memref<!tpu.dma_semaphore, #tpu.memory_space<semaphore_mem>>) src(%arg9 : memref<256x16xf32, #tpu.memory_space<vmem>>) dst(%dma_wait3A_274 : memref<40016x16xf32, #tpu.memory_space<vmem_shared>>)
      %add3A_275 = arith.constant 2 : i32
      %add3A_276 = arith.addi %add3A_246, %add3A_275 : i32
      %lt3A = arith.constant 80 : i32
      %lt3A_277 = arith.cmpi slt, %add3A_276, %lt3A : i32
      %convert_element_type3A_278 = arith.extui %lt3A_277 : i1 to i32
      %cond3A_279 = arith.constant 0 : i32
      %cond3A_280 = arith.cmpi ne, %convert_element_type3A_278, %cond3A_279 : i32
      scf.if %cond3A_280 {
        %add3A_297 = arith.constant 2 : i32
        %add3A_298 = arith.addi %add3A_246, %add3A_297 : i32
        %dma_start3A_299 = arith.constant 0 : i32
        %dma_start3A_300 = tpu.memref_slice %arg7[%add3A_298, %dma_start3A_299] : memref<80x256xi32, #tpu.memory_space<vmem>> -> memref<1x256xi32, #tpu.memory_space<vmem>>
        %dma_start3A_301 = tpu.memref_squeeze %dma_start3A_300 : memref<1x256xi32, #tpu.memory_space<vmem>> -> memref<256xi32, #tpu.memory_space<vmem>>
        %dma_start3A_302 = arith.constant 0 : i32
        %dma_start3A_303 = arith.constant 0 : i32
        %dma_start3A_304 = tpu.memref_slice %arg11[%dma_start3A_302, %dma_start3A_303] : memref<10000x16xf32, #tpu.memory_space<vmem_shared>> -> memref<10000x16xf32, #tpu.memory_space<vmem_shared>>
        tpu.enqueue_indirect_dma source(%dma_start3A_304 : memref<10000x16xf32, #tpu.memory_space<vmem_shared>>) target(%arg9 : memref<256x16xf32, #tpu.memory_space<vmem>>) offsets(%dma_start3A_301 : memref<256xi32, #tpu.memory_space<vmem>>) semaphore(%arg13 : memref<!tpu.dma_semaphore, #tpu.memory_space<semaphore_mem>>)
      } else {
      }
      %add3A_281 = arith.constant 1 : i32
      %add3A_282 = arith.addi %add3A_246, %add3A_281 : i32
      %dma_wait3A_283 = arith.constant 0 : i32
      %dma_wait3A_284 = tpu.memref_slice %arg7[%add3A_282, %dma_wait3A_283] : memref<80x256xi32, #tpu.memory_space<vmem>> -> memref<1x256xi32, #tpu.memory_space<vmem>>
      %dma_wait3A_285 = tpu.memref_squeeze %dma_wait3A_284 : memref<1x256xi32, #tpu.memory_space<vmem>> -> memref<256xi32, #tpu.memory_space<vmem>>
      %dma_wait3A_286 = arith.constant 0 : i32
      %dma_wait3A_287 = arith.constant 0 : i32
      %dma_wait3A_288 = tpu.memref_slice %arg11[%dma_wait3A_286, %dma_wait3A_287] : memref<10000x16xf32, #tpu.memory_space<vmem_shared>> -> memref<10000x16xf32, #tpu.memory_space<vmem_shared>>
      tpu.wait_indirect_dma semaphore(%arg14 : memref<!tpu.dma_semaphore, #tpu.memory_space<semaphore_mem>>) src(%dma_wait3A_288 : memref<10000x16xf32, #tpu.memory_space<vmem_shared>>) dst(%arg10 : memref<256x16xf32, #tpu.memory_space<vmem>>)
      %add3A_289 = arith.constant 1 : i32
      %add3A_290 = arith.addi %add3A_246, %add3A_289 : i32
      %dma_start3A_291 = arith.constant 0 : i32
      %dma_start3A_292 = tpu.memref_slice %arg8[%add3A_290, %dma_start3A_291] : memref<80x256xi32, #tpu.memory_space<vmem>> -> memref<1x256xi32, #tpu.memory_space<vmem>>
      %dma_start3A_293 = tpu.memref_squeeze %dma_start3A_292 : memref<1x256xi32, #tpu.memory_space<vmem>> -> memref<256xi32, #tpu.memory_space<vmem>>
      %dma_start3A_294 = arith.constant 0 : i32
      %dma_start3A_295 = arith.constant 0 : i32
      %dma_start3A_296 = tpu.memref_slice %arg12[%dma_start3A_294, %dma_start3A_295] : memref<40016x16xf32, #tpu.memory_space<vmem_shared>> -> memref<40016x16xf32, #tpu.memory_space<vmem_shared>>
      tpu.enqueue_indirect_dma source(%arg10 : memref<256x16xf32, #tpu.memory_space<vmem>>) target(%dma_start3A_296 : memref<40016x16xf32, #tpu.memory_space<vmem_shared>>) offsets(%dma_start3A_293 : memref<256xi32, #tpu.memory_space<vmem>>) semaphore(%arg16 : memref<!tpu.dma_semaphore, #tpu.memory_space<semaphore_mem>>) {add = true}
    }
    %scan3A_175 = arith.constant 40 : i32
    %dma_wait3A_176 = arith.constant 79 : i32
    %dma_wait3A_177 = arith.constant 0 : i32
    %dma_wait3A_178 = tpu.memref_slice %arg8[%dma_wait3A_176, %dma_wait3A_177] : memref<80x256xi32, #tpu.memory_space<vmem>> -> memref<1x256xi32, #tpu.memory_space<vmem>>
    %dma_wait3A_179 = tpu.memref_squeeze %dma_wait3A_178 : memref<1x256xi32, #tpu.memory_space<vmem>> -> memref<256xi32, #tpu.memory_space<vmem>>
    %dma_wait3A_180 = arith.constant 0 : i32
    %dma_wait3A_181 = arith.constant 0 : i32
    %dma_wait3A_182 = tpu.memref_slice %arg12[%dma_wait3A_180, %dma_wait3A_181] : memref<40016x16xf32, #tpu.memory_space<vmem_shared>> -> memref<40016x16xf32, #tpu.memory_space<vmem_shared>>
    tpu.wait_indirect_dma semaphore(%arg16 : memref<!tpu.dma_semaphore, #tpu.memory_space<semaphore_mem>>) src(%arg10 : memref<256x16xf32, #tpu.memory_space<vmem>>) dst(%dma_wait3A_182 : memref<40016x16xf32, #tpu.memory_space<vmem_shared>>)
    %barrier3A_183 = arith.constant 0 : index
    tpu.barrier barrier_id(%barrier3A_183)
    %mul3A_184 = arith.constant 2500 : i32
    %mul3A_185 = arith.muli %arg1, %mul3A_184 : i32
    %mul3A_186 = arith.constant 2500 : i32
    %mul3A_187 = arith.muli %arg1, %mul3A_186 : i32
    "tpu.region"() ({
      %run_scoped3A = tpu.sem_alloc : memref<!tpu.dma_semaphore, #tpu.memory_space<semaphore_mem>>
      %dma_start3A_242 = tpu.memref_slice %arg6[%mul3A_187, %mul3A_139] : memref<40000x128xf32, #tpu.memory_space<hbm>> -> memref<2500x16xf32, #tpu.memory_space<hbm>>
      %dma_start3A_243 = arith.constant 0 : i32
      %dma_start3A_244 = tpu.memref_slice %arg12[%mul3A_185, %dma_start3A_243] : memref<40016x16xf32, #tpu.memory_space<vmem_shared>> -> memref<2500x16xf32, #tpu.memory_space<vmem_shared>>
      tpu.enqueue_dma source(%dma_start3A_244 : memref<2500x16xf32, #tpu.memory_space<vmem_shared>>) target(%dma_start3A_242 : memref<2500x16xf32, #tpu.memory_space<hbm>>) target_semaphore(%run_scoped3A : memref<!tpu.dma_semaphore, #tpu.memory_space<semaphore_mem>>)
      %dma_wait3A_245 = tpu.memref_slice %arg6[%mul3A_187, %mul3A_139] : memref<40000x128xf32, #tpu.memory_space<hbm>> -> memref<2500x16xf32, #tpu.memory_space<hbm>>
      %dma_wait3A_246 = arith.constant 0 : i32
      %dma_wait3A_247 = tpu.memref_slice %arg12[%mul3A_185, %dma_wait3A_246] : memref<40016x16xf32, #tpu.memory_space<vmem_shared>> -> memref<2500x16xf32, #tpu.memory_space<vmem_shared>>
      tpu.wait_dma2 semaphore(%run_scoped3A : memref<!tpu.dma_semaphore, #tpu.memory_space<semaphore_mem>>) src(%dma_wait3A_247 : memref<2500x16xf32, #tpu.memory_space<vmem_shared>>) dst(%dma_wait3A_245 : memref<2500x16xf32, #tpu.memory_space<hbm>>)
      tpu.yield
    }) : () -> ()
    %mul3A_188 = arith.constant 4 : i32
    %mul3A_189 = arith.muli %arg0, %mul3A_188 : i32
    %add3A_190 = arith.constant 3 : i32
    %add3A_191 = arith.addi %mul3A_189, %add3A_190 : i32
    %mul3A_192 = arith.constant 16 : i32
    %mul3A_193 = arith.muli %add3A_191, %mul3A_192 : i32
    %barrier3A_194 = arith.constant 0 : index
    tpu.barrier barrier_id(%barrier3A_194)
    %mul3A_195 = arith.constant 2501 : i32
    %mul3A_196 = arith.muli %arg1, %mul3A_195 : i32
    %dma_start3A_197 = arith.constant 0 : i32
    %dma_start3A_198 = tpu.memref_slice %arg12[%mul3A_196, %dma_start3A_197] : memref<40016x16xf32, #tpu.memory_space<vmem_shared>> -> memref<2501x16xf32, #tpu.memory_space<vmem_shared>>
    %dma_start3A_199 = arith.constant 0 : i32
    %dma_start3A_200 = arith.constant 0 : i32
    %dma_start3A_201 = tpu.memref_slice %arg5[%dma_start3A_199, %dma_start3A_200] : memref<2504x16xf32, #tpu.memory_space<hbm>> -> memref<2501x16xf32, #tpu.memory_space<hbm>>
    tpu.enqueue_dma source(%dma_start3A_201 : memref<2501x16xf32, #tpu.memory_space<hbm>>) target(%dma_start3A_198 : memref<2501x16xf32, #tpu.memory_space<vmem_shared>>) target_semaphore(%arg15 : memref<!tpu.dma_semaphore, #tpu.memory_space<semaphore_mem>>)
    %mul3A_202 = arith.constant 625 : i32
    %mul3A_203 = arith.muli %arg1, %mul3A_202 : i32
    %mul3A_204 = arith.constant 625 : i32
    %mul3A_205 = arith.muli %arg1, %mul3A_204 : i32
    %dma_start3A_206 = arith.constant 0 : i32
    %dma_start3A_207 = tpu.memref_slice %arg11[%mul3A_205, %dma_start3A_206] : memref<10000x16xf32, #tpu.memory_space<vmem_shared>> -> memref<625x16xf32, #tpu.memory_space<vmem_shared>>
    %dma_start3A_208 = tpu.memref_slice %arg2[%mul3A_203, %mul3A_193] : memref<10000x128xf32, #tpu.memory_space<hbm>> -> memref<625x16xf32, #tpu.memory_space<hbm>>
    tpu.enqueue_dma source(%dma_start3A_208 : memref<625x16xf32, #tpu.memory_space<hbm>>) target(%dma_start3A_207 : memref<625x16xf32, #tpu.memory_space<vmem_shared>>) target_semaphore(%arg16 : memref<!tpu.dma_semaphore, #tpu.memory_space<semaphore_mem>>)
    %dma_wait3A_209 = arith.constant 0 : i32
    %dma_wait3A_210 = tpu.memref_slice %arg12[%mul3A_196, %dma_wait3A_209] : memref<40016x16xf32, #tpu.memory_space<vmem_shared>> -> memref<2501x16xf32, #tpu.memory_space<vmem_shared>>
    %dma_wait3A_211 = arith.constant 0 : i32
    %dma_wait3A_212 = arith.constant 0 : i32
    %dma_wait3A_213 = tpu.memref_slice %arg5[%dma_wait3A_211, %dma_wait3A_212] : memref<2504x16xf32, #tpu.memory_space<hbm>> -> memref<2501x16xf32, #tpu.memory_space<hbm>>
    tpu.wait_dma2 semaphore(%arg15 : memref<!tpu.dma_semaphore, #tpu.memory_space<semaphore_mem>>) src(%dma_wait3A_213 : memref<2501x16xf32, #tpu.memory_space<hbm>>) dst(%dma_wait3A_210 : memref<2501x16xf32, #tpu.memory_space<vmem_shared>>)
    %dma_wait3A_214 = arith.constant 0 : i32
    %dma_wait3A_215 = tpu.memref_slice %arg11[%mul3A_205, %dma_wait3A_214] : memref<10000x16xf32, #tpu.memory_space<vmem_shared>> -> memref<625x16xf32, #tpu.memory_space<vmem_shared>>
    %dma_wait3A_216 = tpu.memref_slice %arg2[%mul3A_203, %mul3A_193] : memref<10000x128xf32, #tpu.memory_space<hbm>> -> memref<625x16xf32, #tpu.memory_space<hbm>>
    tpu.wait_dma2 semaphore(%arg16 : memref<!tpu.dma_semaphore, #tpu.memory_space<semaphore_mem>>) src(%dma_wait3A_216 : memref<625x16xf32, #tpu.memory_space<hbm>>) dst(%dma_wait3A_215 : memref<625x16xf32, #tpu.memory_space<vmem_shared>>)
    %barrier3A_217 = arith.constant 0 : index
    tpu.barrier barrier_id(%barrier3A_217)
    %dma_start3A_218 = arith.constant 0 : i32
    %dma_start3A_219 = arith.constant 0 : i32
    %dma_start3A_220 = tpu.memref_slice %arg7[%dma_start3A_218, %dma_start3A_219] : memref<80x256xi32, #tpu.memory_space<vmem>> -> memref<1x256xi32, #tpu.memory_space<vmem>>
    %dma_start3A_221 = tpu.memref_squeeze %dma_start3A_220 : memref<1x256xi32, #tpu.memory_space<vmem>> -> memref<256xi32, #tpu.memory_space<vmem>>
    %dma_start3A_222 = arith.constant 0 : i32
    %dma_start3A_223 = arith.constant 0 : i32
    %dma_start3A_224 = tpu.memref_slice %arg11[%dma_start3A_222, %dma_start3A_223] : memref<10000x16xf32, #tpu.memory_space<vmem_shared>> -> memref<10000x16xf32, #tpu.memory_space<vmem_shared>>
    tpu.enqueue_indirect_dma source(%dma_start3A_224 : memref<10000x16xf32, #tpu.memory_space<vmem_shared>>) target(%arg9 : memref<256x16xf32, #tpu.memory_space<vmem>>) offsets(%dma_start3A_221 : memref<256xi32, #tpu.memory_space<vmem>>) semaphore(%arg13 : memref<!tpu.dma_semaphore, #tpu.memory_space<semaphore_mem>>)
    %scan3A_225 = arith.constant 0 : i32
    %scan3A_226 = arith.constant 40 : i32
    %scan3A_227 = arith.addi %scan3A_225, %scan3A_226 : i32
    %scan3A_228 = arith.constant 1 : i32
    scf.for %scan3A_242 = %scan3A_225 to %scan3A_227 step %scan3A_228  : i32 {
      %mul3A_243 = arith.constant 2 : i32
      %mul3A_244 = arith.muli %scan3A_242, %mul3A_243 : i32
      %add3A_245 = arith.constant 0 : i32
      %add3A_246 = arith.addi %add3A_245, %mul3A_244 : i32
      %gt3A = arith.constant 0 : i32
      %gt3A_247 = arith.cmpi sgt, %add3A_246, %gt3A : i32
      %convert_element_type3A = arith.extui %gt3A_247 : i1 to i32
      %cond3A = arith.constant 0 : i32
      %cond3A_248 = arith.cmpi ne, %convert_element_type3A, %cond3A : i32
      scf.if %cond3A_248 {
        %sub3A = arith.constant 1 : i32
        %sub3A_297 = arith.subi %add3A_246, %sub3A : i32
        %dma_wait3A_298 = arith.constant 0 : i32
        %dma_wait3A_299 = tpu.memref_slice %arg8[%sub3A_297, %dma_wait3A_298] : memref<80x256xi32, #tpu.memory_space<vmem>> -> memref<1x256xi32, #tpu.memory_space<vmem>>
        %dma_wait3A_300 = tpu.memref_squeeze %dma_wait3A_299 : memref<1x256xi32, #tpu.memory_space<vmem>> -> memref<256xi32, #tpu.memory_space<vmem>>
        %dma_wait3A_301 = arith.constant 0 : i32
        %dma_wait3A_302 = arith.constant 0 : i32
        %dma_wait3A_303 = tpu.memref_slice %arg12[%dma_wait3A_301, %dma_wait3A_302] : memref<40016x16xf32, #tpu.memory_space<vmem_shared>> -> memref<40016x16xf32, #tpu.memory_space<vmem_shared>>
        tpu.wait_indirect_dma semaphore(%arg16 : memref<!tpu.dma_semaphore, #tpu.memory_space<semaphore_mem>>) src(%arg10 : memref<256x16xf32, #tpu.memory_space<vmem>>) dst(%dma_wait3A_303 : memref<40016x16xf32, #tpu.memory_space<vmem_shared>>)
      } else {
      }
      %add3A_249 = arith.constant 1 : i32
      %add3A_250 = arith.addi %add3A_246, %add3A_249 : i32
      %dma_start3A_251 = arith.constant 0 : i32
      %dma_start3A_252 = tpu.memref_slice %arg7[%add3A_250, %dma_start3A_251] : memref<80x256xi32, #tpu.memory_space<vmem>> -> memref<1x256xi32, #tpu.memory_space<vmem>>
      %dma_start3A_253 = tpu.memref_squeeze %dma_start3A_252 : memref<1x256xi32, #tpu.memory_space<vmem>> -> memref<256xi32, #tpu.memory_space<vmem>>
      %dma_start3A_254 = arith.constant 0 : i32
      %dma_start3A_255 = arith.constant 0 : i32
      %dma_start3A_256 = tpu.memref_slice %arg11[%dma_start3A_254, %dma_start3A_255] : memref<10000x16xf32, #tpu.memory_space<vmem_shared>> -> memref<10000x16xf32, #tpu.memory_space<vmem_shared>>
      tpu.enqueue_indirect_dma source(%dma_start3A_256 : memref<10000x16xf32, #tpu.memory_space<vmem_shared>>) target(%arg10 : memref<256x16xf32, #tpu.memory_space<vmem>>) offsets(%dma_start3A_253 : memref<256xi32, #tpu.memory_space<vmem>>) semaphore(%arg14 : memref<!tpu.dma_semaphore, #tpu.memory_space<semaphore_mem>>)
      %dma_wait3A_257 = arith.constant 0 : i32
      %dma_wait3A_258 = tpu.memref_slice %arg7[%add3A_246, %dma_wait3A_257] : memref<80x256xi32, #tpu.memory_space<vmem>> -> memref<1x256xi32, #tpu.memory_space<vmem>>
      %dma_wait3A_259 = tpu.memref_squeeze %dma_wait3A_258 : memref<1x256xi32, #tpu.memory_space<vmem>> -> memref<256xi32, #tpu.memory_space<vmem>>
      %dma_wait3A_260 = arith.constant 0 : i32
      %dma_wait3A_261 = arith.constant 0 : i32
      %dma_wait3A_262 = tpu.memref_slice %arg11[%dma_wait3A_260, %dma_wait3A_261] : memref<10000x16xf32, #tpu.memory_space<vmem_shared>> -> memref<10000x16xf32, #tpu.memory_space<vmem_shared>>
      tpu.wait_indirect_dma semaphore(%arg13 : memref<!tpu.dma_semaphore, #tpu.memory_space<semaphore_mem>>) src(%dma_wait3A_262 : memref<10000x16xf32, #tpu.memory_space<vmem_shared>>) dst(%arg9 : memref<256x16xf32, #tpu.memory_space<vmem>>)
      %dma_start3A_263 = arith.constant 0 : i32
      %dma_start3A_264 = tpu.memref_slice %arg8[%add3A_246, %dma_start3A_263] : memref<80x256xi32, #tpu.memory_space<vmem>> -> memref<1x256xi32, #tpu.memory_space<vmem>>
      %dma_start3A_265 = tpu.memref_squeeze %dma_start3A_264 : memref<1x256xi32, #tpu.memory_space<vmem>> -> memref<256xi32, #tpu.memory_space<vmem>>
      %dma_start3A_266 = arith.constant 0 : i32
      %dma_start3A_267 = arith.constant 0 : i32
      %dma_start3A_268 = tpu.memref_slice %arg12[%dma_start3A_266, %dma_start3A_267] : memref<40016x16xf32, #tpu.memory_space<vmem_shared>> -> memref<40016x16xf32, #tpu.memory_space<vmem_shared>>
      tpu.enqueue_indirect_dma source(%arg9 : memref<256x16xf32, #tpu.memory_space<vmem>>) target(%dma_start3A_268 : memref<40016x16xf32, #tpu.memory_space<vmem_shared>>) offsets(%dma_start3A_265 : memref<256xi32, #tpu.memory_space<vmem>>) semaphore(%arg15 : memref<!tpu.dma_semaphore, #tpu.memory_space<semaphore_mem>>) {add = true}
      %dma_wait3A_269 = arith.constant 0 : i32
      %dma_wait3A_270 = tpu.memref_slice %arg8[%add3A_246, %dma_wait3A_269] : memref<80x256xi32, #tpu.memory_space<vmem>> -> memref<1x256xi32, #tpu.memory_space<vmem>>
      %dma_wait3A_271 = tpu.memref_squeeze %dma_wait3A_270 : memref<1x256xi32, #tpu.memory_space<vmem>> -> memref<256xi32, #tpu.memory_space<vmem>>
      %dma_wait3A_272 = arith.constant 0 : i32
      %dma_wait3A_273 = arith.constant 0 : i32
      %dma_wait3A_274 = tpu.memref_slice %arg12[%dma_wait3A_272, %dma_wait3A_273] : memref<40016x16xf32, #tpu.memory_space<vmem_shared>> -> memref<40016x16xf32, #tpu.memory_space<vmem_shared>>
      tpu.wait_indirect_dma semaphore(%arg15 : memref<!tpu.dma_semaphore, #tpu.memory_space<semaphore_mem>>) src(%arg9 : memref<256x16xf32, #tpu.memory_space<vmem>>) dst(%dma_wait3A_274 : memref<40016x16xf32, #tpu.memory_space<vmem_shared>>)
      %add3A_275 = arith.constant 2 : i32
      %add3A_276 = arith.addi %add3A_246, %add3A_275 : i32
      %lt3A = arith.constant 80 : i32
      %lt3A_277 = arith.cmpi slt, %add3A_276, %lt3A : i32
      %convert_element_type3A_278 = arith.extui %lt3A_277 : i1 to i32
      %cond3A_279 = arith.constant 0 : i32
      %cond3A_280 = arith.cmpi ne, %convert_element_type3A_278, %cond3A_279 : i32
      scf.if %cond3A_280 {
        %add3A_297 = arith.constant 2 : i32
        %add3A_298 = arith.addi %add3A_246, %add3A_297 : i32
        %dma_start3A_299 = arith.constant 0 : i32
        %dma_start3A_300 = tpu.memref_slice %arg7[%add3A_298, %dma_start3A_299] : memref<80x256xi32, #tpu.memory_space<vmem>> -> memref<1x256xi32, #tpu.memory_space<vmem>>
        %dma_start3A_301 = tpu.memref_squeeze %dma_start3A_300 : memref<1x256xi32, #tpu.memory_space<vmem>> -> memref<256xi32, #tpu.memory_space<vmem>>
        %dma_start3A_302 = arith.constant 0 : i32
        %dma_start3A_303 = arith.constant 0 : i32
        %dma_start3A_304 = tpu.memref_slice %arg11[%dma_start3A_302, %dma_start3A_303] : memref<10000x16xf32, #tpu.memory_space<vmem_shared>> -> memref<10000x16xf32, #tpu.memory_space<vmem_shared>>
        tpu.enqueue_indirect_dma source(%dma_start3A_304 : memref<10000x16xf32, #tpu.memory_space<vmem_shared>>) target(%arg9 : memref<256x16xf32, #tpu.memory_space<vmem>>) offsets(%dma_start3A_301 : memref<256xi32, #tpu.memory_space<vmem>>) semaphore(%arg13 : memref<!tpu.dma_semaphore, #tpu.memory_space<semaphore_mem>>)
      } else {
      }
      %add3A_281 = arith.constant 1 : i32
      %add3A_282 = arith.addi %add3A_246, %add3A_281 : i32
      %dma_wait3A_283 = arith.constant 0 : i32
      %dma_wait3A_284 = tpu.memref_slice %arg7[%add3A_282, %dma_wait3A_283] : memref<80x256xi32, #tpu.memory_space<vmem>> -> memref<1x256xi32, #tpu.memory_space<vmem>>
      %dma_wait3A_285 = tpu.memref_squeeze %dma_wait3A_284 : memref<1x256xi32, #tpu.memory_space<vmem>> -> memref<256xi32, #tpu.memory_space<vmem>>
      %dma_wait3A_286 = arith.constant 0 : i32
      %dma_wait3A_287 = arith.constant 0 : i32
      %dma_wait3A_288 = tpu.memref_slice %arg11[%dma_wait3A_286, %dma_wait3A_287] : memref<10000x16xf32, #tpu.memory_space<vmem_shared>> -> memref<10000x16xf32, #tpu.memory_space<vmem_shared>>
      tpu.wait_indirect_dma semaphore(%arg14 : memref<!tpu.dma_semaphore, #tpu.memory_space<semaphore_mem>>) src(%dma_wait3A_288 : memref<10000x16xf32, #tpu.memory_space<vmem_shared>>) dst(%arg10 : memref<256x16xf32, #tpu.memory_space<vmem>>)
      %add3A_289 = arith.constant 1 : i32
      %add3A_290 = arith.addi %add3A_246, %add3A_289 : i32
      %dma_start3A_291 = arith.constant 0 : i32
      %dma_start3A_292 = tpu.memref_slice %arg8[%add3A_290, %dma_start3A_291] : memref<80x256xi32, #tpu.memory_space<vmem>> -> memref<1x256xi32, #tpu.memory_space<vmem>>
      %dma_start3A_293 = tpu.memref_squeeze %dma_start3A_292 : memref<1x256xi32, #tpu.memory_space<vmem>> -> memref<256xi32, #tpu.memory_space<vmem>>
      %dma_start3A_294 = arith.constant 0 : i32
      %dma_start3A_295 = arith.constant 0 : i32
      %dma_start3A_296 = tpu.memref_slice %arg12[%dma_start3A_294, %dma_start3A_295] : memref<40016x16xf32, #tpu.memory_space<vmem_shared>> -> memref<40016x16xf32, #tpu.memory_space<vmem_shared>>
      tpu.enqueue_indirect_dma source(%arg10 : memref<256x16xf32, #tpu.memory_space<vmem>>) target(%dma_start3A_296 : memref<40016x16xf32, #tpu.memory_space<vmem_shared>>) offsets(%dma_start3A_293 : memref<256xi32, #tpu.memory_space<vmem>>) semaphore(%arg16 : memref<!tpu.dma_semaphore, #tpu.memory_space<semaphore_mem>>) {add = true}
    }
    %scan3A_229 = arith.constant 40 : i32
    %dma_wait3A_230 = arith.constant 79 : i32
    %dma_wait3A_231 = arith.constant 0 : i32
    %dma_wait3A_232 = tpu.memref_slice %arg8[%dma_wait3A_230, %dma_wait3A_231] : memref<80x256xi32, #tpu.memory_space<vmem>> -> memref<1x256xi32, #tpu.memory_space<vmem>>
    %dma_wait3A_233 = tpu.memref_squeeze %dma_wait3A_232 : memref<1x256xi32, #tpu.memory_space<vmem>> -> memref<256xi32, #tpu.memory_space<vmem>>
    %dma_wait3A_234 = arith.constant 0 : i32
    %dma_wait3A_235 = arith.constant 0 : i32
    %dma_wait3A_236 = tpu.memref_slice %arg12[%dma_wait3A_234, %dma_wait3A_235] : memref<40016x16xf32, #tpu.memory_space<vmem_shared>> -> memref<40016x16xf32, #tpu.memory_space<vmem_shared>>
    tpu.wait_indirect_dma semaphore(%arg16 : memref<!tpu.dma_semaphore, #tpu.memory_space<semaphore_mem>>) src(%arg10 : memref<256x16xf32, #tpu.memory_space<vmem>>) dst(%dma_wait3A_236 : memref<40016x16xf32, #tpu.memory_space<vmem_shared>>)
    %barrier3A_237 = arith.constant 0 : index
    tpu.barrier barrier_id(%barrier3A_237)
    %mul3A_238 = arith.constant 2500 : i32
    %mul3A_239 = arith.muli %arg1, %mul3A_238 : i32
    %mul3A_240 = arith.constant 2500 : i32
    %mul3A_241 = arith.muli %arg1, %mul3A_240 : i32
    "tpu.region"() ({
      %run_scoped3A = tpu.sem_alloc : memref<!tpu.dma_semaphore, #tpu.memory_space<semaphore_mem>>
      %dma_start3A_242 = tpu.memref_slice %arg6[%mul3A_241, %mul3A_193] : memref<40000x128xf32, #tpu.memory_space<hbm>> -> memref<2500x16xf32, #tpu.memory_space<hbm>>
      %dma_start3A_243 = arith.constant 0 : i32
      %dma_start3A_244 = tpu.memref_slice %arg12[%mul3A_239, %dma_start3A_243] : memref<40016x16xf32, #tpu.memory_space<vmem_shared>> -> memref<2500x16xf32, #tpu.memory_space<vmem_shared>>
      tpu.enqueue_dma source(%dma_start3A_244 : memref<2500x16xf32, #tpu.memory_space<vmem_shared>>) target(%dma_start3A_242 : memref<2500x16xf32, #tpu.memory_space<hbm>>) target_semaphore(%run_scoped3A : memref<!tpu.dma_semaphore, #tpu.memory_space<semaphore_mem>>)
      %dma_wait3A_245 = tpu.memref_slice %arg6[%mul3A_241, %mul3A_193] : memref<40000x128xf32, #tpu.memory_space<hbm>> -> memref<2500x16xf32, #tpu.memory_space<hbm>>
      %dma_wait3A_246 = arith.constant 0 : i32
      %dma_wait3A_247 = tpu.memref_slice %arg12[%mul3A_239, %dma_wait3A_246] : memref<40016x16xf32, #tpu.memory_space<vmem_shared>> -> memref<2500x16xf32, #tpu.memory_space<vmem_shared>>
      tpu.wait_dma2 semaphore(%run_scoped3A : memref<!tpu.dma_semaphore, #tpu.memory_space<semaphore_mem>>) src(%dma_wait3A_247 : memref<2500x16xf32, #tpu.memory_space<vmem_shared>>) dst(%dma_wait3A_245 : memref<2500x16xf32, #tpu.memory_space<hbm>>)
      tpu.yield
    }) : () -> ()
    return
  }
}

module attributes {stable_mosaic.version = 14 : i64} {
  func.func @body(%arg0: i32, %arg1: memref<1000x128xf32, #tpu.memory_space<vmem>>, %arg2: memref<128x128xf32, #tpu.memory_space<vmem>>, %arg3: memref<128xf32, #tpu.memory_space<vmem>>, %arg4: memref<1000x128xf32, #tpu.memory_space<vmem>>) attributes {dimension_semantics = [#tpu.dimension_semantics<arbitrary>], iteration_bounds = array<i64: 10>, scalar_prefetch = 0 : i64, scratch_operands = 0 : i64, tpu.core_type = #tpu.core_type<tc>, window_params = [{transform_indices = @transform_0, window_bounds = array<i64: 1000, 128>}, {pipeline_mode = #tpu.pipeline_mode<synchronous>, transform_indices = @transform_1, window_bounds = array<i64: 128, 128>}, {pipeline_mode = #tpu.pipeline_mode<synchronous>, transform_indices = @transform_2, window_bounds = array<i64: 128>}, {transform_indices = @transform_3, window_bounds = array<i64: 1000, 128>}]} {
    %get3A = arith.constant 0 : index
    %get3A_0 = arith.constant 0 : index
    %get3A_1 = vector.load %arg1[%get3A, %get3A_0] : memref<1000x128xf32, #tpu.memory_space<vmem>>, vector<1000x128xf32>
    %get3A_2 = arith.constant 0 : index
    %get3A_3 = arith.constant 0 : index
    %get3A_4 = vector.load %arg2[%get3A_2, %get3A_3] : memref<128x128xf32, #tpu.memory_space<vmem>>, vector<128x128xf32>
    %transpose3A = tpu.transpose %get3A_4, [1, 0] : vector<128x128xf32> -> vector<128x128xf32>
    %dot_general3A = arith.constant dense<0.000000e+00> : vector<1000x128xf32>
    %dot_general3A_5 = tpu.matmul %get3A_1, %transpose3A, %dot_general3A {dimension_numbers = #tpu.dot_dimension_numbers<[1], [0], [0], [1], [0, 0, 1, 1], [], []>, transpose_lhs_hint = false} : vector<1000x128xf32>, vector<128x128xf32>, vector<1000x128xf32> -> vector<1000x128xf32>
    %get3A_6 = arith.constant 0 : index
    %get3A_7 = vector.load %arg3[%get3A_6] : memref<128xf32, #tpu.memory_space<vmem>>, vector<128xf32>
    %broadcast_in_dim3A = vector.shape_cast %get3A_7 : vector<128xf32> to vector<1x128xf32>
    %add3A = vector.broadcast %broadcast_in_dim3A : vector<1x128xf32> to vector<1000x128xf32>
    %add3A_8 = arith.addf %dot_general3A_5, %add3A : vector<1000x128xf32>
    %swap3A = arith.constant 0 : index
    %swap3A_9 = arith.constant 0 : index
    %swap3A_10 = vector.load %arg4[%swap3A, %swap3A_9] : memref<1000x128xf32, #tpu.memory_space<vmem>>, vector<1000x128xf32>
    tpu.vector_store %arg4[%swap3A, %swap3A_9], %add3A_8 {strides = array<i32>} : memref<1000x128xf32, #tpu.memory_space<vmem>>, vector<1000x128xf32>,
    return
  }
  func.func @transform_0(%arg0: i32) -> (i32, i32) {
    %c0_i32 = arith.constant 0 : i32
    %c0_i32_0 = arith.constant 0 : i32
    return %arg0, %c0_i32 : i32, i32
  }
  func.func @transform_1(%arg0: i32) -> (i32, i32) {
    %c0_i32 = arith.constant 0 : i32
    %c0_i32_0 = arith.constant 0 : i32
    %c0_i32_1 = arith.constant 0 : i32
    return %c0_i32, %c0_i32_0 : i32, i32
  }
  func.func @transform_2(%arg0: i32) -> i32 {
    %c0_i32 = arith.constant 0 : i32
    %c0_i32_0 = arith.constant 0 : i32
    return %c0_i32 : i32
  }
  func.func @transform_3(%arg0: i32) -> (i32, i32) {
    %c0_i32 = arith.constant 0 : i32
    %c0_i32_0 = arith.constant 0 : i32
    return %arg0, %c0_i32 : i32, i32
  }
}

module attributes {stable_mosaic.version = 14 : i64} {
  func.func @body(%arg0: i32, %arg1: memref<2000x128xf32, #tpu.memory_space<vmem>>, %arg2: memref<2000x16xf32, #tpu.memory_space<vmem>>, %arg3: memref<2000x128xf32, #tpu.memory_space<vmem>>) attributes {dimension_semantics = [#tpu.dimension_semantics<arbitrary>], iteration_bounds = array<i64: 5>, scalar_prefetch = 0 : i64, scratch_operands = 0 : i64, tpu.core_type = #tpu.core_type<tc>, window_params = [{transform_indices = @transform_0, window_bounds = array<i64: 2000, 128>}, {transform_indices = @transform_1, window_bounds = array<i64: 2000, 16>}, {transform_indices = @transform_2, window_bounds = array<i64: 2000, 128>}]} {
    %get3A = arith.constant 0 : index
    %get3A_0 = arith.constant 0 : index
    %get3A_1 = vector.load %arg1[%get3A, %get3A_0] : memref<2000x128xf32, #tpu.memory_space<vmem>>, vector<2000x128xf32>
    %get3A_2 = arith.constant 0 : index
    %get3A_3 = arith.constant 0 : index
    %get3A_4 = vector.load %arg2[%get3A_2, %get3A_3] : memref<2000x16xf32, #tpu.memory_space<vmem>>, vector<2000x16xf32>
    %slice3A = vector.extract_strided_slice %get3A_4 {offsets = [0, 0], sizes = [2000, 1], strides = [1, 1]} : vector<2000x16xf32> to vector<2000x1xf32>
    %gt3A = arith.constant 0.000000e+00 : f32
    %gt3A_5 = vector.broadcast %gt3A : f32 to vector<2000x1xf32>
    %gt3A_6 = arith.cmpf ogt, %slice3A, %gt3A_5 : vector<2000x1xf32>
    %max3A = arith.constant 9.99999996E-13 : f32
    %max3A_7 = vector.broadcast %max3A : f32 to vector<2000x1xf32>
    %max3A_8 = arith.maximumf %slice3A, %max3A_7 : vector<2000x1xf32>
    %sqrt3A = math.sqrt %max3A_8 : vector<2000x1xf32>
    %div3A = arith.constant 1.000000e+00 : f32
    %div3A_9 = vector.broadcast %div3A : f32 to vector<2000x1xf32>
    %div3A_10 = arith.divf %div3A_9, %sqrt3A : vector<2000x1xf32>
    %jit3A = arith.constant 0.000000e+00 : f32
    %broadcast_in_dim3A = vector.broadcast %jit3A : f32 to vector<2000x1xf32>
    %select_n3A = arith.select %gt3A_6, %div3A_10, %broadcast_in_dim3A : vector<2000x1xi1>, vector<2000x1xf32>
    %mul3A = vector.broadcast %select_n3A : vector<2000x1xf32> to vector<2000x128xf32>
    %mul3A_11 = arith.mulf %get3A_1, %mul3A : vector<2000x128xf32>
    %swap3A = arith.constant 0 : index
    %swap3A_12 = arith.constant 0 : index
    %swap3A_13 = vector.load %arg3[%swap3A, %swap3A_12] : memref<2000x128xf32, #tpu.memory_space<vmem>>, vector<2000x128xf32>
    tpu.vector_store %arg3[%swap3A, %swap3A_12], %mul3A_11 {strides = array<i32>} : memref<2000x128xf32, #tpu.memory_space<vmem>>, vector<2000x128xf32>,
    return
  }
  func.func @transform_0(%arg0: i32) -> (i32, i32) {
    %c0_i32 = arith.constant 0 : i32
    %c0_i32_0 = arith.constant 0 : i32
    return %arg0, %c0_i32 : i32, i32
  }
  func.func @transform_1(%arg0: i32) -> (i32, i32) {
    %c0_i32 = arith.constant 0 : i32
    %c0_i32_0 = arith.constant 0 : i32
    return %arg0, %c0_i32 : i32, i32
  }
  func.func @transform_2(%arg0: i32) -> (i32, i32) {
    %c0_i32 = arith.constant 0 : i32
    %c0_i32_0 = arith.constant 0 : i32
    return %arg0, %c0_i32 : i32, i32
  }
}

module attributes {stable_mosaic.version = 14 : i64} {
  func.func @body(%arg0: i32, %arg1: memref<5000x128xf32, #tpu.memory_space<vmem>>, %arg2: memref<5000x16xf32, #tpu.memory_space<vmem>>, %arg3: memref<5000x128xf32, #tpu.memory_space<vmem>>) attributes {dimension_semantics = [#tpu.dimension_semantics<arbitrary>], iteration_bounds = array<i64: 8>, scalar_prefetch = 0 : i64, scratch_operands = 0 : i64, tpu.core_type = #tpu.core_type<tc>, window_params = [{transform_indices = @transform_0, window_bounds = array<i64: 5000, 128>}, {transform_indices = @transform_1, window_bounds = array<i64: 5000, 16>}, {transform_indices = @transform_2, window_bounds = array<i64: 5000, 128>}]} {
    %get3A = arith.constant 0 : index
    %get3A_0 = arith.constant 0 : index
    %get3A_1 = vector.load %arg1[%get3A, %get3A_0] : memref<5000x128xf32, #tpu.memory_space<vmem>>, vector<5000x128xf32>
    %get3A_2 = arith.constant 0 : index
    %get3A_3 = arith.constant 0 : index
    %get3A_4 = vector.load %arg2[%get3A_2, %get3A_3] : memref<5000x16xf32, #tpu.memory_space<vmem>>, vector<5000x16xf32>
    %slice3A = vector.extract_strided_slice %get3A_4 {offsets = [0, 0], sizes = [5000, 1], strides = [1, 1]} : vector<5000x16xf32> to vector<5000x1xf32>
    %gt3A = arith.constant 0.000000e+00 : f32
    %gt3A_5 = vector.broadcast %gt3A : f32 to vector<5000x1xf32>
    %gt3A_6 = arith.cmpf ogt, %slice3A, %gt3A_5 : vector<5000x1xf32>
    %max3A = arith.constant 9.99999996E-13 : f32
    %max3A_7 = vector.broadcast %max3A : f32 to vector<5000x1xf32>
    %max3A_8 = arith.maximumf %slice3A, %max3A_7 : vector<5000x1xf32>
    %div3A = arith.constant 1.000000e+00 : f32
    %div3A_9 = vector.broadcast %div3A : f32 to vector<5000x1xf32>
    %div3A_10 = arith.divf %div3A_9, %max3A_8 : vector<5000x1xf32>
    %jit3A = arith.constant 0.000000e+00 : f32
    %broadcast_in_dim3A = vector.broadcast %jit3A : f32 to vector<5000x1xf32>
    %select_n3A = arith.select %gt3A_6, %div3A_10, %broadcast_in_dim3A : vector<5000x1xi1>, vector<5000x1xf32>
    %mul3A = vector.broadcast %select_n3A : vector<5000x1xf32> to vector<5000x128xf32>
    %mul3A_11 = arith.mulf %get3A_1, %mul3A : vector<5000x128xf32>
    %swap3A = arith.constant 0 : index
    %swap3A_12 = arith.constant 0 : index
    %swap3A_13 = vector.load %arg3[%swap3A, %swap3A_12] : memref<5000x128xf32, #tpu.memory_space<vmem>>, vector<5000x128xf32>
    tpu.vector_store %arg3[%swap3A, %swap3A_12], %mul3A_11 {strides = array<i32>} : memref<5000x128xf32, #tpu.memory_space<vmem>>, vector<5000x128xf32>,
    return
  }
  func.func @transform_0(%arg0: i32) -> (i32, i32) {
    %c0_i32 = arith.constant 0 : i32
    %c0_i32_0 = arith.constant 0 : i32
    return %arg0, %c0_i32 : i32, i32
  }
  func.func @transform_1(%arg0: i32) -> (i32, i32) {
    %c0_i32 = arith.constant 0 : i32
    %c0_i32_0 = arith.constant 0 : i32
    return %arg0, %c0_i32 : i32, i32
  }
  func.func @transform_2(%arg0: i32) -> (i32, i32) {
    %c0_i32 = arith.constant 0 : i32
    %c0_i32_0 = arith.constant 0 : i32
    return %arg0, %c0_i32 : i32, i32
  }
}

module attributes {stable_mosaic.version = 14 : i64} {
  func.func @body(%arg0: i32, %arg1: memref<2000x128xf32, #tpu.memory_space<vmem>>, %arg2: memref<2000x16xf32, #tpu.memory_space<vmem>>, %arg3: memref<2000x128xf32, #tpu.memory_space<vmem>>, %arg4: memref<2000x128xf32, #tpu.memory_space<vmem>>, %arg5: memref<2000x128xf32, #tpu.memory_space<vmem>>) attributes {dimension_semantics = [#tpu.dimension_semantics<arbitrary>], iteration_bounds = array<i64: 5>, scalar_prefetch = 0 : i64, scratch_operands = 0 : i64, tpu.core_type = #tpu.core_type<tc>, window_params = [{transform_indices = @transform_0, window_bounds = array<i64: 2000, 128>}, {transform_indices = @transform_1, window_bounds = array<i64: 2000, 16>}, {transform_indices = @transform_2, window_bounds = array<i64: 2000, 128>}, {transform_indices = @transform_3, window_bounds = array<i64: 2000, 128>}, {transform_indices = @transform_4, window_bounds = array<i64: 2000, 128>}]} {
    %get3A = arith.constant 0 : index
    %get3A_0 = arith.constant 0 : index
    %get3A_1 = vector.load %arg1[%get3A, %get3A_0] : memref<2000x128xf32, #tpu.memory_space<vmem>>, vector<2000x128xf32>
    %get3A_2 = arith.constant 0 : index
    %get3A_3 = arith.constant 0 : index
    %get3A_4 = vector.load %arg2[%get3A_2, %get3A_3] : memref<2000x16xf32, #tpu.memory_space<vmem>>, vector<2000x16xf32>
    %slice3A = vector.extract_strided_slice %get3A_4 {offsets = [0, 0], sizes = [2000, 1], strides = [1, 1]} : vector<2000x16xf32> to vector<2000x1xf32>
    %gt3A = arith.constant 0.000000e+00 : f32
    %gt3A_5 = vector.broadcast %gt3A : f32 to vector<2000x1xf32>
    %gt3A_6 = arith.cmpf ogt, %slice3A, %gt3A_5 : vector<2000x1xf32>
    %max3A = arith.constant 9.99999996E-13 : f32
    %max3A_7 = vector.broadcast %max3A : f32 to vector<2000x1xf32>
    %max3A_8 = arith.maximumf %slice3A, %max3A_7 : vector<2000x1xf32>
    %sqrt3A = math.sqrt %max3A_8 : vector<2000x1xf32>
    %div3A = arith.constant 1.000000e+00 : f32
    %div3A_9 = vector.broadcast %div3A : f32 to vector<2000x1xf32>
    %div3A_10 = arith.divf %div3A_9, %sqrt3A : vector<2000x1xf32>
    %jit3A = arith.constant 0.000000e+00 : f32
    %broadcast_in_dim3A = vector.broadcast %jit3A : f32 to vector<2000x1xf32>
    %select_n3A = arith.select %gt3A_6, %div3A_10, %broadcast_in_dim3A : vector<2000x1xi1>, vector<2000x1xf32>
    %mul3A = vector.broadcast %select_n3A : vector<2000x1xf32> to vector<2000x128xf32>
    %mul3A_11 = arith.mulf %get3A_1, %mul3A : vector<2000x128xf32>
    %ge3A = arith.constant 0.000000e+00 : f32
    %ge3A_12 = vector.broadcast %ge3A : f32 to vector<2000x128xf32>
    %ge3A_13 = arith.cmpf oge, %mul3A_11, %ge3A_12 : vector<2000x128xf32>
    %mul3A_14 = arith.constant 0.00999999977 : f32
    %mul3A_15 = vector.broadcast %mul3A_14 : f32 to vector<2000x128xf32>
    %mul3A_16 = arith.mulf %mul3A_15, %mul3A_11 : vector<2000x128xf32>
    %select_n3A_17 = arith.select %ge3A_13, %mul3A_11, %mul3A_16 : vector<2000x128xi1>, vector<2000x128xf32>
    %swap3A = arith.constant 0 : index
    %swap3A_18 = arith.constant 0 : index
    %swap3A_19 = vector.load %arg4[%swap3A, %swap3A_18] : memref<2000x128xf32, #tpu.memory_space<vmem>>, vector<2000x128xf32>
    tpu.vector_store %arg4[%swap3A, %swap3A_18], %select_n3A_17 {strides = array<i32>} : memref<2000x128xf32, #tpu.memory_space<vmem>>, vector<2000x128xf32>,
    %get3A_20 = arith.constant 0 : index
    %get3A_21 = arith.constant 0 : index
    %get3A_22 = vector.load %arg3[%get3A_20, %get3A_21] : memref<2000x128xf32, #tpu.memory_space<vmem>>, vector<2000x128xf32>
    %add3A = arith.addf %get3A_22, %select_n3A_17 : vector<2000x128xf32>
    %mul3A_23 = arith.constant 5.000000e-01 : f32
    %mul3A_24 = vector.broadcast %mul3A_23 : f32 to vector<2000x128xf32>
    %mul3A_25 = arith.mulf %add3A, %mul3A_24 : vector<2000x128xf32>
    %swap3A_26 = arith.constant 0 : index
    %swap3A_27 = arith.constant 0 : index
    %swap3A_28 = vector.load %arg5[%swap3A_26, %swap3A_27] : memref<2000x128xf32, #tpu.memory_space<vmem>>, vector<2000x128xf32>
    tpu.vector_store %arg5[%swap3A_26, %swap3A_27], %mul3A_25 {strides = array<i32>} : memref<2000x128xf32, #tpu.memory_space<vmem>>, vector<2000x128xf32>,
    return
  }
  func.func @transform_0(%arg0: i32) -> (i32, i32) {
    %c0_i32 = arith.constant 0 : i32
    %c0_i32_0 = arith.constant 0 : i32
    return %arg0, %c0_i32 : i32, i32
  }
  func.func @transform_1(%arg0: i32) -> (i32, i32) {
    %c0_i32 = arith.constant 0 : i32
    %c0_i32_0 = arith.constant 0 : i32
    return %arg0, %c0_i32 : i32, i32
  }
  func.func @transform_2(%arg0: i32) -> (i32, i32) {
    %c0_i32 = arith.constant 0 : i32
    %c0_i32_0 = arith.constant 0 : i32
    return %arg0, %c0_i32 : i32, i32
  }
  func.func @transform_3(%arg0: i32) -> (i32, i32) {
    %c0_i32 = arith.constant 0 : i32
    %c0_i32_0 = arith.constant 0 : i32
    return %arg0, %c0_i32 : i32, i32
  }
  func.func @transform_4(%arg0: i32) -> (i32, i32) {
    %c0_i32 = arith.constant 0 : i32
    %c0_i32_0 = arith.constant 0 : i32
    return %arg0, %c0_i32 : i32, i32
  }
}

module attributes {stable_mosaic.version = 14 : i64} {
  func.func @body(%arg0: i32, %arg1: memref<5000x128xf32, #tpu.memory_space<vmem>>, %arg2: memref<5000x16xf32, #tpu.memory_space<vmem>>, %arg3: memref<5000x128xf32, #tpu.memory_space<vmem>>) attributes {dimension_semantics = [#tpu.dimension_semantics<arbitrary>], iteration_bounds = array<i64: 8>, scalar_prefetch = 0 : i64, scratch_operands = 0 : i64, tpu.core_type = #tpu.core_type<tc>, window_params = [{transform_indices = @transform_0, window_bounds = array<i64: 5000, 128>}, {transform_indices = @transform_1, window_bounds = array<i64: 5000, 16>}, {transform_indices = @transform_2, window_bounds = array<i64: 5000, 128>}]} {
    %get3A = arith.constant 0 : index
    %get3A_0 = arith.constant 0 : index
    %get3A_1 = vector.load %arg1[%get3A, %get3A_0] : memref<5000x128xf32, #tpu.memory_space<vmem>>, vector<5000x128xf32>
    %get3A_2 = arith.constant 0 : index
    %get3A_3 = arith.constant 0 : index
    %get3A_4 = vector.load %arg2[%get3A_2, %get3A_3] : memref<5000x16xf32, #tpu.memory_space<vmem>>, vector<5000x16xf32>
    %slice3A = vector.extract_strided_slice %get3A_4 {offsets = [0, 0], sizes = [5000, 1], strides = [1, 1]} : vector<5000x16xf32> to vector<5000x1xf32>
    %gt3A = arith.constant 0.000000e+00 : f32
    %gt3A_5 = vector.broadcast %gt3A : f32 to vector<5000x1xf32>
    %gt3A_6 = arith.cmpf ogt, %slice3A, %gt3A_5 : vector<5000x1xf32>
    %max3A = arith.constant 9.99999996E-13 : f32
    %max3A_7 = vector.broadcast %max3A : f32 to vector<5000x1xf32>
    %max3A_8 = arith.maximumf %slice3A, %max3A_7 : vector<5000x1xf32>
    %div3A = arith.constant 1.000000e+00 : f32
    %div3A_9 = vector.broadcast %div3A : f32 to vector<5000x1xf32>
    %div3A_10 = arith.divf %div3A_9, %max3A_8 : vector<5000x1xf32>
    %jit3A = arith.constant 0.000000e+00 : f32
    %broadcast_in_dim3A = vector.broadcast %jit3A : f32 to vector<5000x1xf32>
    %select_n3A = arith.select %gt3A_6, %div3A_10, %broadcast_in_dim3A : vector<5000x1xi1>, vector<5000x1xf32>
    %mul3A = vector.broadcast %select_n3A : vector<5000x1xf32> to vector<5000x128xf32>
    %mul3A_11 = arith.mulf %get3A_1, %mul3A : vector<5000x128xf32>
    %swap3A = arith.constant 0 : index
    %swap3A_12 = arith.constant 0 : index
    %swap3A_13 = vector.load %arg3[%swap3A, %swap3A_12] : memref<5000x128xf32, #tpu.memory_space<vmem>>, vector<5000x128xf32>
    tpu.vector_store %arg3[%swap3A, %swap3A_12], %mul3A_11 {strides = array<i32>} : memref<5000x128xf32, #tpu.memory_space<vmem>>, vector<5000x128xf32>,
    return
  }
  func.func @transform_0(%arg0: i32) -> (i32, i32) {
    %c0_i32 = arith.constant 0 : i32
    %c0_i32_0 = arith.constant 0 : i32
    return %arg0, %c0_i32 : i32, i32
  }
  func.func @transform_1(%arg0: i32) -> (i32, i32) {
    %c0_i32 = arith.constant 0 : i32
    %c0_i32_0 = arith.constant 0 : i32
    return %arg0, %c0_i32 : i32, i32
  }
  func.func @transform_2(%arg0: i32) -> (i32, i32) {
    %c0_i32 = arith.constant 0 : i32
    %c0_i32_0 = arith.constant 0 : i32
    return %arg0, %c0_i32 : i32, i32
  }
}

</mosaic_0001>

<sc_bundles>
// kernel: kernel.11.cloned.1.call-start
scs
__scs_entry_jumppad:
0x0: {  	(pc) =	sbr.rel $0x88, $3  }
0x1: {  	(tag) =	ssettag $0x0;
	lr =	simm.s32 $0x1  }
0x2: {  	[smem:$0x3F9C] =	sst lr;
	_ =	strace $0xD0000000  }
0x3: {  	_ = 	snop  }
0x4: {  	_ = 	snop  }
0x5: {  	_ = 	snop  }
0x6: {  	_ = 	snop  }
0x7: {  	_ = 	snop  }
__scs_overlays_trampoline_lowered:
0x8: {  	[smem:$0x3FAB] =	sst s0  }
0x9: {  	[smem:$0x3FAC] =	sst s1  }
0xa: {  	[smem:$0x3FAD] =	sst s2  }
0xb: {  	[smem:$0x3FAE] =	sst s3  }
0xc: {  	[smem:$0x3FAF] =	sst s4  }
0xd: {  	[smem:$0x3FB0] =	sst s5  }
0xe: {  	[smem:$0x3FB1] =	sst s6  }
0xf: {  	[smem:$0x3FB2] =	sst s7  }
0x10: {  	[smem:$0x3FB3] =	sst s8  }
0x11: {  	[smem:$0x3FB4] =	sst s9;
	s0 =	simm.s32 @!p0 $0x0  }
0x12: {  	s1 =	sld [smem:$0x3F9A];
	s0 =	simm.s32 @p0 $0x1  }
0x13: {  	[smem:$0x3FB5] =	sst s0;
	s0 =	simm.s32 @!p1 $0x0  }
0x14: {  	s2 =	sld [smem:$0x3F99];
	s0 =	simm.s32 @p1 $0x1  }
0x15: {  	[smem:$0x3FB6] =	sst s0;
	s0 =	simm.s32 @!p2 $0x0  }
0x16: {  	s3 =	sld [smem:$0x3FDB];
	s0 =	simm.s32 @p2 $0x1  }
0x17: {  	s4 =	simm.s32 $0x1BF5;
	[smem:$0x3FB8] =	sst s0  }
0x18: {  	s0 =	sld [smem:$0x3F9B];
	_ =	swait.ge [sflag:s4], $0x0  }
0x19: {  	s7 =	sld [smem:$0x3F9C]  }
0x1a: {  	s8 =	sadd.s32 $0xFFFFE003, lr  }
0x1b: {  	s9 =	sadd.s32 $0xFFFFFEF7, lr;
	s5 =	simm.s32 $0xFFFFFFFF;
	p2 =	slt.u32 s8, $0xFFFFF086  }
0x1c: {  	p1 =	slt.u32 s9, $0xF7A;
	s5 =	simm.s32 @!p2 $0x0  }
0x1d: {  	s5 =	simm.s32 @p1 $0x1;
	p0 =	seq.s32 s7, s2  }
0x1e: {  	s7 =	smul.u32 @!p0 $0xF7A, s2;
	p2 =	seq.s32 @!p0 s5, $0x0  }
0x1f: {  	s9 =	smul.u32 $0xF7A, s1;
	s8 =	simm.s32 @!p0 $0x1BF5;
	p2 =	por !p2, p0  }
0x20: {  	[sflag:s8] =	ssyncset.s32 @!p0 $0xFFFFF086;
	s6 =	sadd.s32 @!p0 s3, s7;
	s7 =	simm.s32 @!p0 $0x108  }
0x21: {  	s3 =	sadd.s32 s3, s9;
	s6 =	sadd.s32 @!p0 $0x88, s6;
	s7 =	simm.s32 @p2 $0x1082  }
0x22: {  	[simem:s7], [sflag:s8] =	dma.local @!p0 [hbm:s6], $0xF7A  }
0x23: {  	s9 =	sor.u32 $0xD0000000, s2;
	s6 =	simm.s32 $0x108;
	_ =	swait.ge @!p0 [sflag:s8], $0x0  }
0x24: {  	s3 =	sadd.s32 $0x88, s3;
	s6 =	simm.s32 @!p1 $0x1082;
	[sflag:s4] =	ssyncset.s32 $0xFFFFF086  }
0x25: {  	[simem:s6], [sflag:s4] =	dma.local [hbm:s3], $0xF7A  }
0x26: {  	[smem:$0x3F9C] =	sst s1;
	(tag) =	ssettag s2;
	_ =	strace s9  }
0x27: {  	s1 =	sld [smem:$0x3FAC]  }
0x28: {  	s2 =	sld [smem:$0x3FAD]  }
0x29: {  	s4 =	sld [smem:$0x3FAF]  }
0x2a: {  	p0 =	seq.s32 s5, $0x0;
	s5 =	sld [smem:$0x3FB0]  }
0x2b: {  	s6 =	sld [smem:$0x3FB1]  }
0x2c: {  	s7 =	sld [smem:$0x3FB2]  }
0x2d: {  	s3 =	simm.s32 $0x108;
	s8 =	sld [smem:$0x3FB3]  }
0x2e: {  	s3 =	simm.s32 @!p0 $0x1082;
	s9 =	sld [smem:$0x3FB4]  }
0x2f: {  	lr =	sadd.s32 s0, s3;
	s0 =	sld [smem:$0x3FAB]  }
0x30: {  	s3 =	sld [smem:$0x3FAE]  }
0x31: {  	[smem:$0x3FB7] =	sst s10  }
0x32: {  	s10 =	sld [smem:$0x3FB5];
	_ =	sdelay $0x3  }
0x33: {  	p0 =	seq.s32 s10, $0x1;
	s10 =	sld [smem:$0x3FB7];
	_ =	sdelay $0x3  }
0x34: {  	[smem:$0x3FB7] =	sst s10  }
0x35: {  	s10 =	sld [smem:$0x3FB6];
	_ =	sdelay $0x3  }
0x36: {  	p1 =	seq.s32 s10, $0x1;
	s10 =	sld [smem:$0x3FB7];
	_ =	sdelay $0x3  }
0x37: {  	[smem:$0x3FB7] =	sst s10  }
0x38: {  	s10 =	sld [smem:$0x3FB8]  }
0x39: {  	_ = 	snop;
	(pc) =	sbr.ind lr, $3  }
0x3a: {  	_ = 	snop  }
0x3b: {  	_ = 	snop  }
0x3c: {  	p2 =	seq.s32 s10, $0x1;
	s10 =	sld [smem:$0x3FB7]  }
0x3d: {  	_ =	shalt  }
0x3e: {  	_ =	shalt  }
0x3f: {  	_ =	shalt  }
0x40: {  	_ =	shalt  }
0x41: {  	_ =	shalt  }
0x42: {  	_ =	shalt  }
0x43: {  	_ =	shalt  }
0x44: {  	_ =	shalt  }
0x45: {  	_ =	shalt  }
0x46: {  	_ =	shalt  }
0x47: {  	_ =	shalt  }
0x48: {  	_ =	shalt  }
0x49: {  	_ =	shalt  }
0x4a: {  	_ =	shalt  }
0x4b: {  	_ =	shalt  }
0x4c: {  	_ =	shalt  }
0x4d: {  	_ =	shalt  }
0x4e: {  	_ =	shalt  }
0x4f: {  	_ =	shalt  }
0x50: {  	_ =	shalt  }
0x51: {  	_ =	shalt  }
0x52: {  	_ =	shalt  }
0x53: {  	_ =	shalt  }
0x54: {  	_ =	shalt  }
0x55: {  	_ =	shalt  }
0x56: {  	_ =	shalt  }
0x57: {  	_ =	shalt  }
0x58: {  	_ =	shalt  }
0x59: {  	_ =	shalt  }
0x5a: {  	_ =	shalt  }
0x5b: {  	_ =	shalt  }
0x5c: {  	_ =	shalt  }
0x5d: {  	_ =	shalt  }
0x5e: {  	_ =	shalt  }
0x5f: {  	_ =	shalt  }
0x60: {  	_ =	shalt  }
0x61: {  	_ =	shalt  }
0x62: {  	_ =	shalt  }
0x63: {  	_ =	shalt  }
0x64: {  	_ =	shalt  }
0x65: {  	_ =	shalt  }
0x66: {  	_ =	shalt  }
0x67: {  	_ =	shalt  }
0x68: {  	_ =	shalt  }
0x69: {  	_ =	shalt  }
0x6a: {  	_ =	shalt  }
0x6b: {  	_ =	shalt  }
0x6c: {  	_ =	shalt  }
0x6d: {  	_ =	shalt  }
0x6e: {  	_ =	shalt  }
0x6f: {  	_ =	shalt  }
0x70: {  	_ =	shalt  }
0x71: {  	_ =	shalt  }
0x72: {  	_ =	shalt  }
0x73: {  	_ =	shalt  }
0x74: {  	_ =	shalt  }
0x75: {  	_ =	shalt  }
0x76: {  	_ =	shalt  }
0x77: {  	_ =	shalt  }
0x78: {  	_ =	shalt  }
0x79: {  	_ =	shalt  }
0x7a: {  	_ =	shalt  }
0x7b: {  	_ =	shalt  }
0x7c: {  	_ =	shalt  }
0x7d: {  	_ =	shalt  }
0x7e: {  	_ =	shalt  }
0x7f: {  	_ =	shalt  }
0x80: {  	_ =	shalt  }
0x81: {  	_ =	shalt  }
0x82: {  	_ =	shalt  }
0x83: {  	_ =	shalt  }
0x84: {  	_ =	shalt  }
0x85: {  	_ =	shalt  }
0x86: {  	_ =	shalt  }
0x87: {  	_ =	shalt  }
.Lfunc_end0:
.L_simem_size_0:
called_computation_lowered:
.L_overlay_start_0:
0x88: {  	s2 =	sld [smem:$0x3FD9]  }
0x89: {  	s3 =	sld [smem:$0x3FFE];
	_ =	sdelay $0x1  }
0x8a: {  	s1 =	srdreg.scid  }
0x8b: {  	s0 =	sand.u32 $0x1, s1  }
0x8c: {  	s14 =	sshll.u32 s0, $0xA;
	s2 =	sadd.s32 s3, s2  }
0x8d: {  	s2 =	sadd.s32 s2, s14  }
0x8e: {  	[smem:$0x3FC3] =	sst s2  }
0x8f: {  	_ = 	snop  }
0x90: {  	s2 =	sld [smem:$0x3FD0];
	_ =	sdelay $0x2  }
0x91: {  	s15 =	simm.s32 $0xA;
	s4 =	simm.s32 $0x10  }
0x92: {  	[smem:s4], [sflag:s15] =	dma.local [hbm:s2], $0x1  }
0x93: {  	_ =	swait.eq [sflag:s15], $0x1  }
0x94: {  	[sflag:s15] =	ssyncset.done $0x0  }
0x95: {  	[sflag:s15] =	ssyncadd.s32 $0xFFFFFFFF  }
0x96: {  	s16 =	sld [smem:$0x10];
	(tm) =	ssettm $0x1  }
0x97: {  	s17 =	sld [smem:$0x3FFB];
	_ =	sdelay $0x3  }
0x98: {  	_ =	strace s17  }
0x99: {  	s3 =	sld [smem:$0x3FFC];
	_ =	sdelay $0x3  }
0x9a: {  	_ =	strace s3  }
0x9b: {  	s3 =	sld [smem:$0x3FFD];
	_ =	sdelay $0x3  }
0x9c: {  	_ =	strace s3  }
0x9d: {  	_ =	strace $0x8FFFFFFF  }
0x9e: {  	s18 =	sld [smem:$0x3FDB];
	_ =	sdelay $0x1  }
0x9f: {  	s19 =	simm.s32 $_scs_section_size  }
0xa0: {  	s5 =	simm.s32 $_size__tile_overlayer_lowered;
	s6 =	simm.s32 $_tile_overlayer_lowered  }
0xa1: {  	s22 =	simm.s32 $0x1BFF;
	s21 =	sshll.u32 s6, $0x1;
	s3 =	sadd.s32 s19, s18  }
0xa2: {  	s7 =	simm.s32 $0x0;
	s20 =	sshll.u32 s5, $0x1;
	s5 =	sadd.s32 s21, s3  }
0xa3: {  	[timem:s7], [sflag:s22] =	dma.local [hbm:s5], s20  }
0xa4: {  	_ =	swait.ge [sflag:s22], s20  }
0xa5: {  	s4 =	ssub.s32 $0x0, s20;
	[sflag:s22] =	ssyncset.done $0x0  }
0xa6: {  	[sflag:s22] =	ssyncadd.s32 s4;
	_ =	sdelay $0x1  }
0xa7: {  	s23 =	simm.s32 $0x1B8B  }
0xa8: {  	_ =	swait.ge [sflag:s23], $0x1  }
0xa9: {  	[sflag:s23] =	ssyncset.done $0x0  }
0xaa: {  	s25 =	simm.s32 $0x1B8E;
	s24 =	sld [smem:$0x3FFE];
	[sflag:s23] =	ssyncadd.s32 $0xFFFFFFFF  }
0xab: {  	s26 =	simm.s32 $execute0_lowered;
	[smem:$0x3FD2] =	sst s25  }
0xac: {  	s5 =	sshll.u32 s26, $0x1;
	_ =	strace $0x80000046;
	[dreg:$0x1] =	wrdreg $0xFFFFFFFF  }
0xad: {  	s28 =	simm.s32 $_size_execute0_lowered;
	s3 =	sadd.s32 s3, s5;
	[dreg:$0x0] =	wrdreg $0x0  }
0xae: {  	s5 =	sshll.u32 s28, $0x1;
	[dreg:$0x2] =	wrdreg s3  }
0xaf: {  	[dreg:$0x3] =	wrdreg s5  }
0xb0: {  	[dreg:$0x4] =	wrdreg $0xC0  }
0xb1: {  	_ =	task [dreg:s7], $0x5FFFF  }
0xb2: {  	[dreg:$0x1] =	wrdreg $0xFFFFFFFF  }
0xb3: {  	[dreg:$0x0] =	wrdreg $0x60  }
0xb4: {  	[dreg:$0x2] =	wrdreg s24  }
0xb5: {  	[dreg:$0x3] =	wrdreg s16  }
0xb6: {  	[dreg:$0x4] =	wrdreg $0x60000  }
0xb7: {  	[dreg:$0x5] =	wrdreg $0x9  }
0xb8: {  	_ =	task.clear_ibuf [dreg:s7], $0x6FFFF;
	_ =	strace $0x90000046  }
0xb9: {  	s29 =	simm.s32 $0x9;
	_ =	strace $0x80000048  }
0xba: {  	_ =	swait.ge [sflag:s29], $0x1  }
0xbb: {  	[sflag:s29] =	ssyncadd.s32 $0xFFFFFFFF  }
0xbc: {  	_ =	strace $0x90000048  }
0xbd: {  	_ =	sfence  }
0xbe: {  	s30 =	sld [smem:$0x0];
	_ =	sdelay $0x2  }
0xbf: {  	s31 =	sshll.u32 s1, $0xD;
	s1 =	sshrl.u32 s1, $0x2  }
0xc0: {  	s3 =	sand.u32 $0x4000, s31;
	s1 =	sadd.s32 s1, s30  }
0xc1: {  	s0 =	sor.u32 s3, s0;
	s1 =	sshll.u32 s1, $0x11  }
0xc2: {  	s0 =	sor.u32 s1, s0  }
0xc3: {  	s0 =	sadd.s32 $0x8F2B, s0  }
0xc4: {  	[sflag:s0] =	ssyncadd.remote.s32 $0x1  }
0xc5: {  	_ =	sfence.sel $0xFFFF  }
0xc6: {  	[dreg:$0x0] =	wrdreg $0xFFFFFFFF;
	(pc) =	sbr.abs _section_cstart, $3  }
0xc7: {  	[dreg:$0x1] =	wrdreg $0xFFFFFFFF  }
0xc8: {  	_ =	task.clear_ibuf [dreg:s7], $0x2FFFF;
	_ =	strace $0x9FFFFFFF  }
0xc9: {  	(tm) =	ssettm $0x7FFFFFFF  }
tec
execute0_lowered:
.L_overlay_start_1:
0x0: {  	(tag) =	ssettag $0x1  }
0x1: {  	s9 =	rddreg [dreg:$0x0]  }
0x2: {  	s7 =	rddreg [dreg:$0x1]  }
0x3: {  	s2 =	rddreg [dreg:$0x2]  }
0x4: {  	s0 =	rddreg [dreg:$0x3]  }
0x5: {  	s3 =	simm.s32 $0x0;
	s1 =	stileid.u32;
	s4 =	srdreg.scid  }
0x6: {  	s15 =	simm.s32 $0xD200;
	s19 =	simm.s32 $0x0;
	s8 =	smul.u32 $0x9C40, s1  }
0x7: {  	[smem:$0x7FF] =	sst s3;
	s16 =	sand.u32 $0x1, s4;
	s6 =	smul.u32 $0x27200, s1  }
0x8: {  	s4 =	sadd.s32 $0x17200, s9;
	s30 =	sshll.u32 s1, $0x6;
	s13 =	smul.u32 $0x2710, s1  }
0x9: {  	s14 =	smul.u32 $0xA00, s1;
	_ =	strace $0x80000047;
	s5 =	ssub.s32 $0x2, s16  }
0xa: {  	p0 =	seq.s32 s16, $0x0;
	s10 =	sshrl.u32 s8, $0x3;
	s11 =	sshrl.u32 s5, $0x1  }
0xb: {  	s29 =	sshrl.u32 s6, $0x2;
	s31 =	sshrl.u32 s13, $0x3;
	s17 =	sadd.s32 s8, s2  }
0xc: {  	s15 =	simm.s32 @!p0 $0x3200;
	s18 =	sadd.s32 s13, s2;
	s13 =	simm.s32 $0x5000  }
0xd: {  	p0 =	sne.s32 s16, $0x0;
	s16 =	simm.s32 $0x4F00;
	s10 =	sadd.s32 s10, s9  }
0xe: {  	s11 =	ssub.s32 s5, s11;
	s12 =	sadd.s32 s29, s2;
	s5 =	sor.u32 $0x1C03, s30  }
0xf: {  	s7 =	sadd.s32 s7, s31;
	s9 =	sadd.s32 s15, s9;
	s15 =	simm.s32 $0x2  }
0x10: {  	s17 =	sshrl.u32 @p0 s17, $0x3;
	s18 =	sshrl.u32 @!p0 s18, $0x3;
	s6 =	sadd.s32 $0x18600, s10  }
0x11: {  	s8 =	smax.u32 s11, $0x1;
	s9 =	sadd.s32 s9, s14;
	s10 =	sshrl.u32 s12, $0x3  }
0x12: {  	v0 =	vimm.f32 $1.000000000e+00;
	s11 =	simm.s32 $0x3;
	s12 =	simm.s32 $0x100;
	s14 =	simm.s32 $0x1  }
.LBB2_1:
0x13: {  	s20 =	simm.s32 $0x40;
	s21 =	simm.s32 $0x0  }
.LBB2_2:
0x14: {  	p1 =	sne.s32 s20, $0x3FC0;
	[tilespmem:s21+$0x5000] =	vst v0;
	s21 =	smov.u32 s20;
	s20 =	sadd.s32 $0x40, s20  }
.Ltmp0:
0x15: {  	(pc) =	sbr.rel @p1 .LBB2_2-.Ltmp0, $2  }
0x16: {  	_ =	sdelay $0x2  }
0x17: {  	s21 =	sshra.s32 s21, $0x2  }
0x18: {  	[tilespmem:s21+$0x5000] =	vst v0  }
0x19: {  	[spmem:s10], [sflag:s5] =	dma.local [hbm:s4], $0x1390  }
0x1a: {  	_ =	swait.ge [sflag:s11], $0x1390  }
0x1b: {  	[sflag:s11] =	ssyncset.done $0x0  }
0x1c: {  	[sflag:s11] =	ssyncadd.s32 $0xFFFFEC70  }
0x1d: {  	[tilespmem:s3], [sflag:$0x3] =	stream.linear.gather [hbm4b:s9+s3], $0x5000, $0x38;
	[tilespmem:$0xFC80] =	vst v63  }
0x1e: {  	_ =	swait.ge [sflag:s11], $0x5000  }
0x1f: {  	[sflag:s11] =	ssyncset.done $0x0  }
0x20: {  	[sflag:s11] =	ssyncadd.s32 $0xFFFFB000  }
0x21: {  	[bflag:$0x0] =	sbarrier.arrive $0xFFFF  }
0x22: {  	[spmem:s2] =	stream.indirect.scatter.add.f32 [tilespmem:s13], [sflag:$0x1], $0x10, s3, s12, $0xb8;
	[tilespmem:$0xFC80] =	vst v63  }
0x23: {  	s20 =	simm.s32 $0x100  }
0x24: {  	[spmem:s2] =	stream.indirect.scatter.add.f32 [tilespmem:s13], [sflag:$0x2], $0x10, s20, s12, $0xb8;
	[tilespmem:$0xFC80] =	vst v63  }
0x25: {  	_ =	swait.ge [sflag:s14], $0x1000  }
0x26: {  	[sflag:s14] =	ssyncset.done $0x0  }
0x27: {  	s31 =	simm.s32 $0x200;
	[sflag:s14] =	ssyncadd.s32 $0xFFFFF000  }
0x28: {  	[spmem:s2] =	stream.indirect.scatter.add.f32 [tilespmem:s13], [sflag:$0x1], $0x10, s31, s12, $0xb8;
	[tilespmem:$0xFC80] =	vst v63  }
0x29: {  	_ =	swait.ge [sflag:s15], $0x1000  }
0x2a: {  	s21 =	simm.s32 $0xFFFED800;
	s20 =	simm.s32 $0xFFFFB400;
	[sflag:s15] =	ssyncset.done $0x0  }
.LBB2_4:
0x2b: {  	s22 =	sadd.s32 $0x4F00, s20  }
0x2c: {  	[sflag:s15] =	ssyncadd.s32 $0xFFFFF000;
	s23 =	smov.u32 s21;
	s24 =	sadd.s32 $0x800, s21  }
0x2d: {  	[spmem:s2] =	stream.indirect.scatter.add.f32 [tilespmem:s13], [sflag:$0x2], $0x10, s22, s12, $0xb8;
	[tilespmem:$0xFC80] =	vst v63  }
0x2e: {  	p1 =	sne.s32 s21, $0xFFFFF800;
	_ =	swait.ge [sflag:s14], $0x1000  }
.Ltmp1:
0x2f: {  	[sflag:s14] =	ssyncset.done $0x0;
	(pc) =	sbr.rel @p1 .LBB2_4-.Ltmp1, $4  }
0x30: {  	s20 =	sadd.s32 $0x5000, s20;
	[sflag:s14] =	ssyncadd.s32 $0xFFFFF000  }
0x31: {  	[spmem:s2] =	stream.indirect.scatter.add.f32 [tilespmem:s13], [sflag:$0x1], $0x10, s20, s12, $0xb8;
	[tilespmem:$0xFC80] =	vst v63  }
0x32: {  	_ =	swait.ge [sflag:s15], $0x1000  }
0x33: {  	s21 =	smov.u32 s24;
	s20 =	sshra.s32 s23, $0x2;
	[sflag:s15] =	ssyncset.done $0x0  }
0x34: {  	s21 =	sadd.s32 $0x4F00, s20;
	[sflag:s15] =	ssyncadd.s32 $0xFFFFF000  }
0x35: {  	[spmem:s2] =	stream.indirect.scatter.add.f32 [tilespmem:s13], [sflag:$0x2], $0x10, s21, s12, $0xb8;
	[tilespmem:$0xFC80] =	vst v63  }
0x36: {  	_ =	swait.ge [sflag:s14], $0x1000  }
0x37: {  	[sflag:s14] =	ssyncset.done $0x0  }
0x38: {  	s31 =	sadd.s32 $0x5000, s20;
	[sflag:s14] =	ssyncadd.s32 $0xFFFFF000  }
0x39: {  	[spmem:s2] =	stream.indirect.scatter.add.f32 [tilespmem:s13], [sflag:$0x1], $0x10, s31, s12, $0xb8;
	[tilespmem:$0xFC80] =	vst v63  }
0x3a: {  	_ =	swait.ge [sflag:s15], $0x1000  }
0x3b: {  	[sflag:s15] =	ssyncset.done $0x0  }
0x3c: {  	[sflag:s15] =	ssyncadd.s32 $0xFFFFF000  }
0x3d: {  	[spmem:s2] =	stream.indirect.scatter.add.f32 [tilespmem:s13], [sflag:$0x2], $0x10, s16, s12, $0xb8;
	[tilespmem:$0xFC80] =	vst v63  }
0x3e: {  	_ =	swait.ge [sflag:s14], $0x1000  }
0x3f: {  	[sflag:s14] =	ssyncset.done $0x0  }
0x40: {  	[sflag:s14] =	ssyncadd.s32 $0xFFFFF000  }
0x41: {  	_ =	swait.ge [sflag:s15], $0x1000  }
0x42: {  	[sflag:s15] =	ssyncset.done $0x0  }
0x43: {  	[sflag:s15] =	ssyncadd.s32 $0xFFFFF000  }
0x44: {  	s20 =	simm.s32 @p0 $0x3;
	[bflag:$0x0] =	sbarrier.arrive $0xFFFF  }
0x45: {  	[hbm:s6], [sflag:s5] =	dma.local @p0 [spmem:s17], $0x1388  }
0x46: {  	s19 =	sadd.s32 $0x1, s19;
	_ =	swait.ge @p0 [sflag:s20], $0x1388  }
0x47: {  	p1 =	sne.s32 s19, s8;
	[sflag:s20] =	ssyncset.done @p0 $0x0  }
.Ltmp2:
0x48: {  	[sflag:s20] =	ssyncadd.s32 @p0 $0xFFFFEC78;
	s20 =	simm.s32 @!p0 $0x3;
	(pc) =	sbr.rel @p1 .LBB2_1-.Ltmp2, $4  }
0x49: {  	[hbm:s7], [sflag:s5] =	dma.local @!p0 [spmem:s18], $0x4E2  }
0x4a: {  	_ =	swait.ge @!p0 [sflag:s20], $0x4E2  }
0x4b: {  	[sflag:s20] =	ssyncset.done @!p0 $0x0  }
0x4c: {  	[sflag:s20] =	ssyncadd.s32 @!p0 $0xFFFFFB1E  }
0x4d: {  	_ =	sfence.sel $0x180000  }
0x4e: {  	[bflag:$0x0] =	sbarrier.arrive $0xFFFF  }
0x4f: {  	p0 =	sne.s32 s1, $0x0;
	_ =	strace $0x90000047  }
0x50: {  	s0 =	sadd.s32 @!p0 $0x100000, s0;
	[bflag:$0x2] =	sbarrier.arrive $0xFFFF  }
0x51: {  	[sflag:s0] =	ssyncadd.tile.s32 @!p0 $0x1;
	_ =	shalt  }
.Lfunc_end2:
_tile_overlayer_lowered:
.L_overlay_start_2:
0x52: {  	(tag) =	ssettag $0x2  }
0x53: {  	s0 =	rddreg [dreg:$0x0];
	s2 =	stileid.u32  }
0x54: {  	s1 =	rddreg [dreg:$0x1];
	p0 =	sne.s32 s2, $0x0  }
0x55: {  	s3 =	rddreg [dreg:$0x2];
	[bflag:$0x3] =	sbarrier.arrive $0xFFFF;
	s2 =	simm.s32 @!p0 $0x1C03  }
0x56: {  	[timem:s3], [sflag:s2] =	dma.local @!p0 [hbm:s0], s1  }
0x57: {  	s0 =	simm.s32 @!p0 $0x3  }
0x58: {  	_ =	swait.ge @!p0 [sflag:s0], s1  }
0x59: {  	s1 =	ssub.s32 @!p0 $0x0, s1;
	[sflag:s0] =	ssyncset.done @!p0 $0x0  }
0x5a: {  	[sflag:s0] =	ssyncadd.s32 @!p0 s1  }
0x5b: {  	[bflag:$0x3] =	sbarrier.arrive $0xFFFF  }
0x5c: {  	_ =	shalt  }

// kernel: kernel.14.cloned.1.call-start
scs
__scs_entry_jumppad:
0x0: {  	(pc) =	sbr.rel $0x88, $3  }
0x1: {  	(tag) =	ssettag $0x0;
	lr =	simm.s32 $0x1  }
0x2: {  	[smem:$0x3F9C] =	sst lr;
	_ =	strace $0xD0000000  }
0x3: {  	_ = 	snop  }
0x4: {  	_ = 	snop  }
0x5: {  	_ = 	snop  }
0x6: {  	_ = 	snop  }
0x7: {  	_ = 	snop  }
__scs_overlays_trampoline_lowered:
0x8: {  	[smem:$0x3FAB] =	sst s0  }
0x9: {  	[smem:$0x3FAC] =	sst s1  }
0xa: {  	[smem:$0x3FAD] =	sst s2  }
0xb: {  	[smem:$0x3FAE] =	sst s3  }
0xc: {  	[smem:$0x3FAF] =	sst s4  }
0xd: {  	[smem:$0x3FB0] =	sst s5  }
0xe: {  	[smem:$0x3FB1] =	sst s6  }
0xf: {  	[smem:$0x3FB2] =	sst s7  }
0x10: {  	[smem:$0x3FB3] =	sst s8  }
0x11: {  	[smem:$0x3FB4] =	sst s9;
	s0 =	simm.s32 @!p0 $0x0  }
0x12: {  	s1 =	sld [smem:$0x3F9A];
	s0 =	simm.s32 @p0 $0x1  }
0x13: {  	[smem:$0x3FB5] =	sst s0;
	s0 =	simm.s32 @!p1 $0x0  }
0x14: {  	s2 =	sld [smem:$0x3F99];
	s0 =	simm.s32 @p1 $0x1  }
0x15: {  	[smem:$0x3FB6] =	sst s0;
	s0 =	simm.s32 @!p2 $0x0  }
0x16: {  	s3 =	sld [smem:$0x3FDB];
	s0 =	simm.s32 @p2 $0x1  }
0x17: {  	s4 =	simm.s32 $0x1BF5;
	[smem:$0x3FB8] =	sst s0  }
0x18: {  	s0 =	sld [smem:$0x3F9B];
	_ =	swait.ge [sflag:s4], $0x0  }
0x19: {  	s7 =	sld [smem:$0x3F9C]  }
0x1a: {  	s8 =	sadd.s32 $0xFFFFE003, lr  }
0x1b: {  	s9 =	sadd.s32 $0xFFFFFEF7, lr;
	s5 =	simm.s32 $0xFFFFFFFF;
	p2 =	slt.u32 s8, $0xFFFFF086  }
0x1c: {  	p1 =	slt.u32 s9, $0xF7A;
	s5 =	simm.s32 @!p2 $0x0  }
0x1d: {  	s5 =	simm.s32 @p1 $0x1;
	p0 =	seq.s32 s7, s2  }
0x1e: {  	s7 =	smul.u32 @!p0 $0xF7A, s2;
	p2 =	seq.s32 @!p0 s5, $0x0  }
0x1f: {  	s9 =	smul.u32 $0xF7A, s1;
	s8 =	simm.s32 @!p0 $0x1BF5;
	p2 =	por !p2, p0  }
0x20: {  	[sflag:s8] =	ssyncset.s32 @!p0 $0xFFFFF086;
	s6 =	sadd.s32 @!p0 s3, s7;
	s7 =	simm.s32 @!p0 $0x108  }
0x21: {  	s3 =	sadd.s32 s3, s9;
	s6 =	sadd.s32 @!p0 $0x88, s6;
	s7 =	simm.s32 @p2 $0x1082  }
0x22: {  	[simem:s7], [sflag:s8] =	dma.local @!p0 [hbm:s6], $0xF7A  }
0x23: {  	s9 =	sor.u32 $0xD0000000, s2;
	s6 =	simm.s32 $0x108;
	_ =	swait.ge @!p0 [sflag:s8], $0x0  }
0x24: {  	s3 =	sadd.s32 $0x88, s3;
	s6 =	simm.s32 @!p1 $0x1082;
	[sflag:s4] =	ssyncset.s32 $0xFFFFF086  }
0x25: {  	[simem:s6], [sflag:s4] =	dma.local [hbm:s3], $0xF7A  }
0x26: {  	[smem:$0x3F9C] =	sst s1;
	(tag) =	ssettag s2;
	_ =	strace s9  }
0x27: {  	s1 =	sld [smem:$0x3FAC]  }
0x28: {  	s2 =	sld [smem:$0x3FAD]  }
0x29: {  	s4 =	sld [smem:$0x3FAF]  }
0x2a: {  	p0 =	seq.s32 s5, $0x0;
	s5 =	sld [smem:$0x3FB0]  }
0x2b: {  	s6 =	sld [smem:$0x3FB1]  }
0x2c: {  	s7 =	sld [smem:$0x3FB2]  }
0x2d: {  	s3 =	simm.s32 $0x108;
	s8 =	sld [smem:$0x3FB3]  }
0x2e: {  	s3 =	simm.s32 @!p0 $0x1082;
	s9 =	sld [smem:$0x3FB4]  }
0x2f: {  	lr =	sadd.s32 s0, s3;
	s0 =	sld [smem:$0x3FAB]  }
0x30: {  	s3 =	sld [smem:$0x3FAE]  }
0x31: {  	[smem:$0x3FB7] =	sst s10  }
0x32: {  	s10 =	sld [smem:$0x3FB5];
	_ =	sdelay $0x3  }
0x33: {  	p0 =	seq.s32 s10, $0x1;
	s10 =	sld [smem:$0x3FB7];
	_ =	sdelay $0x3  }
0x34: {  	[smem:$0x3FB7] =	sst s10  }
0x35: {  	s10 =	sld [smem:$0x3FB6];
	_ =	sdelay $0x3  }
0x36: {  	p1 =	seq.s32 s10, $0x1;
	s10 =	sld [smem:$0x3FB7];
	_ =	sdelay $0x3  }
0x37: {  	[smem:$0x3FB7] =	sst s10  }
0x38: {  	s10 =	sld [smem:$0x3FB8]  }
0x39: {  	_ = 	snop;
	(pc) =	sbr.ind lr, $3  }
0x3a: {  	_ = 	snop  }
0x3b: {  	_ = 	snop  }
0x3c: {  	p2 =	seq.s32 s10, $0x1;
	s10 =	sld [smem:$0x3FB7]  }
0x3d: {  	_ =	shalt  }
0x3e: {  	_ =	shalt  }
0x3f: {  	_ =	shalt  }
0x40: {  	_ =	shalt  }
0x41: {  	_ =	shalt  }
0x42: {  	_ =	shalt  }
0x43: {  	_ =	shalt  }
0x44: {  	_ =	shalt  }
0x45: {  	_ =	shalt  }
0x46: {  	_ =	shalt  }
0x47: {  	_ =	shalt  }
0x48: {  	_ =	shalt  }
0x49: {  	_ =	shalt  }
0x4a: {  	_ =	shalt  }
0x4b: {  	_ =	shalt  }
0x4c: {  	_ =	shalt  }
0x4d: {  	_ =	shalt  }
0x4e: {  	_ =	shalt  }
0x4f: {  	_ =	shalt  }
0x50: {  	_ =	shalt  }
0x51: {  	_ =	shalt  }
0x52: {  	_ =	shalt  }
0x53: {  	_ =	shalt  }
0x54: {  	_ =	shalt  }
0x55: {  	_ =	shalt  }
0x56: {  	_ =	shalt  }
0x57: {  	_ =	shalt  }
0x58: {  	_ =	shalt  }
0x59: {  	_ =	shalt  }
0x5a: {  	_ =	shalt  }
0x5b: {  	_ =	shalt  }
0x5c: {  	_ =	shalt  }
0x5d: {  	_ =	shalt  }
0x5e: {  	_ =	shalt  }
0x5f: {  	_ =	shalt  }
0x60: {  	_ =	shalt  }
0x61: {  	_ =	shalt  }
0x62: {  	_ =	shalt  }
0x63: {  	_ =	shalt  }
0x64: {  	_ =	shalt  }
0x65: {  	_ =	shalt  }
0x66: {  	_ =	shalt  }
0x67: {  	_ =	shalt  }
0x68: {  	_ =	shalt  }
0x69: {  	_ =	shalt  }
0x6a: {  	_ =	shalt  }
0x6b: {  	_ =	shalt  }
0x6c: {  	_ =	shalt  }
0x6d: {  	_ =	shalt  }
0x6e: {  	_ =	shalt  }
0x6f: {  	_ =	shalt  }
0x70: {  	_ =	shalt  }
0x71: {  	_ =	shalt  }
0x72: {  	_ =	shalt  }
0x73: {  	_ =	shalt  }
0x74: {  	_ =	shalt  }
0x75: {  	_ =	shalt  }
0x76: {  	_ =	shalt  }
0x77: {  	_ =	shalt  }
0x78: {  	_ =	shalt  }
0x79: {  	_ =	shalt  }
0x7a: {  	_ =	shalt  }
0x7b: {  	_ =	shalt  }
0x7c: {  	_ =	shalt  }
0x7d: {  	_ =	shalt  }
0x7e: {  	_ =	shalt  }
0x7f: {  	_ =	shalt  }
0x80: {  	_ =	shalt  }
0x81: {  	_ =	shalt  }
0x82: {  	_ =	shalt  }
0x83: {  	_ =	shalt  }
0x84: {  	_ =	shalt  }
0x85: {  	_ =	shalt  }
0x86: {  	_ =	shalt  }
0x87: {  	_ =	shalt  }
.Lfunc_end0:
.L_simem_size_0:
called_computation.1_lowered:
.L_overlay_start_0:
0x88: {  	s2 =	sld [smem:$0x3FD9]  }
0x89: {  	s3 =	sld [smem:$0x3FFE];
	_ =	sdelay $0x1  }
0x8a: {  	s1 =	srdreg.scid  }
0x8b: {  	s0 =	sand.u32 $0x1, s1  }
0x8c: {  	s14 =	sshll.u32 s0, $0xA;
	s2 =	sadd.s32 s3, s2  }
0x8d: {  	s2 =	sadd.s32 s2, s14  }
0x8e: {  	[smem:$0x3FC3] =	sst s2  }
0x8f: {  	_ = 	snop  }
0x90: {  	s2 =	sld [smem:$0x3FD0];
	_ =	sdelay $0x2  }
0x91: {  	s15 =	simm.s32 $0xA;
	s4 =	simm.s32 $0x10  }
0x92: {  	[smem:s4], [sflag:s15] =	dma.local [hbm:s2], $0x1  }
0x93: {  	_ =	swait.eq [sflag:s15], $0x1  }
0x94: {  	[sflag:s15] =	ssyncset.done $0x0  }
0x95: {  	s16 =	sld [smem:$0x10];
	[sflag:s15] =	ssyncadd.s32 $0xFFFFFFFF  }
0x96: {  	s17 =	sld [smem:$0x11];
	(tm) =	ssettm $0x1  }
0x97: {  	s18 =	sld [smem:$0x3FFB];
	_ =	sdelay $0x3  }
0x98: {  	_ =	strace s18  }
0x99: {  	s4 =	sld [smem:$0x3FFC];
	_ =	sdelay $0x3  }
0x9a: {  	_ =	strace s4  }
0x9b: {  	s4 =	sld [smem:$0x3FFD];
	_ =	sdelay $0x3  }
0x9c: {  	_ =	strace s4  }
0x9d: {  	_ =	strace $0x8FFFFFFF  }
0x9e: {  	s19 =	sld [smem:$0x3FDB];
	_ =	sdelay $0x1  }
0x9f: {  	s5 =	simm.s32 $_scs_section_size  }
0xa0: {  	s6 =	simm.s32 $_size__tile_overlayer_lowered;
	s7 =	simm.s32 $_tile_overlayer_lowered  }
0xa1: {  	s22 =	simm.s32 $0x1BFF;
	s21 =	sshll.u32 s7, $0x1;
	s4 =	sadd.s32 s5, s19  }
0xa2: {  	s8 =	simm.s32 $0x0;
	s20 =	sshll.u32 s6, $0x1;
	s6 =	sadd.s32 s21, s4  }
0xa3: {  	[timem:s8], [sflag:s22] =	dma.local [hbm:s6], s20  }
0xa4: {  	_ =	swait.ge [sflag:s22], s20  }
0xa5: {  	s5 =	ssub.s32 $0x0, s20;
	[sflag:s22] =	ssyncset.done $0x0  }
0xa6: {  	[sflag:s22] =	ssyncadd.s32 s5;
	_ =	sdelay $0x1  }
0xa7: {  	s23 =	simm.s32 $0x1B8B  }
0xa8: {  	_ =	swait.ge [sflag:s23], $0x1  }
0xa9: {  	[sflag:s23] =	ssyncset.done $0x0  }
0xaa: {  	s25 =	simm.s32 $0x1B8E;
	s24 =	sld [smem:$0x3FFE];
	[sflag:s23] =	ssyncadd.s32 $0xFFFFFFFF  }
0xab: {  	s26 =	simm.s32 $execute0_lowered;
	[smem:$0x3FD2] =	sst s25  }
0xac: {  	s6 =	sshll.u32 s26, $0x1;
	_ =	strace $0x80000049;
	[dreg:$0x1] =	wrdreg $0xFFFFFFFF  }
0xad: {  	s28 =	simm.s32 $_size_execute0_lowered;
	s4 =	sadd.s32 s4, s6;
	[dreg:$0x0] =	wrdreg $0x0  }
0xae: {  	s6 =	sshll.u32 s28, $0x1;
	[dreg:$0x2] =	wrdreg s4  }
0xaf: {  	[dreg:$0x3] =	wrdreg s6  }
0xb0: {  	[dreg:$0x4] =	wrdreg $0xC0  }
0xb1: {  	_ =	task [dreg:s8], $0x5FFFF  }
0xb2: {  	[dreg:$0x1] =	wrdreg $0xFFFFFFFF  }
0xb3: {  	[dreg:$0x0] =	wrdreg $0x60  }
0xb4: {  	[dreg:$0x2] =	wrdreg s16  }
0xb5: {  	[dreg:$0x3] =	wrdreg s24  }
0xb6: {  	[dreg:$0x4] =	wrdreg s17  }
0xb7: {  	[dreg:$0x5] =	wrdreg $0xE7100  }
0xb8: {  	[dreg:$0x6] =	wrdreg $0xC0000  }
0xb9: {  	[dreg:$0x7] =	wrdreg $0x9  }
0xba: {  	_ =	task.clear_ibuf [dreg:s8], $0x8FFFF;
	_ =	strace $0x90000049  }
0xbb: {  	s29 =	simm.s32 $0x9;
	_ =	strace $0x8000004B  }
0xbc: {  	_ =	swait.ge [sflag:s29], $0x1  }
0xbd: {  	[sflag:s29] =	ssyncadd.s32 $0xFFFFFFFF  }
0xbe: {  	_ =	strace $0x9000004B  }
0xbf: {  	_ =	sfence  }
0xc0: {  	s30 =	sld [smem:$0x0];
	_ =	sdelay $0x2  }
0xc1: {  	s31 =	sshll.u32 s1, $0xD;
	s1 =	sshrl.u32 s1, $0x2  }
0xc2: {  	s3 =	sand.u32 $0x4000, s31;
	s1 =	sadd.s32 s1, s30  }
0xc3: {  	s0 =	sor.u32 s3, s0;
	s1 =	sshll.u32 s1, $0x11  }
0xc4: {  	s0 =	sor.u32 s1, s0  }
0xc5: {  	s0 =	sadd.s32 $0x8F2B, s0  }
0xc6: {  	[sflag:s0] =	ssyncadd.remote.s32 $0x1  }
0xc7: {  	_ =	sfence.sel $0xFFFF  }
0xc8: {  	[dreg:$0x0] =	wrdreg $0xFFFFFFFF;
	(pc) =	sbr.abs _section_cstart, $3  }
0xc9: {  	[dreg:$0x1] =	wrdreg $0xFFFFFFFF  }
0xca: {  	_ =	task.clear_ibuf [dreg:s8], $0x2FFFF;
	_ =	strace $0x9FFFFFFF  }
0xcb: {  	(tm) =	ssettm $0x7FFFFFFF  }
tec
execute0_lowered:
.L_overlay_start_1:
0x0: {  	(tag) =	ssettag $0x1  }
0x1: {  	s0 =	rddreg [dreg:$0x0]  }
0x2: {  	s1 =	rddreg [dreg:$0x1]  }
0x3: {  	s6 =	rddreg [dreg:$0x2]  }
0x4: {  	s2 =	rddreg [dreg:$0x3];
	s12 =	stileid.u32  }
0x5: {  	s3 =	rddreg [dreg:$0x4];
	s7 =	smul.u32 $0xA00, s12  }
0x6: {  	s5 =	srdreg.scid;
	s24 =	smul.u32 $0x27140, s12  }
0x7: {  	s4 =	simm.s32 $0x0;
	s28 =	simm.s32 $0xA000;
	s26 =	smul.u32 $0x13880, s12  }
0x8: {  	s29 =	simm.s32 $0xB000;
	s30 =	simm.s32 $0x200;
	s13 =	smul.u32 $0x9C40, s12  }
0x9: {  	s31 =	simm.s32 $0x5100;
	s8 =	sand.u32 $0x1, s5;
	s11 =	smul.u32 $0x4E200, s12  }
0xa: {  	[smem:$0x7FF] =	sst s4;
	s5 =	sadd.s32 $0x17200, s1;
	s12 =	smul.u32 $0x27100, s12  }
0xb: {  	s9 =	ssub.s32 $0x2, s8;
	_ =	strace $0x8000004A;
	s8 =	sshll.u32 s8, $0x6  }
0xc: {  	s7 =	sadd.s32 s7, s1;
	s10 =	sshrl.u32 s9, $0x1;
	s14 =	sor.u32 s8, s26  }
0xd: {  	s15 =	sor.u32 s8, s11;
	s16 =	sshrl.u32 s12, $0x2;
	s17 =	sor.u32 $0x10, s8  }
0xe: {  	s21 =	sor.u32 $0x20, s8;
	s8 =	sor.u32 $0x30, s8;
	s1 =	ssub.s32 s9, s10  }
0xf: {  	s25 =	sadd.s32 $0x2C000, s7;
	s7 =	sadd.s32 $0x3200, s7;
	s9 =	sshrl.u32 s24, $0x2  }
0x10: {  	s10 =	sshrl.u32 s13, $0x2;
	s18 =	sadd.s32 s16, s2;
	s19 =	sor.u32 s26, s17  }
0x11: {  	s20 =	sor.u32 s11, s17;
	s23 =	sor.u32 s26, s21;
	[dreg:$0x6] =	wrdreg s25  }
0x12: {  	[dreg:$0x7] =	wrdreg s7;
	s9 =	sadd.s32 s9, s2;
	s10 =	sadd.s32 s10, s3  }
0x13: {  	[dreg:$0xc] =	wrdreg s18;
	s22 =	sshrl.u32 s20, $0x3;
	s24 =	sshrl.u32 s23, $0x3  }
0x14: {  	s25 =	sor.u32 s11, s21;
	s7 =	sor.u32 s26, s8;
	s8 =	sor.u32 s11, s8  }
0x15: {  	s20 =	simm.s32 $0x5000;
	[dreg:$0x8] =	wrdreg s9;
	s9 =	sshrl.u32 s14, $0x3  }
0x16: {  	s21 =	simm.s32 $0x1;
	[dreg:$0x9] =	wrdreg s10;
	s9 =	sadd.s32 s0, s9  }
0x17: {  	s23 =	simm.s32 $0x10;
	[dreg:$0xa] =	wrdreg s9;
	s9 =	sshrl.u32 s15, $0x3  }
0x18: {  	s7 =	sshrl.u32 s7, $0x3;
	s26 =	sshrl.u32 s8, $0x3;
	s9 =	sadd.s32 s6, s9  }
0x19: {  	s8 =	simm.s32 $0x0;
	[dreg:$0xb] =	wrdreg s9;
	s9 =	sshrl.u32 s19, $0x3  }
0x1a: {  	s18 =	sadd.s32 s6, s26;
	s26 =	simm.s32 $0x100;
	s9 =	sadd.s32 s0, s9  }
0x1b: {  	s19 =	smax.u32 s1, $0x1;
	[dreg:$0xd] =	wrdreg s9;
	s9 =	sadd.s32 s6, s22  }
0x1c: {  	s1 =	simm.s32 $0x9E00;
	s22 =	simm.s32 $0x2;
	[dreg:$0xe] =	wrdreg s9  }
0x1d: {  	s9 =	sadd.s32 s0, s24;
	s0 =	sadd.s32 s0, s7;
	s24 =	simm.s32 $0x3  }
0x1e: {  	s7 =	simm.s32 $0x5;
	[dreg:$0xf] =	wrdreg s9;
	s9 =	sshrl.u32 s25, $0x3  }
0x1f: {  	[dreg:$0x11] =	wrdreg s0;
	s25 =	simm.s32 $0x4;
	s9 =	sadd.s32 s6, s9  }
0x20: {  	s0 =	simm.s32 $0x4F00;
	s6 =	simm.s32 $0x9F00;
	[dreg:$0x10] =	wrdreg s9  }
.LBB2_1:
0x21: {  	s9 =	rddreg [dreg:$0x6]  }
0x22: {  	[tilespmem:s4], [sflag:$0x1] =	stream.linear.gather [hbm4b:s9+s4], $0x5000, $0x38;
	[tilespmem:$0x18360] =	vst v63  }
0x23: {  	s13 =	rddreg [dreg:$0x7]  }
0x24: {  	[tilespmem:s20], [sflag:$0x2] =	stream.linear.gather [hbm4b:s13+s4], $0x5000, $0x38;
	[tilespmem:$0x18360] =	vst v63  }
0x25: {  	s14 =	stileid.u32;
	[bflag:$0x0] =	sbarrier.arrive $0xFFFF  }
0x26: {  	s13 =	sshll.u32 s14, $0x6;
	s10 =	rddreg [dreg:$0x8]  }
0x27: {  	s9 =	sor.u32 $0x1C03, s13;
	s10 =	sshrl.u32 s10, $0x3  }
0x28: {  	[spmem:s10], [sflag:s9] =	dma.local [hbm:s5], $0x138A  }
0x29: {  	s12 =	rddreg [dreg:$0x9]  }
0x2a: {  	s11 =	sor.u32 $0x1C04, s13;
	s14 =	rddreg [dreg:$0xa];
	s12 =	sshrl.u32 s12, $0x3  }
0x2b: {  	[spmem:s12@s22], [sflag:s11] =	dma.strided [hbm:s14@s23], $0x4E2, s21, $0x2   }
0x2c: {  	_ =	swait.ge [sflag:s21], $0x5000  }
0x2d: {  	[sflag:s21] =	ssyncset.done $0x0  }
0x2e: {  	[sflag:s21] =	ssyncadd.s32 $0xFFFFB000  }
0x2f: {  	_ =	swait.ge [sflag:s22], $0x5000  }
0x30: {  	[sflag:s22] =	ssyncset.done $0x0  }
0x31: {  	[sflag:s22] =	ssyncadd.s32 $0xFFFFB000  }
0x32: {  	_ =	swait.ge [sflag:s24], $0x138A  }
0x33: {  	[sflag:s24] =	ssyncset.done $0x0  }
0x34: {  	[sflag:s24] =	ssyncadd.s32 $0xFFFFEC76  }
0x35: {  	_ =	swait.ge [sflag:s25], $0x4E2  }
0x36: {  	[sflag:s25] =	ssyncset.done $0x0  }
0x37: {  	[sflag:s25] =	ssyncadd.s32 $0xFFFFFB1E  }
0x38: {  	[bflag:$0x0] =	sbarrier.arrive $0xFFFF  }
0x39: {  	[tilespmem:s28], [sflag:$0x1] =	stream.indirect.gather [spmem:s3], $0x10, s4, s26, $0xb8;
	[tilespmem:$0x18360] =	vst v63  }
0x3a: {  	_ = 	snop  }
0x3b: {  	[tilespmem:s29], [sflag:$0x2] =	stream.indirect.gather [spmem:s3], $0x10, s26, s26, $0xb8;
	[tilespmem:$0x18360] =	vst v63  }
0x3c: {  	_ =	swait.ge [sflag:s21], $0x1000  }
0x3d: {  	[sflag:s21] =	ssyncset.done $0x0  }
0x3e: {  	[sflag:s21] =	ssyncadd.s32 $0xFFFFF000  }
0x3f: {  	[spmem:s2] =	stream.indirect.scatter.add.f32 [tilespmem:s28], [sflag:$0x3], $0x10, s20, s26, $0xb8;
	[tilespmem:$0x18360] =	vst v63  }
0x40: {  	_ =	swait.ge [sflag:s24], $0x1000  }
0x41: {  	[sflag:s24] =	ssyncset.done $0x0  }
0x42: {  	[sflag:s24] =	ssyncadd.s32 $0xFFFFF000  }
0x43: {  	[tilespmem:s28], [sflag:$0x1] =	stream.indirect.gather [spmem:s3], $0x10, s30, s26, $0xb8;
	[tilespmem:$0x18360] =	vst v63  }
0x44: {  	_ =	swait.ge [sflag:s22], $0x1000  }
0x45: {  	[sflag:s22] =	ssyncset.done $0x0  }
0x46: {  	[sflag:s22] =	ssyncadd.s32 $0xFFFFF000  }
0x47: {  	[spmem:s2] =	stream.indirect.scatter.add.f32 [tilespmem:s29], [sflag:$0x4], $0x10, s31, s26, $0xb8;
	[tilespmem:$0x18360] =	vst v63  }
0x48: {  	_ =	swait.ge [sflag:s25], $0x1000  }
0x49: {  	[sflag:s25] =	ssyncset.done $0x0  }
0x4a: {  	s15 =	simm.s32 $0x300;
	[sflag:s25] =	ssyncadd.s32 $0xFFFFF000  }
0x4b: {  	[tilespmem:s29], [sflag:$0x2] =	stream.indirect.gather [spmem:s3], $0x10, s15, s26, $0xb8;
	[tilespmem:$0x18360] =	vst v63  }
0x4c: {  	_ =	swait.ge [sflag:s21], $0x1000  }
0x4d: {  	[sflag:s21] =	ssyncset.done $0x0  }
0x4e: {  	s16 =	simm.s32 $0x5200;
	[sflag:s21] =	ssyncadd.s32 $0xFFFFF000  }
0x4f: {  	[spmem:s2] =	stream.indirect.scatter.add.f32 [tilespmem:s28], [sflag:$0x3], $0x10, s16, s26, $0xb8;
	[tilespmem:$0x18360] =	vst v63  }
0x50: {  	_ =	swait.ge [sflag:s24], $0x1000  }
0x51: {  	[sflag:s24] =	ssyncset.done $0x0  }
0x52: {  	s17 =	simm.s32 $0x400;
	[sflag:s24] =	ssyncadd.s32 $0xFFFFF000  }
0x53: {  	[tilespmem:s28], [sflag:$0x1] =	stream.indirect.gather [spmem:s3], $0x10, s17, s26, $0xb8;
	[tilespmem:$0x18360] =	vst v63  }
0x54: {  	_ =	swait.ge [sflag:s22], $0x1000  }
0x55: {  	[sflag:s22] =	ssyncset.done $0x0  }
0x56: {  	s14 =	simm.s32 $0xFFFED800;
	s15 =	simm.s32 $0x5300;
	[sflag:s22] =	ssyncadd.s32 $0xFFFFF000  }
.LBB2_2:
0x57: {  	[spmem:s2] =	stream.indirect.scatter.add.f32 [tilespmem:s29], [sflag:$0x4], $0x10, s15, s26, $0xb8;
	[tilespmem:$0x18360] =	vst v63  }
0x58: {  	s15 =	smov.u32 s14  }
0x59: {  	p0 =	sne.s32 s14, $0xFFFFF800;
	s14 =	sadd.s32 $0x800, s14;
	_ =	swait.ge [sflag:s25], $0x1000  }
0x5a: {  	s15 =	sshra.s32 s15, $0x2;
	[sflag:s25] =	ssyncset.done $0x0  }
0x5b: {  	s16 =	sadd.s32 $0x4F00, s15;
	[sflag:s25] =	ssyncadd.s32 $0xFFFFF000  }
0x5c: {  	[tilespmem:s29], [sflag:$0x2] =	stream.indirect.gather [spmem:s3], $0x10, s16, s26, $0xb8;
	[tilespmem:$0x18360] =	vst v63  }
0x5d: {  	_ =	swait.ge [sflag:s21], $0x1000  }
0x5e: {  	[sflag:s21] =	ssyncset.done $0x0  }
0x5f: {  	s16 =	sadd.s32 $0x9E00, s15;
	[sflag:s21] =	ssyncadd.s32 $0xFFFFF000  }
0x60: {  	[spmem:s2] =	stream.indirect.scatter.add.f32 [tilespmem:s28], [sflag:$0x3], $0x10, s16, s26, $0xb8;
	[tilespmem:$0x18360] =	vst v63  }
0x61: {  	_ =	swait.ge [sflag:s24], $0x1000  }
0x62: {  	[sflag:s24] =	ssyncset.done $0x0  }
.Ltmp0:
0x63: {  	s16 =	sadd.s32 $0x5000, s15;
	[sflag:s24] =	ssyncadd.s32 $0xFFFFF000;
	(pc) =	sbr.rel @p0 .LBB2_2-.Ltmp0, $4  }
0x64: {  	[tilespmem:s28], [sflag:$0x1] =	stream.indirect.gather [spmem:s3], $0x10, s16, s26, $0xb8;
	[tilespmem:$0x18360] =	vst v63  }
0x65: {  	_ =	swait.ge [sflag:s22], $0x1000  }
0x66: {  	[sflag:s22] =	ssyncset.done $0x0  }
0x67: {  	s15 =	sadd.s32 $0x9F00, s15;
	[sflag:s22] =	ssyncadd.s32 $0xFFFFF000  }
0x68: {  	[spmem:s2] =	stream.indirect.scatter.add.f32 [tilespmem:s29], [sflag:$0x4], $0x10, s15, s26, $0xb8;
	[tilespmem:$0x18360] =	vst v63  }
0x69: {  	_ =	swait.ge [sflag:s25], $0x1000  }
0x6a: {  	[sflag:s25] =	ssyncset.done $0x0  }
0x6b: {  	[sflag:s25] =	ssyncadd.s32 $0xFFFFF000  }
0x6c: {  	[tilespmem:s29], [sflag:$0x2] =	stream.indirect.gather [spmem:s3], $0x10, s0, s26, $0xb8;
	[tilespmem:$0x18360] =	vst v63  }
0x6d: {  	_ =	swait.ge [sflag:s21], $0x1000  }
0x6e: {  	[sflag:s21] =	ssyncset.done $0x0  }
0x6f: {  	[sflag:s21] =	ssyncadd.s32 $0xFFFFF000  }
0x70: {  	[spmem:s2] =	stream.indirect.scatter.add.f32 [tilespmem:s28], [sflag:$0x3], $0x10, s1, s26, $0xb8;
	[tilespmem:$0x18360] =	vst v63  }
0x71: {  	_ =	swait.ge [sflag:s24], $0x1000  }
0x72: {  	[sflag:s24] =	ssyncset.done $0x0  }
0x73: {  	[sflag:s24] =	ssyncadd.s32 $0xFFFFF000  }
0x74: {  	_ =	swait.ge [sflag:s22], $0x1000  }
0x75: {  	[sflag:s22] =	ssyncset.done $0x0  }
0x76: {  	[sflag:s22] =	ssyncadd.s32 $0xFFFFF000  }
0x77: {  	[spmem:s2] =	stream.indirect.scatter.add.f32 [tilespmem:s29], [sflag:$0x4], $0x10, s6, s26, $0xb8;
	[tilespmem:$0x18360] =	vst v63  }
0x78: {  	_ =	swait.ge [sflag:s25], $0x1000  }
0x79: {  	[sflag:s25] =	ssyncset.done $0x0  }
0x7a: {  	[sflag:s25] =	ssyncadd.s32 $0xFFFFF000  }
0x7b: {  	[bflag:$0x0] =	sbarrier.arrive $0xFFFF  }
0x7c: {  	s14 =	rddreg [dreg:$0xc]  }
0x7d: {  	s13 =	sor.u32 $0x1C05, s13;
	s17 =	rddreg [dreg:$0xb];
	s14 =	sshrl.u32 s14, $0x3  }
0x7e: {  	[hbm:s17@s23], [sflag:s13] =	dma.strided [spmem:s14@s22], $0x1388, s21, $0x2   }
0x7f: {  	_ =	swait.ge [sflag:s7], $0x1388  }
0x80: {  	[sflag:s7] =	ssyncset.done $0x0  }
0x81: {  	[sflag:s7] =	ssyncadd.s32 $0xFFFFEC78  }
0x82: {  	[bflag:$0x0] =	sbarrier.arrive $0xFFFF  }
0x83: {  	[spmem:s10], [sflag:s9] =	dma.local [hbm:s5], $0x138A  }
0x84: {  	s16 =	rddreg [dreg:$0xd]  }
0x85: {  	[spmem:s12@s22], [sflag:s11] =	dma.strided [hbm:s16@s23], $0x4E2, s21, $0x2   }
0x86: {  	_ =	swait.ge [sflag:s24], $0x138A  }
0x87: {  	[sflag:s24] =	ssyncset.done $0x0  }
0x88: {  	[sflag:s24] =	ssyncadd.s32 $0xFFFFEC76  }
0x89: {  	_ =	swait.ge [sflag:s25], $0x4E2  }
0x8a: {  	[sflag:s25] =	ssyncset.done $0x0  }
0x8b: {  	[sflag:s25] =	ssyncadd.s32 $0xFFFFFB1E  }
0x8c: {  	[bflag:$0x0] =	sbarrier.arrive $0xFFFF  }
0x8d: {  	[tilespmem:s28], [sflag:$0x1] =	stream.indirect.gather [spmem:s3], $0x10, s4, s26, $0xb8;
	[tilespmem:$0x18360] =	vst v63  }
0x8e: {  	_ = 	snop  }
0x8f: {  	[tilespmem:s29], [sflag:$0x2] =	stream.indirect.gather [spmem:s3], $0x10, s26, s26, $0xb8;
	[tilespmem:$0x18360] =	vst v63  }
0x90: {  	_ =	swait.ge [sflag:s21], $0x1000  }
0x91: {  	[sflag:s21] =	ssyncset.done $0x0  }
0x92: {  	[sflag:s21] =	ssyncadd.s32 $0xFFFFF000  }
0x93: {  	[spmem:s2] =	stream.indirect.scatter.add.f32 [tilespmem:s28], [sflag:$0x3], $0x10, s20, s26, $0xb8;
	[tilespmem:$0x18360] =	vst v63  }
0x94: {  	_ =	swait.ge [sflag:s24], $0x1000  }
0x95: {  	[sflag:s24] =	ssyncset.done $0x0  }
0x96: {  	[sflag:s24] =	ssyncadd.s32 $0xFFFFF000  }
0x97: {  	[tilespmem:s28], [sflag:$0x1] =	stream.indirect.gather [spmem:s3], $0x10, s30, s26, $0xb8;
	[tilespmem:$0x18360] =	vst v63  }
0x98: {  	_ =	swait.ge [sflag:s22], $0x1000  }
0x99: {  	[sflag:s22] =	ssyncset.done $0x0  }
0x9a: {  	[sflag:s22] =	ssyncadd.s32 $0xFFFFF000  }
0x9b: {  	[spmem:s2] =	stream.indirect.scatter.add.f32 [tilespmem:s29], [sflag:$0x4], $0x10, s31, s26, $0xb8;
	[tilespmem:$0x18360] =	vst v63  }
0x9c: {  	_ =	swait.ge [sflag:s25], $0x1000  }
0x9d: {  	[sflag:s25] =	ssyncset.done $0x0  }
0x9e: {  	s17 =	simm.s32 $0x300;
	[sflag:s25] =	ssyncadd.s32 $0xFFFFF000  }
0x9f: {  	[tilespmem:s29], [sflag:$0x2] =	stream.indirect.gather [spmem:s3], $0x10, s17, s26, $0xb8;
	[tilespmem:$0x18360] =	vst v63  }
0xa0: {  	_ =	swait.ge [sflag:s21], $0x1000  }
0xa1: {  	[sflag:s21] =	ssyncset.done $0x0  }
0xa2: {  	s16 =	simm.s32 $0x5200;
	[sflag:s21] =	ssyncadd.s32 $0xFFFFF000  }
0xa3: {  	[spmem:s2] =	stream.indirect.scatter.add.f32 [tilespmem:s28], [sflag:$0x3], $0x10, s16, s26, $0xb8;
	[tilespmem:$0x18360] =	vst v63  }
0xa4: {  	_ =	swait.ge [sflag:s24], $0x1000  }
0xa5: {  	[sflag:s24] =	ssyncset.done $0x0  }
0xa6: {  	s17 =	simm.s32 $0x400;
	[sflag:s24] =	ssyncadd.s32 $0xFFFFF000  }
0xa7: {  	[tilespmem:s28], [sflag:$0x1] =	stream.indirect.gather [spmem:s3], $0x10, s17, s26, $0xb8;
	[tilespmem:$0x18360] =	vst v63  }
0xa8: {  	_ =	swait.ge [sflag:s22], $0x1000  }
0xa9: {  	[sflag:s22] =	ssyncset.done $0x0  }
0xaa: {  	s15 =	simm.s32 $0xFFFED800;
	s16 =	simm.s32 $0x5300;
	[sflag:s22] =	ssyncadd.s32 $0xFFFFF000  }
.LBB2_4:
0xab: {  	[spmem:s2] =	stream.indirect.scatter.add.f32 [tilespmem:s29], [sflag:$0x4], $0x10, s16, s26, $0xb8;
	[tilespmem:$0x18360] =	vst v63  }
0xac: {  	s16 =	smov.u32 s15  }
0xad: {  	p0 =	sne.s32 s15, $0xFFFFF800;
	s15 =	sadd.s32 $0x800, s15;
	_ =	swait.ge [sflag:s25], $0x1000  }
0xae: {  	s16 =	sshra.s32 s16, $0x2;
	[sflag:s25] =	ssyncset.done $0x0  }
0xaf: {  	s17 =	sadd.s32 $0x4F00, s16;
	[sflag:s25] =	ssyncadd.s32 $0xFFFFF000  }
0xb0: {  	[tilespmem:s29], [sflag:$0x2] =	stream.indirect.gather [spmem:s3], $0x10, s17, s26, $0xb8;
	[tilespmem:$0x18360] =	vst v63  }
0xb1: {  	_ =	swait.ge [sflag:s21], $0x1000  }
0xb2: {  	[sflag:s21] =	ssyncset.done $0x0  }
0xb3: {  	s17 =	sadd.s32 $0x9E00, s16;
	[sflag:s21] =	ssyncadd.s32 $0xFFFFF000  }
0xb4: {  	[spmem:s2] =	stream.indirect.scatter.add.f32 [tilespmem:s28], [sflag:$0x3], $0x10, s17, s26, $0xb8;
	[tilespmem:$0x18360] =	vst v63  }
0xb5: {  	_ =	swait.ge [sflag:s24], $0x1000  }
0xb6: {  	[sflag:s24] =	ssyncset.done $0x0  }
.Ltmp1:
0xb7: {  	s17 =	sadd.s32 $0x5000, s16;
	[sflag:s24] =	ssyncadd.s32 $0xFFFFF000;
	(pc) =	sbr.rel @p0 .LBB2_4-.Ltmp1, $4  }
0xb8: {  	[tilespmem:s28], [sflag:$0x1] =	stream.indirect.gather [spmem:s3], $0x10, s17, s26, $0xb8;
	[tilespmem:$0x18360] =	vst v63  }
0xb9: {  	_ =	swait.ge [sflag:s22], $0x1000  }
0xba: {  	[sflag:s22] =	ssyncset.done $0x0  }
0xbb: {  	s16 =	sadd.s32 $0x9F00, s16;
	[sflag:s22] =	ssyncadd.s32 $0xFFFFF000  }
0xbc: {  	[spmem:s2] =	stream.indirect.scatter.add.f32 [tilespmem:s29], [sflag:$0x4], $0x10, s16, s26, $0xb8;
	[tilespmem:$0x18360] =	vst v63  }
0xbd: {  	_ =	swait.ge [sflag:s25], $0x1000  }
0xbe: {  	[sflag:s25] =	ssyncset.done $0x0  }
0xbf: {  	[sflag:s25] =	ssyncadd.s32 $0xFFFFF000  }
0xc0: {  	[tilespmem:s29], [sflag:$0x2] =	stream.indirect.gather [spmem:s3], $0x10, s0, s26, $0xb8;
	[tilespmem:$0x18360] =	vst v63  }
0xc1: {  	_ =	swait.ge [sflag:s21], $0x1000  }
0xc2: {  	[sflag:s21] =	ssyncset.done $0x0  }
0xc3: {  	[sflag:s21] =	ssyncadd.s32 $0xFFFFF000  }
0xc4: {  	[spmem:s2] =	stream.indirect.scatter.add.f32 [tilespmem:s28], [sflag:$0x3], $0x10, s1, s26, $0xb8;
	[tilespmem:$0x18360] =	vst v63  }
0xc5: {  	_ =	swait.ge [sflag:s24], $0x1000  }
0xc6: {  	[sflag:s24] =	ssyncset.done $0x0  }
0xc7: {  	[sflag:s24] =	ssyncadd.s32 $0xFFFFF000  }
0xc8: {  	_ =	swait.ge [sflag:s22], $0x1000  }
0xc9: {  	[sflag:s22] =	ssyncset.done $0x0  }
0xca: {  	[sflag:s22] =	ssyncadd.s32 $0xFFFFF000  }
0xcb: {  	[spmem:s2] =	stream.indirect.scatter.add.f32 [tilespmem:s29], [sflag:$0x4], $0x10, s6, s26, $0xb8;
	[tilespmem:$0x18360] =	vst v63  }
0xcc: {  	_ =	swait.ge [sflag:s25], $0x1000  }
0xcd: {  	[sflag:s25] =	ssyncset.done $0x0  }
0xce: {  	[sflag:s25] =	ssyncadd.s32 $0xFFFFF000  }
0xcf: {  	[bflag:$0x0] =	sbarrier.arrive $0xFFFF  }
0xd0: {  	s15 =	rddreg [dreg:$0xe]  }
0xd1: {  	[hbm:s15@s23], [sflag:s13] =	dma.strided [spmem:s14@s22], $0x1388, s21, $0x2   }
0xd2: {  	_ =	swait.ge [sflag:s7], $0x1388  }
0xd3: {  	[sflag:s7] =	ssyncset.done $0x0  }
0xd4: {  	[sflag:s7] =	ssyncadd.s32 $0xFFFFEC78  }
0xd5: {  	[bflag:$0x0] =	sbarrier.arrive $0xFFFF  }
0xd6: {  	[spmem:s10], [sflag:s9] =	dma.local [hbm:s5], $0x138A  }
0xd7: {  	s16 =	rddreg [dreg:$0xf]  }
0xd8: {  	[spmem:s12@s22], [sflag:s11] =	dma.strided [hbm:s16@s23], $0x4E2, s21, $0x2   }
0xd9: {  	_ =	swait.ge [sflag:s24], $0x138A  }
0xda: {  	[sflag:s24] =	ssyncset.done $0x0  }
0xdb: {  	[sflag:s24] =	ssyncadd.s32 $0xFFFFEC76  }
0xdc: {  	_ =	swait.ge [sflag:s25], $0x4E2  }
0xdd: {  	[sflag:s25] =	ssyncset.done $0x0  }
0xde: {  	[sflag:s25] =	ssyncadd.s32 $0xFFFFFB1E  }
0xdf: {  	[bflag:$0x0] =	sbarrier.arrive $0xFFFF  }
0xe0: {  	[tilespmem:s28], [sflag:$0x1] =	stream.indirect.gather [spmem:s3], $0x10, s4, s26, $0xb8;
	[tilespmem:$0x18360] =	vst v63  }
0xe1: {  	_ = 	snop  }
0xe2: {  	[tilespmem:s29], [sflag:$0x2] =	stream.indirect.gather [spmem:s3], $0x10, s26, s26, $0xb8;
	[tilespmem:$0x18360] =	vst v63  }
0xe3: {  	_ =	swait.ge [sflag:s21], $0x1000  }
0xe4: {  	[sflag:s21] =	ssyncset.done $0x0  }
0xe5: {  	[sflag:s21] =	ssyncadd.s32 $0xFFFFF000  }
0xe6: {  	[spmem:s2] =	stream.indirect.scatter.add.f32 [tilespmem:s28], [sflag:$0x3], $0x10, s20, s26, $0xb8;
	[tilespmem:$0x18360] =	vst v63  }
0xe7: {  	_ =	swait.ge [sflag:s24], $0x1000  }
0xe8: {  	[sflag:s24] =	ssyncset.done $0x0  }
0xe9: {  	[sflag:s24] =	ssyncadd.s32 $0xFFFFF000  }
0xea: {  	[tilespmem:s28], [sflag:$0x1] =	stream.indirect.gather [spmem:s3], $0x10, s30, s26, $0xb8;
	[tilespmem:$0x18360] =	vst v63  }
0xeb: {  	_ =	swait.ge [sflag:s22], $0x1000  }
0xec: {  	[sflag:s22] =	ssyncset.done $0x0  }
0xed: {  	[sflag:s22] =	ssyncadd.s32 $0xFFFFF000  }
0xee: {  	[spmem:s2] =	stream.indirect.scatter.add.f32 [tilespmem:s29], [sflag:$0x4], $0x10, s31, s26, $0xb8;
	[tilespmem:$0x18360] =	vst v63  }
0xef: {  	_ =	swait.ge [sflag:s25], $0x1000  }
0xf0: {  	[sflag:s25] =	ssyncset.done $0x0  }
0xf1: {  	s17 =	simm.s32 $0x300;
	[sflag:s25] =	ssyncadd.s32 $0xFFFFF000  }
0xf2: {  	[tilespmem:s29], [sflag:$0x2] =	stream.indirect.gather [spmem:s3], $0x10, s17, s26, $0xb8;
	[tilespmem:$0x18360] =	vst v63  }
0xf3: {  	_ =	swait.ge [sflag:s21], $0x1000  }
0xf4: {  	[sflag:s21] =	ssyncset.done $0x0  }
0xf5: {  	s16 =	simm.s32 $0x5200;
	[sflag:s21] =	ssyncadd.s32 $0xFFFFF000  }
0xf6: {  	[spmem:s2] =	stream.indirect.scatter.add.f32 [tilespmem:s28], [sflag:$0x3], $0x10, s16, s26, $0xb8;
	[tilespmem:$0x18360] =	vst v63  }
0xf7: {  	_ =	swait.ge [sflag:s24], $0x1000  }
0xf8: {  	[sflag:s24] =	ssyncset.done $0x0  }
0xf9: {  	s17 =	simm.s32 $0x400;
	[sflag:s24] =	ssyncadd.s32 $0xFFFFF000  }
0xfa: {  	[tilespmem:s28], [sflag:$0x1] =	stream.indirect.gather [spmem:s3], $0x10, s17, s26, $0xb8;
	[tilespmem:$0x18360] =	vst v63  }
0xfb: {  	_ =	swait.ge [sflag:s22], $0x1000  }
0xfc: {  	[sflag:s22] =	ssyncset.done $0x0  }
0xfd: {  	s15 =	simm.s32 $0xFFFED800;
	s16 =	simm.s32 $0x5300;
	[sflag:s22] =	ssyncadd.s32 $0xFFFFF000  }
.LBB2_6:
0xfe: {  	[spmem:s2] =	stream.indirect.scatter.add.f32 [tilespmem:s29], [sflag:$0x4], $0x10, s16, s26, $0xb8;
	[tilespmem:$0x18360] =	vst v63  }
0xff: {  	s16 =	smov.u32 s15  }
0x100: {  	p0 =	sne.s32 s15, $0xFFFFF800;
	s15 =	sadd.s32 $0x800, s15;
	_ =	swait.ge [sflag:s25], $0x1000  }
0x101: {  	s16 =	sshra.s32 s16, $0x2;
	[sflag:s25] =	ssyncset.done $0x0  }
0x102: {  	s17 =	sadd.s32 $0x4F00, s16;
	[sflag:s25] =	ssyncadd.s32 $0xFFFFF000  }
0x103: {  	[tilespmem:s29], [sflag:$0x2] =	stream.indirect.gather [spmem:s3], $0x10, s17, s26, $0xb8;
	[tilespmem:$0x18360] =	vst v63  }
0x104: {  	_ =	swait.ge [sflag:s21], $0x1000  }
0x105: {  	[sflag:s21] =	ssyncset.done $0x0  }
0x106: {  	s17 =	sadd.s32 $0x9E00, s16;
	[sflag:s21] =	ssyncadd.s32 $0xFFFFF000  }
0x107: {  	[spmem:s2] =	stream.indirect.scatter.add.f32 [tilespmem:s28], [sflag:$0x3], $0x10, s17, s26, $0xb8;
	[tilespmem:$0x18360] =	vst v63  }
0x108: {  	_ =	swait.ge [sflag:s24], $0x1000  }
0x109: {  	[sflag:s24] =	ssyncset.done $0x0  }
.Ltmp2:
0x10a: {  	s17 =	sadd.s32 $0x5000, s16;
	[sflag:s24] =	ssyncadd.s32 $0xFFFFF000;
	(pc) =	sbr.rel @p0 .LBB2_6-.Ltmp2, $4  }
0x10b: {  	[tilespmem:s28], [sflag:$0x1] =	stream.indirect.gather [spmem:s3], $0x10, s17, s26, $0xb8;
	[tilespmem:$0x18360] =	vst v63  }
0x10c: {  	_ =	swait.ge [sflag:s22], $0x1000  }
0x10d: {  	[sflag:s22] =	ssyncset.done $0x0  }
0x10e: {  	s16 =	sadd.s32 $0x9F00, s16;
	[sflag:s22] =	ssyncadd.s32 $0xFFFFF000  }
0x10f: {  	[spmem:s2] =	stream.indirect.scatter.add.f32 [tilespmem:s29], [sflag:$0x4], $0x10, s16, s26, $0xb8;
	[tilespmem:$0x18360] =	vst v63  }
0x110: {  	_ =	swait.ge [sflag:s25], $0x1000  }
0x111: {  	[sflag:s25] =	ssyncset.done $0x0  }
0x112: {  	[sflag:s25] =	ssyncadd.s32 $0xFFFFF000  }
0x113: {  	[tilespmem:s29], [sflag:$0x2] =	stream.indirect.gather [spmem:s3], $0x10, s0, s26, $0xb8;
	[tilespmem:$0x18360] =	vst v63  }
0x114: {  	_ =	swait.ge [sflag:s21], $0x1000  }
0x115: {  	[sflag:s21] =	ssyncset.done $0x0  }
0x116: {  	[sflag:s21] =	ssyncadd.s32 $0xFFFFF000  }
0x117: {  	[spmem:s2] =	stream.indirect.scatter.add.f32 [tilespmem:s28], [sflag:$0x3], $0x10, s1, s26, $0xb8;
	[tilespmem:$0x18360] =	vst v63  }
0x118: {  	_ =	swait.ge [sflag:s24], $0x1000  }
0x119: {  	[sflag:s24] =	ssyncset.done $0x0  }
0x11a: {  	[sflag:s24] =	ssyncadd.s32 $0xFFFFF000  }
0x11b: {  	_ =	swait.ge [sflag:s22], $0x1000  }
0x11c: {  	[sflag:s22] =	ssyncset.done $0x0  }
0x11d: {  	[sflag:s22] =	ssyncadd.s32 $0xFFFFF000  }
0x11e: {  	[spmem:s2] =	stream.indirect.scatter.add.f32 [tilespmem:s29], [sflag:$0x4], $0x10, s6, s26, $0xb8;
	[tilespmem:$0x18360] =	vst v63  }
0x11f: {  	_ =	swait.ge [sflag:s25], $0x1000  }
0x120: {  	[sflag:s25] =	ssyncset.done $0x0  }
0x121: {  	[sflag:s25] =	ssyncadd.s32 $0xFFFFF000  }
0x122: {  	[bflag:$0x0] =	sbarrier.arrive $0xFFFF  }
0x123: {  	s15 =	rddreg [dreg:$0x10]  }
0x124: {  	[hbm:s15@s23], [sflag:s13] =	dma.strided [spmem:s14@s22], $0x1388, s21, $0x2   }
0x125: {  	_ =	swait.ge [sflag:s7], $0x1388  }
0x126: {  	[sflag:s7] =	ssyncset.done $0x0  }
0x127: {  	[sflag:s7] =	ssyncadd.s32 $0xFFFFEC78  }
0x128: {  	[bflag:$0x0] =	sbarrier.arrive $0xFFFF  }
0x129: {  	[spmem:s10], [sflag:s9] =	dma.local [hbm:s5], $0x138A  }
0x12a: {  	s9 =	rddreg [dreg:$0x11]  }
0x12b: {  	[spmem:s12@s22], [sflag:s11] =	dma.strided [hbm:s9@s23], $0x4E2, s21, $0x2   }
0x12c: {  	_ =	swait.ge [sflag:s24], $0x138A  }
0x12d: {  	[sflag:s24] =	ssyncset.done $0x0  }
0x12e: {  	[sflag:s24] =	ssyncadd.s32 $0xFFFFEC76  }
0x12f: {  	_ =	swait.ge [sflag:s25], $0x4E2  }
0x130: {  	[sflag:s25] =	ssyncset.done $0x0  }
0x131: {  	[sflag:s25] =	ssyncadd.s32 $0xFFFFFB1E  }
0x132: {  	[bflag:$0x0] =	sbarrier.arrive $0xFFFF  }
0x133: {  	[tilespmem:s28], [sflag:$0x1] =	stream.indirect.gather [spmem:s3], $0x10, s4, s26, $0xb8;
	[tilespmem:$0x18360] =	vst v63  }
0x134: {  	_ = 	snop  }
0x135: {  	[tilespmem:s29], [sflag:$0x2] =	stream.indirect.gather [spmem:s3], $0x10, s26, s26, $0xb8;
	[tilespmem:$0x18360] =	vst v63  }
0x136: {  	_ =	swait.ge [sflag:s21], $0x1000  }
0x137: {  	[sflag:s21] =	ssyncset.done $0x0  }
0x138: {  	[sflag:s21] =	ssyncadd.s32 $0xFFFFF000  }
0x139: {  	[spmem:s2] =	stream.indirect.scatter.add.f32 [tilespmem:s28], [sflag:$0x3], $0x10, s20, s26, $0xb8;
	[tilespmem:$0x18360] =	vst v63  }
0x13a: {  	_ =	swait.ge [sflag:s24], $0x1000  }
0x13b: {  	[sflag:s24] =	ssyncset.done $0x0  }
0x13c: {  	[sflag:s24] =	ssyncadd.s32 $0xFFFFF000  }
0x13d: {  	[tilespmem:s28], [sflag:$0x1] =	stream.indirect.gather [spmem:s3], $0x10, s30, s26, $0xb8;
	[tilespmem:$0x18360] =	vst v63  }
0x13e: {  	_ =	swait.ge [sflag:s22], $0x1000  }
0x13f: {  	[sflag:s22] =	ssyncset.done $0x0  }
0x140: {  	[sflag:s22] =	ssyncadd.s32 $0xFFFFF000  }
0x141: {  	[spmem:s2] =	stream.indirect.scatter.add.f32 [tilespmem:s29], [sflag:$0x4], $0x10, s31, s26, $0xb8;
	[tilespmem:$0x18360] =	vst v63  }
0x142: {  	_ =	swait.ge [sflag:s25], $0x1000  }
0x143: {  	[sflag:s25] =	ssyncset.done $0x0  }
0x144: {  	s15 =	simm.s32 $0x300;
	[sflag:s25] =	ssyncadd.s32 $0xFFFFF000  }
0x145: {  	[tilespmem:s29], [sflag:$0x2] =	stream.indirect.gather [spmem:s3], $0x10, s15, s26, $0xb8;
	[tilespmem:$0x18360] =	vst v63  }
0x146: {  	_ =	swait.ge [sflag:s21], $0x1000  }
0x147: {  	[sflag:s21] =	ssyncset.done $0x0  }
0x148: {  	s16 =	simm.s32 $0x5200;
	[sflag:s21] =	ssyncadd.s32 $0xFFFFF000  }
0x149: {  	[spmem:s2] =	stream.indirect.scatter.add.f32 [tilespmem:s28], [sflag:$0x3], $0x10, s16, s26, $0xb8;
	[tilespmem:$0x18360] =	vst v63  }
0x14a: {  	_ =	swait.ge [sflag:s24], $0x1000  }
0x14b: {  	[sflag:s24] =	ssyncset.done $0x0  }
0x14c: {  	s17 =	simm.s32 $0x400;
	[sflag:s24] =	ssyncadd.s32 $0xFFFFF000  }
0x14d: {  	[tilespmem:s28], [sflag:$0x1] =	stream.indirect.gather [spmem:s3], $0x10, s17, s26, $0xb8;
	[tilespmem:$0x18360] =	vst v63  }
0x14e: {  	_ =	swait.ge [sflag:s22], $0x1000  }
0x14f: {  	[sflag:s22] =	ssyncset.done $0x0  }
0x150: {  	s10 =	simm.s32 $0x5300;
	s9 =	simm.s32 $0xFFFED800;
	[sflag:s22] =	ssyncadd.s32 $0xFFFFF000  }
.LBB2_8:
0x151: {  	[spmem:s2] =	stream.indirect.scatter.add.f32 [tilespmem:s29], [sflag:$0x4], $0x10, s10, s26, $0xb8;
	[tilespmem:$0x18360] =	vst v63  }
0x152: {  	s10 =	smov.u32 s9  }
0x153: {  	p0 =	sne.s32 s9, $0xFFFFF800;
	s9 =	sadd.s32 $0x800, s9;
	_ =	swait.ge [sflag:s25], $0x1000  }
0x154: {  	s10 =	sshra.s32 s10, $0x2;
	[sflag:s25] =	ssyncset.done $0x0  }
0x155: {  	s11 =	sadd.s32 $0x4F00, s10;
	[sflag:s25] =	ssyncadd.s32 $0xFFFFF000  }
0x156: {  	[tilespmem:s29], [sflag:$0x2] =	stream.indirect.gather [spmem:s3], $0x10, s11, s26, $0xb8;
	[tilespmem:$0x18360] =	vst v63  }
0x157: {  	_ =	swait.ge [sflag:s21], $0x1000  }
0x158: {  	[sflag:s21] =	ssyncset.done $0x0  }
0x159: {  	s11 =	sadd.s32 $0x9E00, s10;
	[sflag:s21] =	ssyncadd.s32 $0xFFFFF000  }
0x15a: {  	[spmem:s2] =	stream.indirect.scatter.add.f32 [tilespmem:s28], [sflag:$0x3], $0x10, s11, s26, $0xb8;
	[tilespmem:$0x18360] =	vst v63  }
0x15b: {  	_ =	swait.ge [sflag:s24], $0x1000  }
0x15c: {  	[sflag:s24] =	ssyncset.done $0x0  }
.Ltmp3:
0x15d: {  	s11 =	sadd.s32 $0x5000, s10;
	[sflag:s24] =	ssyncadd.s32 $0xFFFFF000;
	(pc) =	sbr.rel @p0 .LBB2_8-.Ltmp3, $4  }
0x15e: {  	[tilespmem:s28], [sflag:$0x1] =	stream.indirect.gather [spmem:s3], $0x10, s11, s26, $0xb8;
	[tilespmem:$0x18360] =	vst v63  }
0x15f: {  	_ =	swait.ge [sflag:s22], $0x1000  }
0x160: {  	[sflag:s22] =	ssyncset.done $0x0  }
0x161: {  	s10 =	sadd.s32 $0x9F00, s10;
	[sflag:s22] =	ssyncadd.s32 $0xFFFFF000  }
0x162: {  	[spmem:s2] =	stream.indirect.scatter.add.f32 [tilespmem:s29], [sflag:$0x4], $0x10, s10, s26, $0xb8;
	[tilespmem:$0x18360] =	vst v63  }
0x163: {  	_ =	swait.ge [sflag:s25], $0x1000  }
0x164: {  	[sflag:s25] =	ssyncset.done $0x0  }
0x165: {  	[sflag:s25] =	ssyncadd.s32 $0xFFFFF000  }
0x166: {  	[tilespmem:s29], [sflag:$0x2] =	stream.indirect.gather [spmem:s3], $0x10, s0, s26, $0xb8;
	[tilespmem:$0x18360] =	vst v63  }
0x167: {  	_ =	swait.ge [sflag:s21], $0x1000  }
0x168: {  	[sflag:s21] =	ssyncset.done $0x0  }
0x169: {  	[sflag:s21] =	ssyncadd.s32 $0xFFFFF000  }
0x16a: {  	[spmem:s2] =	stream.indirect.scatter.add.f32 [tilespmem:s28], [sflag:$0x3], $0x10, s1, s26, $0xb8;
	[tilespmem:$0x18360] =	vst v63  }
0x16b: {  	_ =	swait.ge [sflag:s24], $0x1000  }
0x16c: {  	[sflag:s24] =	ssyncset.done $0x0  }
0x16d: {  	[sflag:s24] =	ssyncadd.s32 $0xFFFFF000  }
0x16e: {  	_ =	swait.ge [sflag:s22], $0x1000  }
0x16f: {  	[sflag:s22] =	ssyncset.done $0x0  }
0x170: {  	[sflag:s22] =	ssyncadd.s32 $0xFFFFF000  }
0x171: {  	[spmem:s2] =	stream.indirect.scatter.add.f32 [tilespmem:s29], [sflag:$0x4], $0x10, s6, s26, $0xb8;
	[tilespmem:$0x18360] =	vst v63  }
0x172: {  	_ =	swait.ge [sflag:s25], $0x1000  }
0x173: {  	s8 =	sadd.s32 $0x1, s8;
	[sflag:s25] =	ssyncset.done $0x0  }
0x174: {  	p0 =	sne.s32 s8, s19;
	[sflag:s25] =	ssyncadd.s32 $0xFFFFF000  }
.Ltmp4:
0x175: {  	[bflag:$0x0] =	sbarrier.arrive $0xFFFF;
	(pc) =	sbr.rel @p0 .LBB2_1-.Ltmp4, $4  }
0x176: {  	[hbm:s18@s23], [sflag:s13] =	dma.strided [spmem:s14@s22], $0x1388, s21, $0x2   }
0x177: {  	_ =	swait.ge [sflag:s7], $0x1388  }
0x178: {  	[sflag:s7] =	ssyncset.done $0x0  }
0x179: {  	[sflag:s7] =	ssyncadd.s32 $0xFFFFEC78  }
0x17a: {  	_ =	sfence.sel $0x180000  }
0x17b: {  	[bflag:$0x0] =	sbarrier.arrive $0xFFFF  }
0x17c: {  	_ =	strace $0x9000004A  }
0x17d: {  	s0 =	stileid.u32;
	[bflag:$0x2] =	sbarrier.arrive $0xFFFF  }
0x17e: {  	p0 =	sne.s32 s0, $0x0;
	s0 =	rddreg [dreg:$0x5]  }
0x17f: {  	s0 =	sadd.s32 @!p0 $0x100000, s0  }
0x180: {  	[sflag:s0] =	ssyncadd.tile.s32 @!p0 $0x1;
	_ =	shalt  }
.Lfunc_end2:
_tile_overlayer_lowered:
.L_overlay_start_2:
0x181: {  	(tag) =	ssettag $0x2  }
0x182: {  	s0 =	rddreg [dreg:$0x0];
	s2 =	stileid.u32  }
0x183: {  	s1 =	rddreg [dreg:$0x1];
	p0 =	sne.s32 s2, $0x0  }
0x184: {  	s3 =	rddreg [dreg:$0x2];
	[bflag:$0x3] =	sbarrier.arrive $0xFFFF;
	s2 =	simm.s32 @!p0 $0x1C05  }
0x185: {  	[timem:s3], [sflag:s2] =	dma.local @!p0 [hbm:s0], s1  }
0x186: {  	s0 =	simm.s32 @!p0 $0x5  }
0x187: {  	_ =	swait.ge @!p0 [sflag:s0], s1  }
0x188: {  	s1 =	ssub.s32 @!p0 $0x0, s1;
	[sflag:s0] =	ssyncset.done @!p0 $0x0  }
0x189: {  	[sflag:s0] =	ssyncadd.s32 @!p0 s1  }
0x18a: {  	[bflag:$0x3] =	sbarrier.arrive $0xFFFF  }
0x18b: {  	_ =	shalt  }

// kernel: kernel.17.cloned.1.call-start
scs
__scs_entry_jumppad:
0x0: {  	(pc) =	sbr.rel $0x88, $3  }
0x1: {  	(tag) =	ssettag $0x0;
	lr =	simm.s32 $0x1  }
0x2: {  	[smem:$0x3F9C] =	sst lr;
	_ =	strace $0xD0000000  }
0x3: {  	_ = 	snop  }
0x4: {  	_ = 	snop  }
0x5: {  	_ = 	snop  }
0x6: {  	_ = 	snop  }
0x7: {  	_ = 	snop  }
__scs_overlays_trampoline_lowered:
0x8: {  	[smem:$0x3FAB] =	sst s0  }
0x9: {  	[smem:$0x3FAC] =	sst s1  }
0xa: {  	[smem:$0x3FAD] =	sst s2  }
0xb: {  	[smem:$0x3FAE] =	sst s3  }
0xc: {  	[smem:$0x3FAF] =	sst s4  }
0xd: {  	[smem:$0x3FB0] =	sst s5  }
0xe: {  	[smem:$0x3FB1] =	sst s6  }
0xf: {  	[smem:$0x3FB2] =	sst s7  }
0x10: {  	[smem:$0x3FB3] =	sst s8  }
0x11: {  	[smem:$0x3FB4] =	sst s9;
	s0 =	simm.s32 @!p0 $0x0  }
0x12: {  	s1 =	sld [smem:$0x3F9A];
	s0 =	simm.s32 @p0 $0x1  }
0x13: {  	[smem:$0x3FB5] =	sst s0;
	s0 =	simm.s32 @!p1 $0x0  }
0x14: {  	s2 =	sld [smem:$0x3F99];
	s0 =	simm.s32 @p1 $0x1  }
0x15: {  	[smem:$0x3FB6] =	sst s0;
	s0 =	simm.s32 @!p2 $0x0  }
0x16: {  	s3 =	sld [smem:$0x3FDB];
	s0 =	simm.s32 @p2 $0x1  }
0x17: {  	s4 =	simm.s32 $0x1BF5;
	[smem:$0x3FB8] =	sst s0  }
0x18: {  	s0 =	sld [smem:$0x3F9B];
	_ =	swait.ge [sflag:s4], $0x0  }
0x19: {  	s7 =	sld [smem:$0x3F9C]  }
0x1a: {  	s8 =	sadd.s32 $0xFFFFE003, lr  }
0x1b: {  	s9 =	sadd.s32 $0xFFFFFEF7, lr;
	s5 =	simm.s32 $0xFFFFFFFF;
	p2 =	slt.u32 s8, $0xFFFFF086  }
0x1c: {  	p1 =	slt.u32 s9, $0xF7A;
	s5 =	simm.s32 @!p2 $0x0  }
0x1d: {  	s5 =	simm.s32 @p1 $0x1;
	p0 =	seq.s32 s7, s2  }
0x1e: {  	s7 =	smul.u32 @!p0 $0xF7A, s2;
	p2 =	seq.s32 @!p0 s5, $0x0  }
0x1f: {  	s9 =	smul.u32 $0xF7A, s1;
	s8 =	simm.s32 @!p0 $0x1BF5;
	p2 =	por !p2, p0  }
0x20: {  	[sflag:s8] =	ssyncset.s32 @!p0 $0xFFFFF086;
	s6 =	sadd.s32 @!p0 s3, s7;
	s7 =	simm.s32 @!p0 $0x108  }
0x21: {  	s3 =	sadd.s32 s3, s9;
	s6 =	sadd.s32 @!p0 $0x88, s6;
	s7 =	simm.s32 @p2 $0x1082  }
0x22: {  	[simem:s7], [sflag:s8] =	dma.local @!p0 [hbm:s6], $0xF7A  }
0x23: {  	s9 =	sor.u32 $0xD0000000, s2;
	s6 =	simm.s32 $0x108;
	_ =	swait.ge @!p0 [sflag:s8], $0x0  }
0x24: {  	s3 =	sadd.s32 $0x88, s3;
	s6 =	simm.s32 @!p1 $0x1082;
	[sflag:s4] =	ssyncset.s32 $0xFFFFF086  }
0x25: {  	[simem:s6], [sflag:s4] =	dma.local [hbm:s3], $0xF7A  }
0x26: {  	[smem:$0x3F9C] =	sst s1;
	(tag) =	ssettag s2;
	_ =	strace s9  }
0x27: {  	s1 =	sld [smem:$0x3FAC]  }
0x28: {  	s2 =	sld [smem:$0x3FAD]  }
0x29: {  	s4 =	sld [smem:$0x3FAF]  }
0x2a: {  	p0 =	seq.s32 s5, $0x0;
	s5 =	sld [smem:$0x3FB0]  }
0x2b: {  	s6 =	sld [smem:$0x3FB1]  }
0x2c: {  	s7 =	sld [smem:$0x3FB2]  }
0x2d: {  	s3 =	simm.s32 $0x108;
	s8 =	sld [smem:$0x3FB3]  }
0x2e: {  	s3 =	simm.s32 @!p0 $0x1082;
	s9 =	sld [smem:$0x3FB4]  }
0x2f: {  	lr =	sadd.s32 s0, s3;
	s0 =	sld [smem:$0x3FAB]  }
0x30: {  	s3 =	sld [smem:$0x3FAE]  }
0x31: {  	[smem:$0x3FB7] =	sst s10  }
0x32: {  	s10 =	sld [smem:$0x3FB5];
	_ =	sdelay $0x3  }
0x33: {  	p0 =	seq.s32 s10, $0x1;
	s10 =	sld [smem:$0x3FB7];
	_ =	sdelay $0x3  }
0x34: {  	[smem:$0x3FB7] =	sst s10  }
0x35: {  	s10 =	sld [smem:$0x3FB6];
	_ =	sdelay $0x3  }
0x36: {  	p1 =	seq.s32 s10, $0x1;
	s10 =	sld [smem:$0x3FB7];
	_ =	sdelay $0x3  }
0x37: {  	[smem:$0x3FB7] =	sst s10  }
0x38: {  	s10 =	sld [smem:$0x3FB8]  }
0x39: {  	_ = 	snop;
	(pc) =	sbr.ind lr, $3  }
0x3a: {  	_ = 	snop  }
0x3b: {  	_ = 	snop  }
0x3c: {  	p2 =	seq.s32 s10, $0x1;
	s10 =	sld [smem:$0x3FB7]  }
0x3d: {  	_ =	shalt  }
0x3e: {  	_ =	shalt  }
0x3f: {  	_ =	shalt  }
0x40: {  	_ =	shalt  }
0x41: {  	_ =	shalt  }
0x42: {  	_ =	shalt  }
0x43: {  	_ =	shalt  }
0x44: {  	_ =	shalt  }
0x45: {  	_ =	shalt  }
0x46: {  	_ =	shalt  }
0x47: {  	_ =	shalt  }
0x48: {  	_ =	shalt  }
0x49: {  	_ =	shalt  }
0x4a: {  	_ =	shalt  }
0x4b: {  	_ =	shalt  }
0x4c: {  	_ =	shalt  }
0x4d: {  	_ =	shalt  }
0x4e: {  	_ =	shalt  }
0x4f: {  	_ =	shalt  }
0x50: {  	_ =	shalt  }
0x51: {  	_ =	shalt  }
0x52: {  	_ =	shalt  }
0x53: {  	_ =	shalt  }
0x54: {  	_ =	shalt  }
0x55: {  	_ =	shalt  }
0x56: {  	_ =	shalt  }
0x57: {  	_ =	shalt  }
0x58: {  	_ =	shalt  }
0x59: {  	_ =	shalt  }
0x5a: {  	_ =	shalt  }
0x5b: {  	_ =	shalt  }
0x5c: {  	_ =	shalt  }
0x5d: {  	_ =	shalt  }
0x5e: {  	_ =	shalt  }
0x5f: {  	_ =	shalt  }
0x60: {  	_ =	shalt  }
0x61: {  	_ =	shalt  }
0x62: {  	_ =	shalt  }
0x63: {  	_ =	shalt  }
0x64: {  	_ =	shalt  }
0x65: {  	_ =	shalt  }
0x66: {  	_ =	shalt  }
0x67: {  	_ =	shalt  }
0x68: {  	_ =	shalt  }
0x69: {  	_ =	shalt  }
0x6a: {  	_ =	shalt  }
0x6b: {  	_ =	shalt  }
0x6c: {  	_ =	shalt  }
0x6d: {  	_ =	shalt  }
0x6e: {  	_ =	shalt  }
0x6f: {  	_ =	shalt  }
0x70: {  	_ =	shalt  }
0x71: {  	_ =	shalt  }
0x72: {  	_ =	shalt  }
0x73: {  	_ =	shalt  }
0x74: {  	_ =	shalt  }
0x75: {  	_ =	shalt  }
0x76: {  	_ =	shalt  }
0x77: {  	_ =	shalt  }
0x78: {  	_ =	shalt  }
0x79: {  	_ =	shalt  }
0x7a: {  	_ =	shalt  }
0x7b: {  	_ =	shalt  }
0x7c: {  	_ =	shalt  }
0x7d: {  	_ =	shalt  }
0x7e: {  	_ =	shalt  }
0x7f: {  	_ =	shalt  }
0x80: {  	_ =	shalt  }
0x81: {  	_ =	shalt  }
0x82: {  	_ =	shalt  }
0x83: {  	_ =	shalt  }
0x84: {  	_ =	shalt  }
0x85: {  	_ =	shalt  }
0x86: {  	_ =	shalt  }
0x87: {  	_ =	shalt  }
.Lfunc_end0:
.L_simem_size_0:
called_computation.2_lowered:
.L_overlay_start_0:
0x88: {  	s2 =	sld [smem:$0x3FD9]  }
0x89: {  	s3 =	sld [smem:$0x3FFE];
	_ =	sdelay $0x1  }
0x8a: {  	s1 =	srdreg.scid  }
0x8b: {  	s0 =	sand.u32 $0x1, s1  }
0x8c: {  	s14 =	sshll.u32 s0, $0xA;
	s2 =	sadd.s32 s3, s2  }
0x8d: {  	s2 =	sadd.s32 s2, s14  }
0x8e: {  	[smem:$0x3FC3] =	sst s2  }
0x8f: {  	_ = 	snop  }
0x90: {  	s2 =	sld [smem:$0x3FD0];
	_ =	sdelay $0x2  }
0x91: {  	s15 =	simm.s32 $0xA;
	s4 =	simm.s32 $0x10  }
0x92: {  	[smem:s4], [sflag:s15] =	dma.local [hbm:s2], $0x1  }
0x93: {  	_ =	swait.eq [sflag:s15], $0x1  }
0x94: {  	[sflag:s15] =	ssyncset.done $0x0  }
0x95: {  	s16 =	sld [smem:$0x10];
	[sflag:s15] =	ssyncadd.s32 $0xFFFFFFFF  }
0x96: {  	s17 =	sld [smem:$0x11];
	(tm) =	ssettm $0x1  }
0x97: {  	s18 =	sld [smem:$0x3FFB];
	_ =	sdelay $0x3  }
0x98: {  	_ =	strace s18  }
0x99: {  	s4 =	sld [smem:$0x3FFC];
	_ =	sdelay $0x3  }
0x9a: {  	_ =	strace s4  }
0x9b: {  	s4 =	sld [smem:$0x3FFD];
	_ =	sdelay $0x3  }
0x9c: {  	_ =	strace s4  }
0x9d: {  	_ =	strace $0x8FFFFFFF  }
0x9e: {  	s19 =	sld [smem:$0x3FDB];
	_ =	sdelay $0x1  }
0x9f: {  	s5 =	simm.s32 $_scs_section_size  }
0xa0: {  	s6 =	simm.s32 $_size__tile_overlayer_lowered;
	s7 =	simm.s32 $_tile_overlayer_lowered  }
0xa1: {  	s22 =	simm.s32 $0x1BFF;
	s21 =	sshll.u32 s7, $0x1;
	s4 =	sadd.s32 s5, s19  }
0xa2: {  	s8 =	simm.s32 $0x0;
	s20 =	sshll.u32 s6, $0x1;
	s6 =	sadd.s32 s21, s4  }
0xa3: {  	[timem:s8], [sflag:s22] =	dma.local [hbm:s6], s20  }
0xa4: {  	_ =	swait.ge [sflag:s22], s20  }
0xa5: {  	s5 =	ssub.s32 $0x0, s20;
	[sflag:s22] =	ssyncset.done $0x0  }
0xa6: {  	[sflag:s22] =	ssyncadd.s32 s5;
	_ =	sdelay $0x1  }
0xa7: {  	s23 =	simm.s32 $0x1B8B  }
0xa8: {  	_ =	swait.ge [sflag:s23], $0x1  }
0xa9: {  	[sflag:s23] =	ssyncset.done $0x0  }
0xaa: {  	s25 =	simm.s32 $0x1B8E;
	s24 =	sld [smem:$0x3FFE];
	[sflag:s23] =	ssyncadd.s32 $0xFFFFFFFF  }
0xab: {  	s26 =	simm.s32 $execute0_lowered;
	[smem:$0x3FD2] =	sst s25  }
0xac: {  	s6 =	sshll.u32 s26, $0x1;
	_ =	strace $0x8000004C;
	[dreg:$0x1] =	wrdreg $0xFFFFFFFF  }
0xad: {  	s28 =	simm.s32 $_size_execute0_lowered;
	s4 =	sadd.s32 s4, s6;
	[dreg:$0x0] =	wrdreg $0x0  }
0xae: {  	s6 =	sshll.u32 s28, $0x1;
	[dreg:$0x2] =	wrdreg s4  }
0xaf: {  	[dreg:$0x3] =	wrdreg s6  }
0xb0: {  	[dreg:$0x4] =	wrdreg $0xC0  }
0xb1: {  	_ =	task [dreg:s8], $0x5FFFF  }
0xb2: {  	[dreg:$0x1] =	wrdreg $0xFFFFFFFF  }
0xb3: {  	[dreg:$0x0] =	wrdreg $0x60  }
0xb4: {  	[dreg:$0x2] =	wrdreg s17  }
0xb5: {  	[dreg:$0x3] =	wrdreg s24  }
0xb6: {  	[dreg:$0x4] =	wrdreg s16  }
0xb7: {  	[dreg:$0x5] =	wrdreg $0x15C400  }
0xb8: {  	[dreg:$0x6] =	wrdreg $0xC0000  }
0xb9: {  	[dreg:$0x7] =	wrdreg $0x9  }
0xba: {  	_ =	task.clear_ibuf [dreg:s8], $0x8FFFF;
	_ =	strace $0x9000004C  }
0xbb: {  	s29 =	simm.s32 $0x9;
	_ =	strace $0x8000004E  }
0xbc: {  	_ =	swait.ge [sflag:s29], $0x1  }
0xbd: {  	[sflag:s29] =	ssyncadd.s32 $0xFFFFFFFF  }
0xbe: {  	_ =	strace $0x9000004E  }
0xbf: {  	_ =	sfence  }
0xc0: {  	s30 =	sld [smem:$0x0];
	_ =	sdelay $0x2  }
0xc1: {  	s31 =	sshll.u32 s1, $0xD;
	s1 =	sshrl.u32 s1, $0x2  }
0xc2: {  	s3 =	sand.u32 $0x4000, s31;
	s1 =	sadd.s32 s1, s30  }
0xc3: {  	s0 =	sor.u32 s3, s0;
	s1 =	sshll.u32 s1, $0x11  }
0xc4: {  	s0 =	sor.u32 s1, s0  }
0xc5: {  	s0 =	sadd.s32 $0x8F2B, s0  }
0xc6: {  	[sflag:s0] =	ssyncadd.remote.s32 $0x1  }
0xc7: {  	_ =	sfence.sel $0xFFFF  }
0xc8: {  	[dreg:$0x0] =	wrdreg $0xFFFFFFFF;
	(pc) =	sbr.abs _section_cstart, $3  }
0xc9: {  	[dreg:$0x1] =	wrdreg $0xFFFFFFFF  }
0xca: {  	_ =	task.clear_ibuf [dreg:s8], $0x2FFFF;
	_ =	strace $0x9FFFFFFF  }
0xcb: {  	(tm) =	ssettm $0x7FFFFFFF  }
tec
execute0_lowered:
.L_overlay_start_1:
0x0: {  	(tag) =	ssettag $0x1  }
0x1: {  	s0 =	rddreg [dreg:$0x0]  }
0x2: {  	s1 =	rddreg [dreg:$0x1]  }
0x3: {  	s6 =	rddreg [dreg:$0x2]  }
0x4: {  	s2 =	rddreg [dreg:$0x3];
	s12 =	stileid.u32  }
0x5: {  	s3 =	rddreg [dreg:$0x4];
	s7 =	smul.u32 $0xA00, s12  }
0x6: {  	s5 =	srdreg.scid;
	s24 =	smul.u32 $0x9C80, s12  }
0x7: {  	s4 =	simm.s32 $0x0;
	s28 =	simm.s32 $0xA000;
	s26 =	smul.u32 $0x4E200, s12  }
0x8: {  	s29 =	simm.s32 $0xB000;
	s30 =	simm.s32 $0x200;
	s13 =	smul.u32 $0x27100, s12  }
0x9: {  	s31 =	simm.s32 $0x5100;
	s8 =	sand.u32 $0x1, s5;
	s11 =	smul.u32 $0x13880, s12  }
0xa: {  	[smem:$0x7FF] =	sst s4;
	s5 =	sadd.s32 $0x17200, s1;
	s12 =	smul.u32 $0x9C40, s12  }
0xb: {  	s9 =	ssub.s32 $0x2, s8;
	_ =	strace $0x8000004D;
	s8 =	sshll.u32 s8, $0x6  }
0xc: {  	s7 =	sadd.s32 s7, s1;
	s10 =	sshrl.u32 s9, $0x1;
	s14 =	sor.u32 s8, s26  }
0xd: {  	s15 =	sor.u32 s8, s11;
	s16 =	sshrl.u32 s12, $0x2;
	s17 =	sor.u32 $0x10, s8  }
0xe: {  	s21 =	sor.u32 $0x20, s8;
	s8 =	sor.u32 $0x30, s8;
	s1 =	ssub.s32 s9, s10  }
0xf: {  	s25 =	sadd.s32 $0x36000, s7;
	s7 =	sadd.s32 $0xD200, s7;
	s9 =	sshrl.u32 s24, $0x2  }
0x10: {  	s10 =	sshrl.u32 s13, $0x2;
	s18 =	sadd.s32 s16, s2;
	s19 =	sor.u32 s26, s17  }
0x11: {  	s20 =	sor.u32 s11, s17;
	s23 =	sor.u32 s26, s21;
	[dreg:$0x6] =	wrdreg s25  }
0x12: {  	[dreg:$0x7] =	wrdreg s7;
	s9 =	sadd.s32 s9, s2;
	s10 =	sadd.s32 s10, s3  }
0x13: {  	[dreg:$0xc] =	wrdreg s18;
	s22 =	sshrl.u32 s20, $0x3;
	s24 =	sshrl.u32 s23, $0x3  }
0x14: {  	s25 =	sor.u32 s11, s21;
	s7 =	sor.u32 s26, s8;
	s8 =	sor.u32 s11, s8  }
0x15: {  	s20 =	simm.s32 $0x5000;
	[dreg:$0x8] =	wrdreg s9;
	s9 =	sshrl.u32 s14, $0x3  }
0x16: {  	s21 =	simm.s32 $0x1;
	[dreg:$0x9] =	wrdreg s10;
	s9 =	sadd.s32 s0, s9  }
0x17: {  	s23 =	simm.s32 $0x10;
	[dreg:$0xa] =	wrdreg s9;
	s9 =	sshrl.u32 s15, $0x3  }
0x18: {  	s7 =	sshrl.u32 s7, $0x3;
	s26 =	sshrl.u32 s8, $0x3;
	s9 =	sadd.s32 s6, s9  }
0x19: {  	s8 =	simm.s32 $0x0;
	[dreg:$0xb] =	wrdreg s9;
	s9 =	sshrl.u32 s19, $0x3  }
0x1a: {  	s18 =	sadd.s32 s6, s26;
	s26 =	simm.s32 $0x100;
	s9 =	sadd.s32 s0, s9  }
0x1b: {  	s19 =	smax.u32 s1, $0x1;
	[dreg:$0xd] =	wrdreg s9;
	s9 =	sadd.s32 s6, s22  }
0x1c: {  	s1 =	simm.s32 $0x9E00;
	s22 =	simm.s32 $0x2;
	[dreg:$0xe] =	wrdreg s9  }
0x1d: {  	s9 =	sadd.s32 s0, s24;
	s0 =	sadd.s32 s0, s7;
	s24 =	simm.s32 $0x3  }
0x1e: {  	s7 =	simm.s32 $0x5;
	[dreg:$0xf] =	wrdreg s9;
	s9 =	sshrl.u32 s25, $0x3  }
0x1f: {  	[dreg:$0x11] =	wrdreg s0;
	s25 =	simm.s32 $0x4;
	s9 =	sadd.s32 s6, s9  }
0x20: {  	s0 =	simm.s32 $0x4F00;
	s6 =	simm.s32 $0x9F00;
	[dreg:$0x10] =	wrdreg s9  }
.LBB2_1:
0x21: {  	s9 =	rddreg [dreg:$0x6]  }
0x22: {  	[tilespmem:s4], [sflag:$0x1] =	stream.linear.gather [hbm4b:s9+s4], $0x5000, $0x38;
	[tilespmem:$0x18360] =	vst v63  }
0x23: {  	s13 =	rddreg [dreg:$0x7]  }
0x24: {  	[tilespmem:s20], [sflag:$0x2] =	stream.linear.gather [hbm4b:s13+s4], $0x5000, $0x38;
	[tilespmem:$0x18360] =	vst v63  }
0x25: {  	s14 =	stileid.u32;
	[bflag:$0x0] =	sbarrier.arrive $0xFFFF  }
0x26: {  	s13 =	sshll.u32 s14, $0x6;
	s10 =	rddreg [dreg:$0x8]  }
0x27: {  	s9 =	sor.u32 $0x1C03, s13;
	s10 =	sshrl.u32 s10, $0x3  }
0x28: {  	[spmem:s10], [sflag:s9] =	dma.local [hbm:s5], $0x4E4  }
0x29: {  	s12 =	rddreg [dreg:$0x9]  }
0x2a: {  	s11 =	sor.u32 $0x1C04, s13;
	s14 =	rddreg [dreg:$0xa];
	s12 =	sshrl.u32 s12, $0x3  }
0x2b: {  	[spmem:s12@s22], [sflag:s11] =	dma.strided [hbm:s14@s23], $0x1388, s21, $0x2   }
0x2c: {  	_ =	swait.ge [sflag:s21], $0x5000  }
0x2d: {  	[sflag:s21] =	ssyncset.done $0x0  }
0x2e: {  	[sflag:s21] =	ssyncadd.s32 $0xFFFFB000  }
0x2f: {  	_ =	swait.ge [sflag:s22], $0x5000  }
0x30: {  	[sflag:s22] =	ssyncset.done $0x0  }
0x31: {  	[sflag:s22] =	ssyncadd.s32 $0xFFFFB000  }
0x32: {  	_ =	swait.ge [sflag:s24], $0x4E4  }
0x33: {  	[sflag:s24] =	ssyncset.done $0x0  }
0x34: {  	[sflag:s24] =	ssyncadd.s32 $0xFFFFFB1C  }
0x35: {  	_ =	swait.ge [sflag:s25], $0x1388  }
0x36: {  	[sflag:s25] =	ssyncset.done $0x0  }
0x37: {  	[sflag:s25] =	ssyncadd.s32 $0xFFFFEC78  }
0x38: {  	[bflag:$0x0] =	sbarrier.arrive $0xFFFF  }
0x39: {  	[tilespmem:s28], [sflag:$0x1] =	stream.indirect.gather [spmem:s3], $0x10, s4, s26, $0xb8;
	[tilespmem:$0x18360] =	vst v63  }
0x3a: {  	_ = 	snop  }
0x3b: {  	[tilespmem:s29], [sflag:$0x2] =	stream.indirect.gather [spmem:s3], $0x10, s26, s26, $0xb8;
	[tilespmem:$0x18360] =	vst v63  }
0x3c: {  	_ =	swait.ge [sflag:s21], $0x1000  }
0x3d: {  	[sflag:s21] =	ssyncset.done $0x0  }
0x3e: {  	[sflag:s21] =	ssyncadd.s32 $0xFFFFF000  }
0x3f: {  	[spmem:s2] =	stream.indirect.scatter.add.f32 [tilespmem:s28], [sflag:$0x3], $0x10, s20, s26, $0xb8;
	[tilespmem:$0x18360] =	vst v63  }
0x40: {  	_ =	swait.ge [sflag:s24], $0x1000  }
0x41: {  	[sflag:s24] =	ssyncset.done $0x0  }
0x42: {  	[sflag:s24] =	ssyncadd.s32 $0xFFFFF000  }
0x43: {  	[tilespmem:s28], [sflag:$0x1] =	stream.indirect.gather [spmem:s3], $0x10, s30, s26, $0xb8;
	[tilespmem:$0x18360] =	vst v63  }
0x44: {  	_ =	swait.ge [sflag:s22], $0x1000  }
0x45: {  	[sflag:s22] =	ssyncset.done $0x0  }
0x46: {  	[sflag:s22] =	ssyncadd.s32 $0xFFFFF000  }
0x47: {  	[spmem:s2] =	stream.indirect.scatter.add.f32 [tilespmem:s29], [sflag:$0x4], $0x10, s31, s26, $0xb8;
	[tilespmem:$0x18360] =	vst v63  }
0x48: {  	_ =	swait.ge [sflag:s25], $0x1000  }
0x49: {  	[sflag:s25] =	ssyncset.done $0x0  }
0x4a: {  	s15 =	simm.s32 $0x300;
	[sflag:s25] =	ssyncadd.s32 $0xFFFFF000  }
0x4b: {  	[tilespmem:s29], [sflag:$0x2] =	stream.indirect.gather [spmem:s3], $0x10, s15, s26, $0xb8;
	[tilespmem:$0x18360] =	vst v63  }
0x4c: {  	_ =	swait.ge [sflag:s21], $0x1000  }
0x4d: {  	[sflag:s21] =	ssyncset.done $0x0  }
0x4e: {  	s16 =	simm.s32 $0x5200;
	[sflag:s21] =	ssyncadd.s32 $0xFFFFF000  }
0x4f: {  	[spmem:s2] =	stream.indirect.scatter.add.f32 [tilespmem:s28], [sflag:$0x3], $0x10, s16, s26, $0xb8;
	[tilespmem:$0x18360] =	vst v63  }
0x50: {  	_ =	swait.ge [sflag:s24], $0x1000  }
0x51: {  	[sflag:s24] =	ssyncset.done $0x0  }
0x52: {  	s17 =	simm.s32 $0x400;
	[sflag:s24] =	ssyncadd.s32 $0xFFFFF000  }
0x53: {  	[tilespmem:s28], [sflag:$0x1] =	stream.indirect.gather [spmem:s3], $0x10, s17, s26, $0xb8;
	[tilespmem:$0x18360] =	vst v63  }
0x54: {  	_ =	swait.ge [sflag:s22], $0x1000  }
0x55: {  	[sflag:s22] =	ssyncset.done $0x0  }
0x56: {  	s14 =	simm.s32 $0xFFFED800;
	s15 =	simm.s32 $0x5300;
	[sflag:s22] =	ssyncadd.s32 $0xFFFFF000  }
.LBB2_2:
0x57: {  	[spmem:s2] =	stream.indirect.scatter.add.f32 [tilespmem:s29], [sflag:$0x4], $0x10, s15, s26, $0xb8;
	[tilespmem:$0x18360] =	vst v63  }
0x58: {  	s15 =	smov.u32 s14  }
0x59: {  	p0 =	sne.s32 s14, $0xFFFFF800;
	s14 =	sadd.s32 $0x800, s14;
	_ =	swait.ge [sflag:s25], $0x1000  }
0x5a: {  	s15 =	sshra.s32 s15, $0x2;
	[sflag:s25] =	ssyncset.done $0x0  }
0x5b: {  	s16 =	sadd.s32 $0x4F00, s15;
	[sflag:s25] =	ssyncadd.s32 $0xFFFFF000  }
0x5c: {  	[tilespmem:s29], [sflag:$0x2] =	stream.indirect.gather [spmem:s3], $0x10, s16, s26, $0xb8;
	[tilespmem:$0x18360] =	vst v63  }
0x5d: {  	_ =	swait.ge [sflag:s21], $0x1000  }
0x5e: {  	[sflag:s21] =	ssyncset.done $0x0  }
0x5f: {  	s16 =	sadd.s32 $0x9E00, s15;
	[sflag:s21] =	ssyncadd.s32 $0xFFFFF000  }
0x60: {  	[spmem:s2] =	stream.indirect.scatter.add.f32 [tilespmem:s28], [sflag:$0x3], $0x10, s16, s26, $0xb8;
	[tilespmem:$0x18360] =	vst v63  }
0x61: {  	_ =	swait.ge [sflag:s24], $0x1000  }
0x62: {  	[sflag:s24] =	ssyncset.done $0x0  }
.Ltmp0:
0x63: {  	s16 =	sadd.s32 $0x5000, s15;
	[sflag:s24] =	ssyncadd.s32 $0xFFFFF000;
	(pc) =	sbr.rel @p0 .LBB2_2-.Ltmp0, $4  }
0x64: {  	[tilespmem:s28], [sflag:$0x1] =	stream.indirect.gather [spmem:s3], $0x10, s16, s26, $0xb8;
	[tilespmem:$0x18360] =	vst v63  }
0x65: {  	_ =	swait.ge [sflag:s22], $0x1000  }
0x66: {  	[sflag:s22] =	ssyncset.done $0x0  }
0x67: {  	s15 =	sadd.s32 $0x9F00, s15;
	[sflag:s22] =	ssyncadd.s32 $0xFFFFF000  }
0x68: {  	[spmem:s2] =	stream.indirect.scatter.add.f32 [tilespmem:s29], [sflag:$0x4], $0x10, s15, s26, $0xb8;
	[tilespmem:$0x18360] =	vst v63  }
0x69: {  	_ =	swait.ge [sflag:s25], $0x1000  }
0x6a: {  	[sflag:s25] =	ssyncset.done $0x0  }
0x6b: {  	[sflag:s25] =	ssyncadd.s32 $0xFFFFF000  }
0x6c: {  	[tilespmem:s29], [sflag:$0x2] =	stream.indirect.gather [spmem:s3], $0x10, s0, s26, $0xb8;
	[tilespmem:$0x18360] =	vst v63  }
0x6d: {  	_ =	swait.ge [sflag:s21], $0x1000  }
0x6e: {  	[sflag:s21] =	ssyncset.done $0x0  }
0x6f: {  	[sflag:s21] =	ssyncadd.s32 $0xFFFFF000  }
0x70: {  	[spmem:s2] =	stream.indirect.scatter.add.f32 [tilespmem:s28], [sflag:$0x3], $0x10, s1, s26, $0xb8;
	[tilespmem:$0x18360] =	vst v63  }
0x71: {  	_ =	swait.ge [sflag:s24], $0x1000  }
0x72: {  	[sflag:s24] =	ssyncset.done $0x0  }
0x73: {  	[sflag:s24] =	ssyncadd.s32 $0xFFFFF000  }
0x74: {  	_ =	swait.ge [sflag:s22], $0x1000  }
0x75: {  	[sflag:s22] =	ssyncset.done $0x0  }
0x76: {  	[sflag:s22] =	ssyncadd.s32 $0xFFFFF000  }
0x77: {  	[spmem:s2] =	stream.indirect.scatter.add.f32 [tilespmem:s29], [sflag:$0x4], $0x10, s6, s26, $0xb8;
	[tilespmem:$0x18360] =	vst v63  }
0x78: {  	_ =	swait.ge [sflag:s25], $0x1000  }
0x79: {  	[sflag:s25] =	ssyncset.done $0x0  }
0x7a: {  	[sflag:s25] =	ssyncadd.s32 $0xFFFFF000  }
0x7b: {  	[bflag:$0x0] =	sbarrier.arrive $0xFFFF  }
0x7c: {  	s14 =	rddreg [dreg:$0xc]  }
0x7d: {  	s13 =	sor.u32 $0x1C05, s13;
	s17 =	rddreg [dreg:$0xb];
	s14 =	sshrl.u32 s14, $0x3  }
0x7e: {  	[hbm:s17@s23], [sflag:s13] =	dma.strided [spmem:s14@s22], $0x4E2, s21, $0x2   }
0x7f: {  	_ =	swait.ge [sflag:s7], $0x4E2  }
0x80: {  	[sflag:s7] =	ssyncset.done $0x0  }
0x81: {  	[sflag:s7] =	ssyncadd.s32 $0xFFFFFB1E  }
0x82: {  	[bflag:$0x0] =	sbarrier.arrive $0xFFFF  }
0x83: {  	[spmem:s10], [sflag:s9] =	dma.local [hbm:s5], $0x4E4  }
0x84: {  	s16 =	rddreg [dreg:$0xd]  }
0x85: {  	[spmem:s12@s22], [sflag:s11] =	dma.strided [hbm:s16@s23], $0x1388, s21, $0x2   }
0x86: {  	_ =	swait.ge [sflag:s24], $0x4E4  }
0x87: {  	[sflag:s24] =	ssyncset.done $0x0  }
0x88: {  	[sflag:s24] =	ssyncadd.s32 $0xFFFFFB1C  }
0x89: {  	_ =	swait.ge [sflag:s25], $0x1388  }
0x8a: {  	[sflag:s25] =	ssyncset.done $0x0  }
0x8b: {  	[sflag:s25] =	ssyncadd.s32 $0xFFFFEC78  }
0x8c: {  	[bflag:$0x0] =	sbarrier.arrive $0xFFFF  }
0x8d: {  	[tilespmem:s28], [sflag:$0x1] =	stream.indirect.gather [spmem:s3], $0x10, s4, s26, $0xb8;
	[tilespmem:$0x18360] =	vst v63  }
0x8e: {  	_ = 	snop  }
0x8f: {  	[tilespmem:s29], [sflag:$0x2] =	stream.indirect.gather [spmem:s3], $0x10, s26, s26, $0xb8;
	[tilespmem:$0x18360] =	vst v63  }
0x90: {  	_ =	swait.ge [sflag:s21], $0x1000  }
0x91: {  	[sflag:s21] =	ssyncset.done $0x0  }
0x92: {  	[sflag:s21] =	ssyncadd.s32 $0xFFFFF000  }
0x93: {  	[spmem:s2] =	stream.indirect.scatter.add.f32 [tilespmem:s28], [sflag:$0x3], $0x10, s20, s26, $0xb8;
	[tilespmem:$0x18360] =	vst v63  }
0x94: {  	_ =	swait.ge [sflag:s24], $0x1000  }
0x95: {  	[sflag:s24] =	ssyncset.done $0x0  }
0x96: {  	[sflag:s24] =	ssyncadd.s32 $0xFFFFF000  }
0x97: {  	[tilespmem:s28], [sflag:$0x1] =	stream.indirect.gather [spmem:s3], $0x10, s30, s26, $0xb8;
	[tilespmem:$0x18360] =	vst v63  }
0x98: {  	_ =	swait.ge [sflag:s22], $0x1000  }
0x99: {  	[sflag:s22] =	ssyncset.done $0x0  }
0x9a: {  	[sflag:s22] =	ssyncadd.s32 $0xFFFFF000  }
0x9b: {  	[spmem:s2] =	stream.indirect.scatter.add.f32 [tilespmem:s29], [sflag:$0x4], $0x10, s31, s26, $0xb8;
	[tilespmem:$0x18360] =	vst v63  }
0x9c: {  	_ =	swait.ge [sflag:s25], $0x1000  }
0x9d: {  	[sflag:s25] =	ssyncset.done $0x0  }
0x9e: {  	s17 =	simm.s32 $0x300;
	[sflag:s25] =	ssyncadd.s32 $0xFFFFF000  }
0x9f: {  	[tilespmem:s29], [sflag:$0x2] =	stream.indirect.gather [spmem:s3], $0x10, s17, s26, $0xb8;
	[tilespmem:$0x18360] =	vst v63  }
0xa0: {  	_ =	swait.ge [sflag:s21], $0x1000  }
0xa1: {  	[sflag:s21] =	ssyncset.done $0x0  }
0xa2: {  	s16 =	simm.s32 $0x5200;
	[sflag:s21] =	ssyncadd.s32 $0xFFFFF000  }
0xa3: {  	[spmem:s2] =	stream.indirect.scatter.add.f32 [tilespmem:s28], [sflag:$0x3], $0x10, s16, s26, $0xb8;
	[tilespmem:$0x18360] =	vst v63  }
0xa4: {  	_ =	swait.ge [sflag:s24], $0x1000  }
0xa5: {  	[sflag:s24] =	ssyncset.done $0x0  }
0xa6: {  	s17 =	simm.s32 $0x400;
	[sflag:s24] =	ssyncadd.s32 $0xFFFFF000  }
0xa7: {  	[tilespmem:s28], [sflag:$0x1] =	stream.indirect.gather [spmem:s3], $0x10, s17, s26, $0xb8;
	[tilespmem:$0x18360] =	vst v63  }
0xa8: {  	_ =	swait.ge [sflag:s22], $0x1000  }
0xa9: {  	[sflag:s22] =	ssyncset.done $0x0  }
0xaa: {  	s15 =	simm.s32 $0xFFFED800;
	s16 =	simm.s32 $0x5300;
	[sflag:s22] =	ssyncadd.s32 $0xFFFFF000  }
.LBB2_4:
0xab: {  	[spmem:s2] =	stream.indirect.scatter.add.f32 [tilespmem:s29], [sflag:$0x4], $0x10, s16, s26, $0xb8;
	[tilespmem:$0x18360] =	vst v63  }
0xac: {  	s16 =	smov.u32 s15  }
0xad: {  	p0 =	sne.s32 s15, $0xFFFFF800;
	s15 =	sadd.s32 $0x800, s15;
	_ =	swait.ge [sflag:s25], $0x1000  }
0xae: {  	s16 =	sshra.s32 s16, $0x2;
	[sflag:s25] =	ssyncset.done $0x0  }
0xaf: {  	s17 =	sadd.s32 $0x4F00, s16;
	[sflag:s25] =	ssyncadd.s32 $0xFFFFF000  }
0xb0: {  	[tilespmem:s29], [sflag:$0x2] =	stream.indirect.gather [spmem:s3], $0x10, s17, s26, $0xb8;
	[tilespmem:$0x18360] =	vst v63  }
0xb1: {  	_ =	swait.ge [sflag:s21], $0x1000  }
0xb2: {  	[sflag:s21] =	ssyncset.done $0x0  }
0xb3: {  	s17 =	sadd.s32 $0x9E00, s16;
	[sflag:s21] =	ssyncadd.s32 $0xFFFFF000  }
0xb4: {  	[spmem:s2] =	stream.indirect.scatter.add.f32 [tilespmem:s28], [sflag:$0x3], $0x10, s17, s26, $0xb8;
	[tilespmem:$0x18360] =	vst v63  }
0xb5: {  	_ =	swait.ge [sflag:s24], $0x1000  }
0xb6: {  	[sflag:s24] =	ssyncset.done $0x0  }
.Ltmp1:
0xb7: {  	s17 =	sadd.s32 $0x5000, s16;
	[sflag:s24] =	ssyncadd.s32 $0xFFFFF000;
	(pc) =	sbr.rel @p0 .LBB2_4-.Ltmp1, $4  }
0xb8: {  	[tilespmem:s28], [sflag:$0x1] =	stream.indirect.gather [spmem:s3], $0x10, s17, s26, $0xb8;
	[tilespmem:$0x18360] =	vst v63  }
0xb9: {  	_ =	swait.ge [sflag:s22], $0x1000  }
0xba: {  	[sflag:s22] =	ssyncset.done $0x0  }
0xbb: {  	s16 =	sadd.s32 $0x9F00, s16;
	[sflag:s22] =	ssyncadd.s32 $0xFFFFF000  }
0xbc: {  	[spmem:s2] =	stream.indirect.scatter.add.f32 [tilespmem:s29], [sflag:$0x4], $0x10, s16, s26, $0xb8;
	[tilespmem:$0x18360] =	vst v63  }
0xbd: {  	_ =	swait.ge [sflag:s25], $0x1000  }
0xbe: {  	[sflag:s25] =	ssyncset.done $0x0  }
0xbf: {  	[sflag:s25] =	ssyncadd.s32 $0xFFFFF000  }
0xc0: {  	[tilespmem:s29], [sflag:$0x2] =	stream.indirect.gather [spmem:s3], $0x10, s0, s26, $0xb8;
	[tilespmem:$0x18360] =	vst v63  }
0xc1: {  	_ =	swait.ge [sflag:s21], $0x1000  }
0xc2: {  	[sflag:s21] =	ssyncset.done $0x0  }
0xc3: {  	[sflag:s21] =	ssyncadd.s32 $0xFFFFF000  }
0xc4: {  	[spmem:s2] =	stream.indirect.scatter.add.f32 [tilespmem:s28], [sflag:$0x3], $0x10, s1, s26, $0xb8;
	[tilespmem:$0x18360] =	vst v63  }
0xc5: {  	_ =	swait.ge [sflag:s24], $0x1000  }
0xc6: {  	[sflag:s24] =	ssyncset.done $0x0  }
0xc7: {  	[sflag:s24] =	ssyncadd.s32 $0xFFFFF000  }
0xc8: {  	_ =	swait.ge [sflag:s22], $0x1000  }
0xc9: {  	[sflag:s22] =	ssyncset.done $0x0  }
0xca: {  	[sflag:s22] =	ssyncadd.s32 $0xFFFFF000  }
0xcb: {  	[spmem:s2] =	stream.indirect.scatter.add.f32 [tilespmem:s29], [sflag:$0x4], $0x10, s6, s26, $0xb8;
	[tilespmem:$0x18360] =	vst v63  }
0xcc: {  	_ =	swait.ge [sflag:s25], $0x1000  }
0xcd: {  	[sflag:s25] =	ssyncset.done $0x0  }
0xce: {  	[sflag:s25] =	ssyncadd.s32 $0xFFFFF000  }
0xcf: {  	[bflag:$0x0] =	sbarrier.arrive $0xFFFF  }
0xd0: {  	s15 =	rddreg [dreg:$0xe]  }
0xd1: {  	[hbm:s15@s23], [sflag:s13] =	dma.strided [spmem:s14@s22], $0x4E2, s21, $0x2   }
0xd2: {  	_ =	swait.ge [sflag:s7], $0x4E2  }
0xd3: {  	[sflag:s7] =	ssyncset.done $0x0  }
0xd4: {  	[sflag:s7] =	ssyncadd.s32 $0xFFFFFB1E  }
0xd5: {  	[bflag:$0x0] =	sbarrier.arrive $0xFFFF  }
0xd6: {  	[spmem:s10], [sflag:s9] =	dma.local [hbm:s5], $0x4E4  }
0xd7: {  	s16 =	rddreg [dreg:$0xf]  }
0xd8: {  	[spmem:s12@s22], [sflag:s11] =	dma.strided [hbm:s16@s23], $0x1388, s21, $0x2   }
0xd9: {  	_ =	swait.ge [sflag:s24], $0x4E4  }
0xda: {  	[sflag:s24] =	ssyncset.done $0x0  }
0xdb: {  	[sflag:s24] =	ssyncadd.s32 $0xFFFFFB1C  }
0xdc: {  	_ =	swait.ge [sflag:s25], $0x1388  }
0xdd: {  	[sflag:s25] =	ssyncset.done $0x0  }
0xde: {  	[sflag:s25] =	ssyncadd.s32 $0xFFFFEC78  }
0xdf: {  	[bflag:$0x0] =	sbarrier.arrive $0xFFFF  }
0xe0: {  	[tilespmem:s28], [sflag:$0x1] =	stream.indirect.gather [spmem:s3], $0x10, s4, s26, $0xb8;
	[tilespmem:$0x18360] =	vst v63  }
0xe1: {  	_ = 	snop  }
0xe2: {  	[tilespmem:s29], [sflag:$0x2] =	stream.indirect.gather [spmem:s3], $0x10, s26, s26, $0xb8;
	[tilespmem:$0x18360] =	vst v63  }
0xe3: {  	_ =	swait.ge [sflag:s21], $0x1000  }
0xe4: {  	[sflag:s21] =	ssyncset.done $0x0  }
0xe5: {  	[sflag:s21] =	ssyncadd.s32 $0xFFFFF000  }
0xe6: {  	[spmem:s2] =	stream.indirect.scatter.add.f32 [tilespmem:s28], [sflag:$0x3], $0x10, s20, s26, $0xb8;
	[tilespmem:$0x18360] =	vst v63  }
0xe7: {  	_ =	swait.ge [sflag:s24], $0x1000  }
0xe8: {  	[sflag:s24] =	ssyncset.done $0x0  }
0xe9: {  	[sflag:s24] =	ssyncadd.s32 $0xFFFFF000  }
0xea: {  	[tilespmem:s28], [sflag:$0x1] =	stream.indirect.gather [spmem:s3], $0x10, s30, s26, $0xb8;
	[tilespmem:$0x18360] =	vst v63  }
0xeb: {  	_ =	swait.ge [sflag:s22], $0x1000  }
0xec: {  	[sflag:s22] =	ssyncset.done $0x0  }
0xed: {  	[sflag:s22] =	ssyncadd.s32 $0xFFFFF000  }
0xee: {  	[spmem:s2] =	stream.indirect.scatter.add.f32 [tilespmem:s29], [sflag:$0x4], $0x10, s31, s26, $0xb8;
	[tilespmem:$0x18360] =	vst v63  }
0xef: {  	_ =	swait.ge [sflag:s25], $0x1000  }
0xf0: {  	[sflag:s25] =	ssyncset.done $0x0  }
0xf1: {  	s17 =	simm.s32 $0x300;
	[sflag:s25] =	ssyncadd.s32 $0xFFFFF000  }
0xf2: {  	[tilespmem:s29], [sflag:$0x2] =	stream.indirect.gather [spmem:s3], $0x10, s17, s26, $0xb8;
	[tilespmem:$0x18360] =	vst v63  }
0xf3: {  	_ =	swait.ge [sflag:s21], $0x1000  }
0xf4: {  	[sflag:s21] =	ssyncset.done $0x0  }
0xf5: {  	s16 =	simm.s32 $0x5200;
	[sflag:s21] =	ssyncadd.s32 $0xFFFFF000  }
0xf6: {  	[spmem:s2] =	stream.indirect.scatter.add.f32 [tilespmem:s28], [sflag:$0x3], $0x10, s16, s26, $0xb8;
	[tilespmem:$0x18360] =	vst v63  }
0xf7: {  	_ =	swait.ge [sflag:s24], $0x1000  }
0xf8: {  	[sflag:s24] =	ssyncset.done $0x0  }
0xf9: {  	s17 =	simm.s32 $0x400;
	[sflag:s24] =	ssyncadd.s32 $0xFFFFF000  }
0xfa: {  	[tilespmem:s28], [sflag:$0x1] =	stream.indirect.gather [spmem:s3], $0x10, s17, s26, $0xb8;
	[tilespmem:$0x18360] =	vst v63  }
0xfb: {  	_ =	swait.ge [sflag:s22], $0x1000  }
0xfc: {  	[sflag:s22] =	ssyncset.done $0x0  }
0xfd: {  	s15 =	simm.s32 $0xFFFED800;
	s16 =	simm.s32 $0x5300;
	[sflag:s22] =	ssyncadd.s32 $0xFFFFF000  }
.LBB2_6:
0xfe: {  	[spmem:s2] =	stream.indirect.scatter.add.f32 [tilespmem:s29], [sflag:$0x4], $0x10, s16, s26, $0xb8;
	[tilespmem:$0x18360] =	vst v63  }
0xff: {  	s16 =	smov.u32 s15  }
0x100: {  	p0 =	sne.s32 s15, $0xFFFFF800;
	s15 =	sadd.s32 $0x800, s15;
	_ =	swait.ge [sflag:s25], $0x1000  }
0x101: {  	s16 =	sshra.s32 s16, $0x2;
	[sflag:s25] =	ssyncset.done $0x0  }
0x102: {  	s17 =	sadd.s32 $0x4F00, s16;
	[sflag:s25] =	ssyncadd.s32 $0xFFFFF000  }
0x103: {  	[tilespmem:s29], [sflag:$0x2] =	stream.indirect.gather [spmem:s3], $0x10, s17, s26, $0xb8;
	[tilespmem:$0x18360] =	vst v63  }
0x104: {  	_ =	swait.ge [sflag:s21], $0x1000  }
0x105: {  	[sflag:s21] =	ssyncset.done $0x0  }
0x106: {  	s17 =	sadd.s32 $0x9E00, s16;
	[sflag:s21] =	ssyncadd.s32 $0xFFFFF000  }
0x107: {  	[spmem:s2] =	stream.indirect.scatter.add.f32 [tilespmem:s28], [sflag:$0x3], $0x10, s17, s26, $0xb8;
	[tilespmem:$0x18360] =	vst v63  }
0x108: {  	_ =	swait.ge [sflag:s24], $0x1000  }
0x109: {  	[sflag:s24] =	ssyncset.done $0x0  }
.Ltmp2:
0x10a: {  	s17 =	sadd.s32 $0x5000, s16;
	[sflag:s24] =	ssyncadd.s32 $0xFFFFF000;
	(pc) =	sbr.rel @p0 .LBB2_6-.Ltmp2, $4  }
0x10b: {  	[tilespmem:s28], [sflag:$0x1] =	stream.indirect.gather [spmem:s3], $0x10, s17, s26, $0xb8;
	[tilespmem:$0x18360] =	vst v63  }
0x10c: {  	_ =	swait.ge [sflag:s22], $0x1000  }
0x10d: {  	[sflag:s22] =	ssyncset.done $0x0  }
0x10e: {  	s16 =	sadd.s32 $0x9F00, s16;
	[sflag:s22] =	ssyncadd.s32 $0xFFFFF000  }
0x10f: {  	[spmem:s2] =	stream.indirect.scatter.add.f32 [tilespmem:s29], [sflag:$0x4], $0x10, s16, s26, $0xb8;
	[tilespmem:$0x18360] =	vst v63  }
0x110: {  	_ =	swait.ge [sflag:s25], $0x1000  }
0x111: {  	[sflag:s25] =	ssyncset.done $0x0  }
0x112: {  	[sflag:s25] =	ssyncadd.s32 $0xFFFFF000  }
0x113: {  	[tilespmem:s29], [sflag:$0x2] =	stream.indirect.gather [spmem:s3], $0x10, s0, s26, $0xb8;
	[tilespmem:$0x18360] =	vst v63  }
0x114: {  	_ =	swait.ge [sflag:s21], $0x1000  }
0x115: {  	[sflag:s21] =	ssyncset.done $0x0  }
0x116: {  	[sflag:s21] =	ssyncadd.s32 $0xFFFFF000  }
0x117: {  	[spmem:s2] =	stream.indirect.scatter.add.f32 [tilespmem:s28], [sflag:$0x3], $0x10, s1, s26, $0xb8;
	[tilespmem:$0x18360] =	vst v63  }
0x118: {  	_ =	swait.ge [sflag:s24], $0x1000  }
0x119: {  	[sflag:s24] =	ssyncset.done $0x0  }
0x11a: {  	[sflag:s24] =	ssyncadd.s32 $0xFFFFF000  }
0x11b: {  	_ =	swait.ge [sflag:s22], $0x1000  }
0x11c: {  	[sflag:s22] =	ssyncset.done $0x0  }
0x11d: {  	[sflag:s22] =	ssyncadd.s32 $0xFFFFF000  }
0x11e: {  	[spmem:s2] =	stream.indirect.scatter.add.f32 [tilespmem:s29], [sflag:$0x4], $0x10, s6, s26, $0xb8;
	[tilespmem:$0x18360] =	vst v63  }
0x11f: {  	_ =	swait.ge [sflag:s25], $0x1000  }
0x120: {  	[sflag:s25] =	ssyncset.done $0x0  }
0x121: {  	[sflag:s25] =	ssyncadd.s32 $0xFFFFF000  }
0x122: {  	[bflag:$0x0] =	sbarrier.arrive $0xFFFF  }
0x123: {  	s15 =	rddreg [dreg:$0x10]  }
0x124: {  	[hbm:s15@s23], [sflag:s13] =	dma.strided [spmem:s14@s22], $0x4E2, s21, $0x2   }
0x125: {  	_ =	swait.ge [sflag:s7], $0x4E2  }
0x126: {  	[sflag:s7] =	ssyncset.done $0x0  }
0x127: {  	[sflag:s7] =	ssyncadd.s32 $0xFFFFFB1E  }
0x128: {  	[bflag:$0x0] =	sbarrier.arrive $0xFFFF  }
0x129: {  	[spmem:s10], [sflag:s9] =	dma.local [hbm:s5], $0x4E4  }
0x12a: {  	s9 =	rddreg [dreg:$0x11]  }
0x12b: {  	[spmem:s12@s22], [sflag:s11] =	dma.strided [hbm:s9@s23], $0x1388, s21, $0x2   }
0x12c: {  	_ =	swait.ge [sflag:s24], $0x4E4  }
0x12d: {  	[sflag:s24] =	ssyncset.done $0x0  }
0x12e: {  	[sflag:s24] =	ssyncadd.s32 $0xFFFFFB1C  }
0x12f: {  	_ =	swait.ge [sflag:s25], $0x1388  }
0x130: {  	[sflag:s25] =	ssyncset.done $0x0  }
0x131: {  	[sflag:s25] =	ssyncadd.s32 $0xFFFFEC78  }
0x132: {  	[bflag:$0x0] =	sbarrier.arrive $0xFFFF  }
0x133: {  	[tilespmem:s28], [sflag:$0x1] =	stream.indirect.gather [spmem:s3], $0x10, s4, s26, $0xb8;
	[tilespmem:$0x18360] =	vst v63  }
0x134: {  	_ = 	snop  }
0x135: {  	[tilespmem:s29], [sflag:$0x2] =	stream.indirect.gather [spmem:s3], $0x10, s26, s26, $0xb8;
	[tilespmem:$0x18360] =	vst v63  }
0x136: {  	_ =	swait.ge [sflag:s21], $0x1000  }
0x137: {  	[sflag:s21] =	ssyncset.done $0x0  }
0x138: {  	[sflag:s21] =	ssyncadd.s32 $0xFFFFF000  }
0x139: {  	[spmem:s2] =	stream.indirect.scatter.add.f32 [tilespmem:s28], [sflag:$0x3], $0x10, s20, s26, $0xb8;
	[tilespmem:$0x18360] =	vst v63  }
0x13a: {  	_ =	swait.ge [sflag:s24], $0x1000  }
0x13b: {  	[sflag:s24] =	ssyncset.done $0x0  }
0x13c: {  	[sflag:s24] =	ssyncadd.s32 $0xFFFFF000  }
0x13d: {  	[tilespmem:s28], [sflag:$0x1] =	stream.indirect.gather [spmem:s3], $0x10, s30, s26, $0xb8;
	[tilespmem:$0x18360] =	vst v63  }
0x13e: {  	_ =	swait.ge [sflag:s22], $0x1000  }
0x13f: {  	[sflag:s22] =	ssyncset.done $0x0  }
0x140: {  	[sflag:s22] =	ssyncadd.s32 $0xFFFFF000  }
0x141: {  	[spmem:s2] =	stream.indirect.scatter.add.f32 [tilespmem:s29], [sflag:$0x4], $0x10, s31, s26, $0xb8;
	[tilespmem:$0x18360] =	vst v63  }
0x142: {  	_ =	swait.ge [sflag:s25], $0x1000  }
0x143: {  	[sflag:s25] =	ssyncset.done $0x0  }
0x144: {  	s15 =	simm.s32 $0x300;
	[sflag:s25] =	ssyncadd.s32 $0xFFFFF000  }
0x145: {  	[tilespmem:s29], [sflag:$0x2] =	stream.indirect.gather [spmem:s3], $0x10, s15, s26, $0xb8;
	[tilespmem:$0x18360] =	vst v63  }
0x146: {  	_ =	swait.ge [sflag:s21], $0x1000  }
0x147: {  	[sflag:s21] =	ssyncset.done $0x0  }
0x148: {  	s16 =	simm.s32 $0x5200;
	[sflag:s21] =	ssyncadd.s32 $0xFFFFF000  }
0x149: {  	[spmem:s2] =	stream.indirect.scatter.add.f32 [tilespmem:s28], [sflag:$0x3], $0x10, s16, s26, $0xb8;
	[tilespmem:$0x18360] =	vst v63  }
0x14a: {  	_ =	swait.ge [sflag:s24], $0x1000  }
0x14b: {  	[sflag:s24] =	ssyncset.done $0x0  }
0x14c: {  	s17 =	simm.s32 $0x400;
	[sflag:s24] =	ssyncadd.s32 $0xFFFFF000  }
0x14d: {  	[tilespmem:s28], [sflag:$0x1] =	stream.indirect.gather [spmem:s3], $0x10, s17, s26, $0xb8;
	[tilespmem:$0x18360] =	vst v63  }
0x14e: {  	_ =	swait.ge [sflag:s22], $0x1000  }
0x14f: {  	[sflag:s22] =	ssyncset.done $0x0  }
0x150: {  	s10 =	simm.s32 $0x5300;
	s9 =	simm.s32 $0xFFFED800;
	[sflag:s22] =	ssyncadd.s32 $0xFFFFF000  }
.LBB2_8:
0x151: {  	[spmem:s2] =	stream.indirect.scatter.add.f32 [tilespmem:s29], [sflag:$0x4], $0x10, s10, s26, $0xb8;
	[tilespmem:$0x18360] =	vst v63  }
0x152: {  	s10 =	smov.u32 s9  }
0x153: {  	p0 =	sne.s32 s9, $0xFFFFF800;
	s9 =	sadd.s32 $0x800, s9;
	_ =	swait.ge [sflag:s25], $0x1000  }
0x154: {  	s10 =	sshra.s32 s10, $0x2;
	[sflag:s25] =	ssyncset.done $0x0  }
0x155: {  	s11 =	sadd.s32 $0x4F00, s10;
	[sflag:s25] =	ssyncadd.s32 $0xFFFFF000  }
0x156: {  	[tilespmem:s29], [sflag:$0x2] =	stream.indirect.gather [spmem:s3], $0x10, s11, s26, $0xb8;
	[tilespmem:$0x18360] =	vst v63  }
0x157: {  	_ =	swait.ge [sflag:s21], $0x1000  }
0x158: {  	[sflag:s21] =	ssyncset.done $0x0  }
0x159: {  	s11 =	sadd.s32 $0x9E00, s10;
	[sflag:s21] =	ssyncadd.s32 $0xFFFFF000  }
0x15a: {  	[spmem:s2] =	stream.indirect.scatter.add.f32 [tilespmem:s28], [sflag:$0x3], $0x10, s11, s26, $0xb8;
	[tilespmem:$0x18360] =	vst v63  }
0x15b: {  	_ =	swait.ge [sflag:s24], $0x1000  }
0x15c: {  	[sflag:s24] =	ssyncset.done $0x0  }
.Ltmp3:
0x15d: {  	s11 =	sadd.s32 $0x5000, s10;
	[sflag:s24] =	ssyncadd.s32 $0xFFFFF000;
	(pc) =	sbr.rel @p0 .LBB2_8-.Ltmp3, $4  }
0x15e: {  	[tilespmem:s28], [sflag:$0x1] =	stream.indirect.gather [spmem:s3], $0x10, s11, s26, $0xb8;
	[tilespmem:$0x18360] =	vst v63  }
0x15f: {  	_ =	swait.ge [sflag:s22], $0x1000  }
0x160: {  	[sflag:s22] =	ssyncset.done $0x0  }
0x161: {  	s10 =	sadd.s32 $0x9F00, s10;
	[sflag:s22] =	ssyncadd.s32 $0xFFFFF000  }
0x162: {  	[spmem:s2] =	stream.indirect.scatter.add.f32 [tilespmem:s29], [sflag:$0x4], $0x10, s10, s26, $0xb8;
	[tilespmem:$0x18360] =	vst v63  }
0x163: {  	_ =	swait.ge [sflag:s25], $0x1000  }
0x164: {  	[sflag:s25] =	ssyncset.done $0x0  }
0x165: {  	[sflag:s25] =	ssyncadd.s32 $0xFFFFF000  }
0x166: {  	[tilespmem:s29], [sflag:$0x2] =	stream.indirect.gather [spmem:s3], $0x10, s0, s26, $0xb8;
	[tilespmem:$0x18360] =	vst v63  }
0x167: {  	_ =	swait.ge [sflag:s21], $0x1000  }
0x168: {  	[sflag:s21] =	ssyncset.done $0x0  }
0x169: {  	[sflag:s21] =	ssyncadd.s32 $0xFFFFF000  }
0x16a: {  	[spmem:s2] =	stream.indirect.scatter.add.f32 [tilespmem:s28], [sflag:$0x3], $0x10, s1, s26, $0xb8;
	[tilespmem:$0x18360] =	vst v63  }
0x16b: {  	_ =	swait.ge [sflag:s24], $0x1000  }
0x16c: {  	[sflag:s24] =	ssyncset.done $0x0  }
0x16d: {  	[sflag:s24] =	ssyncadd.s32 $0xFFFFF000  }
0x16e: {  	_ =	swait.ge [sflag:s22], $0x1000  }
0x16f: {  	[sflag:s22] =	ssyncset.done $0x0  }
0x170: {  	[sflag:s22] =	ssyncadd.s32 $0xFFFFF000  }
0x171: {  	[spmem:s2] =	stream.indirect.scatter.add.f32 [tilespmem:s29], [sflag:$0x4], $0x10, s6, s26, $0xb8;
	[tilespmem:$0x18360] =	vst v63  }
0x172: {  	_ =	swait.ge [sflag:s25], $0x1000  }
0x173: {  	s8 =	sadd.s32 $0x1, s8;
	[sflag:s25] =	ssyncset.done $0x0  }
0x174: {  	p0 =	sne.s32 s8, s19;
	[sflag:s25] =	ssyncadd.s32 $0xFFFFF000  }
.Ltmp4:
0x175: {  	[bflag:$0x0] =	sbarrier.arrive $0xFFFF;
	(pc) =	sbr.rel @p0 .LBB2_1-.Ltmp4, $4  }
0x176: {  	[hbm:s18@s23], [sflag:s13] =	dma.strided [spmem:s14@s22], $0x4E2, s21, $0x2   }
0x177: {  	_ =	swait.ge [sflag:s7], $0x4E2  }
0x178: {  	[sflag:s7] =	ssyncset.done $0x0  }
0x179: {  	[sflag:s7] =	ssyncadd.s32 $0xFFFFFB1E  }
0x17a: {  	_ =	sfence.sel $0x180000  }
0x17b: {  	[bflag:$0x0] =	sbarrier.arrive $0xFFFF  }
0x17c: {  	_ =	strace $0x9000004D  }
0x17d: {  	s0 =	stileid.u32;
	[bflag:$0x2] =	sbarrier.arrive $0xFFFF  }
0x17e: {  	p0 =	sne.s32 s0, $0x0;
	s0 =	rddreg [dreg:$0x5]  }
0x17f: {  	s0 =	sadd.s32 @!p0 $0x100000, s0  }
0x180: {  	[sflag:s0] =	ssyncadd.tile.s32 @!p0 $0x1;
	_ =	shalt  }
.Lfunc_end2:
_tile_overlayer_lowered:
.L_overlay_start_2:
0x181: {  	(tag) =	ssettag $0x2  }
0x182: {  	s0 =	rddreg [dreg:$0x0];
	s2 =	stileid.u32  }
0x183: {  	s1 =	rddreg [dreg:$0x1];
	p0 =	sne.s32 s2, $0x0  }
0x184: {  	s3 =	rddreg [dreg:$0x2];
	[bflag:$0x3] =	sbarrier.arrive $0xFFFF;
	s2 =	simm.s32 @!p0 $0x1C05  }
0x185: {  	[timem:s3], [sflag:s2] =	dma.local @!p0 [hbm:s0], s1  }
0x186: {  	s0 =	simm.s32 @!p0 $0x5  }
0x187: {  	_ =	swait.ge @!p0 [sflag:s0], s1  }
0x188: {  	s1 =	ssub.s32 @!p0 $0x0, s1;
	[sflag:s0] =	ssyncset.done @!p0 $0x0  }
0x189: {  	[sflag:s0] =	ssyncadd.s32 @!p0 s1  }
0x18a: {  	[bflag:$0x3] =	sbarrier.arrive $0xFFFF  }
0x18b: {  	_ =	shalt  }

// kernel: kernel.20.cloned.1.call-start
scs
__scs_entry_jumppad:
0x0: {  	(pc) =	sbr.rel $0x88, $3  }
0x1: {  	(tag) =	ssettag $0x0;
	lr =	simm.s32 $0x1  }
0x2: {  	[smem:$0x3F9C] =	sst lr;
	_ =	strace $0xD0000000  }
0x3: {  	_ = 	snop  }
0x4: {  	_ = 	snop  }
0x5: {  	_ = 	snop  }
0x6: {  	_ = 	snop  }
0x7: {  	_ = 	snop  }
__scs_overlays_trampoline_lowered:
0x8: {  	[smem:$0x3FAB] =	sst s0  }
0x9: {  	[smem:$0x3FAC] =	sst s1  }
0xa: {  	[smem:$0x3FAD] =	sst s2  }
0xb: {  	[smem:$0x3FAE] =	sst s3  }
0xc: {  	[smem:$0x3FAF] =	sst s4  }
0xd: {  	[smem:$0x3FB0] =	sst s5  }
0xe: {  	[smem:$0x3FB1] =	sst s6  }
0xf: {  	[smem:$0x3FB2] =	sst s7  }
0x10: {  	[smem:$0x3FB3] =	sst s8  }
0x11: {  	[smem:$0x3FB4] =	sst s9;
	s0 =	simm.s32 @!p0 $0x0  }
0x12: {  	s1 =	sld [smem:$0x3F9A];
	s0 =	simm.s32 @p0 $0x1  }
0x13: {  	[smem:$0x3FB5] =	sst s0;
	s0 =	simm.s32 @!p1 $0x0  }
0x14: {  	s2 =	sld [smem:$0x3F99];
	s0 =	simm.s32 @p1 $0x1  }
0x15: {  	[smem:$0x3FB6] =	sst s0;
	s0 =	simm.s32 @!p2 $0x0  }
0x16: {  	s3 =	sld [smem:$0x3FDB];
	s0 =	simm.s32 @p2 $0x1  }
0x17: {  	s4 =	simm.s32 $0x1BF5;
	[smem:$0x3FB8] =	sst s0  }
0x18: {  	s0 =	sld [smem:$0x3F9B];
	_ =	swait.ge [sflag:s4], $0x0  }
0x19: {  	s7 =	sld [smem:$0x3F9C]  }
0x1a: {  	s8 =	sadd.s32 $0xFFFFE003, lr  }
0x1b: {  	s9 =	sadd.s32 $0xFFFFFEF7, lr;
	s5 =	simm.s32 $0xFFFFFFFF;
	p2 =	slt.u32 s8, $0xFFFFF086  }
0x1c: {  	p1 =	slt.u32 s9, $0xF7A;
	s5 =	simm.s32 @!p2 $0x0  }
0x1d: {  	s5 =	simm.s32 @p1 $0x1;
	p0 =	seq.s32 s7, s2  }
0x1e: {  	s7 =	smul.u32 @!p0 $0xF7A, s2;
	p2 =	seq.s32 @!p0 s5, $0x0  }
0x1f: {  	s9 =	smul.u32 $0xF7A, s1;
	s8 =	simm.s32 @!p0 $0x1BF5;
	p2 =	por !p2, p0  }
0x20: {  	[sflag:s8] =	ssyncset.s32 @!p0 $0xFFFFF086;
	s6 =	sadd.s32 @!p0 s3, s7;
	s7 =	simm.s32 @!p0 $0x108  }
0x21: {  	s3 =	sadd.s32 s3, s9;
	s6 =	sadd.s32 @!p0 $0x88, s6;
	s7 =	simm.s32 @p2 $0x1082  }
0x22: {  	[simem:s7], [sflag:s8] =	dma.local @!p0 [hbm:s6], $0xF7A  }
0x23: {  	s9 =	sor.u32 $0xD0000000, s2;
	s6 =	simm.s32 $0x108;
	_ =	swait.ge @!p0 [sflag:s8], $0x0  }
0x24: {  	s3 =	sadd.s32 $0x88, s3;
	s6 =	simm.s32 @!p1 $0x1082;
	[sflag:s4] =	ssyncset.s32 $0xFFFFF086  }
0x25: {  	[simem:s6], [sflag:s4] =	dma.local [hbm:s3], $0xF7A  }
0x26: {  	[smem:$0x3F9C] =	sst s1;
	(tag) =	ssettag s2;
	_ =	strace s9  }
0x27: {  	s1 =	sld [smem:$0x3FAC]  }
0x28: {  	s2 =	sld [smem:$0x3FAD]  }
0x29: {  	s4 =	sld [smem:$0x3FAF]  }
0x2a: {  	p0 =	seq.s32 s5, $0x0;
	s5 =	sld [smem:$0x3FB0]  }
0x2b: {  	s6 =	sld [smem:$0x3FB1]  }
0x2c: {  	s7 =	sld [smem:$0x3FB2]  }
0x2d: {  	s3 =	simm.s32 $0x108;
	s8 =	sld [smem:$0x3FB3]  }
0x2e: {  	s3 =	simm.s32 @!p0 $0x1082;
	s9 =	sld [smem:$0x3FB4]  }
0x2f: {  	lr =	sadd.s32 s0, s3;
	s0 =	sld [smem:$0x3FAB]  }
0x30: {  	s3 =	sld [smem:$0x3FAE]  }
0x31: {  	[smem:$0x3FB7] =	sst s10  }
0x32: {  	s10 =	sld [smem:$0x3FB5];
	_ =	sdelay $0x3  }
0x33: {  	p0 =	seq.s32 s10, $0x1;
	s10 =	sld [smem:$0x3FB7];
	_ =	sdelay $0x3  }
0x34: {  	[smem:$0x3FB7] =	sst s10  }
0x35: {  	s10 =	sld [smem:$0x3FB6];
	_ =	sdelay $0x3  }
0x36: {  	p1 =	seq.s32 s10, $0x1;
	s10 =	sld [smem:$0x3FB7];
	_ =	sdelay $0x3  }
0x37: {  	[smem:$0x3FB7] =	sst s10  }
0x38: {  	s10 =	sld [smem:$0x3FB8]  }
0x39: {  	_ = 	snop;
	(pc) =	sbr.ind lr, $3  }
0x3a: {  	_ = 	snop  }
0x3b: {  	_ = 	snop  }
0x3c: {  	p2 =	seq.s32 s10, $0x1;
	s10 =	sld [smem:$0x3FB7]  }
0x3d: {  	_ =	shalt  }
0x3e: {  	_ =	shalt  }
0x3f: {  	_ =	shalt  }
0x40: {  	_ =	shalt  }
0x41: {  	_ =	shalt  }
0x42: {  	_ =	shalt  }
0x43: {  	_ =	shalt  }
0x44: {  	_ =	shalt  }
0x45: {  	_ =	shalt  }
0x46: {  	_ =	shalt  }
0x47: {  	_ =	shalt  }
0x48: {  	_ =	shalt  }
0x49: {  	_ =	shalt  }
0x4a: {  	_ =	shalt  }
0x4b: {  	_ =	shalt  }
0x4c: {  	_ =	shalt  }
0x4d: {  	_ =	shalt  }
0x4e: {  	_ =	shalt  }
0x4f: {  	_ =	shalt  }
0x50: {  	_ =	shalt  }
0x51: {  	_ =	shalt  }
0x52: {  	_ =	shalt  }
0x53: {  	_ =	shalt  }
0x54: {  	_ =	shalt  }
0x55: {  	_ =	shalt  }
0x56: {  	_ =	shalt  }
0x57: {  	_ =	shalt  }
0x58: {  	_ =	shalt  }
0x59: {  	_ =	shalt  }
0x5a: {  	_ =	shalt  }
0x5b: {  	_ =	shalt  }
0x5c: {  	_ =	shalt  }
0x5d: {  	_ =	shalt  }
0x5e: {  	_ =	shalt  }
0x5f: {  	_ =	shalt  }
0x60: {  	_ =	shalt  }
0x61: {  	_ =	shalt  }
0x62: {  	_ =	shalt  }
0x63: {  	_ =	shalt  }
0x64: {  	_ =	shalt  }
0x65: {  	_ =	shalt  }
0x66: {  	_ =	shalt  }
0x67: {  	_ =	shalt  }
0x68: {  	_ =	shalt  }
0x69: {  	_ =	shalt  }
0x6a: {  	_ =	shalt  }
0x6b: {  	_ =	shalt  }
0x6c: {  	_ =	shalt  }
0x6d: {  	_ =	shalt  }
0x6e: {  	_ =	shalt  }
0x6f: {  	_ =	shalt  }
0x70: {  	_ =	shalt  }
0x71: {  	_ =	shalt  }
0x72: {  	_ =	shalt  }
0x73: {  	_ =	shalt  }
0x74: {  	_ =	shalt  }
0x75: {  	_ =	shalt  }
0x76: {  	_ =	shalt  }
0x77: {  	_ =	shalt  }
0x78: {  	_ =	shalt  }
0x79: {  	_ =	shalt  }
0x7a: {  	_ =	shalt  }
0x7b: {  	_ =	shalt  }
0x7c: {  	_ =	shalt  }
0x7d: {  	_ =	shalt  }
0x7e: {  	_ =	shalt  }
0x7f: {  	_ =	shalt  }
0x80: {  	_ =	shalt  }
0x81: {  	_ =	shalt  }
0x82: {  	_ =	shalt  }
0x83: {  	_ =	shalt  }
0x84: {  	_ =	shalt  }
0x85: {  	_ =	shalt  }
0x86: {  	_ =	shalt  }
0x87: {  	_ =	shalt  }
.Lfunc_end0:
.L_simem_size_0:
called_computation.3_lowered:
.L_overlay_start_0:
0x88: {  	s2 =	sld [smem:$0x3FD9]  }
0x89: {  	s3 =	sld [smem:$0x3FFE];
	_ =	sdelay $0x1  }
0x8a: {  	s1 =	srdreg.scid  }
0x8b: {  	s0 =	sand.u32 $0x1, s1  }
0x8c: {  	s14 =	sshll.u32 s0, $0xA;
	s2 =	sadd.s32 s3, s2  }
0x8d: {  	s2 =	sadd.s32 s2, s14  }
0x8e: {  	[smem:$0x3FC3] =	sst s2  }
0x8f: {  	_ = 	snop  }
0x90: {  	s2 =	sld [smem:$0x3FD0];
	_ =	sdelay $0x2  }
0x91: {  	s15 =	simm.s32 $0xA;
	s4 =	simm.s32 $0x10  }
0x92: {  	[smem:s4], [sflag:s15] =	dma.local [hbm:s2], $0x1  }
0x93: {  	_ =	swait.eq [sflag:s15], $0x1  }
0x94: {  	[sflag:s15] =	ssyncset.done $0x0  }
0x95: {  	[sflag:s15] =	ssyncadd.s32 $0xFFFFFFFF  }
0x96: {  	s16 =	sld [smem:$0x11];
	(tm) =	ssettm $0x1  }
0x97: {  	s17 =	sld [smem:$0x3FFB];
	_ =	sdelay $0x3  }
0x98: {  	_ =	strace s17  }
0x99: {  	s3 =	sld [smem:$0x3FFC];
	_ =	sdelay $0x3  }
0x9a: {  	_ =	strace s3  }
0x9b: {  	s3 =	sld [smem:$0x3FFD];
	_ =	sdelay $0x3  }
0x9c: {  	_ =	strace s3  }
0x9d: {  	_ =	strace $0x8FFFFFFF  }
0x9e: {  	s18 =	sld [smem:$0x3FDB];
	_ =	sdelay $0x1  }
0x9f: {  	s19 =	simm.s32 $_scs_section_size  }
0xa0: {  	s5 =	simm.s32 $_size__tile_overlayer_lowered;
	s6 =	simm.s32 $_tile_overlayer_lowered  }
0xa1: {  	s22 =	simm.s32 $0x1BFF;
	s21 =	sshll.u32 s6, $0x1;
	s3 =	sadd.s32 s19, s18  }
0xa2: {  	s7 =	simm.s32 $0x0;
	s20 =	sshll.u32 s5, $0x1;
	s5 =	sadd.s32 s21, s3  }
0xa3: {  	[timem:s7], [sflag:s22] =	dma.local [hbm:s5], s20  }
0xa4: {  	_ =	swait.ge [sflag:s22], s20  }
0xa5: {  	s4 =	ssub.s32 $0x0, s20;
	[sflag:s22] =	ssyncset.done $0x0  }
0xa6: {  	[sflag:s22] =	ssyncadd.s32 s4;
	_ =	sdelay $0x1  }
0xa7: {  	s23 =	simm.s32 $0x1B8B  }
0xa8: {  	_ =	swait.ge [sflag:s23], $0x1  }
0xa9: {  	[sflag:s23] =	ssyncset.done $0x0  }
0xaa: {  	s25 =	simm.s32 $0x1B8E;
	s24 =	sld [smem:$0x3FFE];
	[sflag:s23] =	ssyncadd.s32 $0xFFFFFFFF  }
0xab: {  	s26 =	simm.s32 $execute0_lowered;
	[smem:$0x3FD2] =	sst s25  }
0xac: {  	s5 =	sshll.u32 s26, $0x1;
	_ =	strace $0x8000004F;
	[dreg:$0x1] =	wrdreg $0xFFFFFFFF  }
0xad: {  	s28 =	simm.s32 $_size_execute0_lowered;
	s3 =	sadd.s32 s3, s5;
	[dreg:$0x0] =	wrdreg $0x0  }
0xae: {  	s5 =	sshll.u32 s28, $0x1;
	[dreg:$0x2] =	wrdreg s3  }
0xaf: {  	[dreg:$0x3] =	wrdreg s5  }
0xb0: {  	[dreg:$0x4] =	wrdreg $0xC0  }
0xb1: {  	_ =	task [dreg:s7], $0x5FFFF  }
0xb2: {  	[dreg:$0x1] =	wrdreg $0xFFFFFFFF  }
0xb3: {  	[dreg:$0x0] =	wrdreg $0x60  }
0xb4: {  	[dreg:$0x2] =	wrdreg s24  }
0xb5: {  	[dreg:$0x3] =	wrdreg s16  }
0xb6: {  	[dreg:$0x4] =	wrdreg $0xE7100  }
0xb7: {  	[dreg:$0x5] =	wrdreg $0xC0000  }
0xb8: {  	[dreg:$0x6] =	wrdreg $0x9  }
0xb9: {  	_ =	task.clear_ibuf [dreg:s7], $0x7FFFF;
	_ =	strace $0x9000004F  }
0xba: {  	s29 =	simm.s32 $0x9;
	_ =	strace $0x80000051  }
0xbb: {  	_ =	swait.ge [sflag:s29], $0x1  }
0xbc: {  	[sflag:s29] =	ssyncadd.s32 $0xFFFFFFFF  }
0xbd: {  	_ =	strace $0x90000051  }
0xbe: {  	_ =	sfence  }
0xbf: {  	s30 =	sld [smem:$0x0];
	_ =	sdelay $0x2  }
0xc0: {  	s31 =	sshll.u32 s1, $0xD;
	s1 =	sshrl.u32 s1, $0x2  }
0xc1: {  	s3 =	sand.u32 $0x4000, s31;
	s1 =	sadd.s32 s1, s30  }
0xc2: {  	s0 =	sor.u32 s3, s0;
	s1 =	sshll.u32 s1, $0x11  }
0xc3: {  	s0 =	sor.u32 s1, s0  }
0xc4: {  	s0 =	sadd.s32 $0x8F2B, s0  }
0xc5: {  	[sflag:s0] =	ssyncadd.remote.s32 $0x1  }
0xc6: {  	_ =	sfence.sel $0xFFFF  }
0xc7: {  	[dreg:$0x0] =	wrdreg $0xFFFFFFFF;
	(pc) =	sbr.abs _section_cstart, $3  }
0xc8: {  	[dreg:$0x1] =	wrdreg $0xFFFFFFFF  }
0xc9: {  	_ =	task.clear_ibuf [dreg:s7], $0x2FFFF;
	_ =	strace $0x9FFFFFFF  }
0xca: {  	(tm) =	ssettm $0x7FFFFFFF  }
0xcb: {  	_ =	shalt  }
tec
execute0_lowered:
.L_overlay_start_1:
0x0: {  	(tag) =	ssettag $0x1  }
0x1: {  	s0 =	rddreg [dreg:$0x0]  }
0x2: {  	s1 =	rddreg [dreg:$0x1]  }
0x3: {  	s2 =	rddreg [dreg:$0x2];
	s12 =	stileid.u32  }
0x4: {  	s3 =	rddreg [dreg:$0x3];
	s6 =	smul.u32 $0xA00, s12  }
0x5: {  	s4 =	simm.s32 $0x0;
	s5 =	srdreg.scid;
	s24 =	smul.u32 $0x27140, s12  }
0x6: {  	s28 =	simm.s32 $0xA000;
	s29 =	simm.s32 $0xB000;
	s26 =	smul.u32 $0x13880, s12  }
0x7: {  	s30 =	simm.s32 $0x200;
	s31 =	simm.s32 $0x5100;
	s13 =	smul.u32 $0x9C40, s12  }
0x8: {  	[smem:$0x7FF] =	sst s4;
	s7 =	sand.u32 $0x1, s5;
	s11 =	smul.u32 $0x4E200, s12  }
0x9: {  	s9 =	sadd.s32 $0xDC400, s0;
	s5 =	sadd.s32 $0x17200, s0;
	s12 =	smul.u32 $0x27100, s12  }
0xa: {  	_ =	strace $0x80000050;
	s8 =	ssub.s32 $0x2, s7;
	s7 =	sshll.u32 s7, $0x6  }
0xb: {  	s6 =	sadd.s32 s6, s0;
	s10 =	sshrl.u32 s8, $0x1;
	s14 =	sor.u32 s7, s26  }
0xc: {  	s15 =	sor.u32 s7, s11;
	s16 =	sshrl.u32 s12, $0x2;
	s17 =	sor.u32 $0x10, s7  }
0xd: {  	s21 =	sor.u32 $0x20, s7;
	s7 =	sor.u32 $0x30, s7;
	s0 =	ssub.s32 s8, s10  }
0xe: {  	s25 =	sadd.s32 $0x2C000, s6;
	s6 =	sadd.s32 $0x3200, s6;
	s8 =	sshrl.u32 s24, $0x2  }
0xf: {  	s10 =	sshrl.u32 s13, $0x2;
	s18 =	sadd.s32 s16, s2;
	s19 =	sor.u32 s26, s17  }
0x10: {  	s20 =	sor.u32 s11, s17;
	s23 =	sor.u32 s26, s21;
	[dreg:$0x5] =	wrdreg s25  }
0x11: {  	[dreg:$0x6] =	wrdreg s6;
	s8 =	sadd.s32 s8, s2;
	s10 =	sadd.s32 s10, s3  }
0x12: {  	[dreg:$0xb] =	wrdreg s18;
	s22 =	sshrl.u32 s20, $0x3;
	s24 =	sshrl.u32 s23, $0x3  }
0x13: {  	s25 =	sor.u32 s11, s21;
	s6 =	sor.u32 s26, s7;
	s7 =	sor.u32 s11, s7  }
0x14: {  	s20 =	simm.s32 $0x5000;
	s21 =	simm.s32 $0x1;
	[dreg:$0x7] =	wrdreg s8  }
0x15: {  	s23 =	simm.s32 $0x10;
	s8 =	sshrl.u32 s14, $0x3;
	[dreg:$0x8] =	wrdreg s10  }
0x16: {  	s6 =	sshrl.u32 s6, $0x3;
	s26 =	sshrl.u32 s7, $0x3;
	s8 =	sadd.s32 s9, s8  }
0x17: {  	s7 =	simm.s32 $0x5;
	[dreg:$0x9] =	wrdreg s8;
	s8 =	sshrl.u32 s15, $0x3  }
0x18: {  	s6 =	sadd.s32 s9, s6;
	s18 =	sadd.s32 s1, s26;
	s8 =	sadd.s32 s1, s8  }
0x19: {  	s26 =	simm.s32 $0x100;
	[dreg:$0xa] =	wrdreg s8;
	s8 =	sshrl.u32 s19, $0x3  }
0x1a: {  	[dreg:$0x10] =	wrdreg s6;
	s6 =	simm.s32 $0x9F00;
	s8 =	sadd.s32 s9, s8  }
0x1b: {  	s19 =	smax.u32 s0, $0x1;
	[dreg:$0xc] =	wrdreg s8;
	s8 =	sadd.s32 s1, s22  }
0x1c: {  	s0 =	simm.s32 $0x4F00;
	[dreg:$0xd] =	wrdreg s8;
	s8 =	sadd.s32 s9, s24  }
0x1d: {  	s22 =	simm.s32 $0x2;
	[dreg:$0xe] =	wrdreg s8;
	s8 =	sshrl.u32 s25, $0x3  }
0x1e: {  	s24 =	simm.s32 $0x3;
	s25 =	simm.s32 $0x4;
	s8 =	sadd.s32 s1, s8  }
0x1f: {  	s1 =	simm.s32 $0x9E00;
	[dreg:$0xf] =	wrdreg s8;
	s8 =	simm.s32 $0x0  }
.LBB2_1:
0x20: {  	s9 =	rddreg [dreg:$0x5]  }
0x21: {  	[tilespmem:s4], [sflag:$0x1] =	stream.linear.gather [hbm4b:s9+s4], $0x5000, $0x38;
	[tilespmem:$0x18360] =	vst v63  }
0x22: {  	s13 =	rddreg [dreg:$0x6]  }
0x23: {  	[tilespmem:s20], [sflag:$0x2] =	stream.linear.gather [hbm4b:s13+s4], $0x5000, $0x38;
	[tilespmem:$0x18360] =	vst v63  }
0x24: {  	s14 =	stileid.u32;
	[bflag:$0x0] =	sbarrier.arrive $0xFFFF  }
0x25: {  	s13 =	sshll.u32 s14, $0x6;
	s10 =	rddreg [dreg:$0x7]  }
0x26: {  	s9 =	sor.u32 $0x1C03, s13;
	s10 =	sshrl.u32 s10, $0x3  }
0x27: {  	[spmem:s10], [sflag:s9] =	dma.local [hbm:s5], $0x138A  }
0x28: {  	s12 =	rddreg [dreg:$0x8]  }
0x29: {  	s11 =	sor.u32 $0x1C04, s13;
	s14 =	rddreg [dreg:$0x9];
	s12 =	sshrl.u32 s12, $0x3  }
0x2a: {  	[spmem:s12@s22], [sflag:s11] =	dma.strided [hbm:s14@s23], $0x4E2, s21, $0x2   }
0x2b: {  	_ =	swait.ge [sflag:s21], $0x5000  }
0x2c: {  	[sflag:s21] =	ssyncset.done $0x0  }
0x2d: {  	[sflag:s21] =	ssyncadd.s32 $0xFFFFB000  }
0x2e: {  	_ =	swait.ge [sflag:s22], $0x5000  }
0x2f: {  	[sflag:s22] =	ssyncset.done $0x0  }
0x30: {  	[sflag:s22] =	ssyncadd.s32 $0xFFFFB000  }
0x31: {  	_ =	swait.ge [sflag:s24], $0x138A  }
0x32: {  	[sflag:s24] =	ssyncset.done $0x0  }
0x33: {  	[sflag:s24] =	ssyncadd.s32 $0xFFFFEC76  }
0x34: {  	_ =	swait.ge [sflag:s25], $0x4E2  }
0x35: {  	[sflag:s25] =	ssyncset.done $0x0  }
0x36: {  	[sflag:s25] =	ssyncadd.s32 $0xFFFFFB1E  }
0x37: {  	[bflag:$0x0] =	sbarrier.arrive $0xFFFF  }
0x38: {  	[tilespmem:s28], [sflag:$0x1] =	stream.indirect.gather [spmem:s3], $0x10, s4, s26, $0xb8;
	[tilespmem:$0x18360] =	vst v63  }
0x39: {  	_ = 	snop  }
0x3a: {  	[tilespmem:s29], [sflag:$0x2] =	stream.indirect.gather [spmem:s3], $0x10, s26, s26, $0xb8;
	[tilespmem:$0x18360] =	vst v63  }
0x3b: {  	_ =	swait.ge [sflag:s21], $0x1000  }
0x3c: {  	[sflag:s21] =	ssyncset.done $0x0  }
0x3d: {  	[sflag:s21] =	ssyncadd.s32 $0xFFFFF000  }
0x3e: {  	[spmem:s2] =	stream.indirect.scatter.add.f32 [tilespmem:s28], [sflag:$0x3], $0x10, s20, s26, $0xb8;
	[tilespmem:$0x18360] =	vst v63  }
0x3f: {  	_ =	swait.ge [sflag:s24], $0x1000  }
0x40: {  	[sflag:s24] =	ssyncset.done $0x0  }
0x41: {  	[sflag:s24] =	ssyncadd.s32 $0xFFFFF000  }
0x42: {  	[tilespmem:s28], [sflag:$0x1] =	stream.indirect.gather [spmem:s3], $0x10, s30, s26, $0xb8;
	[tilespmem:$0x18360] =	vst v63  }
0x43: {  	_ =	swait.ge [sflag:s22], $0x1000  }
0x44: {  	[sflag:s22] =	ssyncset.done $0x0  }
0x45: {  	[sflag:s22] =	ssyncadd.s32 $0xFFFFF000  }
0x46: {  	[spmem:s2] =	stream.indirect.scatter.add.f32 [tilespmem:s29], [sflag:$0x4], $0x10, s31, s26, $0xb8;
	[tilespmem:$0x18360] =	vst v63  }
0x47: {  	_ =	swait.ge [sflag:s25], $0x1000  }
0x48: {  	[sflag:s25] =	ssyncset.done $0x0  }
0x49: {  	s15 =	simm.s32 $0x300;
	[sflag:s25] =	ssyncadd.s32 $0xFFFFF000  }
0x4a: {  	[tilespmem:s29], [sflag:$0x2] =	stream.indirect.gather [spmem:s3], $0x10, s15, s26, $0xb8;
	[tilespmem:$0x18360] =	vst v63  }
0x4b: {  	_ =	swait.ge [sflag:s21], $0x1000  }
0x4c: {  	[sflag:s21] =	ssyncset.done $0x0  }
0x4d: {  	s16 =	simm.s32 $0x5200;
	[sflag:s21] =	ssyncadd.s32 $0xFFFFF000  }
0x4e: {  	[spmem:s2] =	stream.indirect.scatter.add.f32 [tilespmem:s28], [sflag:$0x3], $0x10, s16, s26, $0xb8;
	[tilespmem:$0x18360] =	vst v63  }
0x4f: {  	_ =	swait.ge [sflag:s24], $0x1000  }
0x50: {  	[sflag:s24] =	ssyncset.done $0x0  }
0x51: {  	s17 =	simm.s32 $0x400;
	[sflag:s24] =	ssyncadd.s32 $0xFFFFF000  }
0x52: {  	[tilespmem:s28], [sflag:$0x1] =	stream.indirect.gather [spmem:s3], $0x10, s17, s26, $0xb8;
	[tilespmem:$0x18360] =	vst v63  }
0x53: {  	_ =	swait.ge [sflag:s22], $0x1000  }
0x54: {  	[sflag:s22] =	ssyncset.done $0x0  }
0x55: {  	s14 =	simm.s32 $0xFFFED800;
	s15 =	simm.s32 $0x5300;
	[sflag:s22] =	ssyncadd.s32 $0xFFFFF000  }
.LBB2_2:
0x56: {  	[spmem:s2] =	stream.indirect.scatter.add.f32 [tilespmem:s29], [sflag:$0x4], $0x10, s15, s26, $0xb8;
	[tilespmem:$0x18360] =	vst v63  }
0x57: {  	s15 =	smov.u32 s14  }
0x58: {  	p0 =	sne.s32 s14, $0xFFFFF800;
	s14 =	sadd.s32 $0x800, s14;
	_ =	swait.ge [sflag:s25], $0x1000  }
0x59: {  	s15 =	sshra.s32 s15, $0x2;
	[sflag:s25] =	ssyncset.done $0x0  }
0x5a: {  	s16 =	sadd.s32 $0x4F00, s15;
	[sflag:s25] =	ssyncadd.s32 $0xFFFFF000  }
0x5b: {  	[tilespmem:s29], [sflag:$0x2] =	stream.indirect.gather [spmem:s3], $0x10, s16, s26, $0xb8;
	[tilespmem:$0x18360] =	vst v63  }
0x5c: {  	_ =	swait.ge [sflag:s21], $0x1000  }
0x5d: {  	[sflag:s21] =	ssyncset.done $0x0  }
0x5e: {  	s16 =	sadd.s32 $0x9E00, s15;
	[sflag:s21] =	ssyncadd.s32 $0xFFFFF000  }
0x5f: {  	[spmem:s2] =	stream.indirect.scatter.add.f32 [tilespmem:s28], [sflag:$0x3], $0x10, s16, s26, $0xb8;
	[tilespmem:$0x18360] =	vst v63  }
0x60: {  	_ =	swait.ge [sflag:s24], $0x1000  }
0x61: {  	[sflag:s24] =	ssyncset.done $0x0  }
.Ltmp0:
0x62: {  	s16 =	sadd.s32 $0x5000, s15;
	[sflag:s24] =	ssyncadd.s32 $0xFFFFF000;
	(pc) =	sbr.rel @p0 .LBB2_2-.Ltmp0, $4  }
0x63: {  	[tilespmem:s28], [sflag:$0x1] =	stream.indirect.gather [spmem:s3], $0x10, s16, s26, $0xb8;
	[tilespmem:$0x18360] =	vst v63  }
0x64: {  	_ =	swait.ge [sflag:s22], $0x1000  }
0x65: {  	[sflag:s22] =	ssyncset.done $0x0  }
0x66: {  	s15 =	sadd.s32 $0x9F00, s15;
	[sflag:s22] =	ssyncadd.s32 $0xFFFFF000  }
0x67: {  	[spmem:s2] =	stream.indirect.scatter.add.f32 [tilespmem:s29], [sflag:$0x4], $0x10, s15, s26, $0xb8;
	[tilespmem:$0x18360] =	vst v63  }
0x68: {  	_ =	swait.ge [sflag:s25], $0x1000  }
0x69: {  	[sflag:s25] =	ssyncset.done $0x0  }
0x6a: {  	[sflag:s25] =	ssyncadd.s32 $0xFFFFF000  }
0x6b: {  	[tilespmem:s29], [sflag:$0x2] =	stream.indirect.gather [spmem:s3], $0x10, s0, s26, $0xb8;
	[tilespmem:$0x18360] =	vst v63  }
0x6c: {  	_ =	swait.ge [sflag:s21], $0x1000  }
0x6d: {  	[sflag:s21] =	ssyncset.done $0x0  }
0x6e: {  	[sflag:s21] =	ssyncadd.s32 $0xFFFFF000  }
0x6f: {  	[spmem:s2] =	stream.indirect.scatter.add.f32 [tilespmem:s28], [sflag:$0x3], $0x10, s1, s26, $0xb8;
	[tilespmem:$0x18360] =	vst v63  }
0x70: {  	_ =	swait.ge [sflag:s24], $0x1000  }
0x71: {  	[sflag:s24] =	ssyncset.done $0x0  }
0x72: {  	[sflag:s24] =	ssyncadd.s32 $0xFFFFF000  }
0x73: {  	_ =	swait.ge [sflag:s22], $0x1000  }
0x74: {  	[sflag:s22] =	ssyncset.done $0x0  }
0x75: {  	[sflag:s22] =	ssyncadd.s32 $0xFFFFF000  }
0x76: {  	[spmem:s2] =	stream.indirect.scatter.add.f32 [tilespmem:s29], [sflag:$0x4], $0x10, s6, s26, $0xb8;
	[tilespmem:$0x18360] =	vst v63  }
0x77: {  	_ =	swait.ge [sflag:s25], $0x1000  }
0x78: {  	[sflag:s25] =	ssyncset.done $0x0  }
0x79: {  	[sflag:s25] =	ssyncadd.s32 $0xFFFFF000  }
0x7a: {  	[bflag:$0x0] =	sbarrier.arrive $0xFFFF  }
0x7b: {  	s14 =	rddreg [dreg:$0xb]  }
0x7c: {  	s13 =	sor.u32 $0x1C05, s13;
	s17 =	rddreg [dreg:$0xa];
	s14 =	sshrl.u32 s14, $0x3  }
0x7d: {  	[hbm:s17@s23], [sflag:s13] =	dma.strided [spmem:s14@s22], $0x1388, s21, $0x2   }
0x7e: {  	_ =	swait.ge [sflag:s7], $0x1388  }
0x7f: {  	[sflag:s7] =	ssyncset.done $0x0  }
0x80: {  	[sflag:s7] =	ssyncadd.s32 $0xFFFFEC78  }
0x81: {  	[bflag:$0x0] =	sbarrier.arrive $0xFFFF  }
0x82: {  	[spmem:s10], [sflag:s9] =	dma.local [hbm:s5], $0x138A  }
0x83: {  	s16 =	rddreg [dreg:$0xc]  }
0x84: {  	[spmem:s12@s22], [sflag:s11] =	dma.strided [hbm:s16@s23], $0x4E2, s21, $0x2   }
0x85: {  	_ =	swait.ge [sflag:s24], $0x138A  }
0x86: {  	[sflag:s24] =	ssyncset.done $0x0  }
0x87: {  	[sflag:s24] =	ssyncadd.s32 $0xFFFFEC76  }
0x88: {  	_ =	swait.ge [sflag:s25], $0x4E2  }
0x89: {  	[sflag:s25] =	ssyncset.done $0x0  }
0x8a: {  	[sflag:s25] =	ssyncadd.s32 $0xFFFFFB1E  }
0x8b: {  	[bflag:$0x0] =	sbarrier.arrive $0xFFFF  }
0x8c: {  	[tilespmem:s28], [sflag:$0x1] =	stream.indirect.gather [spmem:s3], $0x10, s4, s26, $0xb8;
	[tilespmem:$0x18360] =	vst v63  }
0x8d: {  	_ = 	snop  }
0x8e: {  	[tilespmem:s29], [sflag:$0x2] =	stream.indirect.gather [spmem:s3], $0x10, s26, s26, $0xb8;
	[tilespmem:$0x18360] =	vst v63  }
0x8f: {  	_ =	swait.ge [sflag:s21], $0x1000  }
0x90: {  	[sflag:s21] =	ssyncset.done $0x0  }
0x91: {  	[sflag:s21] =	ssyncadd.s32 $0xFFFFF000  }
0x92: {  	[spmem:s2] =	stream.indirect.scatter.add.f32 [tilespmem:s28], [sflag:$0x3], $0x10, s20, s26, $0xb8;
	[tilespmem:$0x18360] =	vst v63  }
0x93: {  	_ =	swait.ge [sflag:s24], $0x1000  }
0x94: {  	[sflag:s24] =	ssyncset.done $0x0  }
0x95: {  	[sflag:s24] =	ssyncadd.s32 $0xFFFFF000  }
0x96: {  	[tilespmem:s28], [sflag:$0x1] =	stream.indirect.gather [spmem:s3], $0x10, s30, s26, $0xb8;
	[tilespmem:$0x18360] =	vst v63  }
0x97: {  	_ =	swait.ge [sflag:s22], $0x1000  }
0x98: {  	[sflag:s22] =	ssyncset.done $0x0  }
0x99: {  	[sflag:s22] =	ssyncadd.s32 $0xFFFFF000  }
0x9a: {  	[spmem:s2] =	stream.indirect.scatter.add.f32 [tilespmem:s29], [sflag:$0x4], $0x10, s31, s26, $0xb8;
	[tilespmem:$0x18360] =	vst v63  }
0x9b: {  	_ =	swait.ge [sflag:s25], $0x1000  }
0x9c: {  	[sflag:s25] =	ssyncset.done $0x0  }
0x9d: {  	s17 =	simm.s32 $0x300;
	[sflag:s25] =	ssyncadd.s32 $0xFFFFF000  }
0x9e: {  	[tilespmem:s29], [sflag:$0x2] =	stream.indirect.gather [spmem:s3], $0x10, s17, s26, $0xb8;
	[tilespmem:$0x18360] =	vst v63  }
0x9f: {  	_ =	swait.ge [sflag:s21], $0x1000  }
0xa0: {  	[sflag:s21] =	ssyncset.done $0x0  }
0xa1: {  	s16 =	simm.s32 $0x5200;
	[sflag:s21] =	ssyncadd.s32 $0xFFFFF000  }
0xa2: {  	[spmem:s2] =	stream.indirect.scatter.add.f32 [tilespmem:s28], [sflag:$0x3], $0x10, s16, s26, $0xb8;
	[tilespmem:$0x18360] =	vst v63  }
0xa3: {  	_ =	swait.ge [sflag:s24], $0x1000  }
0xa4: {  	[sflag:s24] =	ssyncset.done $0x0  }
0xa5: {  	s17 =	simm.s32 $0x400;
	[sflag:s24] =	ssyncadd.s32 $0xFFFFF000  }
0xa6: {  	[tilespmem:s28], [sflag:$0x1] =	stream.indirect.gather [spmem:s3], $0x10, s17, s26, $0xb8;
	[tilespmem:$0x18360] =	vst v63  }
0xa7: {  	_ =	swait.ge [sflag:s22], $0x1000  }
0xa8: {  	[sflag:s22] =	ssyncset.done $0x0  }
0xa9: {  	s15 =	simm.s32 $0xFFFED800;
	s16 =	simm.s32 $0x5300;
	[sflag:s22] =	ssyncadd.s32 $0xFFFFF000  }
.LBB2_4:
0xaa: {  	[spmem:s2] =	stream.indirect.scatter.add.f32 [tilespmem:s29], [sflag:$0x4], $0x10, s16, s26, $0xb8;
	[tilespmem:$0x18360] =	vst v63  }
0xab: {  	s16 =	smov.u32 s15  }
0xac: {  	p0 =	sne.s32 s15, $0xFFFFF800;
	s15 =	sadd.s32 $0x800, s15;
	_ =	swait.ge [sflag:s25], $0x1000  }
0xad: {  	s16 =	sshra.s32 s16, $0x2;
	[sflag:s25] =	ssyncset.done $0x0  }
0xae: {  	s17 =	sadd.s32 $0x4F00, s16;
	[sflag:s25] =	ssyncadd.s32 $0xFFFFF000  }
0xaf: {  	[tilespmem:s29], [sflag:$0x2] =	stream.indirect.gather [spmem:s3], $0x10, s17, s26, $0xb8;
	[tilespmem:$0x18360] =	vst v63  }
0xb0: {  	_ =	swait.ge [sflag:s21], $0x1000  }
0xb1: {  	[sflag:s21] =	ssyncset.done $0x0  }
0xb2: {  	s17 =	sadd.s32 $0x9E00, s16;
	[sflag:s21] =	ssyncadd.s32 $0xFFFFF000  }
0xb3: {  	[spmem:s2] =	stream.indirect.scatter.add.f32 [tilespmem:s28], [sflag:$0x3], $0x10, s17, s26, $0xb8;
	[tilespmem:$0x18360] =	vst v63  }
0xb4: {  	_ =	swait.ge [sflag:s24], $0x1000  }
0xb5: {  	[sflag:s24] =	ssyncset.done $0x0  }
.Ltmp1:
0xb6: {  	s17 =	sadd.s32 $0x5000, s16;
	[sflag:s24] =	ssyncadd.s32 $0xFFFFF000;
	(pc) =	sbr.rel @p0 .LBB2_4-.Ltmp1, $4  }
0xb7: {  	[tilespmem:s28], [sflag:$0x1] =	stream.indirect.gather [spmem:s3], $0x10, s17, s26, $0xb8;
	[tilespmem:$0x18360] =	vst v63  }
0xb8: {  	_ =	swait.ge [sflag:s22], $0x1000  }
0xb9: {  	[sflag:s22] =	ssyncset.done $0x0  }
0xba: {  	s16 =	sadd.s32 $0x9F00, s16;
	[sflag:s22] =	ssyncadd.s32 $0xFFFFF000  }
0xbb: {  	[spmem:s2] =	stream.indirect.scatter.add.f32 [tilespmem:s29], [sflag:$0x4], $0x10, s16, s26, $0xb8;
	[tilespmem:$0x18360] =	vst v63  }
0xbc: {  	_ =	swait.ge [sflag:s25], $0x1000  }
0xbd: {  	[sflag:s25] =	ssyncset.done $0x0  }
0xbe: {  	[sflag:s25] =	ssyncadd.s32 $0xFFFFF000  }
0xbf: {  	[tilespmem:s29], [sflag:$0x2] =	stream.indirect.gather [spmem:s3], $0x10, s0, s26, $0xb8;
	[tilespmem:$0x18360] =	vst v63  }
0xc0: {  	_ =	swait.ge [sflag:s21], $0x1000  }
0xc1: {  	[sflag:s21] =	ssyncset.done $0x0  }
0xc2: {  	[sflag:s21] =	ssyncadd.s32 $0xFFFFF000  }
0xc3: {  	[spmem:s2] =	stream.indirect.scatter.add.f32 [tilespmem:s28], [sflag:$0x3], $0x10, s1, s26, $0xb8;
	[tilespmem:$0x18360] =	vst v63  }
0xc4: {  	_ =	swait.ge [sflag:s24], $0x1000  }
0xc5: {  	[sflag:s24] =	ssyncset.done $0x0  }
0xc6: {  	[sflag:s24] =	ssyncadd.s32 $0xFFFFF000  }
0xc7: {  	_ =	swait.ge [sflag:s22], $0x1000  }
0xc8: {  	[sflag:s22] =	ssyncset.done $0x0  }
0xc9: {  	[sflag:s22] =	ssyncadd.s32 $0xFFFFF000  }
0xca: {  	[spmem:s2] =	stream.indirect.scatter.add.f32 [tilespmem:s29], [sflag:$0x4], $0x10, s6, s26, $0xb8;
	[tilespmem:$0x18360] =	vst v63  }
0xcb: {  	_ =	swait.ge [sflag:s25], $0x1000  }
0xcc: {  	[sflag:s25] =	ssyncset.done $0x0  }
0xcd: {  	[sflag:s25] =	ssyncadd.s32 $0xFFFFF000  }
0xce: {  	[bflag:$0x0] =	sbarrier.arrive $0xFFFF  }
0xcf: {  	s15 =	rddreg [dreg:$0xd]  }
0xd0: {  	[hbm:s15@s23], [sflag:s13] =	dma.strided [spmem:s14@s22], $0x1388, s21, $0x2   }
0xd1: {  	_ =	swait.ge [sflag:s7], $0x1388  }
0xd2: {  	[sflag:s7] =	ssyncset.done $0x0  }
0xd3: {  	[sflag:s7] =	ssyncadd.s32 $0xFFFFEC78  }
0xd4: {  	[bflag:$0x0] =	sbarrier.arrive $0xFFFF  }
0xd5: {  	[spmem:s10], [sflag:s9] =	dma.local [hbm:s5], $0x138A  }
0xd6: {  	s16 =	rddreg [dreg:$0xe]  }
0xd7: {  	[spmem:s12@s22], [sflag:s11] =	dma.strided [hbm:s16@s23], $0x4E2, s21, $0x2   }
0xd8: {  	_ =	swait.ge [sflag:s24], $0x138A  }
0xd9: {  	[sflag:s24] =	ssyncset.done $0x0  }
0xda: {  	[sflag:s24] =	ssyncadd.s32 $0xFFFFEC76  }
0xdb: {  	_ =	swait.ge [sflag:s25], $0x4E2  }
0xdc: {  	[sflag:s25] =	ssyncset.done $0x0  }
0xdd: {  	[sflag:s25] =	ssyncadd.s32 $0xFFFFFB1E  }
0xde: {  	[bflag:$0x0] =	sbarrier.arrive $0xFFFF  }
0xdf: {  	[tilespmem:s28], [sflag:$0x1] =	stream.indirect.gather [spmem:s3], $0x10, s4, s26, $0xb8;
	[tilespmem:$0x18360] =	vst v63  }
0xe0: {  	_ = 	snop  }
0xe1: {  	[tilespmem:s29], [sflag:$0x2] =	stream.indirect.gather [spmem:s3], $0x10, s26, s26, $0xb8;
	[tilespmem:$0x18360] =	vst v63  }
0xe2: {  	_ =	swait.ge [sflag:s21], $0x1000  }
0xe3: {  	[sflag:s21] =	ssyncset.done $0x0  }
0xe4: {  	[sflag:s21] =	ssyncadd.s32 $0xFFFFF000  }
0xe5: {  	[spmem:s2] =	stream.indirect.scatter.add.f32 [tilespmem:s28], [sflag:$0x3], $0x10, s20, s26, $0xb8;
	[tilespmem:$0x18360] =	vst v63  }
0xe6: {  	_ =	swait.ge [sflag:s24], $0x1000  }
0xe7: {  	[sflag:s24] =	ssyncset.done $0x0  }
0xe8: {  	[sflag:s24] =	ssyncadd.s32 $0xFFFFF000  }
0xe9: {  	[tilespmem:s28], [sflag:$0x1] =	stream.indirect.gather [spmem:s3], $0x10, s30, s26, $0xb8;
	[tilespmem:$0x18360] =	vst v63  }
0xea: {  	_ =	swait.ge [sflag:s22], $0x1000  }
0xeb: {  	[sflag:s22] =	ssyncset.done $0x0  }
0xec: {  	[sflag:s22] =	ssyncadd.s32 $0xFFFFF000  }
0xed: {  	[spmem:s2] =	stream.indirect.scatter.add.f32 [tilespmem:s29], [sflag:$0x4], $0x10, s31, s26, $0xb8;
	[tilespmem:$0x18360] =	vst v63  }
0xee: {  	_ =	swait.ge [sflag:s25], $0x1000  }
0xef: {  	[sflag:s25] =	ssyncset.done $0x0  }
0xf0: {  	s17 =	simm.s32 $0x300;
	[sflag:s25] =	ssyncadd.s32 $0xFFFFF000  }
0xf1: {  	[tilespmem:s29], [sflag:$0x2] =	stream.indirect.gather [spmem:s3], $0x10, s17, s26, $0xb8;
	[tilespmem:$0x18360] =	vst v63  }
0xf2: {  	_ =	swait.ge [sflag:s21], $0x1000  }
0xf3: {  	[sflag:s21] =	ssyncset.done $0x0  }
0xf4: {  	s16 =	simm.s32 $0x5200;
	[sflag:s21] =	ssyncadd.s32 $0xFFFFF000  }
0xf5: {  	[spmem:s2] =	stream.indirect.scatter.add.f32 [tilespmem:s28], [sflag:$0x3], $0x10, s16, s26, $0xb8;
	[tilespmem:$0x18360] =	vst v63  }
0xf6: {  	_ =	swait.ge [sflag:s24], $0x1000  }
0xf7: {  	[sflag:s24] =	ssyncset.done $0x0  }
0xf8: {  	s17 =	simm.s32 $0x400;
	[sflag:s24] =	ssyncadd.s32 $0xFFFFF000  }
0xf9: {  	[tilespmem:s28], [sflag:$0x1] =	stream.indirect.gather [spmem:s3], $0x10, s17, s26, $0xb8;
	[tilespmem:$0x18360] =	vst v63  }
0xfa: {  	_ =	swait.ge [sflag:s22], $0x1000  }
0xfb: {  	[sflag:s22] =	ssyncset.done $0x0  }
0xfc: {  	s15 =	simm.s32 $0xFFFED800;
	s16 =	simm.s32 $0x5300;
	[sflag:s22] =	ssyncadd.s32 $0xFFFFF000  }
.LBB2_6:
0xfd: {  	[spmem:s2] =	stream.indirect.scatter.add.f32 [tilespmem:s29], [sflag:$0x4], $0x10, s16, s26, $0xb8;
	[tilespmem:$0x18360] =	vst v63  }
0xfe: {  	s16 =	smov.u32 s15  }
0xff: {  	p0 =	sne.s32 s15, $0xFFFFF800;
	s15 =	sadd.s32 $0x800, s15;
	_ =	swait.ge [sflag:s25], $0x1000  }
0x100: {  	s16 =	sshra.s32 s16, $0x2;
	[sflag:s25] =	ssyncset.done $0x0  }
0x101: {  	s17 =	sadd.s32 $0x4F00, s16;
	[sflag:s25] =	ssyncadd.s32 $0xFFFFF000  }
0x102: {  	[tilespmem:s29], [sflag:$0x2] =	stream.indirect.gather [spmem:s3], $0x10, s17, s26, $0xb8;
	[tilespmem:$0x18360] =	vst v63  }
0x103: {  	_ =	swait.ge [sflag:s21], $0x1000  }
0x104: {  	[sflag:s21] =	ssyncset.done $0x0  }
0x105: {  	s17 =	sadd.s32 $0x9E00, s16;
	[sflag:s21] =	ssyncadd.s32 $0xFFFFF000  }
0x106: {  	[spmem:s2] =	stream.indirect.scatter.add.f32 [tilespmem:s28], [sflag:$0x3], $0x10, s17, s26, $0xb8;
	[tilespmem:$0x18360] =	vst v63  }
0x107: {  	_ =	swait.ge [sflag:s24], $0x1000  }
0x108: {  	[sflag:s24] =	ssyncset.done $0x0  }
.Ltmp2:
0x109: {  	s17 =	sadd.s32 $0x5000, s16;
	[sflag:s24] =	ssyncadd.s32 $0xFFFFF000;
	(pc) =	sbr.rel @p0 .LBB2_6-.Ltmp2, $4  }
0x10a: {  	[tilespmem:s28], [sflag:$0x1] =	stream.indirect.gather [spmem:s3], $0x10, s17, s26, $0xb8;
	[tilespmem:$0x18360] =	vst v63  }
0x10b: {  	_ =	swait.ge [sflag:s22], $0x1000  }
0x10c: {  	[sflag:s22] =	ssyncset.done $0x0  }
0x10d: {  	s16 =	sadd.s32 $0x9F00, s16;
	[sflag:s22] =	ssyncadd.s32 $0xFFFFF000  }
0x10e: {  	[spmem:s2] =	stream.indirect.scatter.add.f32 [tilespmem:s29], [sflag:$0x4], $0x10, s16, s26, $0xb8;
	[tilespmem:$0x18360] =	vst v63  }
0x10f: {  	_ =	swait.ge [sflag:s25], $0x1000  }
0x110: {  	[sflag:s25] =	ssyncset.done $0x0  }
0x111: {  	[sflag:s25] =	ssyncadd.s32 $0xFFFFF000  }
0x112: {  	[tilespmem:s29], [sflag:$0x2] =	stream.indirect.gather [spmem:s3], $0x10, s0, s26, $0xb8;
	[tilespmem:$0x18360] =	vst v63  }
0x113: {  	_ =	swait.ge [sflag:s21], $0x1000  }
0x114: {  	[sflag:s21] =	ssyncset.done $0x0  }
0x115: {  	[sflag:s21] =	ssyncadd.s32 $0xFFFFF000  }
0x116: {  	[spmem:s2] =	stream.indirect.scatter.add.f32 [tilespmem:s28], [sflag:$0x3], $0x10, s1, s26, $0xb8;
	[tilespmem:$0x18360] =	vst v63  }
0x117: {  	_ =	swait.ge [sflag:s24], $0x1000  }
0x118: {  	[sflag:s24] =	ssyncset.done $0x0  }
0x119: {  	[sflag:s24] =	ssyncadd.s32 $0xFFFFF000  }
0x11a: {  	_ =	swait.ge [sflag:s22], $0x1000  }
0x11b: {  	[sflag:s22] =	ssyncset.done $0x0  }
0x11c: {  	[sflag:s22] =	ssyncadd.s32 $0xFFFFF000  }
0x11d: {  	[spmem:s2] =	stream.indirect.scatter.add.f32 [tilespmem:s29], [sflag:$0x4], $0x10, s6, s26, $0xb8;
	[tilespmem:$0x18360] =	vst v63  }
0x11e: {  	_ =	swait.ge [sflag:s25], $0x1000  }
0x11f: {  	[sflag:s25] =	ssyncset.done $0x0  }
0x120: {  	[sflag:s25] =	ssyncadd.s32 $0xFFFFF000  }
0x121: {  	[bflag:$0x0] =	sbarrier.arrive $0xFFFF  }
0x122: {  	s15 =	rddreg [dreg:$0xf]  }
0x123: {  	[hbm:s15@s23], [sflag:s13] =	dma.strided [spmem:s14@s22], $0x1388, s21, $0x2   }
0x124: {  	_ =	swait.ge [sflag:s7], $0x1388  }
0x125: {  	[sflag:s7] =	ssyncset.done $0x0  }
0x126: {  	[sflag:s7] =	ssyncadd.s32 $0xFFFFEC78  }
0x127: {  	[bflag:$0x0] =	sbarrier.arrive $0xFFFF  }
0x128: {  	[spmem:s10], [sflag:s9] =	dma.local [hbm:s5], $0x138A  }
0x129: {  	s9 =	rddreg [dreg:$0x10]  }
0x12a: {  	[spmem:s12@s22], [sflag:s11] =	dma.strided [hbm:s9@s23], $0x4E2, s21, $0x2   }
0x12b: {  	_ =	swait.ge [sflag:s24], $0x138A  }
0x12c: {  	[sflag:s24] =	ssyncset.done $0x0  }
0x12d: {  	[sflag:s24] =	ssyncadd.s32 $0xFFFFEC76  }
0x12e: {  	_ =	swait.ge [sflag:s25], $0x4E2  }
0x12f: {  	[sflag:s25] =	ssyncset.done $0x0  }
0x130: {  	[sflag:s25] =	ssyncadd.s32 $0xFFFFFB1E  }
0x131: {  	[bflag:$0x0] =	sbarrier.arrive $0xFFFF  }
0x132: {  	[tilespmem:s28], [sflag:$0x1] =	stream.indirect.gather [spmem:s3], $0x10, s4, s26, $0xb8;
	[tilespmem:$0x18360] =	vst v63  }
0x133: {  	_ = 	snop  }
0x134: {  	[tilespmem:s29], [sflag:$0x2] =	stream.indirect.gather [spmem:s3], $0x10, s26, s26, $0xb8;
	[tilespmem:$0x18360] =	vst v63  }
0x135: {  	_ =	swait.ge [sflag:s21], $0x1000  }
0x136: {  	[sflag:s21] =	ssyncset.done $0x0  }
0x137: {  	[sflag:s21] =	ssyncadd.s32 $0xFFFFF000  }
0x138: {  	[spmem:s2] =	stream.indirect.scatter.add.f32 [tilespmem:s28], [sflag:$0x3], $0x10, s20, s26, $0xb8;
	[tilespmem:$0x18360] =	vst v63  }
0x139: {  	_ =	swait.ge [sflag:s24], $0x1000  }
0x13a: {  	[sflag:s24] =	ssyncset.done $0x0  }
0x13b: {  	[sflag:s24] =	ssyncadd.s32 $0xFFFFF000  }
0x13c: {  	[tilespmem:s28], [sflag:$0x1] =	stream.indirect.gather [spmem:s3], $0x10, s30, s26, $0xb8;
	[tilespmem:$0x18360] =	vst v63  }
0x13d: {  	_ =	swait.ge [sflag:s22], $0x1000  }
0x13e: {  	[sflag:s22] =	ssyncset.done $0x0  }
0x13f: {  	[sflag:s22] =	ssyncadd.s32 $0xFFFFF000  }
0x140: {  	[spmem:s2] =	stream.indirect.scatter.add.f32 [tilespmem:s29], [sflag:$0x4], $0x10, s31, s26, $0xb8;
	[tilespmem:$0x18360] =	vst v63  }
0x141: {  	_ =	swait.ge [sflag:s25], $0x1000  }
0x142: {  	[sflag:s25] =	ssyncset.done $0x0  }
0x143: {  	s15 =	simm.s32 $0x300;
	[sflag:s25] =	ssyncadd.s32 $0xFFFFF000  }
0x144: {  	[tilespmem:s29], [sflag:$0x2] =	stream.indirect.gather [spmem:s3], $0x10, s15, s26, $0xb8;
	[tilespmem:$0x18360] =	vst v63  }
0x145: {  	_ =	swait.ge [sflag:s21], $0x1000  }
0x146: {  	[sflag:s21] =	ssyncset.done $0x0  }
0x147: {  	s16 =	simm.s32 $0x5200;
	[sflag:s21] =	ssyncadd.s32 $0xFFFFF000  }
0x148: {  	[spmem:s2] =	stream.indirect.scatter.add.f32 [tilespmem:s28], [sflag:$0x3], $0x10, s16, s26, $0xb8;
	[tilespmem:$0x18360] =	vst v63  }
0x149: {  	_ =	swait.ge [sflag:s24], $0x1000  }
0x14a: {  	[sflag:s24] =	ssyncset.done $0x0  }
0x14b: {  	s17 =	simm.s32 $0x400;
	[sflag:s24] =	ssyncadd.s32 $0xFFFFF000  }
0x14c: {  	[tilespmem:s28], [sflag:$0x1] =	stream.indirect.gather [spmem:s3], $0x10, s17, s26, $0xb8;
	[tilespmem:$0x18360] =	vst v63  }
0x14d: {  	_ =	swait.ge [sflag:s22], $0x1000  }
0x14e: {  	[sflag:s22] =	ssyncset.done $0x0  }
0x14f: {  	s10 =	simm.s32 $0x5300;
	s9 =	simm.s32 $0xFFFED800;
	[sflag:s22] =	ssyncadd.s32 $0xFFFFF000  }
.LBB2_8:
0x150: {  	[spmem:s2] =	stream.indirect.scatter.add.f32 [tilespmem:s29], [sflag:$0x4], $0x10, s10, s26, $0xb8;
	[tilespmem:$0x18360] =	vst v63  }
0x151: {  	s10 =	smov.u32 s9  }
0x152: {  	p0 =	sne.s32 s9, $0xFFFFF800;
	s9 =	sadd.s32 $0x800, s9;
	_ =	swait.ge [sflag:s25], $0x1000  }
0x153: {  	s10 =	sshra.s32 s10, $0x2;
	[sflag:s25] =	ssyncset.done $0x0  }
0x154: {  	s11 =	sadd.s32 $0x4F00, s10;
	[sflag:s25] =	ssyncadd.s32 $0xFFFFF000  }
0x155: {  	[tilespmem:s29], [sflag:$0x2] =	stream.indirect.gather [spmem:s3], $0x10, s11, s26, $0xb8;
	[tilespmem:$0x18360] =	vst v63  }
0x156: {  	_ =	swait.ge [sflag:s21], $0x1000  }
0x157: {  	[sflag:s21] =	ssyncset.done $0x0  }
0x158: {  	s11 =	sadd.s32 $0x9E00, s10;
	[sflag:s21] =	ssyncadd.s32 $0xFFFFF000  }
0x159: {  	[spmem:s2] =	stream.indirect.scatter.add.f32 [tilespmem:s28], [sflag:$0x3], $0x10, s11, s26, $0xb8;
	[tilespmem:$0x18360] =	vst v63  }
0x15a: {  	_ =	swait.ge [sflag:s24], $0x1000  }
0x15b: {  	[sflag:s24] =	ssyncset.done $0x0  }
.Ltmp3:
0x15c: {  	s11 =	sadd.s32 $0x5000, s10;
	[sflag:s24] =	ssyncadd.s32 $0xFFFFF000;
	(pc) =	sbr.rel @p0 .LBB2_8-.Ltmp3, $4  }
0x15d: {  	[tilespmem:s28], [sflag:$0x1] =	stream.indirect.gather [spmem:s3], $0x10, s11, s26, $0xb8;
	[tilespmem:$0x18360] =	vst v63  }
0x15e: {  	_ =	swait.ge [sflag:s22], $0x1000  }
0x15f: {  	[sflag:s22] =	ssyncset.done $0x0  }
0x160: {  	s10 =	sadd.s32 $0x9F00, s10;
	[sflag:s22] =	ssyncadd.s32 $0xFFFFF000  }
0x161: {  	[spmem:s2] =	stream.indirect.scatter.add.f32 [tilespmem:s29], [sflag:$0x4], $0x10, s10, s26, $0xb8;
	[tilespmem:$0x18360] =	vst v63  }
0x162: {  	_ =	swait.ge [sflag:s25], $0x1000  }
0x163: {  	[sflag:s25] =	ssyncset.done $0x0  }
0x164: {  	[sflag:s25] =	ssyncadd.s32 $0xFFFFF000  }
0x165: {  	[tilespmem:s29], [sflag:$0x2] =	stream.indirect.gather [spmem:s3], $0x10, s0, s26, $0xb8;
	[tilespmem:$0x18360] =	vst v63  }
0x166: {  	_ =	swait.ge [sflag:s21], $0x1000  }
0x167: {  	[sflag:s21] =	ssyncset.done $0x0  }
0x168: {  	[sflag:s21] =	ssyncadd.s32 $0xFFFFF000  }
0x169: {  	[spmem:s2] =	stream.indirect.scatter.add.f32 [tilespmem:s28], [sflag:$0x3], $0x10, s1, s26, $0xb8;
	[tilespmem:$0x18360] =	vst v63  }
0x16a: {  	_ =	swait.ge [sflag:s24], $0x1000  }
0x16b: {  	[sflag:s24] =	ssyncset.done $0x0  }
0x16c: {  	[sflag:s24] =	ssyncadd.s32 $0xFFFFF000  }
0x16d: {  	_ =	swait.ge [sflag:s22], $0x1000  }
0x16e: {  	[sflag:s22] =	ssyncset.done $0x0  }
0x16f: {  	[sflag:s22] =	ssyncadd.s32 $0xFFFFF000  }
0x170: {  	[spmem:s2] =	stream.indirect.scatter.add.f32 [tilespmem:s29], [sflag:$0x4], $0x10, s6, s26, $0xb8;
	[tilespmem:$0x18360] =	vst v63  }
0x171: {  	_ =	swait.ge [sflag:s25], $0x1000  }
0x172: {  	s8 =	sadd.s32 $0x1, s8;
	[sflag:s25] =	ssyncset.done $0x0  }
0x173: {  	p0 =	sne.s32 s8, s19;
	[sflag:s25] =	ssyncadd.s32 $0xFFFFF000  }
.Ltmp4:
0x174: {  	[bflag:$0x0] =	sbarrier.arrive $0xFFFF;
	(pc) =	sbr.rel @p0 .LBB2_1-.Ltmp4, $4  }
0x175: {  	[hbm:s18@s23], [sflag:s13] =	dma.strided [spmem:s14@s22], $0x1388, s21, $0x2   }
0x176: {  	_ =	swait.ge [sflag:s7], $0x1388  }
0x177: {  	[sflag:s7] =	ssyncset.done $0x0  }
0x178: {  	[sflag:s7] =	ssyncadd.s32 $0xFFFFEC78  }
0x179: {  	_ =	sfence.sel $0x180000  }
0x17a: {  	[bflag:$0x0] =	sbarrier.arrive $0xFFFF  }
0x17b: {  	_ =	strace $0x90000050  }
0x17c: {  	s0 =	stileid.u32;
	[bflag:$0x2] =	sbarrier.arrive $0xFFFF  }
0x17d: {  	p0 =	sne.s32 s0, $0x0;
	s0 =	rddreg [dreg:$0x4]  }
0x17e: {  	s0 =	sadd.s32 @!p0 $0x100000, s0  }
0x17f: {  	[sflag:s0] =	ssyncadd.tile.s32 @!p0 $0x1;
	_ =	shalt  }
.Lfunc_end2:
_tile_overlayer_lowered:
.L_overlay_start_2:
0x180: {  	(tag) =	ssettag $0x2  }
0x181: {  	s0 =	rddreg [dreg:$0x0];
	s2 =	stileid.u32  }
0x182: {  	s1 =	rddreg [dreg:$0x1];
	p0 =	sne.s32 s2, $0x0  }
0x183: {  	s3 =	rddreg [dreg:$0x2];
	[bflag:$0x3] =	sbarrier.arrive $0xFFFF;
	s2 =	simm.s32 @!p0 $0x1C05  }
0x184: {  	[timem:s3], [sflag:s2] =	dma.local @!p0 [hbm:s0], s1  }
0x185: {  	s0 =	simm.s32 @!p0 $0x5  }
0x186: {  	_ =	swait.ge @!p0 [sflag:s0], s1  }
0x187: {  	s1 =	ssub.s32 @!p0 $0x0, s1;
	[sflag:s0] =	ssyncset.done @!p0 $0x0  }
0x188: {  	[sflag:s0] =	ssyncadd.s32 @!p0 s1  }
0x189: {  	[bflag:$0x3] =	sbarrier.arrive $0xFFFF  }
0x18a: {  	_ =	shalt  }

</sc_bundles>
